<compile_context>
chip_gen: v7x
topology: tpu7x:2x2x1
jax: 0.10.2.dev20260603
libtpu: 0.0.44.dev20260713+nightly
codegen_flags: <defaults>
</compile_context>

<pallas_src>
import functools

import jax
import jax.numpy as jnp
from jax import lax
from jax.experimental import pallas as pl
from jax.experimental.pallas import tpu as pltpu
from jax.experimental.pallas import tpu_sc as plsc

N = 10000
E = 320000
C = 128

NC = 2
NS = 16
L = 16
NW = NC * NS
EPW = E // NW
N_PAD = 10240
SLC = N_PAD // NS

CHUNK = 40
NCH = EPW // CHUNK
RPT = N_PAD // NS
ZR = 64

NB = 5
NI = 10
LOOK = 2
ILOOK = 7

RB = 2048
GB = N_PAD // RB


def _mesh():
    return plsc.VectorSubcoreMesh(
        core_axis_name="c", subcore_axis_name="s", num_cores=NC, num_subcores=NS
    )


def _hist_body(ei_hbm, histp_hbm, ridx, cidx, hrow, hcol, mbuf, mres, stage):
    cid = lax.axis_index("c")
    sid = lax.axis_index("s")
    wid = sid * NC + cid
    base = wid * EPW
    pltpu.sync_copy(ei_hbm.at[pl.ds(base, EPW)], ridx)
    pltpu.sync_copy(ei_hbm.at[pl.ds(E + base, EPW)], cidx)

    zeros = jnp.zeros((L,), jnp.float32)

    def zbody(i, carry):
        hrow[pl.ds(i * L, L)] = zeros
        hcol[pl.ds(i * L, L)] = zeros
        return carry

    lax.fori_loop(0, N_PAD // L, zbody, 0, unroll=4)

    ones = jnp.ones((L,), jnp.float32)

    def hbody(i, carry):
        plsc.addupdate_scatter(hrow, [ridx[pl.ds(i * L, L)]], ones)
        plsc.addupdate_scatter(hcol, [cidx[pl.ds(i * L, L)]], ones)
        return carry

    lax.fori_loop(0, EPW // L, hbody, 0, unroll=4)

    pltpu.sync_copy(hrow, stage.at[sid, 0])
    pltpu.sync_copy(hcol, stage.at[sid, 1])
    plsc.subcore_barrier()

    for h in range(2):
        pltpu.sync_copy(stage.at[:, h, pl.ds(sid * SLC, SLC)], mbuf)

        def rbody(g, carry):
            acc = jnp.zeros((L,), jnp.float32)
            for j in range(NS):
                acc = acc + mbuf[j, pl.ds(g * L, L)]
            mres[pl.ds(g * L, L)] = acc
            return carry

        lax.fori_loop(0, SLC // L, rbody, 0, unroll=2)
        pltpu.sync_copy(mres, histp_hbm.at[cid, h, pl.ds(sid * SLC, SLC)])


def _agg_body(y_hbm, ei_hbm, agg_hbm, ridxb, cidxb, rows, zbuf, sagg,
              gsem, ssem, rsem, csem):
    cid = lax.axis_index("c")
    sid = lax.axis_index("s")
    base = (sid * NC + cid) * EPW

    def idx_fire(ch, ib):
        off = base + ch * CHUNK
        pltpu.async_copy(ei_hbm.at[pl.ds(off, CHUNK)], ridxb.at[ib], rsem.at[ib])
        pltpu.async_copy(ei_hbm.at[pl.ds(E + off, CHUNK)], cidxb.at[ib],
                         csem.at[ib])

    def idx_wait(ib):
        pltpu.make_async_copy(ei_hbm.at[pl.ds(0, CHUNK)], ridxb.at[ib],
                              rsem.at[ib]).wait()
        pltpu.make_async_copy(ei_hbm.at[pl.ds(0, CHUNK)], cidxb.at[ib],
                              csem.at[ib]).wait()

    def gather(ib, rb):
        pltpu.async_copy(y_hbm.at[ridxb.at[ib]], rows.at[rb], gsem.at[rb])

    def gather_wait(rb):
        pltpu.make_async_copy(y_hbm.at[ridxb.at[0]], rows.at[rb],
                              gsem.at[rb]).wait()

    def scatter(ib, rb):
        pltpu.async_copy(rows.at[rb], sagg.at[cidxb.at[ib]],
                         ssem.at[rb], add=True)

    def scatter_wait(rb):
        pltpu.make_async_copy(rows.at[rb],
                              sagg.at[cidxb.at[0]], ssem.at[rb]).wait()

    for ch in range(ILOOK):
        idx_fire(ch, ch % NI)

    zeros = jnp.zeros((L,), jnp.float32)
    cl = C // L

    def zb(i, carry):
        zbuf[i // cl, pl.ds((i % cl) * L, L)] = zeros
        return carry

    lax.fori_loop(0, ZR * cl, zb, 0, unroll=4)
    for z in range(RPT // ZR):
        pltpu.sync_copy(zbuf, sagg.at[pl.ds(sid * RPT + z * ZR, ZR)])
    plsc.subcore_barrier()

    for ch in range(LOOK):
        idx_wait(ch % NI)
        gather(ch % NI, ch % NB)

    def outer(o, carry):
        for b in range(NI):
            c = o * NI + b

            @pl.when(c >= NB - LOOK)
            def _():
                scatter_wait((b + LOOK) % NB)

            @pl.when(c + ILOOK < NCH)
            def _():
                idx_fire(c + ILOOK, (b + ILOOK) % NI)

            @pl.when(c + LOOK < NCH)
            def _():
                idx_wait((b + LOOK) % NI)
                gather((b + LOOK) % NI, (b + LOOK) % NB)

            gather_wait(b % NB)
            scatter(b, b % NB)
        return carry

    lax.fori_loop(0, NCH // NI, outer, 0)
    for c in range(NCH - NB + LOOK, NCH):
        scatter_wait(c % NB)
    plsc.subcore_barrier()
    pltpu.sync_copy(
        sagg.at[pl.ds(sid * RPT, RPT)],
        agg_hbm.at[cid, pl.ds(sid * RPT, RPT)],
    )


@functools.lru_cache(maxsize=None)
def _sc_kernels():
    mesh = _mesh()
    hist = pl.kernel(
        _hist_body,
        out_type=jax.ShapeDtypeStruct((NC, 2, N_PAD), jnp.float32),
        mesh=mesh,
        compiler_params=pltpu.CompilerParams(needs_layout_passes=False),
        scratch_types=[
            pltpu.VMEM((EPW,), jnp.int32),
            pltpu.VMEM((EPW,), jnp.int32),
            pltpu.VMEM((N_PAD,), jnp.float32),
            pltpu.VMEM((N_PAD,), jnp.float32),
            pltpu.VMEM((NS, SLC), jnp.float32),
            pltpu.VMEM((SLC,), jnp.float32),
            pltpu.VMEM_SHARED((NS, 2, N_PAD), jnp.float32),
        ],
    )
    agg = pl.kernel(
        _agg_body,
        out_type=jax.ShapeDtypeStruct((NC, N_PAD, C), jnp.float32),
        mesh=mesh,
        compiler_params=pltpu.CompilerParams(use_tc_tiling_on_sc=False),
        scratch_types=[
            pltpu.VMEM((NI, CHUNK), jnp.int32),
            pltpu.VMEM((NI, CHUNK), jnp.int32),
            pltpu.VMEM((NB, CHUNK, C), jnp.float32),
            pltpu.VMEM((ZR, C), jnp.float32),
            pltpu.VMEM_SHARED((N_PAD, C), jnp.float32),
            pltpu.SemaphoreType.DMA((NB,)),
            pltpu.SemaphoreType.DMA((NB,)),
            pltpu.SemaphoreType.DMA((NI,)),
            pltpu.SemaphoreType.DMA((NI,)),
        ],
    )
    return hist, agg


def _node_stats(hist_ref, i):
    sl = pl.ds(i * RB, RB)
    hr = hist_ref[0, 0, sl] + hist_ref[1, 0, sl]
    hc = hist_ref[0, 1, sl] + hist_ref[1, 1, sl]
    iso = jnp.where(hr + hc == 0.0, 1.0, 0.0)
    d = hc + iso + 1.0
    return iso, lax.rsqrt(d)


def _prep_body(hist_ref, x_ref, w_ref, y_ref):
    i = pl.program_id(0)
    _, dinv = _node_stats(hist_ref, i)
    xw = jnp.dot(x_ref[...], w_ref[...], preferred_element_type=jnp.float32)
    y_ref[...] = xw * dinv[:, None]


def _fin_body(aggp_ref, y_ref, hist_ref, b_ref, x_ref, gamma_ref, beta_ref,
              o_ref, tbuf, acc):
    p = pl.program_id(0)
    j = pl.program_id(1)

    @pl.when((p == 0) & (j == 0))
    def _():
        acc[...] = jnp.zeros_like(acc)

    @pl.when(p == 0)
    def _():
        iso, dinv = _node_stats(hist_ref, j)
        coeff = (1.0 + iso) * dinv
        t = ((aggp_ref[0] + aggp_ref[1]) * dinv[:, None]
             + y_ref[...] * coeff[:, None] + b_ref[...] + x_ref[...])
        tbuf[pl.ds(j * RB, RB), :] = t
        rows = j * RB + lax.broadcasted_iota(jnp.int32, (RB, 1), 0)
        tm = jnp.where(rows < N, t, 0.0)
        acc[0:1, :] = acc[0:1, :] + jnp.sum(tm, axis=0, keepdims=True)
        acc[1:2, :] = acc[1:2, :] + jnp.sum(tm * tm, axis=0, keepdims=True)

    @pl.when(p == 1)
    def _():
        mean = acc[0:1, :] / N
        var = acc[1:2, :] / N - mean * mean
        scale = lax.rsqrt(var + 1e-5) * gamma_ref[...]
        o_ref[...] = jnp.maximum(
            (tbuf[pl.ds(j * RB, RB), :] - mean) * scale + beta_ref[...], 0.0)


def kernel(x, edge_index, W, b, gamma, beta):
    eif = edge_index.astype(jnp.int32).reshape(2 * E)
    _hist_kernel, _agg_kernel = _sc_kernels()
    histp = _hist_kernel(eif)

    b2 = b.reshape(1, C)
    g2 = gamma.reshape(1, C)
    be2 = beta.reshape(1, C)

    y = pl.pallas_call(
        _prep_body,
        grid=(GB,),
        in_specs=[
            pl.BlockSpec((NC, 2, N_PAD), lambda i: (0, 0, 0)),
            pl.BlockSpec((RB, C), lambda i: (i, 0)),
            pl.BlockSpec((C, C), lambda i: (0, 0)),
        ],
        out_specs=pl.BlockSpec((RB, C), lambda i: (i, 0)),
        out_shape=jax.ShapeDtypeStruct((N_PAD, C), jnp.float32),
    )(histp, x, W)

    aggp = _agg_kernel(y, eif)

    out = pl.pallas_call(
        _fin_body,
        grid=(2, GB),
        in_specs=[
            pl.BlockSpec((NC, RB, C), lambda p, j: (0, j * (1 - p), 0)),
            pl.BlockSpec((RB, C), lambda p, j: (j * (1 - p), 0)),
            pl.BlockSpec((NC, 2, N_PAD), lambda p, j: (0, 0, 0)),
            pl.BlockSpec((1, C), lambda p, j: (0, 0)),
            pl.BlockSpec((RB, C), lambda p, j: (j * (1 - p), 0)),
            pl.BlockSpec((1, C), lambda p, j: (0, 0)),
            pl.BlockSpec((1, C), lambda p, j: (0, 0)),
        ],
        out_specs=pl.BlockSpec((RB, C), lambda p, j: (j * p, 0)),
        out_shape=jax.ShapeDtypeStruct((N, C), jnp.float32),
        scratch_shapes=[
            pltpu.VMEM((N_PAD, C), jnp.float32),
            pltpu.VMEM((2, C), jnp.float32),
        ],
    )(aggp, y, histp, b2, x, g2, be2)
    return out

# --- scband reference (transcript-rebuilt; emitter-appended) ---
"""Pipeline reference for scband-gcnlayer-60421599920302 (READ-ONLY COPY).

The authoritative reference and input builder live on the scoring server;
editing this copy changes nothing except your own understanding.
"""

import jax, jax.numpy as jnp
import numpy as np

N = 10000
E = 320000
C = 128

def setup_inputs(seed: int = 0):
    key = jax.random.key(seed)
    k1, k2, k3 = jax.random.split(key, 3)
    x = jax.random.normal(k1, (N, C), dtype=jnp.float32)
    edge_index = jax.random.randint(k2, (2, E), 0, N, dtype=jnp.int32)
    W = jax.random.normal(k3, (C, C), dtype=jnp.float32) * 0.05
    b = jnp.zeros((C,), jnp.float32)
    gamma = jnp.ones((C,), jnp.float32)
    beta = jnp.zeros((C,), jnp.float32)
    return {"x": x, "edge_index": edge_index, "W": W, "b": b, "gamma": gamma, "beta": beta}

def _prep_edges(edge_index, num_nodes):
    # edge indices are generated in-range, so valid_mask is all-true (faithful no-op).
    row = edge_index[0]
    col = edge_index[1]
    num_edges = edge_index.shape[1]
    # isolated-node detection + self-loop patching (module's custom preprocessing)
    deg = jnp.zeros(num_nodes, jnp.float32).at[row].add(1.0).at[col].add(1.0)
    iso_mask = (deg == 0).astype(jnp.float32)
    iso = jnp.arange(num_nodes, dtype=row.dtype)
    row = jnp.concatenate([row, iso])
    col = jnp.concatenate([col, iso])
    # PyG GCNConv gcn_norm: add self-loops to every node, symmetric normalization
    loop = jnp.arange(num_nodes, dtype=row.dtype)
    row = jnp.concatenate([row, loop])
    col = jnp.concatenate([col, loop])
    edge_w = jnp.concatenate([
        jnp.ones(num_edges, jnp.float32),
        iso_mask,
        jnp.ones(num_nodes, jnp.float32),
    ])
    d = jnp.zeros(num_nodes, jnp.float32).at[col].add(edge_w)
    dinv = jnp.where(d > 0, 1.0 / jnp.sqrt(d), 0.0)
    norm = dinv[row] * dinv[col] * edge_w
    return row, col, norm

def reference(x, edge_index, W, b, gamma, beta):
    num_nodes = x.shape[0]
    row, col, norm = _prep_edges(edge_index, num_nodes)
    # GCNConv: linear transform, normalized gather-scatter aggregation, bias
    xw = x @ W
    agg = jnp.zeros_like(xw).at[col].add(norm[:, None] * xw[row])
    out = agg + b
    # residual (in_channels == out_channels -> identity residual)
    out = out + x
    # BatchNorm1d, training-mode batch statistics (biased variance), eps=1e-5
    mean = jnp.mean(out, axis=0)
    var = jnp.mean((out - mean) ** 2, axis=0)
    out = (out - mean) / jnp.sqrt(var + 1e-5) * gamma + beta
    # relu activation
    return jax.nn.relu(out)

if __name__ == "__main__":
    import jax
    _d = setup_inputs()
    print(jax.jit(kernel)(*tuple(_d.values())))

</pallas_src>

<mosaic_0001>
#map = affine_map<(d0, d1) -> (0, 0)>
#map1 = affine_map<(d0, d1) -> (0)>
#map2 = affine_map<(d0, d1) -> (0, 0, 0)>
module attributes {stable_mosaic.version = 14 : i64} {
  func.func @_agg_body(%arg0: i32, %arg1: i32, %arg2: memref<10240x128xf32, #tpu.memory_space<hbm>>, %arg3: memref<640000xi32, #tpu.memory_space<hbm>>, %arg4: memref<2x10240x128xf32, #tpu.memory_space<hbm>>, %arg5: memref<10x40xi32, #tpu.memory_space<vmem>>, %arg6: memref<10x40xi32, #tpu.memory_space<vmem>>, %arg7: memref<5x40x128xf32, #tpu.memory_space<vmem>>, %arg8: memref<64x128xf32, #tpu.memory_space<vmem>>, %arg9: memref<10240x128xf32, #tpu.memory_space<vmem_shared>>, %arg10: memref<5x!tpu.dma_semaphore, #tpu.memory_space<semaphore_mem>>, %arg11: memref<5x!tpu.dma_semaphore, #tpu.memory_space<semaphore_mem>>, %arg12: memref<10x!tpu.dma_semaphore, #tpu.memory_space<semaphore_mem>>, %arg13: memref<10x!tpu.dma_semaphore, #tpu.memory_space<semaphore_mem>>) attributes {dimension_semantics = [#tpu.dimension_semantics<core_parallel>, #tpu.dimension_semantics<subcore_parallel>], iteration_bounds = array<i64: 2, 16>, scalar_prefetch = 0 : i64, scratch_operands = 9 : i64, tpu.core_type = #tpu.core_type<sc_vector_subcore>, window_params = [{transform_indices = #map}, {transform_indices = #map1}, {transform_indices = #map2}]} {
    %mul3A = arith.constant 2 : i32
    %mul3A_0 = arith.muli %arg1, %mul3A : i32
    %add3A = arith.addi %mul3A_0, %arg0 : i32
    %mul3A_1 = arith.constant 10000 : i32
    %mul3A_2 = arith.muli %add3A, %mul3A_1 : i32
    %add3A_3 = arith.constant 0 : i32
    %add3A_4 = arith.addi %mul3A_2, %add3A_3 : i32
    %dma_start3A = arith.constant 0 : i32
    %dma_start3A_5 = arith.constant 0 : i32
    %dma_start3A_6 = arith.constant 0 : i32
    %dma_start3A_7 = tpu.memref_slice %arg5[%dma_start3A, %dma_start3A_6] : memref<10x40xi32, #tpu.memory_space<vmem>> -> memref<1x40xi32, #tpu.memory_space<vmem>>
    %dma_start3A_8 = tpu.memref_squeeze %dma_start3A_7 : memref<1x40xi32, #tpu.memory_space<vmem>> -> memref<40xi32, #tpu.memory_space<vmem>>
    %dma_start3A_9 = tpu.memref_slice %arg3[%add3A_4] : memref<640000xi32, #tpu.memory_space<hbm>> -> memref<40xi32, #tpu.memory_space<hbm>>
    %dma_start3A_10 = tpu.memref_slice %arg12[%dma_start3A_5] : memref<10x!tpu.dma_semaphore, #tpu.memory_space<semaphore_mem>> -> memref<1x!tpu.dma_semaphore, #tpu.memory_space<semaphore_mem>>
    %dma_start3A_11 = tpu.memref_squeeze %dma_start3A_10 : memref<1x!tpu.dma_semaphore, #tpu.memory_space<semaphore_mem>> -> memref<!tpu.dma_semaphore, #tpu.memory_space<semaphore_mem>>
    %dma_start3A_12 = arith.constant 0 : i32
    %dma_start3A_13 = tpu.memref_slice %arg5[%dma_start3A, %dma_start3A_12] : memref<10x40xi32, #tpu.memory_space<vmem>> -> memref<1x40xi32, #tpu.memory_space<vmem>>
    %dma_start3A_14 = tpu.memref_squeeze %dma_start3A_13 : memref<1x40xi32, #tpu.memory_space<vmem>> -> memref<40xi32, #tpu.memory_space<vmem>>
    %dma_start3A_15 = tpu.memref_slice %arg3[%add3A_4] : memref<640000xi32, #tpu.memory_space<hbm>> -> memref<40xi32, #tpu.memory_space<hbm>>
    tpu.enqueue_dma source(%dma_start3A_15 : memref<40xi32, #tpu.memory_space<hbm>>) target(%dma_start3A_14 : memref<40xi32, #tpu.memory_space<vmem>>) target_semaphore(%dma_start3A_11 : memref<!tpu.dma_semaphore, #tpu.memory_space<semaphore_mem>>)
    %add3A_16 = arith.constant 320000 : i32
    %add3A_17 = arith.addi %add3A_16, %add3A_4 : i32
    %dma_start3A_18 = arith.constant 0 : i32
    %dma_start3A_19 = arith.constant 0 : i32
    %dma_start3A_20 = arith.constant 0 : i32
    %dma_start3A_21 = tpu.memref_slice %arg6[%dma_start3A_18, %dma_start3A_20] : memref<10x40xi32, #tpu.memory_space<vmem>> -> memref<1x40xi32, #tpu.memory_space<vmem>>
    %dma_start3A_22 = tpu.memref_squeeze %dma_start3A_21 : memref<1x40xi32, #tpu.memory_space<vmem>> -> memref<40xi32, #tpu.memory_space<vmem>>
    %dma_start3A_23 = tpu.memref_slice %arg3[%add3A_17] : memref<640000xi32, #tpu.memory_space<hbm>> -> memref<40xi32, #tpu.memory_space<hbm>>
    %dma_start3A_24 = tpu.memref_slice %arg13[%dma_start3A_19] : memref<10x!tpu.dma_semaphore, #tpu.memory_space<semaphore_mem>> -> memref<1x!tpu.dma_semaphore, #tpu.memory_space<semaphore_mem>>
    %dma_start3A_25 = tpu.memref_squeeze %dma_start3A_24 : memref<1x!tpu.dma_semaphore, #tpu.memory_space<semaphore_mem>> -> memref<!tpu.dma_semaphore, #tpu.memory_space<semaphore_mem>>
    %dma_start3A_26 = arith.constant 0 : i32
    %dma_start3A_27 = tpu.memref_slice %arg6[%dma_start3A_18, %dma_start3A_26] : memref<10x40xi32, #tpu.memory_space<vmem>> -> memref<1x40xi32, #tpu.memory_space<vmem>>
    %dma_start3A_28 = tpu.memref_squeeze %dma_start3A_27 : memref<1x40xi32, #tpu.memory_space<vmem>> -> memref<40xi32, #tpu.memory_space<vmem>>
    %dma_start3A_29 = tpu.memref_slice %arg3[%add3A_17] : memref<640000xi32, #tpu.memory_space<hbm>> -> memref<40xi32, #tpu.memory_space<hbm>>
    tpu.enqueue_dma source(%dma_start3A_29 : memref<40xi32, #tpu.memory_space<hbm>>) target(%dma_start3A_28 : memref<40xi32, #tpu.memory_space<vmem>>) target_semaphore(%dma_start3A_25 : memref<!tpu.dma_semaphore, #tpu.memory_space<semaphore_mem>>)
    %add3A_30 = arith.constant 40 : i32
    %add3A_31 = arith.addi %mul3A_2, %add3A_30 : i32
    %dma_start3A_32 = arith.constant 1 : i32
    %dma_start3A_33 = arith.constant 1 : i32
    %dma_start3A_34 = arith.constant 0 : i32
    %dma_start3A_35 = tpu.memref_slice %arg5[%dma_start3A_32, %dma_start3A_34] : memref<10x40xi32, #tpu.memory_space<vmem>> -> memref<1x40xi32, #tpu.memory_space<vmem>>
    %dma_start3A_36 = tpu.memref_squeeze %dma_start3A_35 : memref<1x40xi32, #tpu.memory_space<vmem>> -> memref<40xi32, #tpu.memory_space<vmem>>
    %dma_start3A_37 = tpu.memref_slice %arg3[%add3A_31] : memref<640000xi32, #tpu.memory_space<hbm>> -> memref<40xi32, #tpu.memory_space<hbm>>
    %dma_start3A_38 = tpu.memref_slice %arg12[%dma_start3A_33] : memref<10x!tpu.dma_semaphore, #tpu.memory_space<semaphore_mem>> -> memref<1x!tpu.dma_semaphore, #tpu.memory_space<semaphore_mem>>
    %dma_start3A_39 = tpu.memref_squeeze %dma_start3A_38 : memref<1x!tpu.dma_semaphore, #tpu.memory_space<semaphore_mem>> -> memref<!tpu.dma_semaphore, #tpu.memory_space<semaphore_mem>>
    %dma_start3A_40 = arith.constant 0 : i32
    %dma_start3A_41 = tpu.memref_slice %arg5[%dma_start3A_32, %dma_start3A_40] : memref<10x40xi32, #tpu.memory_space<vmem>> -> memref<1x40xi32, #tpu.memory_space<vmem>>
    %dma_start3A_42 = tpu.memref_squeeze %dma_start3A_41 : memref<1x40xi32, #tpu.memory_space<vmem>> -> memref<40xi32, #tpu.memory_space<vmem>>
    %dma_start3A_43 = tpu.memref_slice %arg3[%add3A_31] : memref<640000xi32, #tpu.memory_space<hbm>> -> memref<40xi32, #tpu.memory_space<hbm>>
    tpu.enqueue_dma source(%dma_start3A_43 : memref<40xi32, #tpu.memory_space<hbm>>) target(%dma_start3A_42 : memref<40xi32, #tpu.memory_space<vmem>>) target_semaphore(%dma_start3A_39 : memref<!tpu.dma_semaphore, #tpu.memory_space<semaphore_mem>>)
    %add3A_44 = arith.constant 320000 : i32
    %add3A_45 = arith.addi %add3A_44, %add3A_31 : i32
    %dma_start3A_46 = arith.constant 1 : i32
    %dma_start3A_47 = arith.constant 1 : i32
    %dma_start3A_48 = arith.constant 0 : i32
    %dma_start3A_49 = tpu.memref_slice %arg6[%dma_start3A_46, %dma_start3A_48] : memref<10x40xi32, #tpu.memory_space<vmem>> -> memref<1x40xi32, #tpu.memory_space<vmem>>
    %dma_start3A_50 = tpu.memref_squeeze %dma_start3A_49 : memref<1x40xi32, #tpu.memory_space<vmem>> -> memref<40xi32, #tpu.memory_space<vmem>>
    %dma_start3A_51 = tpu.memref_slice %arg3[%add3A_45] : memref<640000xi32, #tpu.memory_space<hbm>> -> memref<40xi32, #tpu.memory_space<hbm>>
    %dma_start3A_52 = tpu.memref_slice %arg13[%dma_start3A_47] : memref<10x!tpu.dma_semaphore, #tpu.memory_space<semaphore_mem>> -> memref<1x!tpu.dma_semaphore, #tpu.memory_space<semaphore_mem>>
    %dma_start3A_53 = tpu.memref_squeeze %dma_start3A_52 : memref<1x!tpu.dma_semaphore, #tpu.memory_space<semaphore_mem>> -> memref<!tpu.dma_semaphore, #tpu.memory_space<semaphore_mem>>
    %dma_start3A_54 = arith.constant 0 : i32
    %dma_start3A_55 = tpu.memref_slice %arg6[%dma_start3A_46, %dma_start3A_54] : memref<10x40xi32, #tpu.memory_space<vmem>> -> memref<1x40xi32, #tpu.memory_space<vmem>>
    %dma_start3A_56 = tpu.memref_squeeze %dma_start3A_55 : memref<1x40xi32, #tpu.memory_space<vmem>> -> memref<40xi32, #tpu.memory_space<vmem>>
    %dma_start3A_57 = tpu.memref_slice %arg3[%add3A_45] : memref<640000xi32, #tpu.memory_space<hbm>> -> memref<40xi32, #tpu.memory_space<hbm>>
    tpu.enqueue_dma source(%dma_start3A_57 : memref<40xi32, #tpu.memory_space<hbm>>) target(%dma_start3A_56 : memref<40xi32, #tpu.memory_space<vmem>>) target_semaphore(%dma_start3A_53 : memref<!tpu.dma_semaphore, #tpu.memory_space<semaphore_mem>>)
    %add3A_58 = arith.constant 80 : i32
    %add3A_59 = arith.addi %mul3A_2, %add3A_58 : i32
    %dma_start3A_60 = arith.constant 2 : i32
    %dma_start3A_61 = arith.constant 2 : i32
    %dma_start3A_62 = arith.constant 0 : i32
    %dma_start3A_63 = tpu.memref_slice %arg5[%dma_start3A_60, %dma_start3A_62] : memref<10x40xi32, #tpu.memory_space<vmem>> -> memref<1x40xi32, #tpu.memory_space<vmem>>
    %dma_start3A_64 = tpu.memref_squeeze %dma_start3A_63 : memref<1x40xi32, #tpu.memory_space<vmem>> -> memref<40xi32, #tpu.memory_space<vmem>>
    %dma_start3A_65 = tpu.memref_slice %arg3[%add3A_59] : memref<640000xi32, #tpu.memory_space<hbm>> -> memref<40xi32, #tpu.memory_space<hbm>>
    %dma_start3A_66 = tpu.memref_slice %arg12[%dma_start3A_61] : memref<10x!tpu.dma_semaphore, #tpu.memory_space<semaphore_mem>> -> memref<1x!tpu.dma_semaphore, #tpu.memory_space<semaphore_mem>>
    %dma_start3A_67 = tpu.memref_squeeze %dma_start3A_66 : memref<1x!tpu.dma_semaphore, #tpu.memory_space<semaphore_mem>> -> memref<!tpu.dma_semaphore, #tpu.memory_space<semaphore_mem>>
    %dma_start3A_68 = arith.constant 0 : i32
    %dma_start3A_69 = tpu.memref_slice %arg5[%dma_start3A_60, %dma_start3A_68] : memref<10x40xi32, #tpu.memory_space<vmem>> -> memref<1x40xi32, #tpu.memory_space<vmem>>
    %dma_start3A_70 = tpu.memref_squeeze %dma_start3A_69 : memref<1x40xi32, #tpu.memory_space<vmem>> -> memref<40xi32, #tpu.memory_space<vmem>>
    %dma_start3A_71 = tpu.memref_slice %arg3[%add3A_59] : memref<640000xi32, #tpu.memory_space<hbm>> -> memref<40xi32, #tpu.memory_space<hbm>>
    tpu.enqueue_dma source(%dma_start3A_71 : memref<40xi32, #tpu.memory_space<hbm>>) target(%dma_start3A_70 : memref<40xi32, #tpu.memory_space<vmem>>) target_semaphore(%dma_start3A_67 : memref<!tpu.dma_semaphore, #tpu.memory_space<semaphore_mem>>)
    %add3A_72 = arith.constant 320000 : i32
    %add3A_73 = arith.addi %add3A_72, %add3A_59 : i32
    %dma_start3A_74 = arith.constant 2 : i32
    %dma_start3A_75 = arith.constant 2 : i32
    %dma_start3A_76 = arith.constant 0 : i32
    %dma_start3A_77 = tpu.memref_slice %arg6[%dma_start3A_74, %dma_start3A_76] : memref<10x40xi32, #tpu.memory_space<vmem>> -> memref<1x40xi32, #tpu.memory_space<vmem>>
    %dma_start3A_78 = tpu.memref_squeeze %dma_start3A_77 : memref<1x40xi32, #tpu.memory_space<vmem>> -> memref<40xi32, #tpu.memory_space<vmem>>
    %dma_start3A_79 = tpu.memref_slice %arg3[%add3A_73] : memref<640000xi32, #tpu.memory_space<hbm>> -> memref<40xi32, #tpu.memory_space<hbm>>
    %dma_start3A_80 = tpu.memref_slice %arg13[%dma_start3A_75] : memref<10x!tpu.dma_semaphore, #tpu.memory_space<semaphore_mem>> -> memref<1x!tpu.dma_semaphore, #tpu.memory_space<semaphore_mem>>
    %dma_start3A_81 = tpu.memref_squeeze %dma_start3A_80 : memref<1x!tpu.dma_semaphore, #tpu.memory_space<semaphore_mem>> -> memref<!tpu.dma_semaphore, #tpu.memory_space<semaphore_mem>>
    %dma_start3A_82 = arith.constant 0 : i32
    %dma_start3A_83 = tpu.memref_slice %arg6[%dma_start3A_74, %dma_start3A_82] : memref<10x40xi32, #tpu.memory_space<vmem>> -> memref<1x40xi32, #tpu.memory_space<vmem>>
    %dma_start3A_84 = tpu.memref_squeeze %dma_start3A_83 : memref<1x40xi32, #tpu.memory_space<vmem>> -> memref<40xi32, #tpu.memory_space<vmem>>
    %dma_start3A_85 = tpu.memref_slice %arg3[%add3A_73] : memref<640000xi32, #tpu.memory_space<hbm>> -> memref<40xi32, #tpu.memory_space<hbm>>
    tpu.enqueue_dma source(%dma_start3A_85 : memref<40xi32, #tpu.memory_space<hbm>>) target(%dma_start3A_84 : memref<40xi32, #tpu.memory_space<vmem>>) target_semaphore(%dma_start3A_81 : memref<!tpu.dma_semaphore, #tpu.memory_space<semaphore_mem>>)
    %add3A_86 = arith.constant 120 : i32
    %add3A_87 = arith.addi %mul3A_2, %add3A_86 : i32
    %dma_start3A_88 = arith.constant 3 : i32
    %dma_start3A_89 = arith.constant 3 : i32
    %dma_start3A_90 = arith.constant 0 : i32
    %dma_start3A_91 = tpu.memref_slice %arg5[%dma_start3A_88, %dma_start3A_90] : memref<10x40xi32, #tpu.memory_space<vmem>> -> memref<1x40xi32, #tpu.memory_space<vmem>>
    %dma_start3A_92 = tpu.memref_squeeze %dma_start3A_91 : memref<1x40xi32, #tpu.memory_space<vmem>> -> memref<40xi32, #tpu.memory_space<vmem>>
    %dma_start3A_93 = tpu.memref_slice %arg3[%add3A_87] : memref<640000xi32, #tpu.memory_space<hbm>> -> memref<40xi32, #tpu.memory_space<hbm>>
    %dma_start3A_94 = tpu.memref_slice %arg12[%dma_start3A_89] : memref<10x!tpu.dma_semaphore, #tpu.memory_space<semaphore_mem>> -> memref<1x!tpu.dma_semaphore, #tpu.memory_space<semaphore_mem>>
    %dma_start3A_95 = tpu.memref_squeeze %dma_start3A_94 : memref<1x!tpu.dma_semaphore, #tpu.memory_space<semaphore_mem>> -> memref<!tpu.dma_semaphore, #tpu.memory_space<semaphore_mem>>
    %dma_start3A_96 = arith.constant 0 : i32
    %dma_start3A_97 = tpu.memref_slice %arg5[%dma_start3A_88, %dma_start3A_96] : memref<10x40xi32, #tpu.memory_space<vmem>> -> memref<1x40xi32, #tpu.memory_space<vmem>>
    %dma_start3A_98 = tpu.memref_squeeze %dma_start3A_97 : memref<1x40xi32, #tpu.memory_space<vmem>> -> memref<40xi32, #tpu.memory_space<vmem>>
    %dma_start3A_99 = tpu.memref_slice %arg3[%add3A_87] : memref<640000xi32, #tpu.memory_space<hbm>> -> memref<40xi32, #tpu.memory_space<hbm>>
    tpu.enqueue_dma source(%dma_start3A_99 : memref<40xi32, #tpu.memory_space<hbm>>) target(%dma_start3A_98 : memref<40xi32, #tpu.memory_space<vmem>>) target_semaphore(%dma_start3A_95 : memref<!tpu.dma_semaphore, #tpu.memory_space<semaphore_mem>>)
    %add3A_100 = arith.constant 320000 : i32
    %add3A_101 = arith.addi %add3A_100, %add3A_87 : i32
    %dma_start3A_102 = arith.constant 3 : i32
    %dma_start3A_103 = arith.constant 3 : i32
    %dma_start3A_104 = arith.constant 0 : i32
    %dma_start3A_105 = tpu.memref_slice %arg6[%dma_start3A_102, %dma_start3A_104] : memref<10x40xi32, #tpu.memory_space<vmem>> -> memref<1x40xi32, #tpu.memory_space<vmem>>
    %dma_start3A_106 = tpu.memref_squeeze %dma_start3A_105 : memref<1x40xi32, #tpu.memory_space<vmem>> -> memref<40xi32, #tpu.memory_space<vmem>>
    %dma_start3A_107 = tpu.memref_slice %arg3[%add3A_101] : memref<640000xi32, #tpu.memory_space<hbm>> -> memref<40xi32, #tpu.memory_space<hbm>>
    %dma_start3A_108 = tpu.memref_slice %arg13[%dma_start3A_103] : memref<10x!tpu.dma_semaphore, #tpu.memory_space<semaphore_mem>> -> memref<1x!tpu.dma_semaphore, #tpu.memory_space<semaphore_mem>>
    %dma_start3A_109 = tpu.memref_squeeze %dma_start3A_108 : memref<1x!tpu.dma_semaphore, #tpu.memory_space<semaphore_mem>> -> memref<!tpu.dma_semaphore, #tpu.memory_space<semaphore_mem>>
    %dma_start3A_110 = arith.constant 0 : i32
    %dma_start3A_111 = tpu.memref_slice %arg6[%dma_start3A_102, %dma_start3A_110] : memref<10x40xi32, #tpu.memory_space<vmem>> -> memref<1x40xi32, #tpu.memory_space<vmem>>
    %dma_start3A_112 = tpu.memref_squeeze %dma_start3A_111 : memref<1x40xi32, #tpu.memory_space<vmem>> -> memref<40xi32, #tpu.memory_space<vmem>>
    %dma_start3A_113 = tpu.memref_slice %arg3[%add3A_101] : memref<640000xi32, #tpu.memory_space<hbm>> -> memref<40xi32, #tpu.memory_space<hbm>>
    tpu.enqueue_dma source(%dma_start3A_113 : memref<40xi32, #tpu.memory_space<hbm>>) target(%dma_start3A_112 : memref<40xi32, #tpu.memory_space<vmem>>) target_semaphore(%dma_start3A_109 : memref<!tpu.dma_semaphore, #tpu.memory_space<semaphore_mem>>)
    %add3A_114 = arith.constant 160 : i32
    %add3A_115 = arith.addi %mul3A_2, %add3A_114 : i32
    %dma_start3A_116 = arith.constant 4 : i32
    %dma_start3A_117 = arith.constant 4 : i32
    %dma_start3A_118 = arith.constant 0 : i32
    %dma_start3A_119 = tpu.memref_slice %arg5[%dma_start3A_116, %dma_start3A_118] : memref<10x40xi32, #tpu.memory_space<vmem>> -> memref<1x40xi32, #tpu.memory_space<vmem>>
    %dma_start3A_120 = tpu.memref_squeeze %dma_start3A_119 : memref<1x40xi32, #tpu.memory_space<vmem>> -> memref<40xi32, #tpu.memory_space<vmem>>
    %dma_start3A_121 = tpu.memref_slice %arg3[%add3A_115] : memref<640000xi32, #tpu.memory_space<hbm>> -> memref<40xi32, #tpu.memory_space<hbm>>
    %dma_start3A_122 = tpu.memref_slice %arg12[%dma_start3A_117] : memref<10x!tpu.dma_semaphore, #tpu.memory_space<semaphore_mem>> -> memref<1x!tpu.dma_semaphore, #tpu.memory_space<semaphore_mem>>
    %dma_start3A_123 = tpu.memref_squeeze %dma_start3A_122 : memref<1x!tpu.dma_semaphore, #tpu.memory_space<semaphore_mem>> -> memref<!tpu.dma_semaphore, #tpu.memory_space<semaphore_mem>>
    %dma_start3A_124 = arith.constant 0 : i32
    %dma_start3A_125 = tpu.memref_slice %arg5[%dma_start3A_116, %dma_start3A_124] : memref<10x40xi32, #tpu.memory_space<vmem>> -> memref<1x40xi32, #tpu.memory_space<vmem>>
    %dma_start3A_126 = tpu.memref_squeeze %dma_start3A_125 : memref<1x40xi32, #tpu.memory_space<vmem>> -> memref<40xi32, #tpu.memory_space<vmem>>
    %dma_start3A_127 = tpu.memref_slice %arg3[%add3A_115] : memref<640000xi32, #tpu.memory_space<hbm>> -> memref<40xi32, #tpu.memory_space<hbm>>
    tpu.enqueue_dma source(%dma_start3A_127 : memref<40xi32, #tpu.memory_space<hbm>>) target(%dma_start3A_126 : memref<40xi32, #tpu.memory_space<vmem>>) target_semaphore(%dma_start3A_123 : memref<!tpu.dma_semaphore, #tpu.memory_space<semaphore_mem>>)
    %add3A_128 = arith.constant 320000 : i32
    %add3A_129 = arith.addi %add3A_128, %add3A_115 : i32
    %dma_start3A_130 = arith.constant 4 : i32
    %dma_start3A_131 = arith.constant 4 : i32
    %dma_start3A_132 = arith.constant 0 : i32
    %dma_start3A_133 = tpu.memref_slice %arg6[%dma_start3A_130, %dma_start3A_132] : memref<10x40xi32, #tpu.memory_space<vmem>> -> memref<1x40xi32, #tpu.memory_space<vmem>>
    %dma_start3A_134 = tpu.memref_squeeze %dma_start3A_133 : memref<1x40xi32, #tpu.memory_space<vmem>> -> memref<40xi32, #tpu.memory_space<vmem>>
    %dma_start3A_135 = tpu.memref_slice %arg3[%add3A_129] : memref<640000xi32, #tpu.memory_space<hbm>> -> memref<40xi32, #tpu.memory_space<hbm>>
    %dma_start3A_136 = tpu.memref_slice %arg13[%dma_start3A_131] : memref<10x!tpu.dma_semaphore, #tpu.memory_space<semaphore_mem>> -> memref<1x!tpu.dma_semaphore, #tpu.memory_space<semaphore_mem>>
    %dma_start3A_137 = tpu.memref_squeeze %dma_start3A_136 : memref<1x!tpu.dma_semaphore, #tpu.memory_space<semaphore_mem>> -> memref<!tpu.dma_semaphore, #tpu.memory_space<semaphore_mem>>
    %dma_start3A_138 = arith.constant 0 : i32
    %dma_start3A_139 = tpu.memref_slice %arg6[%dma_start3A_130, %dma_start3A_138] : memref<10x40xi32, #tpu.memory_space<vmem>> -> memref<1x40xi32, #tpu.memory_space<vmem>>
    %dma_start3A_140 = tpu.memref_squeeze %dma_start3A_139 : memref<1x40xi32, #tpu.memory_space<vmem>> -> memref<40xi32, #tpu.memory_space<vmem>>
    %dma_start3A_141 = tpu.memref_slice %arg3[%add3A_129] : memref<640000xi32, #tpu.memory_space<hbm>> -> memref<40xi32, #tpu.memory_space<hbm>>
    tpu.enqueue_dma source(%dma_start3A_141 : memref<40xi32, #tpu.memory_space<hbm>>) target(%dma_start3A_140 : memref<40xi32, #tpu.memory_space<vmem>>) target_semaphore(%dma_start3A_137 : memref<!tpu.dma_semaphore, #tpu.memory_space<semaphore_mem>>)
    %add3A_142 = arith.constant 200 : i32
    %add3A_143 = arith.addi %mul3A_2, %add3A_142 : i32
    %dma_start3A_144 = arith.constant 5 : i32
    %dma_start3A_145 = arith.constant 5 : i32
    %dma_start3A_146 = arith.constant 0 : i32
    %dma_start3A_147 = tpu.memref_slice %arg5[%dma_start3A_144, %dma_start3A_146] : memref<10x40xi32, #tpu.memory_space<vmem>> -> memref<1x40xi32, #tpu.memory_space<vmem>>
    %dma_start3A_148 = tpu.memref_squeeze %dma_start3A_147 : memref<1x40xi32, #tpu.memory_space<vmem>> -> memref<40xi32, #tpu.memory_space<vmem>>
    %dma_start3A_149 = tpu.memref_slice %arg3[%add3A_143] : memref<640000xi32, #tpu.memory_space<hbm>> -> memref<40xi32, #tpu.memory_space<hbm>>
    %dma_start3A_150 = tpu.memref_slice %arg12[%dma_start3A_145] : memref<10x!tpu.dma_semaphore, #tpu.memory_space<semaphore_mem>> -> memref<1x!tpu.dma_semaphore, #tpu.memory_space<semaphore_mem>>
    %dma_start3A_151 = tpu.memref_squeeze %dma_start3A_150 : memref<1x!tpu.dma_semaphore, #tpu.memory_space<semaphore_mem>> -> memref<!tpu.dma_semaphore, #tpu.memory_space<semaphore_mem>>
    %dma_start3A_152 = arith.constant 0 : i32
    %dma_start3A_153 = tpu.memref_slice %arg5[%dma_start3A_144, %dma_start3A_152] : memref<10x40xi32, #tpu.memory_space<vmem>> -> memref<1x40xi32, #tpu.memory_space<vmem>>
    %dma_start3A_154 = tpu.memref_squeeze %dma_start3A_153 : memref<1x40xi32, #tpu.memory_space<vmem>> -> memref<40xi32, #tpu.memory_space<vmem>>
    %dma_start3A_155 = tpu.memref_slice %arg3[%add3A_143] : memref<640000xi32, #tpu.memory_space<hbm>> -> memref<40xi32, #tpu.memory_space<hbm>>
    tpu.enqueue_dma source(%dma_start3A_155 : memref<40xi32, #tpu.memory_space<hbm>>) target(%dma_start3A_154 : memref<40xi32, #tpu.memory_space<vmem>>) target_semaphore(%dma_start3A_151 : memref<!tpu.dma_semaphore, #tpu.memory_space<semaphore_mem>>)
    %add3A_156 = arith.constant 320000 : i32
    %add3A_157 = arith.addi %add3A_156, %add3A_143 : i32
    %dma_start3A_158 = arith.constant 5 : i32
    %dma_start3A_159 = arith.constant 5 : i32
    %dma_start3A_160 = arith.constant 0 : i32
    %dma_start3A_161 = tpu.memref_slice %arg6[%dma_start3A_158, %dma_start3A_160] : memref<10x40xi32, #tpu.memory_space<vmem>> -> memref<1x40xi32, #tpu.memory_space<vmem>>
    %dma_start3A_162 = tpu.memref_squeeze %dma_start3A_161 : memref<1x40xi32, #tpu.memory_space<vmem>> -> memref<40xi32, #tpu.memory_space<vmem>>
    %dma_start3A_163 = tpu.memref_slice %arg3[%add3A_157] : memref<640000xi32, #tpu.memory_space<hbm>> -> memref<40xi32, #tpu.memory_space<hbm>>
    %dma_start3A_164 = tpu.memref_slice %arg13[%dma_start3A_159] : memref<10x!tpu.dma_semaphore, #tpu.memory_space<semaphore_mem>> -> memref<1x!tpu.dma_semaphore, #tpu.memory_space<semaphore_mem>>
    %dma_start3A_165 = tpu.memref_squeeze %dma_start3A_164 : memref<1x!tpu.dma_semaphore, #tpu.memory_space<semaphore_mem>> -> memref<!tpu.dma_semaphore, #tpu.memory_space<semaphore_mem>>
    %dma_start3A_166 = arith.constant 0 : i32
    %dma_start3A_167 = tpu.memref_slice %arg6[%dma_start3A_158, %dma_start3A_166] : memref<10x40xi32, #tpu.memory_space<vmem>> -> memref<1x40xi32, #tpu.memory_space<vmem>>
    %dma_start3A_168 = tpu.memref_squeeze %dma_start3A_167 : memref<1x40xi32, #tpu.memory_space<vmem>> -> memref<40xi32, #tpu.memory_space<vmem>>
    %dma_start3A_169 = tpu.memref_slice %arg3[%add3A_157] : memref<640000xi32, #tpu.memory_space<hbm>> -> memref<40xi32, #tpu.memory_space<hbm>>
    tpu.enqueue_dma source(%dma_start3A_169 : memref<40xi32, #tpu.memory_space<hbm>>) target(%dma_start3A_168 : memref<40xi32, #tpu.memory_space<vmem>>) target_semaphore(%dma_start3A_165 : memref<!tpu.dma_semaphore, #tpu.memory_space<semaphore_mem>>)
    %add3A_170 = arith.constant 240 : i32
    %add3A_171 = arith.addi %mul3A_2, %add3A_170 : i32
    %dma_start3A_172 = arith.constant 6 : i32
    %dma_start3A_173 = arith.constant 6 : i32
    %dma_start3A_174 = arith.constant 0 : i32
    %dma_start3A_175 = tpu.memref_slice %arg5[%dma_start3A_172, %dma_start3A_174] : memref<10x40xi32, #tpu.memory_space<vmem>> -> memref<1x40xi32, #tpu.memory_space<vmem>>
    %dma_start3A_176 = tpu.memref_squeeze %dma_start3A_175 : memref<1x40xi32, #tpu.memory_space<vmem>> -> memref<40xi32, #tpu.memory_space<vmem>>
    %dma_start3A_177 = tpu.memref_slice %arg3[%add3A_171] : memref<640000xi32, #tpu.memory_space<hbm>> -> memref<40xi32, #tpu.memory_space<hbm>>
    %dma_start3A_178 = tpu.memref_slice %arg12[%dma_start3A_173] : memref<10x!tpu.dma_semaphore, #tpu.memory_space<semaphore_mem>> -> memref<1x!tpu.dma_semaphore, #tpu.memory_space<semaphore_mem>>
    %dma_start3A_179 = tpu.memref_squeeze %dma_start3A_178 : memref<1x!tpu.dma_semaphore, #tpu.memory_space<semaphore_mem>> -> memref<!tpu.dma_semaphore, #tpu.memory_space<semaphore_mem>>
    %dma_start3A_180 = arith.constant 0 : i32
    %dma_start3A_181 = tpu.memref_slice %arg5[%dma_start3A_172, %dma_start3A_180] : memref<10x40xi32, #tpu.memory_space<vmem>> -> memref<1x40xi32, #tpu.memory_space<vmem>>
    %dma_start3A_182 = tpu.memref_squeeze %dma_start3A_181 : memref<1x40xi32, #tpu.memory_space<vmem>> -> memref<40xi32, #tpu.memory_space<vmem>>
    %dma_start3A_183 = tpu.memref_slice %arg3[%add3A_171] : memref<640000xi32, #tpu.memory_space<hbm>> -> memref<40xi32, #tpu.memory_space<hbm>>
    tpu.enqueue_dma source(%dma_start3A_183 : memref<40xi32, #tpu.memory_space<hbm>>) target(%dma_start3A_182 : memref<40xi32, #tpu.memory_space<vmem>>) target_semaphore(%dma_start3A_179 : memref<!tpu.dma_semaphore, #tpu.memory_space<semaphore_mem>>)
    %add3A_184 = arith.constant 320000 : i32
    %add3A_185 = arith.addi %add3A_184, %add3A_171 : i32
    %dma_start3A_186 = arith.constant 6 : i32
    %dma_start3A_187 = arith.constant 6 : i32
    %dma_start3A_188 = arith.constant 0 : i32
    %dma_start3A_189 = tpu.memref_slice %arg6[%dma_start3A_186, %dma_start3A_188] : memref<10x40xi32, #tpu.memory_space<vmem>> -> memref<1x40xi32, #tpu.memory_space<vmem>>
    %dma_start3A_190 = tpu.memref_squeeze %dma_start3A_189 : memref<1x40xi32, #tpu.memory_space<vmem>> -> memref<40xi32, #tpu.memory_space<vmem>>
    %dma_start3A_191 = tpu.memref_slice %arg3[%add3A_185] : memref<640000xi32, #tpu.memory_space<hbm>> -> memref<40xi32, #tpu.memory_space<hbm>>
    %dma_start3A_192 = tpu.memref_slice %arg13[%dma_start3A_187] : memref<10x!tpu.dma_semaphore, #tpu.memory_space<semaphore_mem>> -> memref<1x!tpu.dma_semaphore, #tpu.memory_space<semaphore_mem>>
    %dma_start3A_193 = tpu.memref_squeeze %dma_start3A_192 : memref<1x!tpu.dma_semaphore, #tpu.memory_space<semaphore_mem>> -> memref<!tpu.dma_semaphore, #tpu.memory_space<semaphore_mem>>
    %dma_start3A_194 = arith.constant 0 : i32
    %dma_start3A_195 = tpu.memref_slice %arg6[%dma_start3A_186, %dma_start3A_194] : memref<10x40xi32, #tpu.memory_space<vmem>> -> memref<1x40xi32, #tpu.memory_space<vmem>>
    %dma_start3A_196 = tpu.memref_squeeze %dma_start3A_195 : memref<1x40xi32, #tpu.memory_space<vmem>> -> memref<40xi32, #tpu.memory_space<vmem>>
    %dma_start3A_197 = tpu.memref_slice %arg3[%add3A_185] : memref<640000xi32, #tpu.memory_space<hbm>> -> memref<40xi32, #tpu.memory_space<hbm>>
    tpu.enqueue_dma source(%dma_start3A_197 : memref<40xi32, #tpu.memory_space<hbm>>) target(%dma_start3A_196 : memref<40xi32, #tpu.memory_space<vmem>>) target_semaphore(%dma_start3A_193 : memref<!tpu.dma_semaphore, #tpu.memory_space<semaphore_mem>>)
    %broadcast_in_dim3A = arith.constant 0.000000e+00 : f32
    %broadcast_in_dim3A_198 = vector.broadcast %broadcast_in_dim3A : f32 to vector<16xf32>
    %scan3A = arith.constant 0 : i32
    %scan3A_199 = arith.constant 0 : i32
    %scan3A_200 = arith.constant 512 : i32
    %scan3A_201 = arith.addi %scan3A_199, %scan3A_200 : i32
    %scan3A_202 = arith.constant 4 : i32
    scf.for %scan3A_385 = %scan3A_199 to %scan3A_201 step %scan3A_202  : i32 {
      %jit3A = arith.constant 8 : i32
      %div3A = arith.divsi %scan3A_385, %jit3A : i32
      %sign3A = arith.constant 0 : i32
      %sign3A_386 = arith.cmpi sgt, %scan3A_385, %sign3A : i32
      %sign3A_387 = arith.extui %sign3A_386 : i1 to i32
      %sign3A_388 = arith.constant 0 : i32
      %sign3A_389 = arith.cmpi slt, %scan3A_385, %sign3A_388 : i32
      %sign3A_390 = arith.extui %sign3A_389 : i1 to i32
      %sign3A_391 = arith.subi %sign3A_387, %sign3A_390 : i32
      %sign3A_392 = arith.constant 0 : i32
      %sign3A_393 = arith.cmpi sgt, %jit3A, %sign3A_392 : i32
      %sign3A_394 = arith.extui %sign3A_393 : i1 to i32
      %sign3A_395 = arith.constant 0 : i32
      %sign3A_396 = arith.cmpi slt, %jit3A, %sign3A_395 : i32
      %sign3A_397 = arith.extui %sign3A_396 : i1 to i32
      %sign3A_398 = arith.subi %sign3A_394, %sign3A_397 : i32
      %ne3A = arith.cmpi ne, %sign3A_391, %sign3A_398 : i32
      %rem3A = arith.remsi %scan3A_385, %jit3A : i32
      %ne3A_399 = arith.constant 0 : i32
      %ne3A_400 = arith.cmpi ne, %rem3A, %ne3A_399 : i32
      %and3A = arith.andi %ne3A, %ne3A_400 : i1
      %sub3A = arith.constant 1 : i32
      %sub3A_401 = arith.subi %div3A, %sub3A : i32
      %select_n3A = arith.select %and3A, %sub3A_401, %div3A : i32
      %jit3A_402 = arith.constant 8 : i32
      %eq3A = arith.constant 0 : i32
      %eq3A_403 = arith.cmpi eq, %jit3A_402, %eq3A : i32
      %jit3A_404 = arith.constant 1 : i32
      %select_n3A_405 = arith.select %eq3A_403, %jit3A_404, %jit3A_402 : i32
      %rem3A_406 = arith.remsi %scan3A_385, %select_n3A_405 : i32
      %ne3A_407 = arith.constant 0 : i32
      %ne3A_408 = arith.cmpi ne, %rem3A_406, %ne3A_407 : i32
      %lt3A = arith.constant 0 : i32
      %lt3A_409 = arith.cmpi slt, %rem3A_406, %lt3A : i32
      %lt3A_410 = arith.constant 0 : i32
      %lt3A_411 = arith.cmpi slt, %select_n3A_405, %lt3A_410 : i32
      %ne3A_412 = arith.xori %lt3A_409, %lt3A_411 : i1
      %and3A_413 = arith.andi %ne3A_412, %ne3A_408 : i1
      %add3A_414 = arith.addi %rem3A_406, %select_n3A_405 : i32
      %select_n3A_415 = arith.select %and3A_413, %add3A_414, %rem3A_406 : i32
      %mul3A_416 = arith.constant 16 : i32
      %mul3A_417 = arith.muli %select_n3A_415, %mul3A_416 : i32
      %swap3A = arith.index_cast %select_n3A : i32 to index
      %swap3A_418 = arith.index_cast %mul3A_417 : i32 to index
      %swap3A_419 = tpu.vector_load %arg8[%swap3A, %swap3A_418] {strides = array<i32>} : memref<64x128xf32, #tpu.memory_space<vmem>>, vector<1x16xf32>,
      %swap3A_420 = vector.shape_cast %swap3A_419 : vector<1x16xf32> to vector<16xf32>
      %swap3A_421 = vector.shape_cast %broadcast_in_dim3A_198 : vector<16xf32> to vector<1x16xf32>
      tpu.vector_store %arg8[%swap3A, %swap3A_418], %swap3A_421 {strides = array<i32>} : memref<64x128xf32, #tpu.memory_space<vmem>>, vector<1x16xf32>,
      %scan3A_422 = arith.constant 1 : i32
      %scan3A_423 = arith.addi %scan3A_385, %scan3A_422 : i32
      %jit3A_424 = arith.constant 8 : i32
      %div3A_425 = arith.divsi %scan3A_423, %jit3A_424 : i32
      %sign3A_426 = arith.constant 0 : i32
      %sign3A_427 = arith.cmpi sgt, %scan3A_423, %sign3A_426 : i32
      %sign3A_428 = arith.extui %sign3A_427 : i1 to i32
      %sign3A_429 = arith.constant 0 : i32
      %sign3A_430 = arith.cmpi slt, %scan3A_423, %sign3A_429 : i32
      %sign3A_431 = arith.extui %sign3A_430 : i1 to i32
      %sign3A_432 = arith.subi %sign3A_428, %sign3A_431 : i32
      %sign3A_433 = arith.constant 0 : i32
      %sign3A_434 = arith.cmpi sgt, %jit3A_424, %sign3A_433 : i32
      %sign3A_435 = arith.extui %sign3A_434 : i1 to i32
      %sign3A_436 = arith.constant 0 : i32
      %sign3A_437 = arith.cmpi slt, %jit3A_424, %sign3A_436 : i32
      %sign3A_438 = arith.extui %sign3A_437 : i1 to i32
      %sign3A_439 = arith.subi %sign3A_435, %sign3A_438 : i32
      %ne3A_440 = arith.cmpi ne, %sign3A_432, %sign3A_439 : i32
      %rem3A_441 = arith.remsi %scan3A_423, %jit3A_424 : i32
      %ne3A_442 = arith.constant 0 : i32
      %ne3A_443 = arith.cmpi ne, %rem3A_441, %ne3A_442 : i32
      %and3A_444 = arith.andi %ne3A_440, %ne3A_443 : i1
      %sub3A_445 = arith.constant 1 : i32
      %sub3A_446 = arith.subi %div3A_425, %sub3A_445 : i32
      %select_n3A_447 = arith.select %and3A_444, %sub3A_446, %div3A_425 : i32
      %jit3A_448 = arith.constant 8 : i32
      %eq3A_449 = arith.constant 0 : i32
      %eq3A_450 = arith.cmpi eq, %jit3A_448, %eq3A_449 : i32
      %jit3A_451 = arith.constant 1 : i32
      %select_n3A_452 = arith.select %eq3A_450, %jit3A_451, %jit3A_448 : i32
      %rem3A_453 = arith.remsi %scan3A_423, %select_n3A_452 : i32
      %ne3A_454 = arith.constant 0 : i32
      %ne3A_455 = arith.cmpi ne, %rem3A_453, %ne3A_454 : i32
      %lt3A_456 = arith.constant 0 : i32
      %lt3A_457 = arith.cmpi slt, %rem3A_453, %lt3A_456 : i32
      %lt3A_458 = arith.constant 0 : i32
      %lt3A_459 = arith.cmpi slt, %select_n3A_452, %lt3A_458 : i32
      %ne3A_460 = arith.xori %lt3A_457, %lt3A_459 : i1
      %and3A_461 = arith.andi %ne3A_460, %ne3A_455 : i1
      %add3A_462 = arith.addi %rem3A_453, %select_n3A_452 : i32
      %select_n3A_463 = arith.select %and3A_461, %add3A_462, %rem3A_453 : i32
      %mul3A_464 = arith.constant 16 : i32
      %mul3A_465 = arith.muli %select_n3A_463, %mul3A_464 : i32
      %swap3A_466 = arith.index_cast %select_n3A_447 : i32 to index
      %swap3A_467 = arith.index_cast %mul3A_465 : i32 to index
      %swap3A_468 = tpu.vector_load %arg8[%swap3A_466, %swap3A_467] {strides = array<i32>} : memref<64x128xf32, #tpu.memory_space<vmem>>, vector<1x16xf32>,
      %swap3A_469 = vector.shape_cast %swap3A_468 : vector<1x16xf32> to vector<16xf32>
      %swap3A_470 = vector.shape_cast %broadcast_in_dim3A_198 : vector<16xf32> to vector<1x16xf32>
      tpu.vector_store %arg8[%swap3A_466, %swap3A_467], %swap3A_470 {strides = array<i32>} : memref<64x128xf32, #tpu.memory_space<vmem>>, vector<1x16xf32>,
      %scan3A_471 = arith.constant 2 : i32
      %scan3A_472 = arith.addi %scan3A_385, %scan3A_471 : i32
      %jit3A_473 = arith.constant 8 : i32
      %div3A_474 = arith.divsi %scan3A_472, %jit3A_473 : i32
      %sign3A_475 = arith.constant 0 : i32
      %sign3A_476 = arith.cmpi sgt, %scan3A_472, %sign3A_475 : i32
      %sign3A_477 = arith.extui %sign3A_476 : i1 to i32
      %sign3A_478 = arith.constant 0 : i32
      %sign3A_479 = arith.cmpi slt, %scan3A_472, %sign3A_478 : i32
      %sign3A_480 = arith.extui %sign3A_479 : i1 to i32
      %sign3A_481 = arith.subi %sign3A_477, %sign3A_480 : i32
      %sign3A_482 = arith.constant 0 : i32
      %sign3A_483 = arith.cmpi sgt, %jit3A_473, %sign3A_482 : i32
      %sign3A_484 = arith.extui %sign3A_483 : i1 to i32
      %sign3A_485 = arith.constant 0 : i32
      %sign3A_486 = arith.cmpi slt, %jit3A_473, %sign3A_485 : i32
      %sign3A_487 = arith.extui %sign3A_486 : i1 to i32
      %sign3A_488 = arith.subi %sign3A_484, %sign3A_487 : i32
      %ne3A_489 = arith.cmpi ne, %sign3A_481, %sign3A_488 : i32
      %rem3A_490 = arith.remsi %scan3A_472, %jit3A_473 : i32
      %ne3A_491 = arith.constant 0 : i32
      %ne3A_492 = arith.cmpi ne, %rem3A_490, %ne3A_491 : i32
      %and3A_493 = arith.andi %ne3A_489, %ne3A_492 : i1
      %sub3A_494 = arith.constant 1 : i32
      %sub3A_495 = arith.subi %div3A_474, %sub3A_494 : i32
      %select_n3A_496 = arith.select %and3A_493, %sub3A_495, %div3A_474 : i32
      %jit3A_497 = arith.constant 8 : i32
      %eq3A_498 = arith.constant 0 : i32
      %eq3A_499 = arith.cmpi eq, %jit3A_497, %eq3A_498 : i32
      %jit3A_500 = arith.constant 1 : i32
      %select_n3A_501 = arith.select %eq3A_499, %jit3A_500, %jit3A_497 : i32
      %rem3A_502 = arith.remsi %scan3A_472, %select_n3A_501 : i32
      %ne3A_503 = arith.constant 0 : i32
      %ne3A_504 = arith.cmpi ne, %rem3A_502, %ne3A_503 : i32
      %lt3A_505 = arith.constant 0 : i32
      %lt3A_506 = arith.cmpi slt, %rem3A_502, %lt3A_505 : i32
      %lt3A_507 = arith.constant 0 : i32
      %lt3A_508 = arith.cmpi slt, %select_n3A_501, %lt3A_507 : i32
      %ne3A_509 = arith.xori %lt3A_506, %lt3A_508 : i1
      %and3A_510 = arith.andi %ne3A_509, %ne3A_504 : i1
      %add3A_511 = arith.addi %rem3A_502, %select_n3A_501 : i32
      %select_n3A_512 = arith.select %and3A_510, %add3A_511, %rem3A_502 : i32
      %mul3A_513 = arith.constant 16 : i32
      %mul3A_514 = arith.muli %select_n3A_512, %mul3A_513 : i32
      %swap3A_515 = arith.index_cast %select_n3A_496 : i32 to index
      %swap3A_516 = arith.index_cast %mul3A_514 : i32 to index
      %swap3A_517 = tpu.vector_load %arg8[%swap3A_515, %swap3A_516] {strides = array<i32>} : memref<64x128xf32, #tpu.memory_space<vmem>>, vector<1x16xf32>,
      %swap3A_518 = vector.shape_cast %swap3A_517 : vector<1x16xf32> to vector<16xf32>
      %swap3A_519 = vector.shape_cast %broadcast_in_dim3A_198 : vector<16xf32> to vector<1x16xf32>
      tpu.vector_store %arg8[%swap3A_515, %swap3A_516], %swap3A_519 {strides = array<i32>} : memref<64x128xf32, #tpu.memory_space<vmem>>, vector<1x16xf32>,
      %scan3A_520 = arith.constant 3 : i32
      %scan3A_521 = arith.addi %scan3A_385, %scan3A_520 : i32
      %jit3A_522 = arith.constant 8 : i32
      %div3A_523 = arith.divsi %scan3A_521, %jit3A_522 : i32
      %sign3A_524 = arith.constant 0 : i32
      %sign3A_525 = arith.cmpi sgt, %scan3A_521, %sign3A_524 : i32
      %sign3A_526 = arith.extui %sign3A_525 : i1 to i32
      %sign3A_527 = arith.constant 0 : i32
      %sign3A_528 = arith.cmpi slt, %scan3A_521, %sign3A_527 : i32
      %sign3A_529 = arith.extui %sign3A_528 : i1 to i32
      %sign3A_530 = arith.subi %sign3A_526, %sign3A_529 : i32
      %sign3A_531 = arith.constant 0 : i32
      %sign3A_532 = arith.cmpi sgt, %jit3A_522, %sign3A_531 : i32
      %sign3A_533 = arith.extui %sign3A_532 : i1 to i32
      %sign3A_534 = arith.constant 0 : i32
      %sign3A_535 = arith.cmpi slt, %jit3A_522, %sign3A_534 : i32
      %sign3A_536 = arith.extui %sign3A_535 : i1 to i32
      %sign3A_537 = arith.subi %sign3A_533, %sign3A_536 : i32
      %ne3A_538 = arith.cmpi ne, %sign3A_530, %sign3A_537 : i32
      %rem3A_539 = arith.remsi %scan3A_521, %jit3A_522 : i32
      %ne3A_540 = arith.constant 0 : i32
      %ne3A_541 = arith.cmpi ne, %rem3A_539, %ne3A_540 : i32
      %and3A_542 = arith.andi %ne3A_538, %ne3A_541 : i1
      %sub3A_543 = arith.constant 1 : i32
      %sub3A_544 = arith.subi %div3A_523, %sub3A_543 : i32
      %select_n3A_545 = arith.select %and3A_542, %sub3A_544, %div3A_523 : i32
      %jit3A_546 = arith.constant 8 : i32
      %eq3A_547 = arith.constant 0 : i32
      %eq3A_548 = arith.cmpi eq, %jit3A_546, %eq3A_547 : i32
      %jit3A_549 = arith.constant 1 : i32
      %select_n3A_550 = arith.select %eq3A_548, %jit3A_549, %jit3A_546 : i32
      %rem3A_551 = arith.remsi %scan3A_521, %select_n3A_550 : i32
      %ne3A_552 = arith.constant 0 : i32
      %ne3A_553 = arith.cmpi ne, %rem3A_551, %ne3A_552 : i32
      %lt3A_554 = arith.constant 0 : i32
      %lt3A_555 = arith.cmpi slt, %rem3A_551, %lt3A_554 : i32
      %lt3A_556 = arith.constant 0 : i32
      %lt3A_557 = arith.cmpi slt, %select_n3A_550, %lt3A_556 : i32
      %ne3A_558 = arith.xori %lt3A_555, %lt3A_557 : i1
      %and3A_559 = arith.andi %ne3A_558, %ne3A_553 : i1
      %add3A_560 = arith.addi %rem3A_551, %select_n3A_550 : i32
      %select_n3A_561 = arith.select %and3A_559, %add3A_560, %rem3A_551 : i32
      %mul3A_562 = arith.constant 16 : i32
      %mul3A_563 = arith.muli %select_n3A_561, %mul3A_562 : i32
      %swap3A_564 = arith.index_cast %select_n3A_545 : i32 to index
      %swap3A_565 = arith.index_cast %mul3A_563 : i32 to index
      %swap3A_566 = tpu.vector_load %arg8[%swap3A_564, %swap3A_565] {strides = array<i32>} : memref<64x128xf32, #tpu.memory_space<vmem>>, vector<1x16xf32>,
      %swap3A_567 = vector.shape_cast %swap3A_566 : vector<1x16xf32> to vector<16xf32>
      %swap3A_568 = vector.shape_cast %broadcast_in_dim3A_198 : vector<16xf32> to vector<1x16xf32>
      tpu.vector_store %arg8[%swap3A_564, %swap3A_565], %swap3A_568 {strides = array<i32>} : memref<64x128xf32, #tpu.memory_space<vmem>>, vector<1x16xf32>,
    }
    %scan3A_203 = arith.constant 512 : i32
    %mul3A_204 = arith.constant 640 : i32
    %mul3A_205 = arith.muli %arg1, %mul3A_204 : i32
    %add3A_206 = arith.constant 0 : i32
    %add3A_207 = arith.addi %mul3A_205, %add3A_206 : i32
    "tpu.region"() ({
      %run_scoped3A = tpu.sem_alloc : memref<!tpu.dma_semaphore, #tpu.memory_space<semaphore_mem>>
      %dma_start3A_385 = arith.constant 0 : i32
      %dma_start3A_386 = tpu.memref_slice %arg9[%add3A_207, %dma_start3A_385] : memref<10240x128xf32, #tpu.memory_space<vmem_shared>> -> memref<64x128xf32, #tpu.memory_space<vmem_shared>>
      %dma_start3A_387 = arith.constant 0 : i32
      %dma_start3A_388 = tpu.memref_slice %arg9[%add3A_207, %dma_start3A_387] : memref<10240x128xf32, #tpu.memory_space<vmem_shared>> -> memref<64x128xf32, #tpu.memory_space<vmem_shared>>
      tpu.enqueue_dma source(%arg8 : memref<64x128xf32, #tpu.memory_space<vmem>>) target(%dma_start3A_388 : memref<64x128xf32, #tpu.memory_space<vmem_shared>>) target_semaphore(%run_scoped3A : memref<!tpu.dma_semaphore, #tpu.memory_space<semaphore_mem>>)
      %dma_wait3A_389 = arith.constant 0 : i32
      %dma_wait3A_390 = tpu.memref_slice %arg9[%add3A_207, %dma_wait3A_389] : memref<10240x128xf32, #tpu.memory_space<vmem_shared>> -> memref<64x128xf32, #tpu.memory_space<vmem_shared>>
      %dma_wait3A_391 = arith.constant 0 : i32
      %dma_wait3A_392 = tpu.memref_slice %arg9[%add3A_207, %dma_wait3A_391] : memref<10240x128xf32, #tpu.memory_space<vmem_shared>> -> memref<64x128xf32, #tpu.memory_space<vmem_shared>>
      tpu.wait_dma2 semaphore(%run_scoped3A : memref<!tpu.dma_semaphore, #tpu.memory_space<semaphore_mem>>) src(%arg8 : memref<64x128xf32, #tpu.memory_space<vmem>>) dst(%dma_wait3A_392 : memref<64x128xf32, #tpu.memory_space<vmem_shared>>)
      tpu.yield
    }) : () -> ()
    %mul3A_208 = arith.constant 640 : i32
    %mul3A_209 = arith.muli %arg1, %mul3A_208 : i32
    %add3A_210 = arith.constant 64 : i32
    %add3A_211 = arith.addi %mul3A_209, %add3A_210 : i32
    "tpu.region"() ({
      %run_scoped3A = tpu.sem_alloc : memref<!tpu.dma_semaphore, #tpu.memory_space<semaphore_mem>>
      %dma_start3A_385 = arith.constant 0 : i32
      %dma_start3A_386 = tpu.memref_slice %arg9[%add3A_211, %dma_start3A_385] : memref<10240x128xf32, #tpu.memory_space<vmem_shared>> -> memref<64x128xf32, #tpu.memory_space<vmem_shared>>
      %dma_start3A_387 = arith.constant 0 : i32
      %dma_start3A_388 = tpu.memref_slice %arg9[%add3A_211, %dma_start3A_387] : memref<10240x128xf32, #tpu.memory_space<vmem_shared>> -> memref<64x128xf32, #tpu.memory_space<vmem_shared>>
      tpu.enqueue_dma source(%arg8 : memref<64x128xf32, #tpu.memory_space<vmem>>) target(%dma_start3A_388 : memref<64x128xf32, #tpu.memory_space<vmem_shared>>) target_semaphore(%run_scoped3A : memref<!tpu.dma_semaphore, #tpu.memory_space<semaphore_mem>>)
      %dma_wait3A_389 = arith.constant 0 : i32
      %dma_wait3A_390 = tpu.memref_slice %arg9[%add3A_211, %dma_wait3A_389] : memref<10240x128xf32, #tpu.memory_space<vmem_shared>> -> memref<64x128xf32, #tpu.memory_space<vmem_shared>>
      %dma_wait3A_391 = arith.constant 0 : i32
      %dma_wait3A_392 = tpu.memref_slice %arg9[%add3A_211, %dma_wait3A_391] : memref<10240x128xf32, #tpu.memory_space<vmem_shared>> -> memref<64x128xf32, #tpu.memory_space<vmem_shared>>
      tpu.wait_dma2 semaphore(%run_scoped3A : memref<!tpu.dma_semaphore, #tpu.memory_space<semaphore_mem>>) src(%arg8 : memref<64x128xf32, #tpu.memory_space<vmem>>) dst(%dma_wait3A_392 : memref<64x128xf32, #tpu.memory_space<vmem_shared>>)
      tpu.yield
    }) : () -> ()
    %mul3A_212 = arith.constant 640 : i32
    %mul3A_213 = arith.muli %arg1, %mul3A_212 : i32
    %add3A_214 = arith.constant 128 : i32
    %add3A_215 = arith.addi %mul3A_213, %add3A_214 : i32
    "tpu.region"() ({
      %run_scoped3A = tpu.sem_alloc : memref<!tpu.dma_semaphore, #tpu.memory_space<semaphore_mem>>
      %dma_start3A_385 = arith.constant 0 : i32
      %dma_start3A_386 = tpu.memref_slice %arg9[%add3A_215, %dma_start3A_385] : memref<10240x128xf32, #tpu.memory_space<vmem_shared>> -> memref<64x128xf32, #tpu.memory_space<vmem_shared>>
      %dma_start3A_387 = arith.constant 0 : i32
      %dma_start3A_388 = tpu.memref_slice %arg9[%add3A_215, %dma_start3A_387] : memref<10240x128xf32, #tpu.memory_space<vmem_shared>> -> memref<64x128xf32, #tpu.memory_space<vmem_shared>>
      tpu.enqueue_dma source(%arg8 : memref<64x128xf32, #tpu.memory_space<vmem>>) target(%dma_start3A_388 : memref<64x128xf32, #tpu.memory_space<vmem_shared>>) target_semaphore(%run_scoped3A : memref<!tpu.dma_semaphore, #tpu.memory_space<semaphore_mem>>)
      %dma_wait3A_389 = arith.constant 0 : i32
      %dma_wait3A_390 = tpu.memref_slice %arg9[%add3A_215, %dma_wait3A_389] : memref<10240x128xf32, #tpu.memory_space<vmem_shared>> -> memref<64x128xf32, #tpu.memory_space<vmem_shared>>
      %dma_wait3A_391 = arith.constant 0 : i32
      %dma_wait3A_392 = tpu.memref_slice %arg9[%add3A_215, %dma_wait3A_391] : memref<10240x128xf32, #tpu.memory_space<vmem_shared>> -> memref<64x128xf32, #tpu.memory_space<vmem_shared>>
      tpu.wait_dma2 semaphore(%run_scoped3A : memref<!tpu.dma_semaphore, #tpu.memory_space<semaphore_mem>>) src(%arg8 : memref<64x128xf32, #tpu.memory_space<vmem>>) dst(%dma_wait3A_392 : memref<64x128xf32, #tpu.memory_space<vmem_shared>>)
      tpu.yield
    }) : () -> ()
    %mul3A_216 = arith.constant 640 : i32
    %mul3A_217 = arith.muli %arg1, %mul3A_216 : i32
    %add3A_218 = arith.constant 192 : i32
    %add3A_219 = arith.addi %mul3A_217, %add3A_218 : i32
    "tpu.region"() ({
      %run_scoped3A = tpu.sem_alloc : memref<!tpu.dma_semaphore, #tpu.memory_space<semaphore_mem>>
      %dma_start3A_385 = arith.constant 0 : i32
      %dma_start3A_386 = tpu.memref_slice %arg9[%add3A_219, %dma_start3A_385] : memref<10240x128xf32, #tpu.memory_space<vmem_shared>> -> memref<64x128xf32, #tpu.memory_space<vmem_shared>>
      %dma_start3A_387 = arith.constant 0 : i32
      %dma_start3A_388 = tpu.memref_slice %arg9[%add3A_219, %dma_start3A_387] : memref<10240x128xf32, #tpu.memory_space<vmem_shared>> -> memref<64x128xf32, #tpu.memory_space<vmem_shared>>
      tpu.enqueue_dma source(%arg8 : memref<64x128xf32, #tpu.memory_space<vmem>>) target(%dma_start3A_388 : memref<64x128xf32, #tpu.memory_space<vmem_shared>>) target_semaphore(%run_scoped3A : memref<!tpu.dma_semaphore, #tpu.memory_space<semaphore_mem>>)
      %dma_wait3A_389 = arith.constant 0 : i32
      %dma_wait3A_390 = tpu.memref_slice %arg9[%add3A_219, %dma_wait3A_389] : memref<10240x128xf32, #tpu.memory_space<vmem_shared>> -> memref<64x128xf32, #tpu.memory_space<vmem_shared>>
      %dma_wait3A_391 = arith.constant 0 : i32
      %dma_wait3A_392 = tpu.memref_slice %arg9[%add3A_219, %dma_wait3A_391] : memref<10240x128xf32, #tpu.memory_space<vmem_shared>> -> memref<64x128xf32, #tpu.memory_space<vmem_shared>>
      tpu.wait_dma2 semaphore(%run_scoped3A : memref<!tpu.dma_semaphore, #tpu.memory_space<semaphore_mem>>) src(%arg8 : memref<64x128xf32, #tpu.memory_space<vmem>>) dst(%dma_wait3A_392 : memref<64x128xf32, #tpu.memory_space<vmem_shared>>)
      tpu.yield
    }) : () -> ()
    %mul3A_220 = arith.constant 640 : i32
    %mul3A_221 = arith.muli %arg1, %mul3A_220 : i32
    %add3A_222 = arith.constant 256 : i32
    %add3A_223 = arith.addi %mul3A_221, %add3A_222 : i32
    "tpu.region"() ({
      %run_scoped3A = tpu.sem_alloc : memref<!tpu.dma_semaphore, #tpu.memory_space<semaphore_mem>>
      %dma_start3A_385 = arith.constant 0 : i32
      %dma_start3A_386 = tpu.memref_slice %arg9[%add3A_223, %dma_start3A_385] : memref<10240x128xf32, #tpu.memory_space<vmem_shared>> -> memref<64x128xf32, #tpu.memory_space<vmem_shared>>
      %dma_start3A_387 = arith.constant 0 : i32
      %dma_start3A_388 = tpu.memref_slice %arg9[%add3A_223, %dma_start3A_387] : memref<10240x128xf32, #tpu.memory_space<vmem_shared>> -> memref<64x128xf32, #tpu.memory_space<vmem_shared>>
      tpu.enqueue_dma source(%arg8 : memref<64x128xf32, #tpu.memory_space<vmem>>) target(%dma_start3A_388 : memref<64x128xf32, #tpu.memory_space<vmem_shared>>) target_semaphore(%run_scoped3A : memref<!tpu.dma_semaphore, #tpu.memory_space<semaphore_mem>>)
      %dma_wait3A_389 = arith.constant 0 : i32
      %dma_wait3A_390 = tpu.memref_slice %arg9[%add3A_223, %dma_wait3A_389] : memref<10240x128xf32, #tpu.memory_space<vmem_shared>> -> memref<64x128xf32, #tpu.memory_space<vmem_shared>>
      %dma_wait3A_391 = arith.constant 0 : i32
      %dma_wait3A_392 = tpu.memref_slice %arg9[%add3A_223, %dma_wait3A_391] : memref<10240x128xf32, #tpu.memory_space<vmem_shared>> -> memref<64x128xf32, #tpu.memory_space<vmem_shared>>
      tpu.wait_dma2 semaphore(%run_scoped3A : memref<!tpu.dma_semaphore, #tpu.memory_space<semaphore_mem>>) src(%arg8 : memref<64x128xf32, #tpu.memory_space<vmem>>) dst(%dma_wait3A_392 : memref<64x128xf32, #tpu.memory_space<vmem_shared>>)
      tpu.yield
    }) : () -> ()
    %mul3A_224 = arith.constant 640 : i32
    %mul3A_225 = arith.muli %arg1, %mul3A_224 : i32
    %add3A_226 = arith.constant 320 : i32
    %add3A_227 = arith.addi %mul3A_225, %add3A_226 : i32
    "tpu.region"() ({
      %run_scoped3A = tpu.sem_alloc : memref<!tpu.dma_semaphore, #tpu.memory_space<semaphore_mem>>
      %dma_start3A_385 = arith.constant 0 : i32
      %dma_start3A_386 = tpu.memref_slice %arg9[%add3A_227, %dma_start3A_385] : memref<10240x128xf32, #tpu.memory_space<vmem_shared>> -> memref<64x128xf32, #tpu.memory_space<vmem_shared>>
      %dma_start3A_387 = arith.constant 0 : i32
      %dma_start3A_388 = tpu.memref_slice %arg9[%add3A_227, %dma_start3A_387] : memref<10240x128xf32, #tpu.memory_space<vmem_shared>> -> memref<64x128xf32, #tpu.memory_space<vmem_shared>>
      tpu.enqueue_dma source(%arg8 : memref<64x128xf32, #tpu.memory_space<vmem>>) target(%dma_start3A_388 : memref<64x128xf32, #tpu.memory_space<vmem_shared>>) target_semaphore(%run_scoped3A : memref<!tpu.dma_semaphore, #tpu.memory_space<semaphore_mem>>)
      %dma_wait3A_389 = arith.constant 0 : i32
      %dma_wait3A_390 = tpu.memref_slice %arg9[%add3A_227, %dma_wait3A_389] : memref<10240x128xf32, #tpu.memory_space<vmem_shared>> -> memref<64x128xf32, #tpu.memory_space<vmem_shared>>
      %dma_wait3A_391 = arith.constant 0 : i32
      %dma_wait3A_392 = tpu.memref_slice %arg9[%add3A_227, %dma_wait3A_391] : memref<10240x128xf32, #tpu.memory_space<vmem_shared>> -> memref<64x128xf32, #tpu.memory_space<vmem_shared>>
      tpu.wait_dma2 semaphore(%run_scoped3A : memref<!tpu.dma_semaphore, #tpu.memory_space<semaphore_mem>>) src(%arg8 : memref<64x128xf32, #tpu.memory_space<vmem>>) dst(%dma_wait3A_392 : memref<64x128xf32, #tpu.memory_space<vmem_shared>>)
      tpu.yield
    }) : () -> ()
    %mul3A_228 = arith.constant 640 : i32
    %mul3A_229 = arith.muli %arg1, %mul3A_228 : i32
    %add3A_230 = arith.constant 384 : i32
    %add3A_231 = arith.addi %mul3A_229, %add3A_230 : i32
    "tpu.region"() ({
      %run_scoped3A = tpu.sem_alloc : memref<!tpu.dma_semaphore, #tpu.memory_space<semaphore_mem>>
      %dma_start3A_385 = arith.constant 0 : i32
      %dma_start3A_386 = tpu.memref_slice %arg9[%add3A_231, %dma_start3A_385] : memref<10240x128xf32, #tpu.memory_space<vmem_shared>> -> memref<64x128xf32, #tpu.memory_space<vmem_shared>>
      %dma_start3A_387 = arith.constant 0 : i32
      %dma_start3A_388 = tpu.memref_slice %arg9[%add3A_231, %dma_start3A_387] : memref<10240x128xf32, #tpu.memory_space<vmem_shared>> -> memref<64x128xf32, #tpu.memory_space<vmem_shared>>
      tpu.enqueue_dma source(%arg8 : memref<64x128xf32, #tpu.memory_space<vmem>>) target(%dma_start3A_388 : memref<64x128xf32, #tpu.memory_space<vmem_shared>>) target_semaphore(%run_scoped3A : memref<!tpu.dma_semaphore, #tpu.memory_space<semaphore_mem>>)
      %dma_wait3A_389 = arith.constant 0 : i32
      %dma_wait3A_390 = tpu.memref_slice %arg9[%add3A_231, %dma_wait3A_389] : memref<10240x128xf32, #tpu.memory_space<vmem_shared>> -> memref<64x128xf32, #tpu.memory_space<vmem_shared>>
      %dma_wait3A_391 = arith.constant 0 : i32
      %dma_wait3A_392 = tpu.memref_slice %arg9[%add3A_231, %dma_wait3A_391] : memref<10240x128xf32, #tpu.memory_space<vmem_shared>> -> memref<64x128xf32, #tpu.memory_space<vmem_shared>>
      tpu.wait_dma2 semaphore(%run_scoped3A : memref<!tpu.dma_semaphore, #tpu.memory_space<semaphore_mem>>) src(%arg8 : memref<64x128xf32, #tpu.memory_space<vmem>>) dst(%dma_wait3A_392 : memref<64x128xf32, #tpu.memory_space<vmem_shared>>)
      tpu.yield
    }) : () -> ()
    %mul3A_232 = arith.constant 640 : i32
    %mul3A_233 = arith.muli %arg1, %mul3A_232 : i32
    %add3A_234 = arith.constant 448 : i32
    %add3A_235 = arith.addi %mul3A_233, %add3A_234 : i32
    "tpu.region"() ({
      %run_scoped3A = tpu.sem_alloc : memref<!tpu.dma_semaphore, #tpu.memory_space<semaphore_mem>>
      %dma_start3A_385 = arith.constant 0 : i32
      %dma_start3A_386 = tpu.memref_slice %arg9[%add3A_235, %dma_start3A_385] : memref<10240x128xf32, #tpu.memory_space<vmem_shared>> -> memref<64x128xf32, #tpu.memory_space<vmem_shared>>
      %dma_start3A_387 = arith.constant 0 : i32
      %dma_start3A_388 = tpu.memref_slice %arg9[%add3A_235, %dma_start3A_387] : memref<10240x128xf32, #tpu.memory_space<vmem_shared>> -> memref<64x128xf32, #tpu.memory_space<vmem_shared>>
      tpu.enqueue_dma source(%arg8 : memref<64x128xf32, #tpu.memory_space<vmem>>) target(%dma_start3A_388 : memref<64x128xf32, #tpu.memory_space<vmem_shared>>) target_semaphore(%run_scoped3A : memref<!tpu.dma_semaphore, #tpu.memory_space<semaphore_mem>>)
      %dma_wait3A_389 = arith.constant 0 : i32
      %dma_wait3A_390 = tpu.memref_slice %arg9[%add3A_235, %dma_wait3A_389] : memref<10240x128xf32, #tpu.memory_space<vmem_shared>> -> memref<64x128xf32, #tpu.memory_space<vmem_shared>>
      %dma_wait3A_391 = arith.constant 0 : i32
      %dma_wait3A_392 = tpu.memref_slice %arg9[%add3A_235, %dma_wait3A_391] : memref<10240x128xf32, #tpu.memory_space<vmem_shared>> -> memref<64x128xf32, #tpu.memory_space<vmem_shared>>
      tpu.wait_dma2 semaphore(%run_scoped3A : memref<!tpu.dma_semaphore, #tpu.memory_space<semaphore_mem>>) src(%arg8 : memref<64x128xf32, #tpu.memory_space<vmem>>) dst(%dma_wait3A_392 : memref<64x128xf32, #tpu.memory_space<vmem_shared>>)
      tpu.yield
    }) : () -> ()
    %mul3A_236 = arith.constant 640 : i32
    %mul3A_237 = arith.muli %arg1, %mul3A_236 : i32
    %add3A_238 = arith.constant 512 : i32
    %add3A_239 = arith.addi %mul3A_237, %add3A_238 : i32
    "tpu.region"() ({
      %run_scoped3A = tpu.sem_alloc : memref<!tpu.dma_semaphore, #tpu.memory_space<semaphore_mem>>
      %dma_start3A_385 = arith.constant 0 : i32
      %dma_start3A_386 = tpu.memref_slice %arg9[%add3A_239, %dma_start3A_385] : memref<10240x128xf32, #tpu.memory_space<vmem_shared>> -> memref<64x128xf32, #tpu.memory_space<vmem_shared>>
      %dma_start3A_387 = arith.constant 0 : i32
      %dma_start3A_388 = tpu.memref_slice %arg9[%add3A_239, %dma_start3A_387] : memref<10240x128xf32, #tpu.memory_space<vmem_shared>> -> memref<64x128xf32, #tpu.memory_space<vmem_shared>>
      tpu.enqueue_dma source(%arg8 : memref<64x128xf32, #tpu.memory_space<vmem>>) target(%dma_start3A_388 : memref<64x128xf32, #tpu.memory_space<vmem_shared>>) target_semaphore(%run_scoped3A : memref<!tpu.dma_semaphore, #tpu.memory_space<semaphore_mem>>)
      %dma_wait3A_389 = arith.constant 0 : i32
      %dma_wait3A_390 = tpu.memref_slice %arg9[%add3A_239, %dma_wait3A_389] : memref<10240x128xf32, #tpu.memory_space<vmem_shared>> -> memref<64x128xf32, #tpu.memory_space<vmem_shared>>
      %dma_wait3A_391 = arith.constant 0 : i32
      %dma_wait3A_392 = tpu.memref_slice %arg9[%add3A_239, %dma_wait3A_391] : memref<10240x128xf32, #tpu.memory_space<vmem_shared>> -> memref<64x128xf32, #tpu.memory_space<vmem_shared>>
      tpu.wait_dma2 semaphore(%run_scoped3A : memref<!tpu.dma_semaphore, #tpu.memory_space<semaphore_mem>>) src(%arg8 : memref<64x128xf32, #tpu.memory_space<vmem>>) dst(%dma_wait3A_392 : memref<64x128xf32, #tpu.memory_space<vmem_shared>>)
      tpu.yield
    }) : () -> ()
    %mul3A_240 = arith.constant 640 : i32
    %mul3A_241 = arith.muli %arg1, %mul3A_240 : i32
    %add3A_242 = arith.constant 576 : i32
    %add3A_243 = arith.addi %mul3A_241, %add3A_242 : i32
    "tpu.region"() ({
      %run_scoped3A = tpu.sem_alloc : memref<!tpu.dma_semaphore, #tpu.memory_space<semaphore_mem>>
      %dma_start3A_385 = arith.constant 0 : i32
      %dma_start3A_386 = tpu.memref_slice %arg9[%add3A_243, %dma_start3A_385] : memref<10240x128xf32, #tpu.memory_space<vmem_shared>> -> memref<64x128xf32, #tpu.memory_space<vmem_shared>>
      %dma_start3A_387 = arith.constant 0 : i32
      %dma_start3A_388 = tpu.memref_slice %arg9[%add3A_243, %dma_start3A_387] : memref<10240x128xf32, #tpu.memory_space<vmem_shared>> -> memref<64x128xf32, #tpu.memory_space<vmem_shared>>
      tpu.enqueue_dma source(%arg8 : memref<64x128xf32, #tpu.memory_space<vmem>>) target(%dma_start3A_388 : memref<64x128xf32, #tpu.memory_space<vmem_shared>>) target_semaphore(%run_scoped3A : memref<!tpu.dma_semaphore, #tpu.memory_space<semaphore_mem>>)
      %dma_wait3A_389 = arith.constant 0 : i32
      %dma_wait3A_390 = tpu.memref_slice %arg9[%add3A_243, %dma_wait3A_389] : memref<10240x128xf32, #tpu.memory_space<vmem_shared>> -> memref<64x128xf32, #tpu.memory_space<vmem_shared>>
      %dma_wait3A_391 = arith.constant 0 : i32
      %dma_wait3A_392 = tpu.memref_slice %arg9[%add3A_243, %dma_wait3A_391] : memref<10240x128xf32, #tpu.memory_space<vmem_shared>> -> memref<64x128xf32, #tpu.memory_space<vmem_shared>>
      tpu.wait_dma2 semaphore(%run_scoped3A : memref<!tpu.dma_semaphore, #tpu.memory_space<semaphore_mem>>) src(%arg8 : memref<64x128xf32, #tpu.memory_space<vmem>>) dst(%dma_wait3A_392 : memref<64x128xf32, #tpu.memory_space<vmem_shared>>)
      tpu.yield
    }) : () -> ()
    %barrier3A = arith.constant 0 : index
    tpu.barrier barrier_id(%barrier3A)
    %dma_wait3A = arith.constant 0 : i32
    %dma_wait3A_244 = arith.constant 0 : i32
    %dma_wait3A_245 = arith.constant 0 : i32
    %dma_wait3A_246 = tpu.memref_slice %arg5[%dma_wait3A, %dma_wait3A_245] : memref<10x40xi32, #tpu.memory_space<vmem>> -> memref<1x40xi32, #tpu.memory_space<vmem>>
    %dma_wait3A_247 = tpu.memref_squeeze %dma_wait3A_246 : memref<1x40xi32, #tpu.memory_space<vmem>> -> memref<40xi32, #tpu.memory_space<vmem>>
    %dma_wait3A_248 = arith.constant 0 : i32
    %dma_wait3A_249 = tpu.memref_slice %arg3[%dma_wait3A_248] : memref<640000xi32, #tpu.memory_space<hbm>> -> memref<40xi32, #tpu.memory_space<hbm>>
    %dma_wait3A_250 = tpu.memref_slice %arg12[%dma_wait3A_244] : memref<10x!tpu.dma_semaphore, #tpu.memory_space<semaphore_mem>> -> memref<1x!tpu.dma_semaphore, #tpu.memory_space<semaphore_mem>>
    %dma_wait3A_251 = tpu.memref_squeeze %dma_wait3A_250 : memref<1x!tpu.dma_semaphore, #tpu.memory_space<semaphore_mem>> -> memref<!tpu.dma_semaphore, #tpu.memory_space<semaphore_mem>>
    %dma_wait3A_252 = arith.constant 0 : i32
    %dma_wait3A_253 = tpu.memref_slice %arg5[%dma_wait3A, %dma_wait3A_252] : memref<10x40xi32, #tpu.memory_space<vmem>> -> memref<1x40xi32, #tpu.memory_space<vmem>>
    %dma_wait3A_254 = tpu.memref_squeeze %dma_wait3A_253 : memref<1x40xi32, #tpu.memory_space<vmem>> -> memref<40xi32, #tpu.memory_space<vmem>>
    %dma_wait3A_255 = arith.constant 0 : i32
    %dma_wait3A_256 = tpu.memref_slice %arg3[%dma_wait3A_255] : memref<640000xi32, #tpu.memory_space<hbm>> -> memref<40xi32, #tpu.memory_space<hbm>>
    tpu.wait_dma2 semaphore(%dma_wait3A_251 : memref<!tpu.dma_semaphore, #tpu.memory_space<semaphore_mem>>) src(%dma_wait3A_256 : memref<40xi32, #tpu.memory_space<hbm>>) dst(%dma_wait3A_254 : memref<40xi32, #tpu.memory_space<vmem>>)
    %dma_wait3A_257 = arith.constant 0 : i32
    %dma_wait3A_258 = arith.constant 0 : i32
    %dma_wait3A_259 = arith.constant 0 : i32
    %dma_wait3A_260 = tpu.memref_slice %arg6[%dma_wait3A_257, %dma_wait3A_259] : memref<10x40xi32, #tpu.memory_space<vmem>> -> memref<1x40xi32, #tpu.memory_space<vmem>>
    %dma_wait3A_261 = tpu.memref_squeeze %dma_wait3A_260 : memref<1x40xi32, #tpu.memory_space<vmem>> -> memref<40xi32, #tpu.memory_space<vmem>>
    %dma_wait3A_262 = arith.constant 0 : i32
    %dma_wait3A_263 = tpu.memref_slice %arg3[%dma_wait3A_262] : memref<640000xi32, #tpu.memory_space<hbm>> -> memref<40xi32, #tpu.memory_space<hbm>>
    %dma_wait3A_264 = tpu.memref_slice %arg13[%dma_wait3A_258] : memref<10x!tpu.dma_semaphore, #tpu.memory_space<semaphore_mem>> -> memref<1x!tpu.dma_semaphore, #tpu.memory_space<semaphore_mem>>
    %dma_wait3A_265 = tpu.memref_squeeze %dma_wait3A_264 : memref<1x!tpu.dma_semaphore, #tpu.memory_space<semaphore_mem>> -> memref<!tpu.dma_semaphore, #tpu.memory_space<semaphore_mem>>
    %dma_wait3A_266 = arith.constant 0 : i32
    %dma_wait3A_267 = tpu.memref_slice %arg6[%dma_wait3A_257, %dma_wait3A_266] : memref<10x40xi32, #tpu.memory_space<vmem>> -> memref<1x40xi32, #tpu.memory_space<vmem>>
    %dma_wait3A_268 = tpu.memref_squeeze %dma_wait3A_267 : memref<1x40xi32, #tpu.memory_space<vmem>> -> memref<40xi32, #tpu.memory_space<vmem>>
    %dma_wait3A_269 = arith.constant 0 : i32
    %dma_wait3A_270 = tpu.memref_slice %arg3[%dma_wait3A_269] : memref<640000xi32, #tpu.memory_space<hbm>> -> memref<40xi32, #tpu.memory_space<hbm>>
    tpu.wait_dma2 semaphore(%dma_wait3A_265 : memref<!tpu.dma_semaphore, #tpu.memory_space<semaphore_mem>>) src(%dma_wait3A_270 : memref<40xi32, #tpu.memory_space<hbm>>) dst(%dma_wait3A_268 : memref<40xi32, #tpu.memory_space<vmem>>)
    %dma_start3A_271 = arith.constant 0 : i32
    %dma_start3A_272 = arith.constant 0 : i32
    %dma_start3A_273 = arith.constant 0 : i32
    %dma_start3A_274 = arith.constant 0 : i32
    %dma_start3A_275 = arith.constant 0 : i32
    %dma_start3A_276 = tpu.memref_slice %arg7[%dma_start3A_272, %dma_start3A_274, %dma_start3A_275] : memref<5x40x128xf32, #tpu.memory_space<vmem>> -> memref<1x40x128xf32, #tpu.memory_space<vmem>>
    %dma_start3A_277 = tpu.memref_squeeze %dma_start3A_276 : memref<1x40x128xf32, #tpu.memory_space<vmem>> -> memref<40x128xf32, #tpu.memory_space<vmem>>
    %dma_start3A_278 = arith.constant 0 : i32
    %dma_start3A_279 = tpu.memref_slice %arg5[%dma_start3A_271, %dma_start3A_278] : memref<10x40xi32, #tpu.memory_space<vmem>> -> memref<1x40xi32, #tpu.memory_space<vmem>>
    %dma_start3A_280 = tpu.memref_squeeze %dma_start3A_279 : memref<1x40xi32, #tpu.memory_space<vmem>> -> memref<40xi32, #tpu.memory_space<vmem>>
    %dma_start3A_281 = arith.constant 0 : i32
    %dma_start3A_282 = arith.constant 0 : i32
    %dma_start3A_283 = tpu.memref_slice %arg2[%dma_start3A_281, %dma_start3A_282] : memref<10240x128xf32, #tpu.memory_space<hbm>> -> memref<10240x128xf32, #tpu.memory_space<hbm>>
    %dma_start3A_284 = tpu.memref_slice %arg10[%dma_start3A_273] : memref<5x!tpu.dma_semaphore, #tpu.memory_space<semaphore_mem>> -> memref<1x!tpu.dma_semaphore, #tpu.memory_space<semaphore_mem>>
    %dma_start3A_285 = tpu.memref_squeeze %dma_start3A_284 : memref<1x!tpu.dma_semaphore, #tpu.memory_space<semaphore_mem>> -> memref<!tpu.dma_semaphore, #tpu.memory_space<semaphore_mem>>
    tpu.enqueue_indirect_dma source(%dma_start3A_283 : memref<10240x128xf32, #tpu.memory_space<hbm>>) target(%dma_start3A_277 : memref<40x128xf32, #tpu.memory_space<vmem>>) offsets(%dma_start3A_280 : memref<40xi32, #tpu.memory_space<vmem>>) semaphore(%dma_start3A_285 : memref<!tpu.dma_semaphore, #tpu.memory_space<semaphore_mem>>)
    %dma_wait3A_286 = arith.constant 1 : i32
    %dma_wait3A_287 = arith.constant 1 : i32
    %dma_wait3A_288 = arith.constant 0 : i32
    %dma_wait3A_289 = tpu.memref_slice %arg5[%dma_wait3A_286, %dma_wait3A_288] : memref<10x40xi32, #tpu.memory_space<vmem>> -> memref<1x40xi32, #tpu.memory_space<vmem>>
    %dma_wait3A_290 = tpu.memref_squeeze %dma_wait3A_289 : memref<1x40xi32, #tpu.memory_space<vmem>> -> memref<40xi32, #tpu.memory_space<vmem>>
    %dma_wait3A_291 = arith.constant 0 : i32
    %dma_wait3A_292 = tpu.memref_slice %arg3[%dma_wait3A_291] : memref<640000xi32, #tpu.memory_space<hbm>> -> memref<40xi32, #tpu.memory_space<hbm>>
    %dma_wait3A_293 = tpu.memref_slice %arg12[%dma_wait3A_287] : memref<10x!tpu.dma_semaphore, #tpu.memory_space<semaphore_mem>> -> memref<1x!tpu.dma_semaphore, #tpu.memory_space<semaphore_mem>>
    %dma_wait3A_294 = tpu.memref_squeeze %dma_wait3A_293 : memref<1x!tpu.dma_semaphore, #tpu.memory_space<semaphore_mem>> -> memref<!tpu.dma_semaphore, #tpu.memory_space<semaphore_mem>>
    %dma_wait3A_295 = arith.constant 0 : i32
    %dma_wait3A_296 = tpu.memref_slice %arg5[%dma_wait3A_286, %dma_wait3A_295] : memref<10x40xi32, #tpu.memory_space<vmem>> -> memref<1x40xi32, #tpu.memory_space<vmem>>
    %dma_wait3A_297 = tpu.memref_squeeze %dma_wait3A_296 : memref<1x40xi32, #tpu.memory_space<vmem>> -> memref<40xi32, #tpu.memory_space<vmem>>
    %dma_wait3A_298 = arith.constant 0 : i32
    %dma_wait3A_299 = tpu.memref_slice %arg3[%dma_wait3A_298] : memref<640000xi32, #tpu.memory_space<hbm>> -> memref<40xi32, #tpu.memory_space<hbm>>
    tpu.wait_dma2 semaphore(%dma_wait3A_294 : memref<!tpu.dma_semaphore, #tpu.memory_space<semaphore_mem>>) src(%dma_wait3A_299 : memref<40xi32, #tpu.memory_space<hbm>>) dst(%dma_wait3A_297 : memref<40xi32, #tpu.memory_space<vmem>>)
    %dma_wait3A_300 = arith.constant 1 : i32
    %dma_wait3A_301 = arith.constant 1 : i32
    %dma_wait3A_302 = arith.constant 0 : i32
    %dma_wait3A_303 = tpu.memref_slice %arg6[%dma_wait3A_300, %dma_wait3A_302] : memref<10x40xi32, #tpu.memory_space<vmem>> -> memref<1x40xi32, #tpu.memory_space<vmem>>
    %dma_wait3A_304 = tpu.memref_squeeze %dma_wait3A_303 : memref<1x40xi32, #tpu.memory_space<vmem>> -> memref<40xi32, #tpu.memory_space<vmem>>
    %dma_wait3A_305 = arith.constant 0 : i32
    %dma_wait3A_306 = tpu.memref_slice %arg3[%dma_wait3A_305] : memref<640000xi32, #tpu.memory_space<hbm>> -> memref<40xi32, #tpu.memory_space<hbm>>
    %dma_wait3A_307 = tpu.memref_slice %arg13[%dma_wait3A_301] : memref<10x!tpu.dma_semaphore, #tpu.memory_space<semaphore_mem>> -> memref<1x!tpu.dma_semaphore, #tpu.memory_space<semaphore_mem>>
    %dma_wait3A_308 = tpu.memref_squeeze %dma_wait3A_307 : memref<1x!tpu.dma_semaphore, #tpu.memory_space<semaphore_mem>> -> memref<!tpu.dma_semaphore, #tpu.memory_space<semaphore_mem>>
    %dma_wait3A_309 = arith.constant 0 : i32
    %dma_wait3A_310 = tpu.memref_slice %arg6[%dma_wait3A_300, %dma_wait3A_309] : memref<10x40xi32, #tpu.memory_space<vmem>> -> memref<1x40xi32, #tpu.memory_space<vmem>>
    %dma_wait3A_311 = tpu.memref_squeeze %dma_wait3A_310 : memref<1x40xi32, #tpu.memory_space<vmem>> -> memref<40xi32, #tpu.memory_space<vmem>>
    %dma_wait3A_312 = arith.constant 0 : i32
    %dma_wait3A_313 = tpu.memref_slice %arg3[%dma_wait3A_312] : memref<640000xi32, #tpu.memory_space<hbm>> -> memref<40xi32, #tpu.memory_space<hbm>>
    tpu.wait_dma2 semaphore(%dma_wait3A_308 : memref<!tpu.dma_semaphore, #tpu.memory_space<semaphore_mem>>) src(%dma_wait3A_313 : memref<40xi32, #tpu.memory_space<hbm>>) dst(%dma_wait3A_311 : memref<40xi32, #tpu.memory_space<vmem>>)
    %dma_start3A_314 = arith.constant 1 : i32
    %dma_start3A_315 = arith.constant 1 : i32
    %dma_start3A_316 = arith.constant 1 : i32
    %dma_start3A_317 = arith.constant 0 : i32
    %dma_start3A_318 = arith.constant 0 : i32
    %dma_start3A_319 = tpu.memref_slice %arg7[%dma_start3A_315, %dma_start3A_317, %dma_start3A_318] : memref<5x40x128xf32, #tpu.memory_space<vmem>> -> memref<1x40x128xf32, #tpu.memory_space<vmem>>
    %dma_start3A_320 = tpu.memref_squeeze %dma_start3A_319 : memref<1x40x128xf32, #tpu.memory_space<vmem>> -> memref<40x128xf32, #tpu.memory_space<vmem>>
    %dma_start3A_321 = arith.constant 0 : i32
    %dma_start3A_322 = tpu.memref_slice %arg5[%dma_start3A_314, %dma_start3A_321] : memref<10x40xi32, #tpu.memory_space<vmem>> -> memref<1x40xi32, #tpu.memory_space<vmem>>
    %dma_start3A_323 = tpu.memref_squeeze %dma_start3A_322 : memref<1x40xi32, #tpu.memory_space<vmem>> -> memref<40xi32, #tpu.memory_space<vmem>>
    %dma_start3A_324 = arith.constant 0 : i32
    %dma_start3A_325 = arith.constant 0 : i32
    %dma_start3A_326 = tpu.memref_slice %arg2[%dma_start3A_324, %dma_start3A_325] : memref<10240x128xf32, #tpu.memory_space<hbm>> -> memref<10240x128xf32, #tpu.memory_space<hbm>>
    %dma_start3A_327 = tpu.memref_slice %arg10[%dma_start3A_316] : memref<5x!tpu.dma_semaphore, #tpu.memory_space<semaphore_mem>> -> memref<1x!tpu.dma_semaphore, #tpu.memory_space<semaphore_mem>>
    %dma_start3A_328 = tpu.memref_squeeze %dma_start3A_327 : memref<1x!tpu.dma_semaphore, #tpu.memory_space<semaphore_mem>> -> memref<!tpu.dma_semaphore, #tpu.memory_space<semaphore_mem>>
    tpu.enqueue_indirect_dma source(%dma_start3A_326 : memref<10240x128xf32, #tpu.memory_space<hbm>>) target(%dma_start3A_320 : memref<40x128xf32, #tpu.memory_space<vmem>>) offsets(%dma_start3A_323 : memref<40xi32, #tpu.memory_space<vmem>>) semaphore(%dma_start3A_328 : memref<!tpu.dma_semaphore, #tpu.memory_space<semaphore_mem>>)
    %scan3A_329 = arith.constant 0 : i32
    %scan3A_330 = arith.constant 0 : i32
    %scan3A_331 = arith.constant 25 : i32
    %scan3A_332 = arith.addi %scan3A_330, %scan3A_331 : i32
    %scan3A_333 = arith.constant 1 : i32
    scf.for %scan3A_385 = %scan3A_330 to %scan3A_332 step %scan3A_333  : i32 {
      %mul3A_386 = arith.constant 10 : i32
      %mul3A_387 = arith.muli %scan3A_385, %mul3A_386 : i32
      %add3A_388 = arith.constant 0 : i32
      %add3A_389 = arith.addi %mul3A_387, %add3A_388 : i32
      %ge3A = arith.constant 3 : i32
      %ge3A_390 = arith.cmpi sge, %add3A_389, %ge3A : i32
      %convert_element_type3A = arith.extui %ge3A_390 : i1 to i32
      %cond3A = arith.constant 0 : i32
      %cond3A_391 = arith.cmpi ne, %convert_element_type3A, %cond3A : i32
      scf.if %cond3A_391 {
        %dma_wait3A_912 = arith.constant 2 : i32
        %dma_wait3A_913 = arith.constant 0 : i32
        %dma_wait3A_914 = arith.constant 2 : i32
        %dma_wait3A_915 = arith.constant 0 : i32
        %dma_wait3A_916 = arith.constant 0 : i32
        %dma_wait3A_917 = tpu.memref_slice %arg7[%dma_wait3A_912, %dma_wait3A_915, %dma_wait3A_916] : memref<5x40x128xf32, #tpu.memory_space<vmem>> -> memref<1x40x128xf32, #tpu.memory_space<vmem>>
        %dma_wait3A_918 = tpu.memref_squeeze %dma_wait3A_917 : memref<1x40x128xf32, #tpu.memory_space<vmem>> -> memref<40x128xf32, #tpu.memory_space<vmem>>
        %dma_wait3A_919 = arith.constant 0 : i32
        %dma_wait3A_920 = tpu.memref_slice %arg6[%dma_wait3A_913, %dma_wait3A_919] : memref<10x40xi32, #tpu.memory_space<vmem>> -> memref<1x40xi32, #tpu.memory_space<vmem>>
        %dma_wait3A_921 = tpu.memref_squeeze %dma_wait3A_920 : memref<1x40xi32, #tpu.memory_space<vmem>> -> memref<40xi32, #tpu.memory_space<vmem>>
        %dma_wait3A_922 = arith.constant 0 : i32
        %dma_wait3A_923 = arith.constant 0 : i32
        %dma_wait3A_924 = tpu.memref_slice %arg9[%dma_wait3A_922, %dma_wait3A_923] : memref<10240x128xf32, #tpu.memory_space<vmem_shared>> -> memref<10240x128xf32, #tpu.memory_space<vmem_shared>>
        %dma_wait3A_925 = tpu.memref_slice %arg11[%dma_wait3A_914] : memref<5x!tpu.dma_semaphore, #tpu.memory_space<semaphore_mem>> -> memref<1x!tpu.dma_semaphore, #tpu.memory_space<semaphore_mem>>
        %dma_wait3A_926 = tpu.memref_squeeze %dma_wait3A_925 : memref<1x!tpu.dma_semaphore, #tpu.memory_space<semaphore_mem>> -> memref<!tpu.dma_semaphore, #tpu.memory_space<semaphore_mem>>
        tpu.wait_indirect_dma semaphore(%dma_wait3A_926 : memref<!tpu.dma_semaphore, #tpu.memory_space<semaphore_mem>>) src(%dma_wait3A_918 : memref<40x128xf32, #tpu.memory_space<vmem>>) dst(%dma_wait3A_924 : memref<10240x128xf32, #tpu.memory_space<vmem_shared>>)
      } else {
      }
      %add3A_392 = arith.constant 7 : i32
      %add3A_393 = arith.addi %add3A_389, %add3A_392 : i32
      %lt3A = arith.constant 250 : i32
      %lt3A_394 = arith.cmpi slt, %add3A_393, %lt3A : i32
      %convert_element_type3A_395 = arith.extui %lt3A_394 : i1 to i32
      %cond3A_396 = arith.constant 0 : i32
      %cond3A_397 = arith.cmpi ne, %convert_element_type3A_395, %cond3A_396 : i32
      scf.if %cond3A_397 {
        %add3A_912 = arith.constant 7 : i32
        %add3A_913 = arith.addi %add3A_389, %add3A_912 : i32
        %mul3A_914 = arith.constant 40 : i32
        %mul3A_915 = arith.muli %add3A_913, %mul3A_914 : i32
        %add3A_916 = arith.addi %mul3A_2, %mul3A_915 : i32
        %dma_start3A_917 = arith.constant 7 : i32
        %dma_start3A_918 = arith.constant 7 : i32
        %dma_start3A_919 = arith.constant 0 : i32
        %dma_start3A_920 = tpu.memref_slice %arg5[%dma_start3A_917, %dma_start3A_919] : memref<10x40xi32, #tpu.memory_space<vmem>> -> memref<1x40xi32, #tpu.memory_space<vmem>>
        %dma_start3A_921 = tpu.memref_squeeze %dma_start3A_920 : memref<1x40xi32, #tpu.memory_space<vmem>> -> memref<40xi32, #tpu.memory_space<vmem>>
        %dma_start3A_922 = tpu.memref_slice %arg3[%add3A_916] : memref<640000xi32, #tpu.memory_space<hbm>> -> memref<40xi32, #tpu.memory_space<hbm>>
        %dma_start3A_923 = tpu.memref_slice %arg12[%dma_start3A_918] : memref<10x!tpu.dma_semaphore, #tpu.memory_space<semaphore_mem>> -> memref<1x!tpu.dma_semaphore, #tpu.memory_space<semaphore_mem>>
        %dma_start3A_924 = tpu.memref_squeeze %dma_start3A_923 : memref<1x!tpu.dma_semaphore, #tpu.memory_space<semaphore_mem>> -> memref<!tpu.dma_semaphore, #tpu.memory_space<semaphore_mem>>
        %dma_start3A_925 = arith.constant 0 : i32
        %dma_start3A_926 = tpu.memref_slice %arg5[%dma_start3A_917, %dma_start3A_925] : memref<10x40xi32, #tpu.memory_space<vmem>> -> memref<1x40xi32, #tpu.memory_space<vmem>>
        %dma_start3A_927 = tpu.memref_squeeze %dma_start3A_926 : memref<1x40xi32, #tpu.memory_space<vmem>> -> memref<40xi32, #tpu.memory_space<vmem>>
        %dma_start3A_928 = tpu.memref_slice %arg3[%add3A_916] : memref<640000xi32, #tpu.memory_space<hbm>> -> memref<40xi32, #tpu.memory_space<hbm>>
        tpu.enqueue_dma source(%dma_start3A_928 : memref<40xi32, #tpu.memory_space<hbm>>) target(%dma_start3A_927 : memref<40xi32, #tpu.memory_space<vmem>>) target_semaphore(%dma_start3A_924 : memref<!tpu.dma_semaphore, #tpu.memory_space<semaphore_mem>>)
        %add3A_929 = arith.constant 320000 : i32
        %add3A_930 = arith.addi %add3A_929, %add3A_916 : i32
        %dma_start3A_931 = arith.constant 7 : i32
        %dma_start3A_932 = arith.constant 7 : i32
        %dma_start3A_933 = arith.constant 0 : i32
        %dma_start3A_934 = tpu.memref_slice %arg6[%dma_start3A_931, %dma_start3A_933] : memref<10x40xi32, #tpu.memory_space<vmem>> -> memref<1x40xi32, #tpu.memory_space<vmem>>
        %dma_start3A_935 = tpu.memref_squeeze %dma_start3A_934 : memref<1x40xi32, #tpu.memory_space<vmem>> -> memref<40xi32, #tpu.memory_space<vmem>>
        %dma_start3A_936 = tpu.memref_slice %arg3[%add3A_930] : memref<640000xi32, #tpu.memory_space<hbm>> -> memref<40xi32, #tpu.memory_space<hbm>>
        %dma_start3A_937 = tpu.memref_slice %arg13[%dma_start3A_932] : memref<10x!tpu.dma_semaphore, #tpu.memory_space<semaphore_mem>> -> memref<1x!tpu.dma_semaphore, #tpu.memory_space<semaphore_mem>>
        %dma_start3A_938 = tpu.memref_squeeze %dma_start3A_937 : memref<1x!tpu.dma_semaphore, #tpu.memory_space<semaphore_mem>> -> memref<!tpu.dma_semaphore, #tpu.memory_space<semaphore_mem>>
        %dma_start3A_939 = arith.constant 0 : i32
        %dma_start3A_940 = tpu.memref_slice %arg6[%dma_start3A_931, %dma_start3A_939] : memref<10x40xi32, #tpu.memory_space<vmem>> -> memref<1x40xi32, #tpu.memory_space<vmem>>
        %dma_start3A_941 = tpu.memref_squeeze %dma_start3A_940 : memref<1x40xi32, #tpu.memory_space<vmem>> -> memref<40xi32, #tpu.memory_space<vmem>>
        %dma_start3A_942 = tpu.memref_slice %arg3[%add3A_930] : memref<640000xi32, #tpu.memory_space<hbm>> -> memref<40xi32, #tpu.memory_space<hbm>>
        tpu.enqueue_dma source(%dma_start3A_942 : memref<40xi32, #tpu.memory_space<hbm>>) target(%dma_start3A_941 : memref<40xi32, #tpu.memory_space<vmem>>) target_semaphore(%dma_start3A_938 : memref<!tpu.dma_semaphore, #tpu.memory_space<semaphore_mem>>)
      } else {
      }
      %add3A_398 = arith.constant 2 : i32
      %add3A_399 = arith.addi %add3A_389, %add3A_398 : i32
      %lt3A_400 = arith.constant 250 : i32
      %lt3A_401 = arith.cmpi slt, %add3A_399, %lt3A_400 : i32
      %convert_element_type3A_402 = arith.extui %lt3A_401 : i1 to i32
      %cond3A_403 = arith.constant 0 : i32
      %cond3A_404 = arith.cmpi ne, %convert_element_type3A_402, %cond3A_403 : i32
      scf.if %cond3A_404 {
        %dma_wait3A_912 = arith.constant 2 : i32
        %dma_wait3A_913 = arith.constant 2 : i32
        %dma_wait3A_914 = arith.constant 0 : i32
        %dma_wait3A_915 = tpu.memref_slice %arg5[%dma_wait3A_912, %dma_wait3A_914] : memref<10x40xi32, #tpu.memory_space<vmem>> -> memref<1x40xi32, #tpu.memory_space<vmem>>
        %dma_wait3A_916 = tpu.memref_squeeze %dma_wait3A_915 : memref<1x40xi32, #tpu.memory_space<vmem>> -> memref<40xi32, #tpu.memory_space<vmem>>
        %dma_wait3A_917 = arith.constant 0 : i32
        %dma_wait3A_918 = tpu.memref_slice %arg3[%dma_wait3A_917] : memref<640000xi32, #tpu.memory_space<hbm>> -> memref<40xi32, #tpu.memory_space<hbm>>
        %dma_wait3A_919 = tpu.memref_slice %arg12[%dma_wait3A_913] : memref<10x!tpu.dma_semaphore, #tpu.memory_space<semaphore_mem>> -> memref<1x!tpu.dma_semaphore, #tpu.memory_space<semaphore_mem>>
        %dma_wait3A_920 = tpu.memref_squeeze %dma_wait3A_919 : memref<1x!tpu.dma_semaphore, #tpu.memory_space<semaphore_mem>> -> memref<!tpu.dma_semaphore, #tpu.memory_space<semaphore_mem>>
        %dma_wait3A_921 = arith.constant 0 : i32
        %dma_wait3A_922 = tpu.memref_slice %arg5[%dma_wait3A_912, %dma_wait3A_921] : memref<10x40xi32, #tpu.memory_space<vmem>> -> memref<1x40xi32, #tpu.memory_space<vmem>>
        %dma_wait3A_923 = tpu.memref_squeeze %dma_wait3A_922 : memref<1x40xi32, #tpu.memory_space<vmem>> -> memref<40xi32, #tpu.memory_space<vmem>>
        %dma_wait3A_924 = arith.constant 0 : i32
        %dma_wait3A_925 = tpu.memref_slice %arg3[%dma_wait3A_924] : memref<640000xi32, #tpu.memory_space<hbm>> -> memref<40xi32, #tpu.memory_space<hbm>>
        tpu.wait_dma2 semaphore(%dma_wait3A_920 : memref<!tpu.dma_semaphore, #tpu.memory_space<semaphore_mem>>) src(%dma_wait3A_925 : memref<40xi32, #tpu.memory_space<hbm>>) dst(%dma_wait3A_923 : memref<40xi32, #tpu.memory_space<vmem>>)
        %dma_wait3A_926 = arith.constant 2 : i32
        %dma_wait3A_927 = arith.constant 2 : i32
        %dma_wait3A_928 = arith.constant 0 : i32
        %dma_wait3A_929 = tpu.memref_slice %arg6[%dma_wait3A_926, %dma_wait3A_928] : memref<10x40xi32, #tpu.memory_space<vmem>> -> memref<1x40xi32, #tpu.memory_space<vmem>>
        %dma_wait3A_930 = tpu.memref_squeeze %dma_wait3A_929 : memref<1x40xi32, #tpu.memory_space<vmem>> -> memref<40xi32, #tpu.memory_space<vmem>>
        %dma_wait3A_931 = arith.constant 0 : i32
        %dma_wait3A_932 = tpu.memref_slice %arg3[%dma_wait3A_931] : memref<640000xi32, #tpu.memory_space<hbm>> -> memref<40xi32, #tpu.memory_space<hbm>>
        %dma_wait3A_933 = tpu.memref_slice %arg13[%dma_wait3A_927] : memref<10x!tpu.dma_semaphore, #tpu.memory_space<semaphore_mem>> -> memref<1x!tpu.dma_semaphore, #tpu.memory_space<semaphore_mem>>
        %dma_wait3A_934 = tpu.memref_squeeze %dma_wait3A_933 : memref<1x!tpu.dma_semaphore, #tpu.memory_space<semaphore_mem>> -> memref<!tpu.dma_semaphore, #tpu.memory_space<semaphore_mem>>
        %dma_wait3A_935 = arith.constant 0 : i32
        %dma_wait3A_936 = tpu.memref_slice %arg6[%dma_wait3A_926, %dma_wait3A_935] : memref<10x40xi32, #tpu.memory_space<vmem>> -> memref<1x40xi32, #tpu.memory_space<vmem>>
        %dma_wait3A_937 = tpu.memref_squeeze %dma_wait3A_936 : memref<1x40xi32, #tpu.memory_space<vmem>> -> memref<40xi32, #tpu.memory_space<vmem>>
        %dma_wait3A_938 = arith.constant 0 : i32
        %dma_wait3A_939 = tpu.memref_slice %arg3[%dma_wait3A_938] : memref<640000xi32, #tpu.memory_space<hbm>> -> memref<40xi32, #tpu.memory_space<hbm>>
        tpu.wait_dma2 semaphore(%dma_wait3A_934 : memref<!tpu.dma_semaphore, #tpu.memory_space<semaphore_mem>>) src(%dma_wait3A_939 : memref<40xi32, #tpu.memory_space<hbm>>) dst(%dma_wait3A_937 : memref<40xi32, #tpu.memory_space<vmem>>)
        %dma_start3A_940 = arith.constant 2 : i32
        %dma_start3A_941 = arith.constant 2 : i32
        %dma_start3A_942 = arith.constant 2 : i32
        %dma_start3A_943 = arith.constant 0 : i32
        %dma_start3A_944 = arith.constant 0 : i32
        %dma_start3A_945 = tpu.memref_slice %arg7[%dma_start3A_941, %dma_start3A_943, %dma_start3A_944] : memref<5x40x128xf32, #tpu.memory_space<vmem>> -> memref<1x40x128xf32, #tpu.memory_space<vmem>>
        %dma_start3A_946 = tpu.memref_squeeze %dma_start3A_945 : memref<1x40x128xf32, #tpu.memory_space<vmem>> -> memref<40x128xf32, #tpu.memory_space<vmem>>
        %dma_start3A_947 = arith.constant 0 : i32
        %dma_start3A_948 = tpu.memref_slice %arg5[%dma_start3A_940, %dma_start3A_947] : memref<10x40xi32, #tpu.memory_space<vmem>> -> memref<1x40xi32, #tpu.memory_space<vmem>>
        %dma_start3A_949 = tpu.memref_squeeze %dma_start3A_948 : memref<1x40xi32, #tpu.memory_space<vmem>> -> memref<40xi32, #tpu.memory_space<vmem>>
        %dma_start3A_950 = arith.constant 0 : i32
        %dma_start3A_951 = arith.constant 0 : i32
        %dma_start3A_952 = tpu.memref_slice %arg2[%dma_start3A_950, %dma_start3A_951] : memref<10240x128xf32, #tpu.memory_space<hbm>> -> memref<10240x128xf32, #tpu.memory_space<hbm>>
        %dma_start3A_953 = tpu.memref_slice %arg10[%dma_start3A_942] : memref<5x!tpu.dma_semaphore, #tpu.memory_space<semaphore_mem>> -> memref<1x!tpu.dma_semaphore, #tpu.memory_space<semaphore_mem>>
        %dma_start3A_954 = tpu.memref_squeeze %dma_start3A_953 : memref<1x!tpu.dma_semaphore, #tpu.memory_space<semaphore_mem>> -> memref<!tpu.dma_semaphore, #tpu.memory_space<semaphore_mem>>
        tpu.enqueue_indirect_dma source(%dma_start3A_952 : memref<10240x128xf32, #tpu.memory_space<hbm>>) target(%dma_start3A_946 : memref<40x128xf32, #tpu.memory_space<vmem>>) offsets(%dma_start3A_949 : memref<40xi32, #tpu.memory_space<vmem>>) semaphore(%dma_start3A_954 : memref<!tpu.dma_semaphore, #tpu.memory_space<semaphore_mem>>)
      } else {
      }
      %dma_wait3A_405 = arith.constant 0 : i32
      %dma_wait3A_406 = arith.constant 0 : i32
      %dma_wait3A_407 = arith.constant 0 : i32
      %dma_wait3A_408 = arith.constant 0 : i32
      %dma_wait3A_409 = arith.constant 0 : i32
      %dma_wait3A_410 = tpu.memref_slice %arg7[%dma_wait3A_406, %dma_wait3A_408, %dma_wait3A_409] : memref<5x40x128xf32, #tpu.memory_space<vmem>> -> memref<1x40x128xf32, #tpu.memory_space<vmem>>
      %dma_wait3A_411 = tpu.memref_squeeze %dma_wait3A_410 : memref<1x40x128xf32, #tpu.memory_space<vmem>> -> memref<40x128xf32, #tpu.memory_space<vmem>>
      %dma_wait3A_412 = arith.constant 0 : i32
      %dma_wait3A_413 = tpu.memref_slice %arg5[%dma_wait3A_405, %dma_wait3A_412] : memref<10x40xi32, #tpu.memory_space<vmem>> -> memref<1x40xi32, #tpu.memory_space<vmem>>
      %dma_wait3A_414 = tpu.memref_squeeze %dma_wait3A_413 : memref<1x40xi32, #tpu.memory_space<vmem>> -> memref<40xi32, #tpu.memory_space<vmem>>
      %dma_wait3A_415 = arith.constant 0 : i32
      %dma_wait3A_416 = arith.constant 0 : i32
      %dma_wait3A_417 = tpu.memref_slice %arg2[%dma_wait3A_415, %dma_wait3A_416] : memref<10240x128xf32, #tpu.memory_space<hbm>> -> memref<10240x128xf32, #tpu.memory_space<hbm>>
      %dma_wait3A_418 = tpu.memref_slice %arg10[%dma_wait3A_407] : memref<5x!tpu.dma_semaphore, #tpu.memory_space<semaphore_mem>> -> memref<1x!tpu.dma_semaphore, #tpu.memory_space<semaphore_mem>>
      %dma_wait3A_419 = tpu.memref_squeeze %dma_wait3A_418 : memref<1x!tpu.dma_semaphore, #tpu.memory_space<semaphore_mem>> -> memref<!tpu.dma_semaphore, #tpu.memory_space<semaphore_mem>>
      tpu.wait_indirect_dma semaphore(%dma_wait3A_419 : memref<!tpu.dma_semaphore, #tpu.memory_space<semaphore_mem>>) src(%dma_wait3A_417 : memref<10240x128xf32, #tpu.memory_space<hbm>>) dst(%dma_wait3A_411 : memref<40x128xf32, #tpu.memory_space<vmem>>)
      %dma_start3A_420 = arith.constant 0 : i32
      %dma_start3A_421 = arith.constant 0 : i32
      %dma_start3A_422 = arith.constant 0 : i32
      %dma_start3A_423 = arith.constant 0 : i32
      %dma_start3A_424 = arith.constant 0 : i32
      %dma_start3A_425 = tpu.memref_slice %arg7[%dma_start3A_420, %dma_start3A_423, %dma_start3A_424] : memref<5x40x128xf32, #tpu.memory_space<vmem>> -> memref<1x40x128xf32, #tpu.memory_space<vmem>>
      %dma_start3A_426 = tpu.memref_squeeze %dma_start3A_425 : memref<1x40x128xf32, #tpu.memory_space<vmem>> -> memref<40x128xf32, #tpu.memory_space<vmem>>
      %dma_start3A_427 = arith.constant 0 : i32
      %dma_start3A_428 = tpu.memref_slice %arg6[%dma_start3A_421, %dma_start3A_427] : memref<10x40xi32, #tpu.memory_space<vmem>> -> memref<1x40xi32, #tpu.memory_space<vmem>>
      %dma_start3A_429 = tpu.memref_squeeze %dma_start3A_428 : memref<1x40xi32, #tpu.memory_space<vmem>> -> memref<40xi32, #tpu.memory_space<vmem>>
      %dma_start3A_430 = arith.constant 0 : i32
      %dma_start3A_431 = arith.constant 0 : i32
      %dma_start3A_432 = tpu.memref_slice %arg9[%dma_start3A_430, %dma_start3A_431] : memref<10240x128xf32, #tpu.memory_space<vmem_shared>> -> memref<10240x128xf32, #tpu.memory_space<vmem_shared>>
      %dma_start3A_433 = tpu.memref_slice %arg11[%dma_start3A_422] : memref<5x!tpu.dma_semaphore, #tpu.memory_space<semaphore_mem>> -> memref<1x!tpu.dma_semaphore, #tpu.memory_space<semaphore_mem>>
      %dma_start3A_434 = tpu.memref_squeeze %dma_start3A_433 : memref<1x!tpu.dma_semaphore, #tpu.memory_space<semaphore_mem>> -> memref<!tpu.dma_semaphore, #tpu.memory_space<semaphore_mem>>
      tpu.enqueue_indirect_dma source(%dma_start3A_426 : memref<40x128xf32, #tpu.memory_space<vmem>>) target(%dma_start3A_432 : memref<10240x128xf32, #tpu.memory_space<vmem_shared>>) offsets(%dma_start3A_429 : memref<40xi32, #tpu.memory_space<vmem>>) semaphore(%dma_start3A_434 : memref<!tpu.dma_semaphore, #tpu.memory_space<semaphore_mem>>) {add = true}
      %mul3A_435 = arith.constant 10 : i32
      %mul3A_436 = arith.muli %scan3A_385, %mul3A_435 : i32
      %add3A_437 = arith.constant 1 : i32
      %add3A_438 = arith.addi %mul3A_436, %add3A_437 : i32
      %ge3A_439 = arith.constant 3 : i32
      %ge3A_440 = arith.cmpi sge, %add3A_438, %ge3A_439 : i32
      %convert_element_type3A_441 = arith.extui %ge3A_440 : i1 to i32
      %cond3A_442 = arith.constant 0 : i32
      %cond3A_443 = arith.cmpi ne, %convert_element_type3A_441, %cond3A_442 : i32
      scf.if %cond3A_443 {
        %dma_wait3A_912 = arith.constant 3 : i32
        %dma_wait3A_913 = arith.constant 0 : i32
        %dma_wait3A_914 = arith.constant 3 : i32
        %dma_wait3A_915 = arith.constant 0 : i32
        %dma_wait3A_916 = arith.constant 0 : i32
        %dma_wait3A_917 = tpu.memref_slice %arg7[%dma_wait3A_912, %dma_wait3A_915, %dma_wait3A_916] : memref<5x40x128xf32, #tpu.memory_space<vmem>> -> memref<1x40x128xf32, #tpu.memory_space<vmem>>
        %dma_wait3A_918 = tpu.memref_squeeze %dma_wait3A_917 : memref<1x40x128xf32, #tpu.memory_space<vmem>> -> memref<40x128xf32, #tpu.memory_space<vmem>>
        %dma_wait3A_919 = arith.constant 0 : i32
        %dma_wait3A_920 = tpu.memref_slice %arg6[%dma_wait3A_913, %dma_wait3A_919] : memref<10x40xi32, #tpu.memory_space<vmem>> -> memref<1x40xi32, #tpu.memory_space<vmem>>
        %dma_wait3A_921 = tpu.memref_squeeze %dma_wait3A_920 : memref<1x40xi32, #tpu.memory_space<vmem>> -> memref<40xi32, #tpu.memory_space<vmem>>
        %dma_wait3A_922 = arith.constant 0 : i32
        %dma_wait3A_923 = arith.constant 0 : i32
        %dma_wait3A_924 = tpu.memref_slice %arg9[%dma_wait3A_922, %dma_wait3A_923] : memref<10240x128xf32, #tpu.memory_space<vmem_shared>> -> memref<10240x128xf32, #tpu.memory_space<vmem_shared>>
        %dma_wait3A_925 = tpu.memref_slice %arg11[%dma_wait3A_914] : memref<5x!tpu.dma_semaphore, #tpu.memory_space<semaphore_mem>> -> memref<1x!tpu.dma_semaphore, #tpu.memory_space<semaphore_mem>>
        %dma_wait3A_926 = tpu.memref_squeeze %dma_wait3A_925 : memref<1x!tpu.dma_semaphore, #tpu.memory_space<semaphore_mem>> -> memref<!tpu.dma_semaphore, #tpu.memory_space<semaphore_mem>>
        tpu.wait_indirect_dma semaphore(%dma_wait3A_926 : memref<!tpu.dma_semaphore, #tpu.memory_space<semaphore_mem>>) src(%dma_wait3A_918 : memref<40x128xf32, #tpu.memory_space<vmem>>) dst(%dma_wait3A_924 : memref<10240x128xf32, #tpu.memory_space<vmem_shared>>)
      } else {
      }
      %add3A_444 = arith.constant 7 : i32
      %add3A_445 = arith.addi %add3A_438, %add3A_444 : i32
      %lt3A_446 = arith.constant 250 : i32
      %lt3A_447 = arith.cmpi slt, %add3A_445, %lt3A_446 : i32
      %convert_element_type3A_448 = arith.extui %lt3A_447 : i1 to i32
      %cond3A_449 = arith.constant 0 : i32
      %cond3A_450 = arith.cmpi ne, %convert_element_type3A_448, %cond3A_449 : i32
      scf.if %cond3A_450 {
        %add3A_912 = arith.constant 7 : i32
        %add3A_913 = arith.addi %add3A_438, %add3A_912 : i32
        %mul3A_914 = arith.constant 40 : i32
        %mul3A_915 = arith.muli %add3A_913, %mul3A_914 : i32
        %add3A_916 = arith.addi %mul3A_2, %mul3A_915 : i32
        %dma_start3A_917 = arith.constant 8 : i32
        %dma_start3A_918 = arith.constant 8 : i32
        %dma_start3A_919 = arith.constant 0 : i32
        %dma_start3A_920 = tpu.memref_slice %arg5[%dma_start3A_917, %dma_start3A_919] : memref<10x40xi32, #tpu.memory_space<vmem>> -> memref<1x40xi32, #tpu.memory_space<vmem>>
        %dma_start3A_921 = tpu.memref_squeeze %dma_start3A_920 : memref<1x40xi32, #tpu.memory_space<vmem>> -> memref<40xi32, #tpu.memory_space<vmem>>
        %dma_start3A_922 = tpu.memref_slice %arg3[%add3A_916] : memref<640000xi32, #tpu.memory_space<hbm>> -> memref<40xi32, #tpu.memory_space<hbm>>
        %dma_start3A_923 = tpu.memref_slice %arg12[%dma_start3A_918] : memref<10x!tpu.dma_semaphore, #tpu.memory_space<semaphore_mem>> -> memref<1x!tpu.dma_semaphore, #tpu.memory_space<semaphore_mem>>
        %dma_start3A_924 = tpu.memref_squeeze %dma_start3A_923 : memref<1x!tpu.dma_semaphore, #tpu.memory_space<semaphore_mem>> -> memref<!tpu.dma_semaphore, #tpu.memory_space<semaphore_mem>>
        %dma_start3A_925 = arith.constant 0 : i32
        %dma_start3A_926 = tpu.memref_slice %arg5[%dma_start3A_917, %dma_start3A_925] : memref<10x40xi32, #tpu.memory_space<vmem>> -> memref<1x40xi32, #tpu.memory_space<vmem>>
        %dma_start3A_927 = tpu.memref_squeeze %dma_start3A_926 : memref<1x40xi32, #tpu.memory_space<vmem>> -> memref<40xi32, #tpu.memory_space<vmem>>
        %dma_start3A_928 = tpu.memref_slice %arg3[%add3A_916] : memref<640000xi32, #tpu.memory_space<hbm>> -> memref<40xi32, #tpu.memory_space<hbm>>
        tpu.enqueue_dma source(%dma_start3A_928 : memref<40xi32, #tpu.memory_space<hbm>>) target(%dma_start3A_927 : memref<40xi32, #tpu.memory_space<vmem>>) target_semaphore(%dma_start3A_924 : memref<!tpu.dma_semaphore, #tpu.memory_space<semaphore_mem>>)
        %add3A_929 = arith.constant 320000 : i32
        %add3A_930 = arith.addi %add3A_929, %add3A_916 : i32
        %dma_start3A_931 = arith.constant 8 : i32
        %dma_start3A_932 = arith.constant 8 : i32
        %dma_start3A_933 = arith.constant 0 : i32
        %dma_start3A_934 = tpu.memref_slice %arg6[%dma_start3A_931, %dma_start3A_933] : memref<10x40xi32, #tpu.memory_space<vmem>> -> memref<1x40xi32, #tpu.memory_space<vmem>>
        %dma_start3A_935 = tpu.memref_squeeze %dma_start3A_934 : memref<1x40xi32, #tpu.memory_space<vmem>> -> memref<40xi32, #tpu.memory_space<vmem>>
        %dma_start3A_936 = tpu.memref_slice %arg3[%add3A_930] : memref<640000xi32, #tpu.memory_space<hbm>> -> memref<40xi32, #tpu.memory_space<hbm>>
        %dma_start3A_937 = tpu.memref_slice %arg13[%dma_start3A_932] : memref<10x!tpu.dma_semaphore, #tpu.memory_space<semaphore_mem>> -> memref<1x!tpu.dma_semaphore, #tpu.memory_space<semaphore_mem>>
        %dma_start3A_938 = tpu.memref_squeeze %dma_start3A_937 : memref<1x!tpu.dma_semaphore, #tpu.memory_space<semaphore_mem>> -> memref<!tpu.dma_semaphore, #tpu.memory_space<semaphore_mem>>
        %dma_start3A_939 = arith.constant 0 : i32
        %dma_start3A_940 = tpu.memref_slice %arg6[%dma_start3A_931, %dma_start3A_939] : memref<10x40xi32, #tpu.memory_space<vmem>> -> memref<1x40xi32, #tpu.memory_space<vmem>>
        %dma_start3A_941 = tpu.memref_squeeze %dma_start3A_940 : memref<1x40xi32, #tpu.memory_space<vmem>> -> memref<40xi32, #tpu.memory_space<vmem>>
        %dma_start3A_942 = tpu.memref_slice %arg3[%add3A_930] : memref<640000xi32, #tpu.memory_space<hbm>> -> memref<40xi32, #tpu.memory_space<hbm>>
        tpu.enqueue_dma source(%dma_start3A_942 : memref<40xi32, #tpu.memory_space<hbm>>) target(%dma_start3A_941 : memref<40xi32, #tpu.memory_space<vmem>>) target_semaphore(%dma_start3A_938 : memref<!tpu.dma_semaphore, #tpu.memory_space<semaphore_mem>>)
      } else {
      }
      %add3A_451 = arith.constant 2 : i32
      %add3A_452 = arith.addi %add3A_438, %add3A_451 : i32
      %lt3A_453 = arith.constant 250 : i32
      %lt3A_454 = arith.cmpi slt, %add3A_452, %lt3A_453 : i32
      %convert_element_type3A_455 = arith.extui %lt3A_454 : i1 to i32
      %cond3A_456 = arith.constant 0 : i32
      %cond3A_457 = arith.cmpi ne, %convert_element_type3A_455, %cond3A_456 : i32
      scf.if %cond3A_457 {
        %dma_wait3A_912 = arith.constant 3 : i32
        %dma_wait3A_913 = arith.constant 3 : i32
        %dma_wait3A_914 = arith.constant 0 : i32
        %dma_wait3A_915 = tpu.memref_slice %arg5[%dma_wait3A_912, %dma_wait3A_914] : memref<10x40xi32, #tpu.memory_space<vmem>> -> memref<1x40xi32, #tpu.memory_space<vmem>>
        %dma_wait3A_916 = tpu.memref_squeeze %dma_wait3A_915 : memref<1x40xi32, #tpu.memory_space<vmem>> -> memref<40xi32, #tpu.memory_space<vmem>>
        %dma_wait3A_917 = arith.constant 0 : i32
        %dma_wait3A_918 = tpu.memref_slice %arg3[%dma_wait3A_917] : memref<640000xi32, #tpu.memory_space<hbm>> -> memref<40xi32, #tpu.memory_space<hbm>>
        %dma_wait3A_919 = tpu.memref_slice %arg12[%dma_wait3A_913] : memref<10x!tpu.dma_semaphore, #tpu.memory_space<semaphore_mem>> -> memref<1x!tpu.dma_semaphore, #tpu.memory_space<semaphore_mem>>
        %dma_wait3A_920 = tpu.memref_squeeze %dma_wait3A_919 : memref<1x!tpu.dma_semaphore, #tpu.memory_space<semaphore_mem>> -> memref<!tpu.dma_semaphore, #tpu.memory_space<semaphore_mem>>
        %dma_wait3A_921 = arith.constant 0 : i32
        %dma_wait3A_922 = tpu.memref_slice %arg5[%dma_wait3A_912, %dma_wait3A_921] : memref<10x40xi32, #tpu.memory_space<vmem>> -> memref<1x40xi32, #tpu.memory_space<vmem>>
        %dma_wait3A_923 = tpu.memref_squeeze %dma_wait3A_922 : memref<1x40xi32, #tpu.memory_space<vmem>> -> memref<40xi32, #tpu.memory_space<vmem>>
        %dma_wait3A_924 = arith.constant 0 : i32
        %dma_wait3A_925 = tpu.memref_slice %arg3[%dma_wait3A_924] : memref<640000xi32, #tpu.memory_space<hbm>> -> memref<40xi32, #tpu.memory_space<hbm>>
        tpu.wait_dma2 semaphore(%dma_wait3A_920 : memref<!tpu.dma_semaphore, #tpu.memory_space<semaphore_mem>>) src(%dma_wait3A_925 : memref<40xi32, #tpu.memory_space<hbm>>) dst(%dma_wait3A_923 : memref<40xi32, #tpu.memory_space<vmem>>)
        %dma_wait3A_926 = arith.constant 3 : i32
        %dma_wait3A_927 = arith.constant 3 : i32
        %dma_wait3A_928 = arith.constant 0 : i32
        %dma_wait3A_929 = tpu.memref_slice %arg6[%dma_wait3A_926, %dma_wait3A_928] : memref<10x40xi32, #tpu.memory_space<vmem>> -> memref<1x40xi32, #tpu.memory_space<vmem>>
        %dma_wait3A_930 = tpu.memref_squeeze %dma_wait3A_929 : memref<1x40xi32, #tpu.memory_space<vmem>> -> memref<40xi32, #tpu.memory_space<vmem>>
        %dma_wait3A_931 = arith.constant 0 : i32
        %dma_wait3A_932 = tpu.memref_slice %arg3[%dma_wait3A_931] : memref<640000xi32, #tpu.memory_space<hbm>> -> memref<40xi32, #tpu.memory_space<hbm>>
        %dma_wait3A_933 = tpu.memref_slice %arg13[%dma_wait3A_927] : memref<10x!tpu.dma_semaphore, #tpu.memory_space<semaphore_mem>> -> memref<1x!tpu.dma_semaphore, #tpu.memory_space<semaphore_mem>>
        %dma_wait3A_934 = tpu.memref_squeeze %dma_wait3A_933 : memref<1x!tpu.dma_semaphore, #tpu.memory_space<semaphore_mem>> -> memref<!tpu.dma_semaphore, #tpu.memory_space<semaphore_mem>>
        %dma_wait3A_935 = arith.constant 0 : i32
        %dma_wait3A_936 = tpu.memref_slice %arg6[%dma_wait3A_926, %dma_wait3A_935] : memref<10x40xi32, #tpu.memory_space<vmem>> -> memref<1x40xi32, #tpu.memory_space<vmem>>
        %dma_wait3A_937 = tpu.memref_squeeze %dma_wait3A_936 : memref<1x40xi32, #tpu.memory_space<vmem>> -> memref<40xi32, #tpu.memory_space<vmem>>
        %dma_wait3A_938 = arith.constant 0 : i32
        %dma_wait3A_939 = tpu.memref_slice %arg3[%dma_wait3A_938] : memref<640000xi32, #tpu.memory_space<hbm>> -> memref<40xi32, #tpu.memory_space<hbm>>
        tpu.wait_dma2 semaphore(%dma_wait3A_934 : memref<!tpu.dma_semaphore, #tpu.memory_space<semaphore_mem>>) src(%dma_wait3A_939 : memref<40xi32, #tpu.memory_space<hbm>>) dst(%dma_wait3A_937 : memref<40xi32, #tpu.memory_space<vmem>>)
        %dma_start3A_940 = arith.constant 3 : i32
        %dma_start3A_941 = arith.constant 3 : i32
        %dma_start3A_942 = arith.constant 3 : i32
        %dma_start3A_943 = arith.constant 0 : i32
        %dma_start3A_944 = arith.constant 0 : i32
        %dma_start3A_945 = tpu.memref_slice %arg7[%dma_start3A_941, %dma_start3A_943, %dma_start3A_944] : memref<5x40x128xf32, #tpu.memory_space<vmem>> -> memref<1x40x128xf32, #tpu.memory_space<vmem>>
        %dma_start3A_946 = tpu.memref_squeeze %dma_start3A_945 : memref<1x40x128xf32, #tpu.memory_space<vmem>> -> memref<40x128xf32, #tpu.memory_space<vmem>>
        %dma_start3A_947 = arith.constant 0 : i32
        %dma_start3A_948 = tpu.memref_slice %arg5[%dma_start3A_940, %dma_start3A_947] : memref<10x40xi32, #tpu.memory_space<vmem>> -> memref<1x40xi32, #tpu.memory_space<vmem>>
        %dma_start3A_949 = tpu.memref_squeeze %dma_start3A_948 : memref<1x40xi32, #tpu.memory_space<vmem>> -> memref<40xi32, #tpu.memory_space<vmem>>
        %dma_start3A_950 = arith.constant 0 : i32
        %dma_start3A_951 = arith.constant 0 : i32
        %dma_start3A_952 = tpu.memref_slice %arg2[%dma_start3A_950, %dma_start3A_951] : memref<10240x128xf32, #tpu.memory_space<hbm>> -> memref<10240x128xf32, #tpu.memory_space<hbm>>
        %dma_start3A_953 = tpu.memref_slice %arg10[%dma_start3A_942] : memref<5x!tpu.dma_semaphore, #tpu.memory_space<semaphore_mem>> -> memref<1x!tpu.dma_semaphore, #tpu.memory_space<semaphore_mem>>
        %dma_start3A_954 = tpu.memref_squeeze %dma_start3A_953 : memref<1x!tpu.dma_semaphore, #tpu.memory_space<semaphore_mem>> -> memref<!tpu.dma_semaphore, #tpu.memory_space<semaphore_mem>>
        tpu.enqueue_indirect_dma source(%dma_start3A_952 : memref<10240x128xf32, #tpu.memory_space<hbm>>) target(%dma_start3A_946 : memref<40x128xf32, #tpu.memory_space<vmem>>) offsets(%dma_start3A_949 : memref<40xi32, #tpu.memory_space<vmem>>) semaphore(%dma_start3A_954 : memref<!tpu.dma_semaphore, #tpu.memory_space<semaphore_mem>>)
      } else {
      }
      %dma_wait3A_458 = arith.constant 0 : i32
      %dma_wait3A_459 = arith.constant 1 : i32
      %dma_wait3A_460 = arith.constant 1 : i32
      %dma_wait3A_461 = arith.constant 0 : i32
      %dma_wait3A_462 = arith.constant 0 : i32
      %dma_wait3A_463 = tpu.memref_slice %arg7[%dma_wait3A_459, %dma_wait3A_461, %dma_wait3A_462] : memref<5x40x128xf32, #tpu.memory_space<vmem>> -> memref<1x40x128xf32, #tpu.memory_space<vmem>>
      %dma_wait3A_464 = tpu.memref_squeeze %dma_wait3A_463 : memref<1x40x128xf32, #tpu.memory_space<vmem>> -> memref<40x128xf32, #tpu.memory_space<vmem>>
      %dma_wait3A_465 = arith.constant 0 : i32
      %dma_wait3A_466 = tpu.memref_slice %arg5[%dma_wait3A_458, %dma_wait3A_465] : memref<10x40xi32, #tpu.memory_space<vmem>> -> memref<1x40xi32, #tpu.memory_space<vmem>>
      %dma_wait3A_467 = tpu.memref_squeeze %dma_wait3A_466 : memref<1x40xi32, #tpu.memory_space<vmem>> -> memref<40xi32, #tpu.memory_space<vmem>>
      %dma_wait3A_468 = arith.constant 0 : i32
      %dma_wait3A_469 = arith.constant 0 : i32
      %dma_wait3A_470 = tpu.memref_slice %arg2[%dma_wait3A_468, %dma_wait3A_469] : memref<10240x128xf32, #tpu.memory_space<hbm>> -> memref<10240x128xf32, #tpu.memory_space<hbm>>
      %dma_wait3A_471 = tpu.memref_slice %arg10[%dma_wait3A_460] : memref<5x!tpu.dma_semaphore, #tpu.memory_space<semaphore_mem>> -> memref<1x!tpu.dma_semaphore, #tpu.memory_space<semaphore_mem>>
      %dma_wait3A_472 = tpu.memref_squeeze %dma_wait3A_471 : memref<1x!tpu.dma_semaphore, #tpu.memory_space<semaphore_mem>> -> memref<!tpu.dma_semaphore, #tpu.memory_space<semaphore_mem>>
      tpu.wait_indirect_dma semaphore(%dma_wait3A_472 : memref<!tpu.dma_semaphore, #tpu.memory_space<semaphore_mem>>) src(%dma_wait3A_470 : memref<10240x128xf32, #tpu.memory_space<hbm>>) dst(%dma_wait3A_464 : memref<40x128xf32, #tpu.memory_space<vmem>>)
      %dma_start3A_473 = arith.constant 1 : i32
      %dma_start3A_474 = arith.constant 1 : i32
      %dma_start3A_475 = arith.constant 1 : i32
      %dma_start3A_476 = arith.constant 0 : i32
      %dma_start3A_477 = arith.constant 0 : i32
      %dma_start3A_478 = tpu.memref_slice %arg7[%dma_start3A_473, %dma_start3A_476, %dma_start3A_477] : memref<5x40x128xf32, #tpu.memory_space<vmem>> -> memref<1x40x128xf32, #tpu.memory_space<vmem>>
      %dma_start3A_479 = tpu.memref_squeeze %dma_start3A_478 : memref<1x40x128xf32, #tpu.memory_space<vmem>> -> memref<40x128xf32, #tpu.memory_space<vmem>>
      %dma_start3A_480 = arith.constant 0 : i32
      %dma_start3A_481 = tpu.memref_slice %arg6[%dma_start3A_474, %dma_start3A_480] : memref<10x40xi32, #tpu.memory_space<vmem>> -> memref<1x40xi32, #tpu.memory_space<vmem>>
      %dma_start3A_482 = tpu.memref_squeeze %dma_start3A_481 : memref<1x40xi32, #tpu.memory_space<vmem>> -> memref<40xi32, #tpu.memory_space<vmem>>
      %dma_start3A_483 = arith.constant 0 : i32
      %dma_start3A_484 = arith.constant 0 : i32
      %dma_start3A_485 = tpu.memref_slice %arg9[%dma_start3A_483, %dma_start3A_484] : memref<10240x128xf32, #tpu.memory_space<vmem_shared>> -> memref<10240x128xf32, #tpu.memory_space<vmem_shared>>
      %dma_start3A_486 = tpu.memref_slice %arg11[%dma_start3A_475] : memref<5x!tpu.dma_semaphore, #tpu.memory_space<semaphore_mem>> -> memref<1x!tpu.dma_semaphore, #tpu.memory_space<semaphore_mem>>
      %dma_start3A_487 = tpu.memref_squeeze %dma_start3A_486 : memref<1x!tpu.dma_semaphore, #tpu.memory_space<semaphore_mem>> -> memref<!tpu.dma_semaphore, #tpu.memory_space<semaphore_mem>>
      tpu.enqueue_indirect_dma source(%dma_start3A_479 : memref<40x128xf32, #tpu.memory_space<vmem>>) target(%dma_start3A_485 : memref<10240x128xf32, #tpu.memory_space<vmem_shared>>) offsets(%dma_start3A_482 : memref<40xi32, #tpu.memory_space<vmem>>) semaphore(%dma_start3A_487 : memref<!tpu.dma_semaphore, #tpu.memory_space<semaphore_mem>>) {add = true}
      %mul3A_488 = arith.constant 10 : i32
      %mul3A_489 = arith.muli %scan3A_385, %mul3A_488 : i32
      %add3A_490 = arith.constant 2 : i32
      %add3A_491 = arith.addi %mul3A_489, %add3A_490 : i32
      %ge3A_492 = arith.constant 3 : i32
      %ge3A_493 = arith.cmpi sge, %add3A_491, %ge3A_492 : i32
      %convert_element_type3A_494 = arith.extui %ge3A_493 : i1 to i32
      %cond3A_495 = arith.constant 0 : i32
      %cond3A_496 = arith.cmpi ne, %convert_element_type3A_494, %cond3A_495 : i32
      scf.if %cond3A_496 {
        %dma_wait3A_912 = arith.constant 4 : i32
        %dma_wait3A_913 = arith.constant 0 : i32
        %dma_wait3A_914 = arith.constant 4 : i32
        %dma_wait3A_915 = arith.constant 0 : i32
        %dma_wait3A_916 = arith.constant 0 : i32
        %dma_wait3A_917 = tpu.memref_slice %arg7[%dma_wait3A_912, %dma_wait3A_915, %dma_wait3A_916] : memref<5x40x128xf32, #tpu.memory_space<vmem>> -> memref<1x40x128xf32, #tpu.memory_space<vmem>>
        %dma_wait3A_918 = tpu.memref_squeeze %dma_wait3A_917 : memref<1x40x128xf32, #tpu.memory_space<vmem>> -> memref<40x128xf32, #tpu.memory_space<vmem>>
        %dma_wait3A_919 = arith.constant 0 : i32
        %dma_wait3A_920 = tpu.memref_slice %arg6[%dma_wait3A_913, %dma_wait3A_919] : memref<10x40xi32, #tpu.memory_space<vmem>> -> memref<1x40xi32, #tpu.memory_space<vmem>>
        %dma_wait3A_921 = tpu.memref_squeeze %dma_wait3A_920 : memref<1x40xi32, #tpu.memory_space<vmem>> -> memref<40xi32, #tpu.memory_space<vmem>>
        %dma_wait3A_922 = arith.constant 0 : i32
        %dma_wait3A_923 = arith.constant 0 : i32
        %dma_wait3A_924 = tpu.memref_slice %arg9[%dma_wait3A_922, %dma_wait3A_923] : memref<10240x128xf32, #tpu.memory_space<vmem_shared>> -> memref<10240x128xf32, #tpu.memory_space<vmem_shared>>
        %dma_wait3A_925 = tpu.memref_slice %arg11[%dma_wait3A_914] : memref<5x!tpu.dma_semaphore, #tpu.memory_space<semaphore_mem>> -> memref<1x!tpu.dma_semaphore, #tpu.memory_space<semaphore_mem>>
        %dma_wait3A_926 = tpu.memref_squeeze %dma_wait3A_925 : memref<1x!tpu.dma_semaphore, #tpu.memory_space<semaphore_mem>> -> memref<!tpu.dma_semaphore, #tpu.memory_space<semaphore_mem>>
        tpu.wait_indirect_dma semaphore(%dma_wait3A_926 : memref<!tpu.dma_semaphore, #tpu.memory_space<semaphore_mem>>) src(%dma_wait3A_918 : memref<40x128xf32, #tpu.memory_space<vmem>>) dst(%dma_wait3A_924 : memref<10240x128xf32, #tpu.memory_space<vmem_shared>>)
      } else {
      }
      %add3A_497 = arith.constant 7 : i32
      %add3A_498 = arith.addi %add3A_491, %add3A_497 : i32
      %lt3A_499 = arith.constant 250 : i32
      %lt3A_500 = arith.cmpi slt, %add3A_498, %lt3A_499 : i32
      %convert_element_type3A_501 = arith.extui %lt3A_500 : i1 to i32
      %cond3A_502 = arith.constant 0 : i32
      %cond3A_503 = arith.cmpi ne, %convert_element_type3A_501, %cond3A_502 : i32
      scf.if %cond3A_503 {
        %add3A_912 = arith.constant 7 : i32
        %add3A_913 = arith.addi %add3A_491, %add3A_912 : i32
        %mul3A_914 = arith.constant 40 : i32
        %mul3A_915 = arith.muli %add3A_913, %mul3A_914 : i32
        %add3A_916 = arith.addi %mul3A_2, %mul3A_915 : i32
        %dma_start3A_917 = arith.constant 9 : i32
        %dma_start3A_918 = arith.constant 9 : i32
        %dma_start3A_919 = arith.constant 0 : i32
        %dma_start3A_920 = tpu.memref_slice %arg5[%dma_start3A_917, %dma_start3A_919] : memref<10x40xi32, #tpu.memory_space<vmem>> -> memref<1x40xi32, #tpu.memory_space<vmem>>
        %dma_start3A_921 = tpu.memref_squeeze %dma_start3A_920 : memref<1x40xi32, #tpu.memory_space<vmem>> -> memref<40xi32, #tpu.memory_space<vmem>>
        %dma_start3A_922 = tpu.memref_slice %arg3[%add3A_916] : memref<640000xi32, #tpu.memory_space<hbm>> -> memref<40xi32, #tpu.memory_space<hbm>>
        %dma_start3A_923 = tpu.memref_slice %arg12[%dma_start3A_918] : memref<10x!tpu.dma_semaphore, #tpu.memory_space<semaphore_mem>> -> memref<1x!tpu.dma_semaphore, #tpu.memory_space<semaphore_mem>>
        %dma_start3A_924 = tpu.memref_squeeze %dma_start3A_923 : memref<1x!tpu.dma_semaphore, #tpu.memory_space<semaphore_mem>> -> memref<!tpu.dma_semaphore, #tpu.memory_space<semaphore_mem>>
        %dma_start3A_925 = arith.constant 0 : i32
        %dma_start3A_926 = tpu.memref_slice %arg5[%dma_start3A_917, %dma_start3A_925] : memref<10x40xi32, #tpu.memory_space<vmem>> -> memref<1x40xi32, #tpu.memory_space<vmem>>
        %dma_start3A_927 = tpu.memref_squeeze %dma_start3A_926 : memref<1x40xi32, #tpu.memory_space<vmem>> -> memref<40xi32, #tpu.memory_space<vmem>>
        %dma_start3A_928 = tpu.memref_slice %arg3[%add3A_916] : memref<640000xi32, #tpu.memory_space<hbm>> -> memref<40xi32, #tpu.memory_space<hbm>>
        tpu.enqueue_dma source(%dma_start3A_928 : memref<40xi32, #tpu.memory_space<hbm>>) target(%dma_start3A_927 : memref<40xi32, #tpu.memory_space<vmem>>) target_semaphore(%dma_start3A_924 : memref<!tpu.dma_semaphore, #tpu.memory_space<semaphore_mem>>)
        %add3A_929 = arith.constant 320000 : i32
        %add3A_930 = arith.addi %add3A_929, %add3A_916 : i32
        %dma_start3A_931 = arith.constant 9 : i32
        %dma_start3A_932 = arith.constant 9 : i32
        %dma_start3A_933 = arith.constant 0 : i32
        %dma_start3A_934 = tpu.memref_slice %arg6[%dma_start3A_931, %dma_start3A_933] : memref<10x40xi32, #tpu.memory_space<vmem>> -> memref<1x40xi32, #tpu.memory_space<vmem>>
        %dma_start3A_935 = tpu.memref_squeeze %dma_start3A_934 : memref<1x40xi32, #tpu.memory_space<vmem>> -> memref<40xi32, #tpu.memory_space<vmem>>
        %dma_start3A_936 = tpu.memref_slice %arg3[%add3A_930] : memref<640000xi32, #tpu.memory_space<hbm>> -> memref<40xi32, #tpu.memory_space<hbm>>
        %dma_start3A_937 = tpu.memref_slice %arg13[%dma_start3A_932] : memref<10x!tpu.dma_semaphore, #tpu.memory_space<semaphore_mem>> -> memref<1x!tpu.dma_semaphore, #tpu.memory_space<semaphore_mem>>
        %dma_start3A_938 = tpu.memref_squeeze %dma_start3A_937 : memref<1x!tpu.dma_semaphore, #tpu.memory_space<semaphore_mem>> -> memref<!tpu.dma_semaphore, #tpu.memory_space<semaphore_mem>>
        %dma_start3A_939 = arith.constant 0 : i32
        %dma_start3A_940 = tpu.memref_slice %arg6[%dma_start3A_931, %dma_start3A_939] : memref<10x40xi32, #tpu.memory_space<vmem>> -> memref<1x40xi32, #tpu.memory_space<vmem>>
        %dma_start3A_941 = tpu.memref_squeeze %dma_start3A_940 : memref<1x40xi32, #tpu.memory_space<vmem>> -> memref<40xi32, #tpu.memory_space<vmem>>
        %dma_start3A_942 = tpu.memref_slice %arg3[%add3A_930] : memref<640000xi32, #tpu.memory_space<hbm>> -> memref<40xi32, #tpu.memory_space<hbm>>
        tpu.enqueue_dma source(%dma_start3A_942 : memref<40xi32, #tpu.memory_space<hbm>>) target(%dma_start3A_941 : memref<40xi32, #tpu.memory_space<vmem>>) target_semaphore(%dma_start3A_938 : memref<!tpu.dma_semaphore, #tpu.memory_space<semaphore_mem>>)
      } else {
      }
      %add3A_504 = arith.constant 2 : i32
      %add3A_505 = arith.addi %add3A_491, %add3A_504 : i32
      %lt3A_506 = arith.constant 250 : i32
      %lt3A_507 = arith.cmpi slt, %add3A_505, %lt3A_506 : i32
      %convert_element_type3A_508 = arith.extui %lt3A_507 : i1 to i32
      %cond3A_509 = arith.constant 0 : i32
      %cond3A_510 = arith.cmpi ne, %convert_element_type3A_508, %cond3A_509 : i32
      scf.if %cond3A_510 {
        %dma_wait3A_912 = arith.constant 4 : i32
        %dma_wait3A_913 = arith.constant 4 : i32
        %dma_wait3A_914 = arith.constant 0 : i32
        %dma_wait3A_915 = tpu.memref_slice %arg5[%dma_wait3A_912, %dma_wait3A_914] : memref<10x40xi32, #tpu.memory_space<vmem>> -> memref<1x40xi32, #tpu.memory_space<vmem>>
        %dma_wait3A_916 = tpu.memref_squeeze %dma_wait3A_915 : memref<1x40xi32, #tpu.memory_space<vmem>> -> memref<40xi32, #tpu.memory_space<vmem>>
        %dma_wait3A_917 = arith.constant 0 : i32
        %dma_wait3A_918 = tpu.memref_slice %arg3[%dma_wait3A_917] : memref<640000xi32, #tpu.memory_space<hbm>> -> memref<40xi32, #tpu.memory_space<hbm>>
        %dma_wait3A_919 = tpu.memref_slice %arg12[%dma_wait3A_913] : memref<10x!tpu.dma_semaphore, #tpu.memory_space<semaphore_mem>> -> memref<1x!tpu.dma_semaphore, #tpu.memory_space<semaphore_mem>>
        %dma_wait3A_920 = tpu.memref_squeeze %dma_wait3A_919 : memref<1x!tpu.dma_semaphore, #tpu.memory_space<semaphore_mem>> -> memref<!tpu.dma_semaphore, #tpu.memory_space<semaphore_mem>>
        %dma_wait3A_921 = arith.constant 0 : i32
        %dma_wait3A_922 = tpu.memref_slice %arg5[%dma_wait3A_912, %dma_wait3A_921] : memref<10x40xi32, #tpu.memory_space<vmem>> -> memref<1x40xi32, #tpu.memory_space<vmem>>
        %dma_wait3A_923 = tpu.memref_squeeze %dma_wait3A_922 : memref<1x40xi32, #tpu.memory_space<vmem>> -> memref<40xi32, #tpu.memory_space<vmem>>
        %dma_wait3A_924 = arith.constant 0 : i32
        %dma_wait3A_925 = tpu.memref_slice %arg3[%dma_wait3A_924] : memref<640000xi32, #tpu.memory_space<hbm>> -> memref<40xi32, #tpu.memory_space<hbm>>
        tpu.wait_dma2 semaphore(%dma_wait3A_920 : memref<!tpu.dma_semaphore, #tpu.memory_space<semaphore_mem>>) src(%dma_wait3A_925 : memref<40xi32, #tpu.memory_space<hbm>>) dst(%dma_wait3A_923 : memref<40xi32, #tpu.memory_space<vmem>>)
        %dma_wait3A_926 = arith.constant 4 : i32
        %dma_wait3A_927 = arith.constant 4 : i32
        %dma_wait3A_928 = arith.constant 0 : i32
        %dma_wait3A_929 = tpu.memref_slice %arg6[%dma_wait3A_926, %dma_wait3A_928] : memref<10x40xi32, #tpu.memory_space<vmem>> -> memref<1x40xi32, #tpu.memory_space<vmem>>
        %dma_wait3A_930 = tpu.memref_squeeze %dma_wait3A_929 : memref<1x40xi32, #tpu.memory_space<vmem>> -> memref<40xi32, #tpu.memory_space<vmem>>
        %dma_wait3A_931 = arith.constant 0 : i32
        %dma_wait3A_932 = tpu.memref_slice %arg3[%dma_wait3A_931] : memref<640000xi32, #tpu.memory_space<hbm>> -> memref<40xi32, #tpu.memory_space<hbm>>
        %dma_wait3A_933 = tpu.memref_slice %arg13[%dma_wait3A_927] : memref<10x!tpu.dma_semaphore, #tpu.memory_space<semaphore_mem>> -> memref<1x!tpu.dma_semaphore, #tpu.memory_space<semaphore_mem>>
        %dma_wait3A_934 = tpu.memref_squeeze %dma_wait3A_933 : memref<1x!tpu.dma_semaphore, #tpu.memory_space<semaphore_mem>> -> memref<!tpu.dma_semaphore, #tpu.memory_space<semaphore_mem>>
        %dma_wait3A_935 = arith.constant 0 : i32
        %dma_wait3A_936 = tpu.memref_slice %arg6[%dma_wait3A_926, %dma_wait3A_935] : memref<10x40xi32, #tpu.memory_space<vmem>> -> memref<1x40xi32, #tpu.memory_space<vmem>>
        %dma_wait3A_937 = tpu.memref_squeeze %dma_wait3A_936 : memref<1x40xi32, #tpu.memory_space<vmem>> -> memref<40xi32, #tpu.memory_space<vmem>>
        %dma_wait3A_938 = arith.constant 0 : i32
        %dma_wait3A_939 = tpu.memref_slice %arg3[%dma_wait3A_938] : memref<640000xi32, #tpu.memory_space<hbm>> -> memref<40xi32, #tpu.memory_space<hbm>>
        tpu.wait_dma2 semaphore(%dma_wait3A_934 : memref<!tpu.dma_semaphore, #tpu.memory_space<semaphore_mem>>) src(%dma_wait3A_939 : memref<40xi32, #tpu.memory_space<hbm>>) dst(%dma_wait3A_937 : memref<40xi32, #tpu.memory_space<vmem>>)
        %dma_start3A_940 = arith.constant 4 : i32
        %dma_start3A_941 = arith.constant 4 : i32
        %dma_start3A_942 = arith.constant 4 : i32
        %dma_start3A_943 = arith.constant 0 : i32
        %dma_start3A_944 = arith.constant 0 : i32
        %dma_start3A_945 = tpu.memref_slice %arg7[%dma_start3A_941, %dma_start3A_943, %dma_start3A_944] : memref<5x40x128xf32, #tpu.memory_space<vmem>> -> memref<1x40x128xf32, #tpu.memory_space<vmem>>
        %dma_start3A_946 = tpu.memref_squeeze %dma_start3A_945 : memref<1x40x128xf32, #tpu.memory_space<vmem>> -> memref<40x128xf32, #tpu.memory_space<vmem>>
        %dma_start3A_947 = arith.constant 0 : i32
        %dma_start3A_948 = tpu.memref_slice %arg5[%dma_start3A_940, %dma_start3A_947] : memref<10x40xi32, #tpu.memory_space<vmem>> -> memref<1x40xi32, #tpu.memory_space<vmem>>
        %dma_start3A_949 = tpu.memref_squeeze %dma_start3A_948 : memref<1x40xi32, #tpu.memory_space<vmem>> -> memref<40xi32, #tpu.memory_space<vmem>>
        %dma_start3A_950 = arith.constant 0 : i32
        %dma_start3A_951 = arith.constant 0 : i32
        %dma_start3A_952 = tpu.memref_slice %arg2[%dma_start3A_950, %dma_start3A_951] : memref<10240x128xf32, #tpu.memory_space<hbm>> -> memref<10240x128xf32, #tpu.memory_space<hbm>>
        %dma_start3A_953 = tpu.memref_slice %arg10[%dma_start3A_942] : memref<5x!tpu.dma_semaphore, #tpu.memory_space<semaphore_mem>> -> memref<1x!tpu.dma_semaphore, #tpu.memory_space<semaphore_mem>>
        %dma_start3A_954 = tpu.memref_squeeze %dma_start3A_953 : memref<1x!tpu.dma_semaphore, #tpu.memory_space<semaphore_mem>> -> memref<!tpu.dma_semaphore, #tpu.memory_space<semaphore_mem>>
        tpu.enqueue_indirect_dma source(%dma_start3A_952 : memref<10240x128xf32, #tpu.memory_space<hbm>>) target(%dma_start3A_946 : memref<40x128xf32, #tpu.memory_space<vmem>>) offsets(%dma_start3A_949 : memref<40xi32, #tpu.memory_space<vmem>>) semaphore(%dma_start3A_954 : memref<!tpu.dma_semaphore, #tpu.memory_space<semaphore_mem>>)
      } else {
      }
      %dma_wait3A_511 = arith.constant 0 : i32
      %dma_wait3A_512 = arith.constant 2 : i32
      %dma_wait3A_513 = arith.constant 2 : i32
      %dma_wait3A_514 = arith.constant 0 : i32
      %dma_wait3A_515 = arith.constant 0 : i32
      %dma_wait3A_516 = tpu.memref_slice %arg7[%dma_wait3A_512, %dma_wait3A_514, %dma_wait3A_515] : memref<5x40x128xf32, #tpu.memory_space<vmem>> -> memref<1x40x128xf32, #tpu.memory_space<vmem>>
      %dma_wait3A_517 = tpu.memref_squeeze %dma_wait3A_516 : memref<1x40x128xf32, #tpu.memory_space<vmem>> -> memref<40x128xf32, #tpu.memory_space<vmem>>
      %dma_wait3A_518 = arith.constant 0 : i32
      %dma_wait3A_519 = tpu.memref_slice %arg5[%dma_wait3A_511, %dma_wait3A_518] : memref<10x40xi32, #tpu.memory_space<vmem>> -> memref<1x40xi32, #tpu.memory_space<vmem>>
      %dma_wait3A_520 = tpu.memref_squeeze %dma_wait3A_519 : memref<1x40xi32, #tpu.memory_space<vmem>> -> memref<40xi32, #tpu.memory_space<vmem>>
      %dma_wait3A_521 = arith.constant 0 : i32
      %dma_wait3A_522 = arith.constant 0 : i32
      %dma_wait3A_523 = tpu.memref_slice %arg2[%dma_wait3A_521, %dma_wait3A_522] : memref<10240x128xf32, #tpu.memory_space<hbm>> -> memref<10240x128xf32, #tpu.memory_space<hbm>>
      %dma_wait3A_524 = tpu.memref_slice %arg10[%dma_wait3A_513] : memref<5x!tpu.dma_semaphore, #tpu.memory_space<semaphore_mem>> -> memref<1x!tpu.dma_semaphore, #tpu.memory_space<semaphore_mem>>
      %dma_wait3A_525 = tpu.memref_squeeze %dma_wait3A_524 : memref<1x!tpu.dma_semaphore, #tpu.memory_space<semaphore_mem>> -> memref<!tpu.dma_semaphore, #tpu.memory_space<semaphore_mem>>
      tpu.wait_indirect_dma semaphore(%dma_wait3A_525 : memref<!tpu.dma_semaphore, #tpu.memory_space<semaphore_mem>>) src(%dma_wait3A_523 : memref<10240x128xf32, #tpu.memory_space<hbm>>) dst(%dma_wait3A_517 : memref<40x128xf32, #tpu.memory_space<vmem>>)
      %dma_start3A_526 = arith.constant 2 : i32
      %dma_start3A_527 = arith.constant 2 : i32
      %dma_start3A_528 = arith.constant 2 : i32
      %dma_start3A_529 = arith.constant 0 : i32
      %dma_start3A_530 = arith.constant 0 : i32
      %dma_start3A_531 = tpu.memref_slice %arg7[%dma_start3A_526, %dma_start3A_529, %dma_start3A_530] : memref<5x40x128xf32, #tpu.memory_space<vmem>> -> memref<1x40x128xf32, #tpu.memory_space<vmem>>
      %dma_start3A_532 = tpu.memref_squeeze %dma_start3A_531 : memref<1x40x128xf32, #tpu.memory_space<vmem>> -> memref<40x128xf32, #tpu.memory_space<vmem>>
      %dma_start3A_533 = arith.constant 0 : i32
      %dma_start3A_534 = tpu.memref_slice %arg6[%dma_start3A_527, %dma_start3A_533] : memref<10x40xi32, #tpu.memory_space<vmem>> -> memref<1x40xi32, #tpu.memory_space<vmem>>
      %dma_start3A_535 = tpu.memref_squeeze %dma_start3A_534 : memref<1x40xi32, #tpu.memory_space<vmem>> -> memref<40xi32, #tpu.memory_space<vmem>>
      %dma_start3A_536 = arith.constant 0 : i32
      %dma_start3A_537 = arith.constant 0 : i32
      %dma_start3A_538 = tpu.memref_slice %arg9[%dma_start3A_536, %dma_start3A_537] : memref<10240x128xf32, #tpu.memory_space<vmem_shared>> -> memref<10240x128xf32, #tpu.memory_space<vmem_shared>>
      %dma_start3A_539 = tpu.memref_slice %arg11[%dma_start3A_528] : memref<5x!tpu.dma_semaphore, #tpu.memory_space<semaphore_mem>> -> memref<1x!tpu.dma_semaphore, #tpu.memory_space<semaphore_mem>>
      %dma_start3A_540 = tpu.memref_squeeze %dma_start3A_539 : memref<1x!tpu.dma_semaphore, #tpu.memory_space<semaphore_mem>> -> memref<!tpu.dma_semaphore, #tpu.memory_space<semaphore_mem>>
      tpu.enqueue_indirect_dma source(%dma_start3A_532 : memref<40x128xf32, #tpu.memory_space<vmem>>) target(%dma_start3A_538 : memref<10240x128xf32, #tpu.memory_space<vmem_shared>>) offsets(%dma_start3A_535 : memref<40xi32, #tpu.memory_space<vmem>>) semaphore(%dma_start3A_540 : memref<!tpu.dma_semaphore, #tpu.memory_space<semaphore_mem>>) {add = true}
      %mul3A_541 = arith.constant 10 : i32
      %mul3A_542 = arith.muli %scan3A_385, %mul3A_541 : i32
      %add3A_543 = arith.constant 3 : i32
      %add3A_544 = arith.addi %mul3A_542, %add3A_543 : i32
      %ge3A_545 = arith.constant 3 : i32
      %ge3A_546 = arith.cmpi sge, %add3A_544, %ge3A_545 : i32
      %convert_element_type3A_547 = arith.extui %ge3A_546 : i1 to i32
      %cond3A_548 = arith.constant 0 : i32
      %cond3A_549 = arith.cmpi ne, %convert_element_type3A_547, %cond3A_548 : i32
      scf.if %cond3A_549 {
        %dma_wait3A_912 = arith.constant 0 : i32
        %dma_wait3A_913 = arith.constant 0 : i32
        %dma_wait3A_914 = arith.constant 0 : i32
        %dma_wait3A_915 = arith.constant 0 : i32
        %dma_wait3A_916 = arith.constant 0 : i32
        %dma_wait3A_917 = tpu.memref_slice %arg7[%dma_wait3A_912, %dma_wait3A_915, %dma_wait3A_916] : memref<5x40x128xf32, #tpu.memory_space<vmem>> -> memref<1x40x128xf32, #tpu.memory_space<vmem>>
        %dma_wait3A_918 = tpu.memref_squeeze %dma_wait3A_917 : memref<1x40x128xf32, #tpu.memory_space<vmem>> -> memref<40x128xf32, #tpu.memory_space<vmem>>
        %dma_wait3A_919 = arith.constant 0 : i32
        %dma_wait3A_920 = tpu.memref_slice %arg6[%dma_wait3A_913, %dma_wait3A_919] : memref<10x40xi32, #tpu.memory_space<vmem>> -> memref<1x40xi32, #tpu.memory_space<vmem>>
        %dma_wait3A_921 = tpu.memref_squeeze %dma_wait3A_920 : memref<1x40xi32, #tpu.memory_space<vmem>> -> memref<40xi32, #tpu.memory_space<vmem>>
        %dma_wait3A_922 = arith.constant 0 : i32
        %dma_wait3A_923 = arith.constant 0 : i32
        %dma_wait3A_924 = tpu.memref_slice %arg9[%dma_wait3A_922, %dma_wait3A_923] : memref<10240x128xf32, #tpu.memory_space<vmem_shared>> -> memref<10240x128xf32, #tpu.memory_space<vmem_shared>>
        %dma_wait3A_925 = tpu.memref_slice %arg11[%dma_wait3A_914] : memref<5x!tpu.dma_semaphore, #tpu.memory_space<semaphore_mem>> -> memref<1x!tpu.dma_semaphore, #tpu.memory_space<semaphore_mem>>
        %dma_wait3A_926 = tpu.memref_squeeze %dma_wait3A_925 : memref<1x!tpu.dma_semaphore, #tpu.memory_space<semaphore_mem>> -> memref<!tpu.dma_semaphore, #tpu.memory_space<semaphore_mem>>
        tpu.wait_indirect_dma semaphore(%dma_wait3A_926 : memref<!tpu.dma_semaphore, #tpu.memory_space<semaphore_mem>>) src(%dma_wait3A_918 : memref<40x128xf32, #tpu.memory_space<vmem>>) dst(%dma_wait3A_924 : memref<10240x128xf32, #tpu.memory_space<vmem_shared>>)
      } else {
      }
      %add3A_550 = arith.constant 7 : i32
      %add3A_551 = arith.addi %add3A_544, %add3A_550 : i32
      %lt3A_552 = arith.constant 250 : i32
      %lt3A_553 = arith.cmpi slt, %add3A_551, %lt3A_552 : i32
      %convert_element_type3A_554 = arith.extui %lt3A_553 : i1 to i32
      %cond3A_555 = arith.constant 0 : i32
      %cond3A_556 = arith.cmpi ne, %convert_element_type3A_554, %cond3A_555 : i32
      scf.if %cond3A_556 {
        %add3A_912 = arith.constant 7 : i32
        %add3A_913 = arith.addi %add3A_544, %add3A_912 : i32
        %mul3A_914 = arith.constant 40 : i32
        %mul3A_915 = arith.muli %add3A_913, %mul3A_914 : i32
        %add3A_916 = arith.addi %mul3A_2, %mul3A_915 : i32
        %dma_start3A_917 = arith.constant 0 : i32
        %dma_start3A_918 = arith.constant 0 : i32
        %dma_start3A_919 = arith.constant 0 : i32
        %dma_start3A_920 = tpu.memref_slice %arg5[%dma_start3A_917, %dma_start3A_919] : memref<10x40xi32, #tpu.memory_space<vmem>> -> memref<1x40xi32, #tpu.memory_space<vmem>>
        %dma_start3A_921 = tpu.memref_squeeze %dma_start3A_920 : memref<1x40xi32, #tpu.memory_space<vmem>> -> memref<40xi32, #tpu.memory_space<vmem>>
        %dma_start3A_922 = tpu.memref_slice %arg3[%add3A_916] : memref<640000xi32, #tpu.memory_space<hbm>> -> memref<40xi32, #tpu.memory_space<hbm>>
        %dma_start3A_923 = tpu.memref_slice %arg12[%dma_start3A_918] : memref<10x!tpu.dma_semaphore, #tpu.memory_space<semaphore_mem>> -> memref<1x!tpu.dma_semaphore, #tpu.memory_space<semaphore_mem>>
        %dma_start3A_924 = tpu.memref_squeeze %dma_start3A_923 : memref<1x!tpu.dma_semaphore, #tpu.memory_space<semaphore_mem>> -> memref<!tpu.dma_semaphore, #tpu.memory_space<semaphore_mem>>
        %dma_start3A_925 = arith.constant 0 : i32
        %dma_start3A_926 = tpu.memref_slice %arg5[%dma_start3A_917, %dma_start3A_925] : memref<10x40xi32, #tpu.memory_space<vmem>> -> memref<1x40xi32, #tpu.memory_space<vmem>>
        %dma_start3A_927 = tpu.memref_squeeze %dma_start3A_926 : memref<1x40xi32, #tpu.memory_space<vmem>> -> memref<40xi32, #tpu.memory_space<vmem>>
        %dma_start3A_928 = tpu.memref_slice %arg3[%add3A_916] : memref<640000xi32, #tpu.memory_space<hbm>> -> memref<40xi32, #tpu.memory_space<hbm>>
        tpu.enqueue_dma source(%dma_start3A_928 : memref<40xi32, #tpu.memory_space<hbm>>) target(%dma_start3A_927 : memref<40xi32, #tpu.memory_space<vmem>>) target_semaphore(%dma_start3A_924 : memref<!tpu.dma_semaphore, #tpu.memory_space<semaphore_mem>>)
        %add3A_929 = arith.constant 320000 : i32
        %add3A_930 = arith.addi %add3A_929, %add3A_916 : i32
        %dma_start3A_931 = arith.constant 0 : i32
        %dma_start3A_932 = arith.constant 0 : i32
        %dma_start3A_933 = arith.constant 0 : i32
        %dma_start3A_934 = tpu.memref_slice %arg6[%dma_start3A_931, %dma_start3A_933] : memref<10x40xi32, #tpu.memory_space<vmem>> -> memref<1x40xi32, #tpu.memory_space<vmem>>
        %dma_start3A_935 = tpu.memref_squeeze %dma_start3A_934 : memref<1x40xi32, #tpu.memory_space<vmem>> -> memref<40xi32, #tpu.memory_space<vmem>>
        %dma_start3A_936 = tpu.memref_slice %arg3[%add3A_930] : memref<640000xi32, #tpu.memory_space<hbm>> -> memref<40xi32, #tpu.memory_space<hbm>>
        %dma_start3A_937 = tpu.memref_slice %arg13[%dma_start3A_932] : memref<10x!tpu.dma_semaphore, #tpu.memory_space<semaphore_mem>> -> memref<1x!tpu.dma_semaphore, #tpu.memory_space<semaphore_mem>>
        %dma_start3A_938 = tpu.memref_squeeze %dma_start3A_937 : memref<1x!tpu.dma_semaphore, #tpu.memory_space<semaphore_mem>> -> memref<!tpu.dma_semaphore, #tpu.memory_space<semaphore_mem>>
        %dma_start3A_939 = arith.constant 0 : i32
        %dma_start3A_940 = tpu.memref_slice %arg6[%dma_start3A_931, %dma_start3A_939] : memref<10x40xi32, #tpu.memory_space<vmem>> -> memref<1x40xi32, #tpu.memory_space<vmem>>
        %dma_start3A_941 = tpu.memref_squeeze %dma_start3A_940 : memref<1x40xi32, #tpu.memory_space<vmem>> -> memref<40xi32, #tpu.memory_space<vmem>>
        %dma_start3A_942 = tpu.memref_slice %arg3[%add3A_930] : memref<640000xi32, #tpu.memory_space<hbm>> -> memref<40xi32, #tpu.memory_space<hbm>>
        tpu.enqueue_dma source(%dma_start3A_942 : memref<40xi32, #tpu.memory_space<hbm>>) target(%dma_start3A_941 : memref<40xi32, #tpu.memory_space<vmem>>) target_semaphore(%dma_start3A_938 : memref<!tpu.dma_semaphore, #tpu.memory_space<semaphore_mem>>)
      } else {
      }
      %add3A_557 = arith.constant 2 : i32
      %add3A_558 = arith.addi %add3A_544, %add3A_557 : i32
      %lt3A_559 = arith.constant 250 : i32
      %lt3A_560 = arith.cmpi slt, %add3A_558, %lt3A_559 : i32
      %convert_element_type3A_561 = arith.extui %lt3A_560 : i1 to i32
      %cond3A_562 = arith.constant 0 : i32
      %cond3A_563 = arith.cmpi ne, %convert_element_type3A_561, %cond3A_562 : i32
      scf.if %cond3A_563 {
        %dma_wait3A_912 = arith.constant 5 : i32
        %dma_wait3A_913 = arith.constant 5 : i32
        %dma_wait3A_914 = arith.constant 0 : i32
        %dma_wait3A_915 = tpu.memref_slice %arg5[%dma_wait3A_912, %dma_wait3A_914] : memref<10x40xi32, #tpu.memory_space<vmem>> -> memref<1x40xi32, #tpu.memory_space<vmem>>
        %dma_wait3A_916 = tpu.memref_squeeze %dma_wait3A_915 : memref<1x40xi32, #tpu.memory_space<vmem>> -> memref<40xi32, #tpu.memory_space<vmem>>
        %dma_wait3A_917 = arith.constant 0 : i32
        %dma_wait3A_918 = tpu.memref_slice %arg3[%dma_wait3A_917] : memref<640000xi32, #tpu.memory_space<hbm>> -> memref<40xi32, #tpu.memory_space<hbm>>
        %dma_wait3A_919 = tpu.memref_slice %arg12[%dma_wait3A_913] : memref<10x!tpu.dma_semaphore, #tpu.memory_space<semaphore_mem>> -> memref<1x!tpu.dma_semaphore, #tpu.memory_space<semaphore_mem>>
        %dma_wait3A_920 = tpu.memref_squeeze %dma_wait3A_919 : memref<1x!tpu.dma_semaphore, #tpu.memory_space<semaphore_mem>> -> memref<!tpu.dma_semaphore, #tpu.memory_space<semaphore_mem>>
        %dma_wait3A_921 = arith.constant 0 : i32
        %dma_wait3A_922 = tpu.memref_slice %arg5[%dma_wait3A_912, %dma_wait3A_921] : memref<10x40xi32, #tpu.memory_space<vmem>> -> memref<1x40xi32, #tpu.memory_space<vmem>>
        %dma_wait3A_923 = tpu.memref_squeeze %dma_wait3A_922 : memref<1x40xi32, #tpu.memory_space<vmem>> -> memref<40xi32, #tpu.memory_space<vmem>>
        %dma_wait3A_924 = arith.constant 0 : i32
        %dma_wait3A_925 = tpu.memref_slice %arg3[%dma_wait3A_924] : memref<640000xi32, #tpu.memory_space<hbm>> -> memref<40xi32, #tpu.memory_space<hbm>>
        tpu.wait_dma2 semaphore(%dma_wait3A_920 : memref<!tpu.dma_semaphore, #tpu.memory_space<semaphore_mem>>) src(%dma_wait3A_925 : memref<40xi32, #tpu.memory_space<hbm>>) dst(%dma_wait3A_923 : memref<40xi32, #tpu.memory_space<vmem>>)
        %dma_wait3A_926 = arith.constant 5 : i32
        %dma_wait3A_927 = arith.constant 5 : i32
        %dma_wait3A_928 = arith.constant 0 : i32
        %dma_wait3A_929 = tpu.memref_slice %arg6[%dma_wait3A_926, %dma_wait3A_928] : memref<10x40xi32, #tpu.memory_space<vmem>> -> memref<1x40xi32, #tpu.memory_space<vmem>>
        %dma_wait3A_930 = tpu.memref_squeeze %dma_wait3A_929 : memref<1x40xi32, #tpu.memory_space<vmem>> -> memref<40xi32, #tpu.memory_space<vmem>>
        %dma_wait3A_931 = arith.constant 0 : i32
        %dma_wait3A_932 = tpu.memref_slice %arg3[%dma_wait3A_931] : memref<640000xi32, #tpu.memory_space<hbm>> -> memref<40xi32, #tpu.memory_space<hbm>>
        %dma_wait3A_933 = tpu.memref_slice %arg13[%dma_wait3A_927] : memref<10x!tpu.dma_semaphore, #tpu.memory_space<semaphore_mem>> -> memref<1x!tpu.dma_semaphore, #tpu.memory_space<semaphore_mem>>
        %dma_wait3A_934 = tpu.memref_squeeze %dma_wait3A_933 : memref<1x!tpu.dma_semaphore, #tpu.memory_space<semaphore_mem>> -> memref<!tpu.dma_semaphore, #tpu.memory_space<semaphore_mem>>
        %dma_wait3A_935 = arith.constant 0 : i32
        %dma_wait3A_936 = tpu.memref_slice %arg6[%dma_wait3A_926, %dma_wait3A_935] : memref<10x40xi32, #tpu.memory_space<vmem>> -> memref<1x40xi32, #tpu.memory_space<vmem>>
        %dma_wait3A_937 = tpu.memref_squeeze %dma_wait3A_936 : memref<1x40xi32, #tpu.memory_space<vmem>> -> memref<40xi32, #tpu.memory_space<vmem>>
        %dma_wait3A_938 = arith.constant 0 : i32
        %dma_wait3A_939 = tpu.memref_slice %arg3[%dma_wait3A_938] : memref<640000xi32, #tpu.memory_space<hbm>> -> memref<40xi32, #tpu.memory_space<hbm>>
        tpu.wait_dma2 semaphore(%dma_wait3A_934 : memref<!tpu.dma_semaphore, #tpu.memory_space<semaphore_mem>>) src(%dma_wait3A_939 : memref<40xi32, #tpu.memory_space<hbm>>) dst(%dma_wait3A_937 : memref<40xi32, #tpu.memory_space<vmem>>)
        %dma_start3A_940 = arith.constant 5 : i32
        %dma_start3A_941 = arith.constant 0 : i32
        %dma_start3A_942 = arith.constant 0 : i32
        %dma_start3A_943 = arith.constant 0 : i32
        %dma_start3A_944 = arith.constant 0 : i32
        %dma_start3A_945 = tpu.memref_slice %arg7[%dma_start3A_941, %dma_start3A_943, %dma_start3A_944] : memref<5x40x128xf32, #tpu.memory_space<vmem>> -> memref<1x40x128xf32, #tpu.memory_space<vmem>>
        %dma_start3A_946 = tpu.memref_squeeze %dma_start3A_945 : memref<1x40x128xf32, #tpu.memory_space<vmem>> -> memref<40x128xf32, #tpu.memory_space<vmem>>
        %dma_start3A_947 = arith.constant 0 : i32
        %dma_start3A_948 = tpu.memref_slice %arg5[%dma_start3A_940, %dma_start3A_947] : memref<10x40xi32, #tpu.memory_space<vmem>> -> memref<1x40xi32, #tpu.memory_space<vmem>>
        %dma_start3A_949 = tpu.memref_squeeze %dma_start3A_948 : memref<1x40xi32, #tpu.memory_space<vmem>> -> memref<40xi32, #tpu.memory_space<vmem>>
        %dma_start3A_950 = arith.constant 0 : i32
        %dma_start3A_951 = arith.constant 0 : i32
        %dma_start3A_952 = tpu.memref_slice %arg2[%dma_start3A_950, %dma_start3A_951] : memref<10240x128xf32, #tpu.memory_space<hbm>> -> memref<10240x128xf32, #tpu.memory_space<hbm>>
        %dma_start3A_953 = tpu.memref_slice %arg10[%dma_start3A_942] : memref<5x!tpu.dma_semaphore, #tpu.memory_space<semaphore_mem>> -> memref<1x!tpu.dma_semaphore, #tpu.memory_space<semaphore_mem>>
        %dma_start3A_954 = tpu.memref_squeeze %dma_start3A_953 : memref<1x!tpu.dma_semaphore, #tpu.memory_space<semaphore_mem>> -> memref<!tpu.dma_semaphore, #tpu.memory_space<semaphore_mem>>
        tpu.enqueue_indirect_dma source(%dma_start3A_952 : memref<10240x128xf32, #tpu.memory_space<hbm>>) target(%dma_start3A_946 : memref<40x128xf32, #tpu.memory_space<vmem>>) offsets(%dma_start3A_949 : memref<40xi32, #tpu.memory_space<vmem>>) semaphore(%dma_start3A_954 : memref<!tpu.dma_semaphore, #tpu.memory_space<semaphore_mem>>)
      } else {
      }
      %dma_wait3A_564 = arith.constant 0 : i32
      %dma_wait3A_565 = arith.constant 3 : i32
      %dma_wait3A_566 = arith.constant 3 : i32
      %dma_wait3A_567 = arith.constant 0 : i32
      %dma_wait3A_568 = arith.constant 0 : i32
      %dma_wait3A_569 = tpu.memref_slice %arg7[%dma_wait3A_565, %dma_wait3A_567, %dma_wait3A_568] : memref<5x40x128xf32, #tpu.memory_space<vmem>> -> memref<1x40x128xf32, #tpu.memory_space<vmem>>
      %dma_wait3A_570 = tpu.memref_squeeze %dma_wait3A_569 : memref<1x40x128xf32, #tpu.memory_space<vmem>> -> memref<40x128xf32, #tpu.memory_space<vmem>>
      %dma_wait3A_571 = arith.constant 0 : i32
      %dma_wait3A_572 = tpu.memref_slice %arg5[%dma_wait3A_564, %dma_wait3A_571] : memref<10x40xi32, #tpu.memory_space<vmem>> -> memref<1x40xi32, #tpu.memory_space<vmem>>
      %dma_wait3A_573 = tpu.memref_squeeze %dma_wait3A_572 : memref<1x40xi32, #tpu.memory_space<vmem>> -> memref<40xi32, #tpu.memory_space<vmem>>
      %dma_wait3A_574 = arith.constant 0 : i32
      %dma_wait3A_575 = arith.constant 0 : i32
      %dma_wait3A_576 = tpu.memref_slice %arg2[%dma_wait3A_574, %dma_wait3A_575] : memref<10240x128xf32, #tpu.memory_space<hbm>> -> memref<10240x128xf32, #tpu.memory_space<hbm>>
      %dma_wait3A_577 = tpu.memref_slice %arg10[%dma_wait3A_566] : memref<5x!tpu.dma_semaphore, #tpu.memory_space<semaphore_mem>> -> memref<1x!tpu.dma_semaphore, #tpu.memory_space<semaphore_mem>>
      %dma_wait3A_578 = tpu.memref_squeeze %dma_wait3A_577 : memref<1x!tpu.dma_semaphore, #tpu.memory_space<semaphore_mem>> -> memref<!tpu.dma_semaphore, #tpu.memory_space<semaphore_mem>>
      tpu.wait_indirect_dma semaphore(%dma_wait3A_578 : memref<!tpu.dma_semaphore, #tpu.memory_space<semaphore_mem>>) src(%dma_wait3A_576 : memref<10240x128xf32, #tpu.memory_space<hbm>>) dst(%dma_wait3A_570 : memref<40x128xf32, #tpu.memory_space<vmem>>)
      %dma_start3A_579 = arith.constant 3 : i32
      %dma_start3A_580 = arith.constant 3 : i32
      %dma_start3A_581 = arith.constant 3 : i32
      %dma_start3A_582 = arith.constant 0 : i32
      %dma_start3A_583 = arith.constant 0 : i32
      %dma_start3A_584 = tpu.memref_slice %arg7[%dma_start3A_579, %dma_start3A_582, %dma_start3A_583] : memref<5x40x128xf32, #tpu.memory_space<vmem>> -> memref<1x40x128xf32, #tpu.memory_space<vmem>>
      %dma_start3A_585 = tpu.memref_squeeze %dma_start3A_584 : memref<1x40x128xf32, #tpu.memory_space<vmem>> -> memref<40x128xf32, #tpu.memory_space<vmem>>
      %dma_start3A_586 = arith.constant 0 : i32
      %dma_start3A_587 = tpu.memref_slice %arg6[%dma_start3A_580, %dma_start3A_586] : memref<10x40xi32, #tpu.memory_space<vmem>> -> memref<1x40xi32, #tpu.memory_space<vmem>>
      %dma_start3A_588 = tpu.memref_squeeze %dma_start3A_587 : memref<1x40xi32, #tpu.memory_space<vmem>> -> memref<40xi32, #tpu.memory_space<vmem>>
      %dma_start3A_589 = arith.constant 0 : i32
      %dma_start3A_590 = arith.constant 0 : i32
      %dma_start3A_591 = tpu.memref_slice %arg9[%dma_start3A_589, %dma_start3A_590] : memref<10240x128xf32, #tpu.memory_space<vmem_shared>> -> memref<10240x128xf32, #tpu.memory_space<vmem_shared>>
      %dma_start3A_592 = tpu.memref_slice %arg11[%dma_start3A_581] : memref<5x!tpu.dma_semaphore, #tpu.memory_space<semaphore_mem>> -> memref<1x!tpu.dma_semaphore, #tpu.memory_space<semaphore_mem>>
      %dma_start3A_593 = tpu.memref_squeeze %dma_start3A_592 : memref<1x!tpu.dma_semaphore, #tpu.memory_space<semaphore_mem>> -> memref<!tpu.dma_semaphore, #tpu.memory_space<semaphore_mem>>
      tpu.enqueue_indirect_dma source(%dma_start3A_585 : memref<40x128xf32, #tpu.memory_space<vmem>>) target(%dma_start3A_591 : memref<10240x128xf32, #tpu.memory_space<vmem_shared>>) offsets(%dma_start3A_588 : memref<40xi32, #tpu.memory_space<vmem>>) semaphore(%dma_start3A_593 : memref<!tpu.dma_semaphore, #tpu.memory_space<semaphore_mem>>) {add = true}
      %mul3A_594 = arith.constant 10 : i32
      %mul3A_595 = arith.muli %scan3A_385, %mul3A_594 : i32
      %add3A_596 = arith.constant 4 : i32
      %add3A_597 = arith.addi %mul3A_595, %add3A_596 : i32
      %ge3A_598 = arith.constant 3 : i32
      %ge3A_599 = arith.cmpi sge, %add3A_597, %ge3A_598 : i32
      %convert_element_type3A_600 = arith.extui %ge3A_599 : i1 to i32
      %cond3A_601 = arith.constant 0 : i32
      %cond3A_602 = arith.cmpi ne, %convert_element_type3A_600, %cond3A_601 : i32
      scf.if %cond3A_602 {
        %dma_wait3A_912 = arith.constant 1 : i32
        %dma_wait3A_913 = arith.constant 0 : i32
        %dma_wait3A_914 = arith.constant 1 : i32
        %dma_wait3A_915 = arith.constant 0 : i32
        %dma_wait3A_916 = arith.constant 0 : i32
        %dma_wait3A_917 = tpu.memref_slice %arg7[%dma_wait3A_912, %dma_wait3A_915, %dma_wait3A_916] : memref<5x40x128xf32, #tpu.memory_space<vmem>> -> memref<1x40x128xf32, #tpu.memory_space<vmem>>
        %dma_wait3A_918 = tpu.memref_squeeze %dma_wait3A_917 : memref<1x40x128xf32, #tpu.memory_space<vmem>> -> memref<40x128xf32, #tpu.memory_space<vmem>>
        %dma_wait3A_919 = arith.constant 0 : i32
        %dma_wait3A_920 = tpu.memref_slice %arg6[%dma_wait3A_913, %dma_wait3A_919] : memref<10x40xi32, #tpu.memory_space<vmem>> -> memref<1x40xi32, #tpu.memory_space<vmem>>
        %dma_wait3A_921 = tpu.memref_squeeze %dma_wait3A_920 : memref<1x40xi32, #tpu.memory_space<vmem>> -> memref<40xi32, #tpu.memory_space<vmem>>
        %dma_wait3A_922 = arith.constant 0 : i32
        %dma_wait3A_923 = arith.constant 0 : i32
        %dma_wait3A_924 = tpu.memref_slice %arg9[%dma_wait3A_922, %dma_wait3A_923] : memref<10240x128xf32, #tpu.memory_space<vmem_shared>> -> memref<10240x128xf32, #tpu.memory_space<vmem_shared>>
        %dma_wait3A_925 = tpu.memref_slice %arg11[%dma_wait3A_914] : memref<5x!tpu.dma_semaphore, #tpu.memory_space<semaphore_mem>> -> memref<1x!tpu.dma_semaphore, #tpu.memory_space<semaphore_mem>>
        %dma_wait3A_926 = tpu.memref_squeeze %dma_wait3A_925 : memref<1x!tpu.dma_semaphore, #tpu.memory_space<semaphore_mem>> -> memref<!tpu.dma_semaphore, #tpu.memory_space<semaphore_mem>>
        tpu.wait_indirect_dma semaphore(%dma_wait3A_926 : memref<!tpu.dma_semaphore, #tpu.memory_space<semaphore_mem>>) src(%dma_wait3A_918 : memref<40x128xf32, #tpu.memory_space<vmem>>) dst(%dma_wait3A_924 : memref<10240x128xf32, #tpu.memory_space<vmem_shared>>)
      } else {
      }
      %add3A_603 = arith.constant 7 : i32
      %add3A_604 = arith.addi %add3A_597, %add3A_603 : i32
      %lt3A_605 = arith.constant 250 : i32
      %lt3A_606 = arith.cmpi slt, %add3A_604, %lt3A_605 : i32
      %convert_element_type3A_607 = arith.extui %lt3A_606 : i1 to i32
      %cond3A_608 = arith.constant 0 : i32
      %cond3A_609 = arith.cmpi ne, %convert_element_type3A_607, %cond3A_608 : i32
      scf.if %cond3A_609 {
        %add3A_912 = arith.constant 7 : i32
        %add3A_913 = arith.addi %add3A_597, %add3A_912 : i32
        %mul3A_914 = arith.constant 40 : i32
        %mul3A_915 = arith.muli %add3A_913, %mul3A_914 : i32
        %add3A_916 = arith.addi %mul3A_2, %mul3A_915 : i32
        %dma_start3A_917 = arith.constant 1 : i32
        %dma_start3A_918 = arith.constant 1 : i32
        %dma_start3A_919 = arith.constant 0 : i32
        %dma_start3A_920 = tpu.memref_slice %arg5[%dma_start3A_917, %dma_start3A_919] : memref<10x40xi32, #tpu.memory_space<vmem>> -> memref<1x40xi32, #tpu.memory_space<vmem>>
        %dma_start3A_921 = tpu.memref_squeeze %dma_start3A_920 : memref<1x40xi32, #tpu.memory_space<vmem>> -> memref<40xi32, #tpu.memory_space<vmem>>
        %dma_start3A_922 = tpu.memref_slice %arg3[%add3A_916] : memref<640000xi32, #tpu.memory_space<hbm>> -> memref<40xi32, #tpu.memory_space<hbm>>
        %dma_start3A_923 = tpu.memref_slice %arg12[%dma_start3A_918] : memref<10x!tpu.dma_semaphore, #tpu.memory_space<semaphore_mem>> -> memref<1x!tpu.dma_semaphore, #tpu.memory_space<semaphore_mem>>
        %dma_start3A_924 = tpu.memref_squeeze %dma_start3A_923 : memref<1x!tpu.dma_semaphore, #tpu.memory_space<semaphore_mem>> -> memref<!tpu.dma_semaphore, #tpu.memory_space<semaphore_mem>>
        %dma_start3A_925 = arith.constant 0 : i32
        %dma_start3A_926 = tpu.memref_slice %arg5[%dma_start3A_917, %dma_start3A_925] : memref<10x40xi32, #tpu.memory_space<vmem>> -> memref<1x40xi32, #tpu.memory_space<vmem>>
        %dma_start3A_927 = tpu.memref_squeeze %dma_start3A_926 : memref<1x40xi32, #tpu.memory_space<vmem>> -> memref<40xi32, #tpu.memory_space<vmem>>
        %dma_start3A_928 = tpu.memref_slice %arg3[%add3A_916] : memref<640000xi32, #tpu.memory_space<hbm>> -> memref<40xi32, #tpu.memory_space<hbm>>
        tpu.enqueue_dma source(%dma_start3A_928 : memref<40xi32, #tpu.memory_space<hbm>>) target(%dma_start3A_927 : memref<40xi32, #tpu.memory_space<vmem>>) target_semaphore(%dma_start3A_924 : memref<!tpu.dma_semaphore, #tpu.memory_space<semaphore_mem>>)
        %add3A_929 = arith.constant 320000 : i32
        %add3A_930 = arith.addi %add3A_929, %add3A_916 : i32
        %dma_start3A_931 = arith.constant 1 : i32
        %dma_start3A_932 = arith.constant 1 : i32
        %dma_start3A_933 = arith.constant 0 : i32
        %dma_start3A_934 = tpu.memref_slice %arg6[%dma_start3A_931, %dma_start3A_933] : memref<10x40xi32, #tpu.memory_space<vmem>> -> memref<1x40xi32, #tpu.memory_space<vmem>>
        %dma_start3A_935 = tpu.memref_squeeze %dma_start3A_934 : memref<1x40xi32, #tpu.memory_space<vmem>> -> memref<40xi32, #tpu.memory_space<vmem>>
        %dma_start3A_936 = tpu.memref_slice %arg3[%add3A_930] : memref<640000xi32, #tpu.memory_space<hbm>> -> memref<40xi32, #tpu.memory_space<hbm>>
        %dma_start3A_937 = tpu.memref_slice %arg13[%dma_start3A_932] : memref<10x!tpu.dma_semaphore, #tpu.memory_space<semaphore_mem>> -> memref<1x!tpu.dma_semaphore, #tpu.memory_space<semaphore_mem>>
        %dma_start3A_938 = tpu.memref_squeeze %dma_start3A_937 : memref<1x!tpu.dma_semaphore, #tpu.memory_space<semaphore_mem>> -> memref<!tpu.dma_semaphore, #tpu.memory_space<semaphore_mem>>
        %dma_start3A_939 = arith.constant 0 : i32
        %dma_start3A_940 = tpu.memref_slice %arg6[%dma_start3A_931, %dma_start3A_939] : memref<10x40xi32, #tpu.memory_space<vmem>> -> memref<1x40xi32, #tpu.memory_space<vmem>>
        %dma_start3A_941 = tpu.memref_squeeze %dma_start3A_940 : memref<1x40xi32, #tpu.memory_space<vmem>> -> memref<40xi32, #tpu.memory_space<vmem>>
        %dma_start3A_942 = tpu.memref_slice %arg3[%add3A_930] : memref<640000xi32, #tpu.memory_space<hbm>> -> memref<40xi32, #tpu.memory_space<hbm>>
        tpu.enqueue_dma source(%dma_start3A_942 : memref<40xi32, #tpu.memory_space<hbm>>) target(%dma_start3A_941 : memref<40xi32, #tpu.memory_space<vmem>>) target_semaphore(%dma_start3A_938 : memref<!tpu.dma_semaphore, #tpu.memory_space<semaphore_mem>>)
      } else {
      }
      %add3A_610 = arith.constant 2 : i32
      %add3A_611 = arith.addi %add3A_597, %add3A_610 : i32
      %lt3A_612 = arith.constant 250 : i32
      %lt3A_613 = arith.cmpi slt, %add3A_611, %lt3A_612 : i32
      %convert_element_type3A_614 = arith.extui %lt3A_613 : i1 to i32
      %cond3A_615 = arith.constant 0 : i32
      %cond3A_616 = arith.cmpi ne, %convert_element_type3A_614, %cond3A_615 : i32
      scf.if %cond3A_616 {
        %dma_wait3A_912 = arith.constant 6 : i32
        %dma_wait3A_913 = arith.constant 6 : i32
        %dma_wait3A_914 = arith.constant 0 : i32
        %dma_wait3A_915 = tpu.memref_slice %arg5[%dma_wait3A_912, %dma_wait3A_914] : memref<10x40xi32, #tpu.memory_space<vmem>> -> memref<1x40xi32, #tpu.memory_space<vmem>>
        %dma_wait3A_916 = tpu.memref_squeeze %dma_wait3A_915 : memref<1x40xi32, #tpu.memory_space<vmem>> -> memref<40xi32, #tpu.memory_space<vmem>>
        %dma_wait3A_917 = arith.constant 0 : i32
        %dma_wait3A_918 = tpu.memref_slice %arg3[%dma_wait3A_917] : memref<640000xi32, #tpu.memory_space<hbm>> -> memref<40xi32, #tpu.memory_space<hbm>>
        %dma_wait3A_919 = tpu.memref_slice %arg12[%dma_wait3A_913] : memref<10x!tpu.dma_semaphore, #tpu.memory_space<semaphore_mem>> -> memref<1x!tpu.dma_semaphore, #tpu.memory_space<semaphore_mem>>
        %dma_wait3A_920 = tpu.memref_squeeze %dma_wait3A_919 : memref<1x!tpu.dma_semaphore, #tpu.memory_space<semaphore_mem>> -> memref<!tpu.dma_semaphore, #tpu.memory_space<semaphore_mem>>
        %dma_wait3A_921 = arith.constant 0 : i32
        %dma_wait3A_922 = tpu.memref_slice %arg5[%dma_wait3A_912, %dma_wait3A_921] : memref<10x40xi32, #tpu.memory_space<vmem>> -> memref<1x40xi32, #tpu.memory_space<vmem>>
        %dma_wait3A_923 = tpu.memref_squeeze %dma_wait3A_922 : memref<1x40xi32, #tpu.memory_space<vmem>> -> memref<40xi32, #tpu.memory_space<vmem>>
        %dma_wait3A_924 = arith.constant 0 : i32
        %dma_wait3A_925 = tpu.memref_slice %arg3[%dma_wait3A_924] : memref<640000xi32, #tpu.memory_space<hbm>> -> memref<40xi32, #tpu.memory_space<hbm>>
        tpu.wait_dma2 semaphore(%dma_wait3A_920 : memref<!tpu.dma_semaphore, #tpu.memory_space<semaphore_mem>>) src(%dma_wait3A_925 : memref<40xi32, #tpu.memory_space<hbm>>) dst(%dma_wait3A_923 : memref<40xi32, #tpu.memory_space<vmem>>)
        %dma_wait3A_926 = arith.constant 6 : i32
        %dma_wait3A_927 = arith.constant 6 : i32
        %dma_wait3A_928 = arith.constant 0 : i32
        %dma_wait3A_929 = tpu.memref_slice %arg6[%dma_wait3A_926, %dma_wait3A_928] : memref<10x40xi32, #tpu.memory_space<vmem>> -> memref<1x40xi32, #tpu.memory_space<vmem>>
        %dma_wait3A_930 = tpu.memref_squeeze %dma_wait3A_929 : memref<1x40xi32, #tpu.memory_space<vmem>> -> memref<40xi32, #tpu.memory_space<vmem>>
        %dma_wait3A_931 = arith.constant 0 : i32
        %dma_wait3A_932 = tpu.memref_slice %arg3[%dma_wait3A_931] : memref<640000xi32, #tpu.memory_space<hbm>> -> memref<40xi32, #tpu.memory_space<hbm>>
        %dma_wait3A_933 = tpu.memref_slice %arg13[%dma_wait3A_927] : memref<10x!tpu.dma_semaphore, #tpu.memory_space<semaphore_mem>> -> memref<1x!tpu.dma_semaphore, #tpu.memory_space<semaphore_mem>>
        %dma_wait3A_934 = tpu.memref_squeeze %dma_wait3A_933 : memref<1x!tpu.dma_semaphore, #tpu.memory_space<semaphore_mem>> -> memref<!tpu.dma_semaphore, #tpu.memory_space<semaphore_mem>>
        %dma_wait3A_935 = arith.constant 0 : i32
        %dma_wait3A_936 = tpu.memref_slice %arg6[%dma_wait3A_926, %dma_wait3A_935] : memref<10x40xi32, #tpu.memory_space<vmem>> -> memref<1x40xi32, #tpu.memory_space<vmem>>
        %dma_wait3A_937 = tpu.memref_squeeze %dma_wait3A_936 : memref<1x40xi32, #tpu.memory_space<vmem>> -> memref<40xi32, #tpu.memory_space<vmem>>
        %dma_wait3A_938 = arith.constant 0 : i32
        %dma_wait3A_939 = tpu.memref_slice %arg3[%dma_wait3A_938] : memref<640000xi32, #tpu.memory_space<hbm>> -> memref<40xi32, #tpu.memory_space<hbm>>
        tpu.wait_dma2 semaphore(%dma_wait3A_934 : memref<!tpu.dma_semaphore, #tpu.memory_space<semaphore_mem>>) src(%dma_wait3A_939 : memref<40xi32, #tpu.memory_space<hbm>>) dst(%dma_wait3A_937 : memref<40xi32, #tpu.memory_space<vmem>>)
        %dma_start3A_940 = arith.constant 6 : i32
        %dma_start3A_941 = arith.constant 1 : i32
        %dma_start3A_942 = arith.constant 1 : i32
        %dma_start3A_943 = arith.constant 0 : i32
        %dma_start3A_944 = arith.constant 0 : i32
        %dma_start3A_945 = tpu.memref_slice %arg7[%dma_start3A_941, %dma_start3A_943, %dma_start3A_944] : memref<5x40x128xf32, #tpu.memory_space<vmem>> -> memref<1x40x128xf32, #tpu.memory_space<vmem>>
        %dma_start3A_946 = tpu.memref_squeeze %dma_start3A_945 : memref<1x40x128xf32, #tpu.memory_space<vmem>> -> memref<40x128xf32, #tpu.memory_space<vmem>>
        %dma_start3A_947 = arith.constant 0 : i32
        %dma_start3A_948 = tpu.memref_slice %arg5[%dma_start3A_940, %dma_start3A_947] : memref<10x40xi32, #tpu.memory_space<vmem>> -> memref<1x40xi32, #tpu.memory_space<vmem>>
        %dma_start3A_949 = tpu.memref_squeeze %dma_start3A_948 : memref<1x40xi32, #tpu.memory_space<vmem>> -> memref<40xi32, #tpu.memory_space<vmem>>
        %dma_start3A_950 = arith.constant 0 : i32
        %dma_start3A_951 = arith.constant 0 : i32
        %dma_start3A_952 = tpu.memref_slice %arg2[%dma_start3A_950, %dma_start3A_951] : memref<10240x128xf32, #tpu.memory_space<hbm>> -> memref<10240x128xf32, #tpu.memory_space<hbm>>
        %dma_start3A_953 = tpu.memref_slice %arg10[%dma_start3A_942] : memref<5x!tpu.dma_semaphore, #tpu.memory_space<semaphore_mem>> -> memref<1x!tpu.dma_semaphore, #tpu.memory_space<semaphore_mem>>
        %dma_start3A_954 = tpu.memref_squeeze %dma_start3A_953 : memref<1x!tpu.dma_semaphore, #tpu.memory_space<semaphore_mem>> -> memref<!tpu.dma_semaphore, #tpu.memory_space<semaphore_mem>>
        tpu.enqueue_indirect_dma source(%dma_start3A_952 : memref<10240x128xf32, #tpu.memory_space<hbm>>) target(%dma_start3A_946 : memref<40x128xf32, #tpu.memory_space<vmem>>) offsets(%dma_start3A_949 : memref<40xi32, #tpu.memory_space<vmem>>) semaphore(%dma_start3A_954 : memref<!tpu.dma_semaphore, #tpu.memory_space<semaphore_mem>>)
      } else {
      }
      %dma_wait3A_617 = arith.constant 0 : i32
      %dma_wait3A_618 = arith.constant 4 : i32
      %dma_wait3A_619 = arith.constant 4 : i32
      %dma_wait3A_620 = arith.constant 0 : i32
      %dma_wait3A_621 = arith.constant 0 : i32
      %dma_wait3A_622 = tpu.memref_slice %arg7[%dma_wait3A_618, %dma_wait3A_620, %dma_wait3A_621] : memref<5x40x128xf32, #tpu.memory_space<vmem>> -> memref<1x40x128xf32, #tpu.memory_space<vmem>>
      %dma_wait3A_623 = tpu.memref_squeeze %dma_wait3A_622 : memref<1x40x128xf32, #tpu.memory_space<vmem>> -> memref<40x128xf32, #tpu.memory_space<vmem>>
      %dma_wait3A_624 = arith.constant 0 : i32
      %dma_wait3A_625 = tpu.memref_slice %arg5[%dma_wait3A_617, %dma_wait3A_624] : memref<10x40xi32, #tpu.memory_space<vmem>> -> memref<1x40xi32, #tpu.memory_space<vmem>>
      %dma_wait3A_626 = tpu.memref_squeeze %dma_wait3A_625 : memref<1x40xi32, #tpu.memory_space<vmem>> -> memref<40xi32, #tpu.memory_space<vmem>>
      %dma_wait3A_627 = arith.constant 0 : i32
      %dma_wait3A_628 = arith.constant 0 : i32
      %dma_wait3A_629 = tpu.memref_slice %arg2[%dma_wait3A_627, %dma_wait3A_628] : memref<10240x128xf32, #tpu.memory_space<hbm>> -> memref<10240x128xf32, #tpu.memory_space<hbm>>
      %dma_wait3A_630 = tpu.memref_slice %arg10[%dma_wait3A_619] : memref<5x!tpu.dma_semaphore, #tpu.memory_space<semaphore_mem>> -> memref<1x!tpu.dma_semaphore, #tpu.memory_space<semaphore_mem>>
      %dma_wait3A_631 = tpu.memref_squeeze %dma_wait3A_630 : memref<1x!tpu.dma_semaphore, #tpu.memory_space<semaphore_mem>> -> memref<!tpu.dma_semaphore, #tpu.memory_space<semaphore_mem>>
      tpu.wait_indirect_dma semaphore(%dma_wait3A_631 : memref<!tpu.dma_semaphore, #tpu.memory_space<semaphore_mem>>) src(%dma_wait3A_629 : memref<10240x128xf32, #tpu.memory_space<hbm>>) dst(%dma_wait3A_623 : memref<40x128xf32, #tpu.memory_space<vmem>>)
      %dma_start3A_632 = arith.constant 4 : i32
      %dma_start3A_633 = arith.constant 4 : i32
      %dma_start3A_634 = arith.constant 4 : i32
      %dma_start3A_635 = arith.constant 0 : i32
      %dma_start3A_636 = arith.constant 0 : i32
      %dma_start3A_637 = tpu.memref_slice %arg7[%dma_start3A_632, %dma_start3A_635, %dma_start3A_636] : memref<5x40x128xf32, #tpu.memory_space<vmem>> -> memref<1x40x128xf32, #tpu.memory_space<vmem>>
      %dma_start3A_638 = tpu.memref_squeeze %dma_start3A_637 : memref<1x40x128xf32, #tpu.memory_space<vmem>> -> memref<40x128xf32, #tpu.memory_space<vmem>>
      %dma_start3A_639 = arith.constant 0 : i32
      %dma_start3A_640 = tpu.memref_slice %arg6[%dma_start3A_633, %dma_start3A_639] : memref<10x40xi32, #tpu.memory_space<vmem>> -> memref<1x40xi32, #tpu.memory_space<vmem>>
      %dma_start3A_641 = tpu.memref_squeeze %dma_start3A_640 : memref<1x40xi32, #tpu.memory_space<vmem>> -> memref<40xi32, #tpu.memory_space<vmem>>
      %dma_start3A_642 = arith.constant 0 : i32
      %dma_start3A_643 = arith.constant 0 : i32
      %dma_start3A_644 = tpu.memref_slice %arg9[%dma_start3A_642, %dma_start3A_643] : memref<10240x128xf32, #tpu.memory_space<vmem_shared>> -> memref<10240x128xf32, #tpu.memory_space<vmem_shared>>
      %dma_start3A_645 = tpu.memref_slice %arg11[%dma_start3A_634] : memref<5x!tpu.dma_semaphore, #tpu.memory_space<semaphore_mem>> -> memref<1x!tpu.dma_semaphore, #tpu.memory_space<semaphore_mem>>
      %dma_start3A_646 = tpu.memref_squeeze %dma_start3A_645 : memref<1x!tpu.dma_semaphore, #tpu.memory_space<semaphore_mem>> -> memref<!tpu.dma_semaphore, #tpu.memory_space<semaphore_mem>>
      tpu.enqueue_indirect_dma source(%dma_start3A_638 : memref<40x128xf32, #tpu.memory_space<vmem>>) target(%dma_start3A_644 : memref<10240x128xf32, #tpu.memory_space<vmem_shared>>) offsets(%dma_start3A_641 : memref<40xi32, #tpu.memory_space<vmem>>) semaphore(%dma_start3A_646 : memref<!tpu.dma_semaphore, #tpu.memory_space<semaphore_mem>>) {add = true}
      %mul3A_647 = arith.constant 10 : i32
      %mul3A_648 = arith.muli %scan3A_385, %mul3A_647 : i32
      %add3A_649 = arith.constant 5 : i32
      %add3A_650 = arith.addi %mul3A_648, %add3A_649 : i32
      %ge3A_651 = arith.constant 3 : i32
      %ge3A_652 = arith.cmpi sge, %add3A_650, %ge3A_651 : i32
      %convert_element_type3A_653 = arith.extui %ge3A_652 : i1 to i32
      %cond3A_654 = arith.constant 0 : i32
      %cond3A_655 = arith.cmpi ne, %convert_element_type3A_653, %cond3A_654 : i32
      scf.if %cond3A_655 {
        %dma_wait3A_912 = arith.constant 2 : i32
        %dma_wait3A_913 = arith.constant 0 : i32
        %dma_wait3A_914 = arith.constant 2 : i32
        %dma_wait3A_915 = arith.constant 0 : i32
        %dma_wait3A_916 = arith.constant 0 : i32
        %dma_wait3A_917 = tpu.memref_slice %arg7[%dma_wait3A_912, %dma_wait3A_915, %dma_wait3A_916] : memref<5x40x128xf32, #tpu.memory_space<vmem>> -> memref<1x40x128xf32, #tpu.memory_space<vmem>>
        %dma_wait3A_918 = tpu.memref_squeeze %dma_wait3A_917 : memref<1x40x128xf32, #tpu.memory_space<vmem>> -> memref<40x128xf32, #tpu.memory_space<vmem>>
        %dma_wait3A_919 = arith.constant 0 : i32
        %dma_wait3A_920 = tpu.memref_slice %arg6[%dma_wait3A_913, %dma_wait3A_919] : memref<10x40xi32, #tpu.memory_space<vmem>> -> memref<1x40xi32, #tpu.memory_space<vmem>>
        %dma_wait3A_921 = tpu.memref_squeeze %dma_wait3A_920 : memref<1x40xi32, #tpu.memory_space<vmem>> -> memref<40xi32, #tpu.memory_space<vmem>>
        %dma_wait3A_922 = arith.constant 0 : i32
        %dma_wait3A_923 = arith.constant 0 : i32
        %dma_wait3A_924 = tpu.memref_slice %arg9[%dma_wait3A_922, %dma_wait3A_923] : memref<10240x128xf32, #tpu.memory_space<vmem_shared>> -> memref<10240x128xf32, #tpu.memory_space<vmem_shared>>
        %dma_wait3A_925 = tpu.memref_slice %arg11[%dma_wait3A_914] : memref<5x!tpu.dma_semaphore, #tpu.memory_space<semaphore_mem>> -> memref<1x!tpu.dma_semaphore, #tpu.memory_space<semaphore_mem>>
        %dma_wait3A_926 = tpu.memref_squeeze %dma_wait3A_925 : memref<1x!tpu.dma_semaphore, #tpu.memory_space<semaphore_mem>> -> memref<!tpu.dma_semaphore, #tpu.memory_space<semaphore_mem>>
        tpu.wait_indirect_dma semaphore(%dma_wait3A_926 : memref<!tpu.dma_semaphore, #tpu.memory_space<semaphore_mem>>) src(%dma_wait3A_918 : memref<40x128xf32, #tpu.memory_space<vmem>>) dst(%dma_wait3A_924 : memref<10240x128xf32, #tpu.memory_space<vmem_shared>>)
      } else {
      }
      %add3A_656 = arith.constant 7 : i32
      %add3A_657 = arith.addi %add3A_650, %add3A_656 : i32
      %lt3A_658 = arith.constant 250 : i32
      %lt3A_659 = arith.cmpi slt, %add3A_657, %lt3A_658 : i32
      %convert_element_type3A_660 = arith.extui %lt3A_659 : i1 to i32
      %cond3A_661 = arith.constant 0 : i32
      %cond3A_662 = arith.cmpi ne, %convert_element_type3A_660, %cond3A_661 : i32
      scf.if %cond3A_662 {
        %add3A_912 = arith.constant 7 : i32
        %add3A_913 = arith.addi %add3A_650, %add3A_912 : i32
        %mul3A_914 = arith.constant 40 : i32
        %mul3A_915 = arith.muli %add3A_913, %mul3A_914 : i32
        %add3A_916 = arith.addi %mul3A_2, %mul3A_915 : i32
        %dma_start3A_917 = arith.constant 2 : i32
        %dma_start3A_918 = arith.constant 2 : i32
        %dma_start3A_919 = arith.constant 0 : i32
        %dma_start3A_920 = tpu.memref_slice %arg5[%dma_start3A_917, %dma_start3A_919] : memref<10x40xi32, #tpu.memory_space<vmem>> -> memref<1x40xi32, #tpu.memory_space<vmem>>
        %dma_start3A_921 = tpu.memref_squeeze %dma_start3A_920 : memref<1x40xi32, #tpu.memory_space<vmem>> -> memref<40xi32, #tpu.memory_space<vmem>>
        %dma_start3A_922 = tpu.memref_slice %arg3[%add3A_916] : memref<640000xi32, #tpu.memory_space<hbm>> -> memref<40xi32, #tpu.memory_space<hbm>>
        %dma_start3A_923 = tpu.memref_slice %arg12[%dma_start3A_918] : memref<10x!tpu.dma_semaphore, #tpu.memory_space<semaphore_mem>> -> memref<1x!tpu.dma_semaphore, #tpu.memory_space<semaphore_mem>>
        %dma_start3A_924 = tpu.memref_squeeze %dma_start3A_923 : memref<1x!tpu.dma_semaphore, #tpu.memory_space<semaphore_mem>> -> memref<!tpu.dma_semaphore, #tpu.memory_space<semaphore_mem>>
        %dma_start3A_925 = arith.constant 0 : i32
        %dma_start3A_926 = tpu.memref_slice %arg5[%dma_start3A_917, %dma_start3A_925] : memref<10x40xi32, #tpu.memory_space<vmem>> -> memref<1x40xi32, #tpu.memory_space<vmem>>
        %dma_start3A_927 = tpu.memref_squeeze %dma_start3A_926 : memref<1x40xi32, #tpu.memory_space<vmem>> -> memref<40xi32, #tpu.memory_space<vmem>>
        %dma_start3A_928 = tpu.memref_slice %arg3[%add3A_916] : memref<640000xi32, #tpu.memory_space<hbm>> -> memref<40xi32, #tpu.memory_space<hbm>>
        tpu.enqueue_dma source(%dma_start3A_928 : memref<40xi32, #tpu.memory_space<hbm>>) target(%dma_start3A_927 : memref<40xi32, #tpu.memory_space<vmem>>) target_semaphore(%dma_start3A_924 : memref<!tpu.dma_semaphore, #tpu.memory_space<semaphore_mem>>)
        %add3A_929 = arith.constant 320000 : i32
        %add3A_930 = arith.addi %add3A_929, %add3A_916 : i32
        %dma_start3A_931 = arith.constant 2 : i32
        %dma_start3A_932 = arith.constant 2 : i32
        %dma_start3A_933 = arith.constant 0 : i32
        %dma_start3A_934 = tpu.memref_slice %arg6[%dma_start3A_931, %dma_start3A_933] : memref<10x40xi32, #tpu.memory_space<vmem>> -> memref<1x40xi32, #tpu.memory_space<vmem>>
        %dma_start3A_935 = tpu.memref_squeeze %dma_start3A_934 : memref<1x40xi32, #tpu.memory_space<vmem>> -> memref<40xi32, #tpu.memory_space<vmem>>
        %dma_start3A_936 = tpu.memref_slice %arg3[%add3A_930] : memref<640000xi32, #tpu.memory_space<hbm>> -> memref<40xi32, #tpu.memory_space<hbm>>
        %dma_start3A_937 = tpu.memref_slice %arg13[%dma_start3A_932] : memref<10x!tpu.dma_semaphore, #tpu.memory_space<semaphore_mem>> -> memref<1x!tpu.dma_semaphore, #tpu.memory_space<semaphore_mem>>
        %dma_start3A_938 = tpu.memref_squeeze %dma_start3A_937 : memref<1x!tpu.dma_semaphore, #tpu.memory_space<semaphore_mem>> -> memref<!tpu.dma_semaphore, #tpu.memory_space<semaphore_mem>>
        %dma_start3A_939 = arith.constant 0 : i32
        %dma_start3A_940 = tpu.memref_slice %arg6[%dma_start3A_931, %dma_start3A_939] : memref<10x40xi32, #tpu.memory_space<vmem>> -> memref<1x40xi32, #tpu.memory_space<vmem>>
        %dma_start3A_941 = tpu.memref_squeeze %dma_start3A_940 : memref<1x40xi32, #tpu.memory_space<vmem>> -> memref<40xi32, #tpu.memory_space<vmem>>
        %dma_start3A_942 = tpu.memref_slice %arg3[%add3A_930] : memref<640000xi32, #tpu.memory_space<hbm>> -> memref<40xi32, #tpu.memory_space<hbm>>
        tpu.enqueue_dma source(%dma_start3A_942 : memref<40xi32, #tpu.memory_space<hbm>>) target(%dma_start3A_941 : memref<40xi32, #tpu.memory_space<vmem>>) target_semaphore(%dma_start3A_938 : memref<!tpu.dma_semaphore, #tpu.memory_space<semaphore_mem>>)
      } else {
      }
      %add3A_663 = arith.constant 2 : i32
      %add3A_664 = arith.addi %add3A_650, %add3A_663 : i32
      %lt3A_665 = arith.constant 250 : i32
      %lt3A_666 = arith.cmpi slt, %add3A_664, %lt3A_665 : i32
      %convert_element_type3A_667 = arith.extui %lt3A_666 : i1 to i32
      %cond3A_668 = arith.constant 0 : i32
      %cond3A_669 = arith.cmpi ne, %convert_element_type3A_667, %cond3A_668 : i32
      scf.if %cond3A_669 {
        %dma_wait3A_912 = arith.constant 7 : i32
        %dma_wait3A_913 = arith.constant 7 : i32
        %dma_wait3A_914 = arith.constant 0 : i32
        %dma_wait3A_915 = tpu.memref_slice %arg5[%dma_wait3A_912, %dma_wait3A_914] : memref<10x40xi32, #tpu.memory_space<vmem>> -> memref<1x40xi32, #tpu.memory_space<vmem>>
        %dma_wait3A_916 = tpu.memref_squeeze %dma_wait3A_915 : memref<1x40xi32, #tpu.memory_space<vmem>> -> memref<40xi32, #tpu.memory_space<vmem>>
        %dma_wait3A_917 = arith.constant 0 : i32
        %dma_wait3A_918 = tpu.memref_slice %arg3[%dma_wait3A_917] : memref<640000xi32, #tpu.memory_space<hbm>> -> memref<40xi32, #tpu.memory_space<hbm>>
        %dma_wait3A_919 = tpu.memref_slice %arg12[%dma_wait3A_913] : memref<10x!tpu.dma_semaphore, #tpu.memory_space<semaphore_mem>> -> memref<1x!tpu.dma_semaphore, #tpu.memory_space<semaphore_mem>>
        %dma_wait3A_920 = tpu.memref_squeeze %dma_wait3A_919 : memref<1x!tpu.dma_semaphore, #tpu.memory_space<semaphore_mem>> -> memref<!tpu.dma_semaphore, #tpu.memory_space<semaphore_mem>>
        %dma_wait3A_921 = arith.constant 0 : i32
        %dma_wait3A_922 = tpu.memref_slice %arg5[%dma_wait3A_912, %dma_wait3A_921] : memref<10x40xi32, #tpu.memory_space<vmem>> -> memref<1x40xi32, #tpu.memory_space<vmem>>
        %dma_wait3A_923 = tpu.memref_squeeze %dma_wait3A_922 : memref<1x40xi32, #tpu.memory_space<vmem>> -> memref<40xi32, #tpu.memory_space<vmem>>
        %dma_wait3A_924 = arith.constant 0 : i32
        %dma_wait3A_925 = tpu.memref_slice %arg3[%dma_wait3A_924] : memref<640000xi32, #tpu.memory_space<hbm>> -> memref<40xi32, #tpu.memory_space<hbm>>
        tpu.wait_dma2 semaphore(%dma_wait3A_920 : memref<!tpu.dma_semaphore, #tpu.memory_space<semaphore_mem>>) src(%dma_wait3A_925 : memref<40xi32, #tpu.memory_space<hbm>>) dst(%dma_wait3A_923 : memref<40xi32, #tpu.memory_space<vmem>>)
        %dma_wait3A_926 = arith.constant 7 : i32
        %dma_wait3A_927 = arith.constant 7 : i32
        %dma_wait3A_928 = arith.constant 0 : i32
        %dma_wait3A_929 = tpu.memref_slice %arg6[%dma_wait3A_926, %dma_wait3A_928] : memref<10x40xi32, #tpu.memory_space<vmem>> -> memref<1x40xi32, #tpu.memory_space<vmem>>
        %dma_wait3A_930 = tpu.memref_squeeze %dma_wait3A_929 : memref<1x40xi32, #tpu.memory_space<vmem>> -> memref<40xi32, #tpu.memory_space<vmem>>
        %dma_wait3A_931 = arith.constant 0 : i32
        %dma_wait3A_932 = tpu.memref_slice %arg3[%dma_wait3A_931] : memref<640000xi32, #tpu.memory_space<hbm>> -> memref<40xi32, #tpu.memory_space<hbm>>
        %dma_wait3A_933 = tpu.memref_slice %arg13[%dma_wait3A_927] : memref<10x!tpu.dma_semaphore, #tpu.memory_space<semaphore_mem>> -> memref<1x!tpu.dma_semaphore, #tpu.memory_space<semaphore_mem>>
        %dma_wait3A_934 = tpu.memref_squeeze %dma_wait3A_933 : memref<1x!tpu.dma_semaphore, #tpu.memory_space<semaphore_mem>> -> memref<!tpu.dma_semaphore, #tpu.memory_space<semaphore_mem>>
        %dma_wait3A_935 = arith.constant 0 : i32
        %dma_wait3A_936 = tpu.memref_slice %arg6[%dma_wait3A_926, %dma_wait3A_935] : memref<10x40xi32, #tpu.memory_space<vmem>> -> memref<1x40xi32, #tpu.memory_space<vmem>>
        %dma_wait3A_937 = tpu.memref_squeeze %dma_wait3A_936 : memref<1x40xi32, #tpu.memory_space<vmem>> -> memref<40xi32, #tpu.memory_space<vmem>>
        %dma_wait3A_938 = arith.constant 0 : i32
        %dma_wait3A_939 = tpu.memref_slice %arg3[%dma_wait3A_938] : memref<640000xi32, #tpu.memory_space<hbm>> -> memref<40xi32, #tpu.memory_space<hbm>>
        tpu.wait_dma2 semaphore(%dma_wait3A_934 : memref<!tpu.dma_semaphore, #tpu.memory_space<semaphore_mem>>) src(%dma_wait3A_939 : memref<40xi32, #tpu.memory_space<hbm>>) dst(%dma_wait3A_937 : memref<40xi32, #tpu.memory_space<vmem>>)
        %dma_start3A_940 = arith.constant 7 : i32
        %dma_start3A_941 = arith.constant 2 : i32
        %dma_start3A_942 = arith.constant 2 : i32
        %dma_start3A_943 = arith.constant 0 : i32
        %dma_start3A_944 = arith.constant 0 : i32
        %dma_start3A_945 = tpu.memref_slice %arg7[%dma_start3A_941, %dma_start3A_943, %dma_start3A_944] : memref<5x40x128xf32, #tpu.memory_space<vmem>> -> memref<1x40x128xf32, #tpu.memory_space<vmem>>
        %dma_start3A_946 = tpu.memref_squeeze %dma_start3A_945 : memref<1x40x128xf32, #tpu.memory_space<vmem>> -> memref<40x128xf32, #tpu.memory_space<vmem>>
        %dma_start3A_947 = arith.constant 0 : i32
        %dma_start3A_948 = tpu.memref_slice %arg5[%dma_start3A_940, %dma_start3A_947] : memref<10x40xi32, #tpu.memory_space<vmem>> -> memref<1x40xi32, #tpu.memory_space<vmem>>
        %dma_start3A_949 = tpu.memref_squeeze %dma_start3A_948 : memref<1x40xi32, #tpu.memory_space<vmem>> -> memref<40xi32, #tpu.memory_space<vmem>>
        %dma_start3A_950 = arith.constant 0 : i32
        %dma_start3A_951 = arith.constant 0 : i32
        %dma_start3A_952 = tpu.memref_slice %arg2[%dma_start3A_950, %dma_start3A_951] : memref<10240x128xf32, #tpu.memory_space<hbm>> -> memref<10240x128xf32, #tpu.memory_space<hbm>>
        %dma_start3A_953 = tpu.memref_slice %arg10[%dma_start3A_942] : memref<5x!tpu.dma_semaphore, #tpu.memory_space<semaphore_mem>> -> memref<1x!tpu.dma_semaphore, #tpu.memory_space<semaphore_mem>>
        %dma_start3A_954 = tpu.memref_squeeze %dma_start3A_953 : memref<1x!tpu.dma_semaphore, #tpu.memory_space<semaphore_mem>> -> memref<!tpu.dma_semaphore, #tpu.memory_space<semaphore_mem>>
        tpu.enqueue_indirect_dma source(%dma_start3A_952 : memref<10240x128xf32, #tpu.memory_space<hbm>>) target(%dma_start3A_946 : memref<40x128xf32, #tpu.memory_space<vmem>>) offsets(%dma_start3A_949 : memref<40xi32, #tpu.memory_space<vmem>>) semaphore(%dma_start3A_954 : memref<!tpu.dma_semaphore, #tpu.memory_space<semaphore_mem>>)
      } else {
      }
      %dma_wait3A_670 = arith.constant 0 : i32
      %dma_wait3A_671 = arith.constant 0 : i32
      %dma_wait3A_672 = arith.constant 0 : i32
      %dma_wait3A_673 = arith.constant 0 : i32
      %dma_wait3A_674 = arith.constant 0 : i32
      %dma_wait3A_675 = tpu.memref_slice %arg7[%dma_wait3A_671, %dma_wait3A_673, %dma_wait3A_674] : memref<5x40x128xf32, #tpu.memory_space<vmem>> -> memref<1x40x128xf32, #tpu.memory_space<vmem>>
      %dma_wait3A_676 = tpu.memref_squeeze %dma_wait3A_675 : memref<1x40x128xf32, #tpu.memory_space<vmem>> -> memref<40x128xf32, #tpu.memory_space<vmem>>
      %dma_wait3A_677 = arith.constant 0 : i32
      %dma_wait3A_678 = tpu.memref_slice %arg5[%dma_wait3A_670, %dma_wait3A_677] : memref<10x40xi32, #tpu.memory_space<vmem>> -> memref<1x40xi32, #tpu.memory_space<vmem>>
      %dma_wait3A_679 = tpu.memref_squeeze %dma_wait3A_678 : memref<1x40xi32, #tpu.memory_space<vmem>> -> memref<40xi32, #tpu.memory_space<vmem>>
      %dma_wait3A_680 = arith.constant 0 : i32
      %dma_wait3A_681 = arith.constant 0 : i32
      %dma_wait3A_682 = tpu.memref_slice %arg2[%dma_wait3A_680, %dma_wait3A_681] : memref<10240x128xf32, #tpu.memory_space<hbm>> -> memref<10240x128xf32, #tpu.memory_space<hbm>>
      %dma_wait3A_683 = tpu.memref_slice %arg10[%dma_wait3A_672] : memref<5x!tpu.dma_semaphore, #tpu.memory_space<semaphore_mem>> -> memref<1x!tpu.dma_semaphore, #tpu.memory_space<semaphore_mem>>
      %dma_wait3A_684 = tpu.memref_squeeze %dma_wait3A_683 : memref<1x!tpu.dma_semaphore, #tpu.memory_space<semaphore_mem>> -> memref<!tpu.dma_semaphore, #tpu.memory_space<semaphore_mem>>
      tpu.wait_indirect_dma semaphore(%dma_wait3A_684 : memref<!tpu.dma_semaphore, #tpu.memory_space<semaphore_mem>>) src(%dma_wait3A_682 : memref<10240x128xf32, #tpu.memory_space<hbm>>) dst(%dma_wait3A_676 : memref<40x128xf32, #tpu.memory_space<vmem>>)
      %dma_start3A_685 = arith.constant 0 : i32
      %dma_start3A_686 = arith.constant 5 : i32
      %dma_start3A_687 = arith.constant 0 : i32
      %dma_start3A_688 = arith.constant 0 : i32
      %dma_start3A_689 = arith.constant 0 : i32
      %dma_start3A_690 = tpu.memref_slice %arg7[%dma_start3A_685, %dma_start3A_688, %dma_start3A_689] : memref<5x40x128xf32, #tpu.memory_space<vmem>> -> memref<1x40x128xf32, #tpu.memory_space<vmem>>
      %dma_start3A_691 = tpu.memref_squeeze %dma_start3A_690 : memref<1x40x128xf32, #tpu.memory_space<vmem>> -> memref<40x128xf32, #tpu.memory_space<vmem>>
      %dma_start3A_692 = arith.constant 0 : i32
      %dma_start3A_693 = tpu.memref_slice %arg6[%dma_start3A_686, %dma_start3A_692] : memref<10x40xi32, #tpu.memory_space<vmem>> -> memref<1x40xi32, #tpu.memory_space<vmem>>
      %dma_start3A_694 = tpu.memref_squeeze %dma_start3A_693 : memref<1x40xi32, #tpu.memory_space<vmem>> -> memref<40xi32, #tpu.memory_space<vmem>>
      %dma_start3A_695 = arith.constant 0 : i32
      %dma_start3A_696 = arith.constant 0 : i32
      %dma_start3A_697 = tpu.memref_slice %arg9[%dma_start3A_695, %dma_start3A_696] : memref<10240x128xf32, #tpu.memory_space<vmem_shared>> -> memref<10240x128xf32, #tpu.memory_space<vmem_shared>>
      %dma_start3A_698 = tpu.memref_slice %arg11[%dma_start3A_687] : memref<5x!tpu.dma_semaphore, #tpu.memory_space<semaphore_mem>> -> memref<1x!tpu.dma_semaphore, #tpu.memory_space<semaphore_mem>>
      %dma_start3A_699 = tpu.memref_squeeze %dma_start3A_698 : memref<1x!tpu.dma_semaphore, #tpu.memory_space<semaphore_mem>> -> memref<!tpu.dma_semaphore, #tpu.memory_space<semaphore_mem>>
      tpu.enqueue_indirect_dma source(%dma_start3A_691 : memref<40x128xf32, #tpu.memory_space<vmem>>) target(%dma_start3A_697 : memref<10240x128xf32, #tpu.memory_space<vmem_shared>>) offsets(%dma_start3A_694 : memref<40xi32, #tpu.memory_space<vmem>>) semaphore(%dma_start3A_699 : memref<!tpu.dma_semaphore, #tpu.memory_space<semaphore_mem>>) {add = true}
      %mul3A_700 = arith.constant 10 : i32
      %mul3A_701 = arith.muli %scan3A_385, %mul3A_700 : i32
      %add3A_702 = arith.constant 6 : i32
      %add3A_703 = arith.addi %mul3A_701, %add3A_702 : i32
      %ge3A_704 = arith.constant 3 : i32
      %ge3A_705 = arith.cmpi sge, %add3A_703, %ge3A_704 : i32
      %convert_element_type3A_706 = arith.extui %ge3A_705 : i1 to i32
      %cond3A_707 = arith.constant 0 : i32
      %cond3A_708 = arith.cmpi ne, %convert_element_type3A_706, %cond3A_707 : i32
      scf.if %cond3A_708 {
        %dma_wait3A_912 = arith.constant 3 : i32
        %dma_wait3A_913 = arith.constant 0 : i32
        %dma_wait3A_914 = arith.constant 3 : i32
        %dma_wait3A_915 = arith.constant 0 : i32
        %dma_wait3A_916 = arith.constant 0 : i32
        %dma_wait3A_917 = tpu.memref_slice %arg7[%dma_wait3A_912, %dma_wait3A_915, %dma_wait3A_916] : memref<5x40x128xf32, #tpu.memory_space<vmem>> -> memref<1x40x128xf32, #tpu.memory_space<vmem>>
        %dma_wait3A_918 = tpu.memref_squeeze %dma_wait3A_917 : memref<1x40x128xf32, #tpu.memory_space<vmem>> -> memref<40x128xf32, #tpu.memory_space<vmem>>
        %dma_wait3A_919 = arith.constant 0 : i32
        %dma_wait3A_920 = tpu.memref_slice %arg6[%dma_wait3A_913, %dma_wait3A_919] : memref<10x40xi32, #tpu.memory_space<vmem>> -> memref<1x40xi32, #tpu.memory_space<vmem>>
        %dma_wait3A_921 = tpu.memref_squeeze %dma_wait3A_920 : memref<1x40xi32, #tpu.memory_space<vmem>> -> memref<40xi32, #tpu.memory_space<vmem>>
        %dma_wait3A_922 = arith.constant 0 : i32
        %dma_wait3A_923 = arith.constant 0 : i32
        %dma_wait3A_924 = tpu.memref_slice %arg9[%dma_wait3A_922, %dma_wait3A_923] : memref<10240x128xf32, #tpu.memory_space<vmem_shared>> -> memref<10240x128xf32, #tpu.memory_space<vmem_shared>>
        %dma_wait3A_925 = tpu.memref_slice %arg11[%dma_wait3A_914] : memref<5x!tpu.dma_semaphore, #tpu.memory_space<semaphore_mem>> -> memref<1x!tpu.dma_semaphore, #tpu.memory_space<semaphore_mem>>
        %dma_wait3A_926 = tpu.memref_squeeze %dma_wait3A_925 : memref<1x!tpu.dma_semaphore, #tpu.memory_space<semaphore_mem>> -> memref<!tpu.dma_semaphore, #tpu.memory_space<semaphore_mem>>
        tpu.wait_indirect_dma semaphore(%dma_wait3A_926 : memref<!tpu.dma_semaphore, #tpu.memory_space<semaphore_mem>>) src(%dma_wait3A_918 : memref<40x128xf32, #tpu.memory_space<vmem>>) dst(%dma_wait3A_924 : memref<10240x128xf32, #tpu.memory_space<vmem_shared>>)
      } else {
      }
      %add3A_709 = arith.constant 7 : i32
      %add3A_710 = arith.addi %add3A_703, %add3A_709 : i32
      %lt3A_711 = arith.constant 250 : i32
      %lt3A_712 = arith.cmpi slt, %add3A_710, %lt3A_711 : i32
      %convert_element_type3A_713 = arith.extui %lt3A_712 : i1 to i32
      %cond3A_714 = arith.constant 0 : i32
      %cond3A_715 = arith.cmpi ne, %convert_element_type3A_713, %cond3A_714 : i32
      scf.if %cond3A_715 {
        %add3A_912 = arith.constant 7 : i32
        %add3A_913 = arith.addi %add3A_703, %add3A_912 : i32
        %mul3A_914 = arith.constant 40 : i32
        %mul3A_915 = arith.muli %add3A_913, %mul3A_914 : i32
        %add3A_916 = arith.addi %mul3A_2, %mul3A_915 : i32
        %dma_start3A_917 = arith.constant 3 : i32
        %dma_start3A_918 = arith.constant 3 : i32
        %dma_start3A_919 = arith.constant 0 : i32
        %dma_start3A_920 = tpu.memref_slice %arg5[%dma_start3A_917, %dma_start3A_919] : memref<10x40xi32, #tpu.memory_space<vmem>> -> memref<1x40xi32, #tpu.memory_space<vmem>>
        %dma_start3A_921 = tpu.memref_squeeze %dma_start3A_920 : memref<1x40xi32, #tpu.memory_space<vmem>> -> memref<40xi32, #tpu.memory_space<vmem>>
        %dma_start3A_922 = tpu.memref_slice %arg3[%add3A_916] : memref<640000xi32, #tpu.memory_space<hbm>> -> memref<40xi32, #tpu.memory_space<hbm>>
        %dma_start3A_923 = tpu.memref_slice %arg12[%dma_start3A_918] : memref<10x!tpu.dma_semaphore, #tpu.memory_space<semaphore_mem>> -> memref<1x!tpu.dma_semaphore, #tpu.memory_space<semaphore_mem>>
        %dma_start3A_924 = tpu.memref_squeeze %dma_start3A_923 : memref<1x!tpu.dma_semaphore, #tpu.memory_space<semaphore_mem>> -> memref<!tpu.dma_semaphore, #tpu.memory_space<semaphore_mem>>
        %dma_start3A_925 = arith.constant 0 : i32
        %dma_start3A_926 = tpu.memref_slice %arg5[%dma_start3A_917, %dma_start3A_925] : memref<10x40xi32, #tpu.memory_space<vmem>> -> memref<1x40xi32, #tpu.memory_space<vmem>>
        %dma_start3A_927 = tpu.memref_squeeze %dma_start3A_926 : memref<1x40xi32, #tpu.memory_space<vmem>> -> memref<40xi32, #tpu.memory_space<vmem>>
        %dma_start3A_928 = tpu.memref_slice %arg3[%add3A_916] : memref<640000xi32, #tpu.memory_space<hbm>> -> memref<40xi32, #tpu.memory_space<hbm>>
        tpu.enqueue_dma source(%dma_start3A_928 : memref<40xi32, #tpu.memory_space<hbm>>) target(%dma_start3A_927 : memref<40xi32, #tpu.memory_space<vmem>>) target_semaphore(%dma_start3A_924 : memref<!tpu.dma_semaphore, #tpu.memory_space<semaphore_mem>>)
        %add3A_929 = arith.constant 320000 : i32
        %add3A_930 = arith.addi %add3A_929, %add3A_916 : i32
        %dma_start3A_931 = arith.constant 3 : i32
        %dma_start3A_932 = arith.constant 3 : i32
        %dma_start3A_933 = arith.constant 0 : i32
        %dma_start3A_934 = tpu.memref_slice %arg6[%dma_start3A_931, %dma_start3A_933] : memref<10x40xi32, #tpu.memory_space<vmem>> -> memref<1x40xi32, #tpu.memory_space<vmem>>
        %dma_start3A_935 = tpu.memref_squeeze %dma_start3A_934 : memref<1x40xi32, #tpu.memory_space<vmem>> -> memref<40xi32, #tpu.memory_space<vmem>>
        %dma_start3A_936 = tpu.memref_slice %arg3[%add3A_930] : memref<640000xi32, #tpu.memory_space<hbm>> -> memref<40xi32, #tpu.memory_space<hbm>>
        %dma_start3A_937 = tpu.memref_slice %arg13[%dma_start3A_932] : memref<10x!tpu.dma_semaphore, #tpu.memory_space<semaphore_mem>> -> memref<1x!tpu.dma_semaphore, #tpu.memory_space<semaphore_mem>>
        %dma_start3A_938 = tpu.memref_squeeze %dma_start3A_937 : memref<1x!tpu.dma_semaphore, #tpu.memory_space<semaphore_mem>> -> memref<!tpu.dma_semaphore, #tpu.memory_space<semaphore_mem>>
        %dma_start3A_939 = arith.constant 0 : i32
        %dma_start3A_940 = tpu.memref_slice %arg6[%dma_start3A_931, %dma_start3A_939] : memref<10x40xi32, #tpu.memory_space<vmem>> -> memref<1x40xi32, #tpu.memory_space<vmem>>
        %dma_start3A_941 = tpu.memref_squeeze %dma_start3A_940 : memref<1x40xi32, #tpu.memory_space<vmem>> -> memref<40xi32, #tpu.memory_space<vmem>>
        %dma_start3A_942 = tpu.memref_slice %arg3[%add3A_930] : memref<640000xi32, #tpu.memory_space<hbm>> -> memref<40xi32, #tpu.memory_space<hbm>>
        tpu.enqueue_dma source(%dma_start3A_942 : memref<40xi32, #tpu.memory_space<hbm>>) target(%dma_start3A_941 : memref<40xi32, #tpu.memory_space<vmem>>) target_semaphore(%dma_start3A_938 : memref<!tpu.dma_semaphore, #tpu.memory_space<semaphore_mem>>)
      } else {
      }
      %add3A_716 = arith.constant 2 : i32
      %add3A_717 = arith.addi %add3A_703, %add3A_716 : i32
      %lt3A_718 = arith.constant 250 : i32
      %lt3A_719 = arith.cmpi slt, %add3A_717, %lt3A_718 : i32
      %convert_element_type3A_720 = arith.extui %lt3A_719 : i1 to i32
      %cond3A_721 = arith.constant 0 : i32
      %cond3A_722 = arith.cmpi ne, %convert_element_type3A_720, %cond3A_721 : i32
      scf.if %cond3A_722 {
        %dma_wait3A_912 = arith.constant 8 : i32
        %dma_wait3A_913 = arith.constant 8 : i32
        %dma_wait3A_914 = arith.constant 0 : i32
        %dma_wait3A_915 = tpu.memref_slice %arg5[%dma_wait3A_912, %dma_wait3A_914] : memref<10x40xi32, #tpu.memory_space<vmem>> -> memref<1x40xi32, #tpu.memory_space<vmem>>
        %dma_wait3A_916 = tpu.memref_squeeze %dma_wait3A_915 : memref<1x40xi32, #tpu.memory_space<vmem>> -> memref<40xi32, #tpu.memory_space<vmem>>
        %dma_wait3A_917 = arith.constant 0 : i32
        %dma_wait3A_918 = tpu.memref_slice %arg3[%dma_wait3A_917] : memref<640000xi32, #tpu.memory_space<hbm>> -> memref<40xi32, #tpu.memory_space<hbm>>
        %dma_wait3A_919 = tpu.memref_slice %arg12[%dma_wait3A_913] : memref<10x!tpu.dma_semaphore, #tpu.memory_space<semaphore_mem>> -> memref<1x!tpu.dma_semaphore, #tpu.memory_space<semaphore_mem>>
        %dma_wait3A_920 = tpu.memref_squeeze %dma_wait3A_919 : memref<1x!tpu.dma_semaphore, #tpu.memory_space<semaphore_mem>> -> memref<!tpu.dma_semaphore, #tpu.memory_space<semaphore_mem>>
        %dma_wait3A_921 = arith.constant 0 : i32
        %dma_wait3A_922 = tpu.memref_slice %arg5[%dma_wait3A_912, %dma_wait3A_921] : memref<10x40xi32, #tpu.memory_space<vmem>> -> memref<1x40xi32, #tpu.memory_space<vmem>>
        %dma_wait3A_923 = tpu.memref_squeeze %dma_wait3A_922 : memref<1x40xi32, #tpu.memory_space<vmem>> -> memref<40xi32, #tpu.memory_space<vmem>>
        %dma_wait3A_924 = arith.constant 0 : i32
        %dma_wait3A_925 = tpu.memref_slice %arg3[%dma_wait3A_924] : memref<640000xi32, #tpu.memory_space<hbm>> -> memref<40xi32, #tpu.memory_space<hbm>>
        tpu.wait_dma2 semaphore(%dma_wait3A_920 : memref<!tpu.dma_semaphore, #tpu.memory_space<semaphore_mem>>) src(%dma_wait3A_925 : memref<40xi32, #tpu.memory_space<hbm>>) dst(%dma_wait3A_923 : memref<40xi32, #tpu.memory_space<vmem>>)
        %dma_wait3A_926 = arith.constant 8 : i32
        %dma_wait3A_927 = arith.constant 8 : i32
        %dma_wait3A_928 = arith.constant 0 : i32
        %dma_wait3A_929 = tpu.memref_slice %arg6[%dma_wait3A_926, %dma_wait3A_928] : memref<10x40xi32, #tpu.memory_space<vmem>> -> memref<1x40xi32, #tpu.memory_space<vmem>>
        %dma_wait3A_930 = tpu.memref_squeeze %dma_wait3A_929 : memref<1x40xi32, #tpu.memory_space<vmem>> -> memref<40xi32, #tpu.memory_space<vmem>>
        %dma_wait3A_931 = arith.constant 0 : i32
        %dma_wait3A_932 = tpu.memref_slice %arg3[%dma_wait3A_931] : memref<640000xi32, #tpu.memory_space<hbm>> -> memref<40xi32, #tpu.memory_space<hbm>>
        %dma_wait3A_933 = tpu.memref_slice %arg13[%dma_wait3A_927] : memref<10x!tpu.dma_semaphore, #tpu.memory_space<semaphore_mem>> -> memref<1x!tpu.dma_semaphore, #tpu.memory_space<semaphore_mem>>
        %dma_wait3A_934 = tpu.memref_squeeze %dma_wait3A_933 : memref<1x!tpu.dma_semaphore, #tpu.memory_space<semaphore_mem>> -> memref<!tpu.dma_semaphore, #tpu.memory_space<semaphore_mem>>
        %dma_wait3A_935 = arith.constant 0 : i32
        %dma_wait3A_936 = tpu.memref_slice %arg6[%dma_wait3A_926, %dma_wait3A_935] : memref<10x40xi32, #tpu.memory_space<vmem>> -> memref<1x40xi32, #tpu.memory_space<vmem>>
        %dma_wait3A_937 = tpu.memref_squeeze %dma_wait3A_936 : memref<1x40xi32, #tpu.memory_space<vmem>> -> memref<40xi32, #tpu.memory_space<vmem>>
        %dma_wait3A_938 = arith.constant 0 : i32
        %dma_wait3A_939 = tpu.memref_slice %arg3[%dma_wait3A_938] : memref<640000xi32, #tpu.memory_space<hbm>> -> memref<40xi32, #tpu.memory_space<hbm>>
        tpu.wait_dma2 semaphore(%dma_wait3A_934 : memref<!tpu.dma_semaphore, #tpu.memory_space<semaphore_mem>>) src(%dma_wait3A_939 : memref<40xi32, #tpu.memory_space<hbm>>) dst(%dma_wait3A_937 : memref<40xi32, #tpu.memory_space<vmem>>)
        %dma_start3A_940 = arith.constant 8 : i32
        %dma_start3A_941 = arith.constant 3 : i32
        %dma_start3A_942 = arith.constant 3 : i32
        %dma_start3A_943 = arith.constant 0 : i32
        %dma_start3A_944 = arith.constant 0 : i32
        %dma_start3A_945 = tpu.memref_slice %arg7[%dma_start3A_941, %dma_start3A_943, %dma_start3A_944] : memref<5x40x128xf32, #tpu.memory_space<vmem>> -> memref<1x40x128xf32, #tpu.memory_space<vmem>>
        %dma_start3A_946 = tpu.memref_squeeze %dma_start3A_945 : memref<1x40x128xf32, #tpu.memory_space<vmem>> -> memref<40x128xf32, #tpu.memory_space<vmem>>
        %dma_start3A_947 = arith.constant 0 : i32
        %dma_start3A_948 = tpu.memref_slice %arg5[%dma_start3A_940, %dma_start3A_947] : memref<10x40xi32, #tpu.memory_space<vmem>> -> memref<1x40xi32, #tpu.memory_space<vmem>>
        %dma_start3A_949 = tpu.memref_squeeze %dma_start3A_948 : memref<1x40xi32, #tpu.memory_space<vmem>> -> memref<40xi32, #tpu.memory_space<vmem>>
        %dma_start3A_950 = arith.constant 0 : i32
        %dma_start3A_951 = arith.constant 0 : i32
        %dma_start3A_952 = tpu.memref_slice %arg2[%dma_start3A_950, %dma_start3A_951] : memref<10240x128xf32, #tpu.memory_space<hbm>> -> memref<10240x128xf32, #tpu.memory_space<hbm>>
        %dma_start3A_953 = tpu.memref_slice %arg10[%dma_start3A_942] : memref<5x!tpu.dma_semaphore, #tpu.memory_space<semaphore_mem>> -> memref<1x!tpu.dma_semaphore, #tpu.memory_space<semaphore_mem>>
        %dma_start3A_954 = tpu.memref_squeeze %dma_start3A_953 : memref<1x!tpu.dma_semaphore, #tpu.memory_space<semaphore_mem>> -> memref<!tpu.dma_semaphore, #tpu.memory_space<semaphore_mem>>
        tpu.enqueue_indirect_dma source(%dma_start3A_952 : memref<10240x128xf32, #tpu.memory_space<hbm>>) target(%dma_start3A_946 : memref<40x128xf32, #tpu.memory_space<vmem>>) offsets(%dma_start3A_949 : memref<40xi32, #tpu.memory_space<vmem>>) semaphore(%dma_start3A_954 : memref<!tpu.dma_semaphore, #tpu.memory_space<semaphore_mem>>)
      } else {
      }
      %dma_wait3A_723 = arith.constant 0 : i32
      %dma_wait3A_724 = arith.constant 1 : i32
      %dma_wait3A_725 = arith.constant 1 : i32
      %dma_wait3A_726 = arith.constant 0 : i32
      %dma_wait3A_727 = arith.constant 0 : i32
      %dma_wait3A_728 = tpu.memref_slice %arg7[%dma_wait3A_724, %dma_wait3A_726, %dma_wait3A_727] : memref<5x40x128xf32, #tpu.memory_space<vmem>> -> memref<1x40x128xf32, #tpu.memory_space<vmem>>
      %dma_wait3A_729 = tpu.memref_squeeze %dma_wait3A_728 : memref<1x40x128xf32, #tpu.memory_space<vmem>> -> memref<40x128xf32, #tpu.memory_space<vmem>>
      %dma_wait3A_730 = arith.constant 0 : i32
      %dma_wait3A_731 = tpu.memref_slice %arg5[%dma_wait3A_723, %dma_wait3A_730] : memref<10x40xi32, #tpu.memory_space<vmem>> -> memref<1x40xi32, #tpu.memory_space<vmem>>
      %dma_wait3A_732 = tpu.memref_squeeze %dma_wait3A_731 : memref<1x40xi32, #tpu.memory_space<vmem>> -> memref<40xi32, #tpu.memory_space<vmem>>
      %dma_wait3A_733 = arith.constant 0 : i32
      %dma_wait3A_734 = arith.constant 0 : i32
      %dma_wait3A_735 = tpu.memref_slice %arg2[%dma_wait3A_733, %dma_wait3A_734] : memref<10240x128xf32, #tpu.memory_space<hbm>> -> memref<10240x128xf32, #tpu.memory_space<hbm>>
      %dma_wait3A_736 = tpu.memref_slice %arg10[%dma_wait3A_725] : memref<5x!tpu.dma_semaphore, #tpu.memory_space<semaphore_mem>> -> memref<1x!tpu.dma_semaphore, #tpu.memory_space<semaphore_mem>>
      %dma_wait3A_737 = tpu.memref_squeeze %dma_wait3A_736 : memref<1x!tpu.dma_semaphore, #tpu.memory_space<semaphore_mem>> -> memref<!tpu.dma_semaphore, #tpu.memory_space<semaphore_mem>>
      tpu.wait_indirect_dma semaphore(%dma_wait3A_737 : memref<!tpu.dma_semaphore, #tpu.memory_space<semaphore_mem>>) src(%dma_wait3A_735 : memref<10240x128xf32, #tpu.memory_space<hbm>>) dst(%dma_wait3A_729 : memref<40x128xf32, #tpu.memory_space<vmem>>)
      %dma_start3A_738 = arith.constant 1 : i32
      %dma_start3A_739 = arith.constant 6 : i32
      %dma_start3A_740 = arith.constant 1 : i32
      %dma_start3A_741 = arith.constant 0 : i32
      %dma_start3A_742 = arith.constant 0 : i32
      %dma_start3A_743 = tpu.memref_slice %arg7[%dma_start3A_738, %dma_start3A_741, %dma_start3A_742] : memref<5x40x128xf32, #tpu.memory_space<vmem>> -> memref<1x40x128xf32, #tpu.memory_space<vmem>>
      %dma_start3A_744 = tpu.memref_squeeze %dma_start3A_743 : memref<1x40x128xf32, #tpu.memory_space<vmem>> -> memref<40x128xf32, #tpu.memory_space<vmem>>
      %dma_start3A_745 = arith.constant 0 : i32
      %dma_start3A_746 = tpu.memref_slice %arg6[%dma_start3A_739, %dma_start3A_745] : memref<10x40xi32, #tpu.memory_space<vmem>> -> memref<1x40xi32, #tpu.memory_space<vmem>>
      %dma_start3A_747 = tpu.memref_squeeze %dma_start3A_746 : memref<1x40xi32, #tpu.memory_space<vmem>> -> memref<40xi32, #tpu.memory_space<vmem>>
      %dma_start3A_748 = arith.constant 0 : i32
      %dma_start3A_749 = arith.constant 0 : i32
      %dma_start3A_750 = tpu.memref_slice %arg9[%dma_start3A_748, %dma_start3A_749] : memref<10240x128xf32, #tpu.memory_space<vmem_shared>> -> memref<10240x128xf32, #tpu.memory_space<vmem_shared>>
      %dma_start3A_751 = tpu.memref_slice %arg11[%dma_start3A_740] : memref<5x!tpu.dma_semaphore, #tpu.memory_space<semaphore_mem>> -> memref<1x!tpu.dma_semaphore, #tpu.memory_space<semaphore_mem>>
      %dma_start3A_752 = tpu.memref_squeeze %dma_start3A_751 : memref<1x!tpu.dma_semaphore, #tpu.memory_space<semaphore_mem>> -> memref<!tpu.dma_semaphore, #tpu.memory_space<semaphore_mem>>
      tpu.enqueue_indirect_dma source(%dma_start3A_744 : memref<40x128xf32, #tpu.memory_space<vmem>>) target(%dma_start3A_750 : memref<10240x128xf32, #tpu.memory_space<vmem_shared>>) offsets(%dma_start3A_747 : memref<40xi32, #tpu.memory_space<vmem>>) semaphore(%dma_start3A_752 : memref<!tpu.dma_semaphore, #tpu.memory_space<semaphore_mem>>) {add = true}
      %mul3A_753 = arith.constant 10 : i32
      %mul3A_754 = arith.muli %scan3A_385, %mul3A_753 : i32
      %add3A_755 = arith.constant 7 : i32
      %add3A_756 = arith.addi %mul3A_754, %add3A_755 : i32
      %ge3A_757 = arith.constant 3 : i32
      %ge3A_758 = arith.cmpi sge, %add3A_756, %ge3A_757 : i32
      %convert_element_type3A_759 = arith.extui %ge3A_758 : i1 to i32
      %cond3A_760 = arith.constant 0 : i32
      %cond3A_761 = arith.cmpi ne, %convert_element_type3A_759, %cond3A_760 : i32
      scf.if %cond3A_761 {
        %dma_wait3A_912 = arith.constant 4 : i32
        %dma_wait3A_913 = arith.constant 0 : i32
        %dma_wait3A_914 = arith.constant 4 : i32
        %dma_wait3A_915 = arith.constant 0 : i32
        %dma_wait3A_916 = arith.constant 0 : i32
        %dma_wait3A_917 = tpu.memref_slice %arg7[%dma_wait3A_912, %dma_wait3A_915, %dma_wait3A_916] : memref<5x40x128xf32, #tpu.memory_space<vmem>> -> memref<1x40x128xf32, #tpu.memory_space<vmem>>
        %dma_wait3A_918 = tpu.memref_squeeze %dma_wait3A_917 : memref<1x40x128xf32, #tpu.memory_space<vmem>> -> memref<40x128xf32, #tpu.memory_space<vmem>>
        %dma_wait3A_919 = arith.constant 0 : i32
        %dma_wait3A_920 = tpu.memref_slice %arg6[%dma_wait3A_913, %dma_wait3A_919] : memref<10x40xi32, #tpu.memory_space<vmem>> -> memref<1x40xi32, #tpu.memory_space<vmem>>
        %dma_wait3A_921 = tpu.memref_squeeze %dma_wait3A_920 : memref<1x40xi32, #tpu.memory_space<vmem>> -> memref<40xi32, #tpu.memory_space<vmem>>
        %dma_wait3A_922 = arith.constant 0 : i32
        %dma_wait3A_923 = arith.constant 0 : i32
        %dma_wait3A_924 = tpu.memref_slice %arg9[%dma_wait3A_922, %dma_wait3A_923] : memref<10240x128xf32, #tpu.memory_space<vmem_shared>> -> memref<10240x128xf32, #tpu.memory_space<vmem_shared>>
        %dma_wait3A_925 = tpu.memref_slice %arg11[%dma_wait3A_914] : memref<5x!tpu.dma_semaphore, #tpu.memory_space<semaphore_mem>> -> memref<1x!tpu.dma_semaphore, #tpu.memory_space<semaphore_mem>>
        %dma_wait3A_926 = tpu.memref_squeeze %dma_wait3A_925 : memref<1x!tpu.dma_semaphore, #tpu.memory_space<semaphore_mem>> -> memref<!tpu.dma_semaphore, #tpu.memory_space<semaphore_mem>>
        tpu.wait_indirect_dma semaphore(%dma_wait3A_926 : memref<!tpu.dma_semaphore, #tpu.memory_space<semaphore_mem>>) src(%dma_wait3A_918 : memref<40x128xf32, #tpu.memory_space<vmem>>) dst(%dma_wait3A_924 : memref<10240x128xf32, #tpu.memory_space<vmem_shared>>)
      } else {
      }
      %add3A_762 = arith.constant 7 : i32
      %add3A_763 = arith.addi %add3A_756, %add3A_762 : i32
      %lt3A_764 = arith.constant 250 : i32
      %lt3A_765 = arith.cmpi slt, %add3A_763, %lt3A_764 : i32
      %convert_element_type3A_766 = arith.extui %lt3A_765 : i1 to i32
      %cond3A_767 = arith.constant 0 : i32
      %cond3A_768 = arith.cmpi ne, %convert_element_type3A_766, %cond3A_767 : i32
      scf.if %cond3A_768 {
        %add3A_912 = arith.constant 7 : i32
        %add3A_913 = arith.addi %add3A_756, %add3A_912 : i32
        %mul3A_914 = arith.constant 40 : i32
        %mul3A_915 = arith.muli %add3A_913, %mul3A_914 : i32
        %add3A_916 = arith.addi %mul3A_2, %mul3A_915 : i32
        %dma_start3A_917 = arith.constant 4 : i32
        %dma_start3A_918 = arith.constant 4 : i32
        %dma_start3A_919 = arith.constant 0 : i32
        %dma_start3A_920 = tpu.memref_slice %arg5[%dma_start3A_917, %dma_start3A_919] : memref<10x40xi32, #tpu.memory_space<vmem>> -> memref<1x40xi32, #tpu.memory_space<vmem>>
        %dma_start3A_921 = tpu.memref_squeeze %dma_start3A_920 : memref<1x40xi32, #tpu.memory_space<vmem>> -> memref<40xi32, #tpu.memory_space<vmem>>
        %dma_start3A_922 = tpu.memref_slice %arg3[%add3A_916] : memref<640000xi32, #tpu.memory_space<hbm>> -> memref<40xi32, #tpu.memory_space<hbm>>
        %dma_start3A_923 = tpu.memref_slice %arg12[%dma_start3A_918] : memref<10x!tpu.dma_semaphore, #tpu.memory_space<semaphore_mem>> -> memref<1x!tpu.dma_semaphore, #tpu.memory_space<semaphore_mem>>
        %dma_start3A_924 = tpu.memref_squeeze %dma_start3A_923 : memref<1x!tpu.dma_semaphore, #tpu.memory_space<semaphore_mem>> -> memref<!tpu.dma_semaphore, #tpu.memory_space<semaphore_mem>>
        %dma_start3A_925 = arith.constant 0 : i32
        %dma_start3A_926 = tpu.memref_slice %arg5[%dma_start3A_917, %dma_start3A_925] : memref<10x40xi32, #tpu.memory_space<vmem>> -> memref<1x40xi32, #tpu.memory_space<vmem>>
        %dma_start3A_927 = tpu.memref_squeeze %dma_start3A_926 : memref<1x40xi32, #tpu.memory_space<vmem>> -> memref<40xi32, #tpu.memory_space<vmem>>
        %dma_start3A_928 = tpu.memref_slice %arg3[%add3A_916] : memref<640000xi32, #tpu.memory_space<hbm>> -> memref<40xi32, #tpu.memory_space<hbm>>
        tpu.enqueue_dma source(%dma_start3A_928 : memref<40xi32, #tpu.memory_space<hbm>>) target(%dma_start3A_927 : memref<40xi32, #tpu.memory_space<vmem>>) target_semaphore(%dma_start3A_924 : memref<!tpu.dma_semaphore, #tpu.memory_space<semaphore_mem>>)
        %add3A_929 = arith.constant 320000 : i32
        %add3A_930 = arith.addi %add3A_929, %add3A_916 : i32
        %dma_start3A_931 = arith.constant 4 : i32
        %dma_start3A_932 = arith.constant 4 : i32
        %dma_start3A_933 = arith.constant 0 : i32
        %dma_start3A_934 = tpu.memref_slice %arg6[%dma_start3A_931, %dma_start3A_933] : memref<10x40xi32, #tpu.memory_space<vmem>> -> memref<1x40xi32, #tpu.memory_space<vmem>>
        %dma_start3A_935 = tpu.memref_squeeze %dma_start3A_934 : memref<1x40xi32, #tpu.memory_space<vmem>> -> memref<40xi32, #tpu.memory_space<vmem>>
        %dma_start3A_936 = tpu.memref_slice %arg3[%add3A_930] : memref<640000xi32, #tpu.memory_space<hbm>> -> memref<40xi32, #tpu.memory_space<hbm>>
        %dma_start3A_937 = tpu.memref_slice %arg13[%dma_start3A_932] : memref<10x!tpu.dma_semaphore, #tpu.memory_space<semaphore_mem>> -> memref<1x!tpu.dma_semaphore, #tpu.memory_space<semaphore_mem>>
        %dma_start3A_938 = tpu.memref_squeeze %dma_start3A_937 : memref<1x!tpu.dma_semaphore, #tpu.memory_space<semaphore_mem>> -> memref<!tpu.dma_semaphore, #tpu.memory_space<semaphore_mem>>
        %dma_start3A_939 = arith.constant 0 : i32
        %dma_start3A_940 = tpu.memref_slice %arg6[%dma_start3A_931, %dma_start3A_939] : memref<10x40xi32, #tpu.memory_space<vmem>> -> memref<1x40xi32, #tpu.memory_space<vmem>>
        %dma_start3A_941 = tpu.memref_squeeze %dma_start3A_940 : memref<1x40xi32, #tpu.memory_space<vmem>> -> memref<40xi32, #tpu.memory_space<vmem>>
        %dma_start3A_942 = tpu.memref_slice %arg3[%add3A_930] : memref<640000xi32, #tpu.memory_space<hbm>> -> memref<40xi32, #tpu.memory_space<hbm>>
        tpu.enqueue_dma source(%dma_start3A_942 : memref<40xi32, #tpu.memory_space<hbm>>) target(%dma_start3A_941 : memref<40xi32, #tpu.memory_space<vmem>>) target_semaphore(%dma_start3A_938 : memref<!tpu.dma_semaphore, #tpu.memory_space<semaphore_mem>>)
      } else {
      }
      %add3A_769 = arith.constant 2 : i32
      %add3A_770 = arith.addi %add3A_756, %add3A_769 : i32
      %lt3A_771 = arith.constant 250 : i32
      %lt3A_772 = arith.cmpi slt, %add3A_770, %lt3A_771 : i32
      %convert_element_type3A_773 = arith.extui %lt3A_772 : i1 to i32
      %cond3A_774 = arith.constant 0 : i32
      %cond3A_775 = arith.cmpi ne, %convert_element_type3A_773, %cond3A_774 : i32
      scf.if %cond3A_775 {
        %dma_wait3A_912 = arith.constant 9 : i32
        %dma_wait3A_913 = arith.constant 9 : i32
        %dma_wait3A_914 = arith.constant 0 : i32
        %dma_wait3A_915 = tpu.memref_slice %arg5[%dma_wait3A_912, %dma_wait3A_914] : memref<10x40xi32, #tpu.memory_space<vmem>> -> memref<1x40xi32, #tpu.memory_space<vmem>>
        %dma_wait3A_916 = tpu.memref_squeeze %dma_wait3A_915 : memref<1x40xi32, #tpu.memory_space<vmem>> -> memref<40xi32, #tpu.memory_space<vmem>>
        %dma_wait3A_917 = arith.constant 0 : i32
        %dma_wait3A_918 = tpu.memref_slice %arg3[%dma_wait3A_917] : memref<640000xi32, #tpu.memory_space<hbm>> -> memref<40xi32, #tpu.memory_space<hbm>>
        %dma_wait3A_919 = tpu.memref_slice %arg12[%dma_wait3A_913] : memref<10x!tpu.dma_semaphore, #tpu.memory_space<semaphore_mem>> -> memref<1x!tpu.dma_semaphore, #tpu.memory_space<semaphore_mem>>
        %dma_wait3A_920 = tpu.memref_squeeze %dma_wait3A_919 : memref<1x!tpu.dma_semaphore, #tpu.memory_space<semaphore_mem>> -> memref<!tpu.dma_semaphore, #tpu.memory_space<semaphore_mem>>
        %dma_wait3A_921 = arith.constant 0 : i32
        %dma_wait3A_922 = tpu.memref_slice %arg5[%dma_wait3A_912, %dma_wait3A_921] : memref<10x40xi32, #tpu.memory_space<vmem>> -> memref<1x40xi32, #tpu.memory_space<vmem>>
        %dma_wait3A_923 = tpu.memref_squeeze %dma_wait3A_922 : memref<1x40xi32, #tpu.memory_space<vmem>> -> memref<40xi32, #tpu.memory_space<vmem>>
        %dma_wait3A_924 = arith.constant 0 : i32
        %dma_wait3A_925 = tpu.memref_slice %arg3[%dma_wait3A_924] : memref<640000xi32, #tpu.memory_space<hbm>> -> memref<40xi32, #tpu.memory_space<hbm>>
        tpu.wait_dma2 semaphore(%dma_wait3A_920 : memref<!tpu.dma_semaphore, #tpu.memory_space<semaphore_mem>>) src(%dma_wait3A_925 : memref<40xi32, #tpu.memory_space<hbm>>) dst(%dma_wait3A_923 : memref<40xi32, #tpu.memory_space<vmem>>)
        %dma_wait3A_926 = arith.constant 9 : i32
        %dma_wait3A_927 = arith.constant 9 : i32
        %dma_wait3A_928 = arith.constant 0 : i32
        %dma_wait3A_929 = tpu.memref_slice %arg6[%dma_wait3A_926, %dma_wait3A_928] : memref<10x40xi32, #tpu.memory_space<vmem>> -> memref<1x40xi32, #tpu.memory_space<vmem>>
        %dma_wait3A_930 = tpu.memref_squeeze %dma_wait3A_929 : memref<1x40xi32, #tpu.memory_space<vmem>> -> memref<40xi32, #tpu.memory_space<vmem>>
        %dma_wait3A_931 = arith.constant 0 : i32
        %dma_wait3A_932 = tpu.memref_slice %arg3[%dma_wait3A_931] : memref<640000xi32, #tpu.memory_space<hbm>> -> memref<40xi32, #tpu.memory_space<hbm>>
        %dma_wait3A_933 = tpu.memref_slice %arg13[%dma_wait3A_927] : memref<10x!tpu.dma_semaphore, #tpu.memory_space<semaphore_mem>> -> memref<1x!tpu.dma_semaphore, #tpu.memory_space<semaphore_mem>>
        %dma_wait3A_934 = tpu.memref_squeeze %dma_wait3A_933 : memref<1x!tpu.dma_semaphore, #tpu.memory_space<semaphore_mem>> -> memref<!tpu.dma_semaphore, #tpu.memory_space<semaphore_mem>>
        %dma_wait3A_935 = arith.constant 0 : i32
        %dma_wait3A_936 = tpu.memref_slice %arg6[%dma_wait3A_926, %dma_wait3A_935] : memref<10x40xi32, #tpu.memory_space<vmem>> -> memref<1x40xi32, #tpu.memory_space<vmem>>
        %dma_wait3A_937 = tpu.memref_squeeze %dma_wait3A_936 : memref<1x40xi32, #tpu.memory_space<vmem>> -> memref<40xi32, #tpu.memory_space<vmem>>
        %dma_wait3A_938 = arith.constant 0 : i32
        %dma_wait3A_939 = tpu.memref_slice %arg3[%dma_wait3A_938] : memref<640000xi32, #tpu.memory_space<hbm>> -> memref<40xi32, #tpu.memory_space<hbm>>
        tpu.wait_dma2 semaphore(%dma_wait3A_934 : memref<!tpu.dma_semaphore, #tpu.memory_space<semaphore_mem>>) src(%dma_wait3A_939 : memref<40xi32, #tpu.memory_space<hbm>>) dst(%dma_wait3A_937 : memref<40xi32, #tpu.memory_space<vmem>>)
        %dma_start3A_940 = arith.constant 9 : i32
        %dma_start3A_941 = arith.constant 4 : i32
        %dma_start3A_942 = arith.constant 4 : i32
        %dma_start3A_943 = arith.constant 0 : i32
        %dma_start3A_944 = arith.constant 0 : i32
        %dma_start3A_945 = tpu.memref_slice %arg7[%dma_start3A_941, %dma_start3A_943, %dma_start3A_944] : memref<5x40x128xf32, #tpu.memory_space<vmem>> -> memref<1x40x128xf32, #tpu.memory_space<vmem>>
        %dma_start3A_946 = tpu.memref_squeeze %dma_start3A_945 : memref<1x40x128xf32, #tpu.memory_space<vmem>> -> memref<40x128xf32, #tpu.memory_space<vmem>>
        %dma_start3A_947 = arith.constant 0 : i32
        %dma_start3A_948 = tpu.memref_slice %arg5[%dma_start3A_940, %dma_start3A_947] : memref<10x40xi32, #tpu.memory_space<vmem>> -> memref<1x40xi32, #tpu.memory_space<vmem>>
        %dma_start3A_949 = tpu.memref_squeeze %dma_start3A_948 : memref<1x40xi32, #tpu.memory_space<vmem>> -> memref<40xi32, #tpu.memory_space<vmem>>
        %dma_start3A_950 = arith.constant 0 : i32
        %dma_start3A_951 = arith.constant 0 : i32
        %dma_start3A_952 = tpu.memref_slice %arg2[%dma_start3A_950, %dma_start3A_951] : memref<10240x128xf32, #tpu.memory_space<hbm>> -> memref<10240x128xf32, #tpu.memory_space<hbm>>
        %dma_start3A_953 = tpu.memref_slice %arg10[%dma_start3A_942] : memref<5x!tpu.dma_semaphore, #tpu.memory_space<semaphore_mem>> -> memref<1x!tpu.dma_semaphore, #tpu.memory_space<semaphore_mem>>
        %dma_start3A_954 = tpu.memref_squeeze %dma_start3A_953 : memref<1x!tpu.dma_semaphore, #tpu.memory_space<semaphore_mem>> -> memref<!tpu.dma_semaphore, #tpu.memory_space<semaphore_mem>>
        tpu.enqueue_indirect_dma source(%dma_start3A_952 : memref<10240x128xf32, #tpu.memory_space<hbm>>) target(%dma_start3A_946 : memref<40x128xf32, #tpu.memory_space<vmem>>) offsets(%dma_start3A_949 : memref<40xi32, #tpu.memory_space<vmem>>) semaphore(%dma_start3A_954 : memref<!tpu.dma_semaphore, #tpu.memory_space<semaphore_mem>>)
      } else {
      }
      %dma_wait3A_776 = arith.constant 0 : i32
      %dma_wait3A_777 = arith.constant 2 : i32
      %dma_wait3A_778 = arith.constant 2 : i32
      %dma_wait3A_779 = arith.constant 0 : i32
      %dma_wait3A_780 = arith.constant 0 : i32
      %dma_wait3A_781 = tpu.memref_slice %arg7[%dma_wait3A_777, %dma_wait3A_779, %dma_wait3A_780] : memref<5x40x128xf32, #tpu.memory_space<vmem>> -> memref<1x40x128xf32, #tpu.memory_space<vmem>>
      %dma_wait3A_782 = tpu.memref_squeeze %dma_wait3A_781 : memref<1x40x128xf32, #tpu.memory_space<vmem>> -> memref<40x128xf32, #tpu.memory_space<vmem>>
      %dma_wait3A_783 = arith.constant 0 : i32
      %dma_wait3A_784 = tpu.memref_slice %arg5[%dma_wait3A_776, %dma_wait3A_783] : memref<10x40xi32, #tpu.memory_space<vmem>> -> memref<1x40xi32, #tpu.memory_space<vmem>>
      %dma_wait3A_785 = tpu.memref_squeeze %dma_wait3A_784 : memref<1x40xi32, #tpu.memory_space<vmem>> -> memref<40xi32, #tpu.memory_space<vmem>>
      %dma_wait3A_786 = arith.constant 0 : i32
      %dma_wait3A_787 = arith.constant 0 : i32
      %dma_wait3A_788 = tpu.memref_slice %arg2[%dma_wait3A_786, %dma_wait3A_787] : memref<10240x128xf32, #tpu.memory_space<hbm>> -> memref<10240x128xf32, #tpu.memory_space<hbm>>
      %dma_wait3A_789 = tpu.memref_slice %arg10[%dma_wait3A_778] : memref<5x!tpu.dma_semaphore, #tpu.memory_space<semaphore_mem>> -> memref<1x!tpu.dma_semaphore, #tpu.memory_space<semaphore_mem>>
      %dma_wait3A_790 = tpu.memref_squeeze %dma_wait3A_789 : memref<1x!tpu.dma_semaphore, #tpu.memory_space<semaphore_mem>> -> memref<!tpu.dma_semaphore, #tpu.memory_space<semaphore_mem>>
      tpu.wait_indirect_dma semaphore(%dma_wait3A_790 : memref<!tpu.dma_semaphore, #tpu.memory_space<semaphore_mem>>) src(%dma_wait3A_788 : memref<10240x128xf32, #tpu.memory_space<hbm>>) dst(%dma_wait3A_782 : memref<40x128xf32, #tpu.memory_space<vmem>>)
      %dma_start3A_791 = arith.constant 2 : i32
      %dma_start3A_792 = arith.constant 7 : i32
      %dma_start3A_793 = arith.constant 2 : i32
      %dma_start3A_794 = arith.constant 0 : i32
      %dma_start3A_795 = arith.constant 0 : i32
      %dma_start3A_796 = tpu.memref_slice %arg7[%dma_start3A_791, %dma_start3A_794, %dma_start3A_795] : memref<5x40x128xf32, #tpu.memory_space<vmem>> -> memref<1x40x128xf32, #tpu.memory_space<vmem>>
      %dma_start3A_797 = tpu.memref_squeeze %dma_start3A_796 : memref<1x40x128xf32, #tpu.memory_space<vmem>> -> memref<40x128xf32, #tpu.memory_space<vmem>>
      %dma_start3A_798 = arith.constant 0 : i32
      %dma_start3A_799 = tpu.memref_slice %arg6[%dma_start3A_792, %dma_start3A_798] : memref<10x40xi32, #tpu.memory_space<vmem>> -> memref<1x40xi32, #tpu.memory_space<vmem>>
      %dma_start3A_800 = tpu.memref_squeeze %dma_start3A_799 : memref<1x40xi32, #tpu.memory_space<vmem>> -> memref<40xi32, #tpu.memory_space<vmem>>
      %dma_start3A_801 = arith.constant 0 : i32
      %dma_start3A_802 = arith.constant 0 : i32
      %dma_start3A_803 = tpu.memref_slice %arg9[%dma_start3A_801, %dma_start3A_802] : memref<10240x128xf32, #tpu.memory_space<vmem_shared>> -> memref<10240x128xf32, #tpu.memory_space<vmem_shared>>
      %dma_start3A_804 = tpu.memref_slice %arg11[%dma_start3A_793] : memref<5x!tpu.dma_semaphore, #tpu.memory_space<semaphore_mem>> -> memref<1x!tpu.dma_semaphore, #tpu.memory_space<semaphore_mem>>
      %dma_start3A_805 = tpu.memref_squeeze %dma_start3A_804 : memref<1x!tpu.dma_semaphore, #tpu.memory_space<semaphore_mem>> -> memref<!tpu.dma_semaphore, #tpu.memory_space<semaphore_mem>>
      tpu.enqueue_indirect_dma source(%dma_start3A_797 : memref<40x128xf32, #tpu.memory_space<vmem>>) target(%dma_start3A_803 : memref<10240x128xf32, #tpu.memory_space<vmem_shared>>) offsets(%dma_start3A_800 : memref<40xi32, #tpu.memory_space<vmem>>) semaphore(%dma_start3A_805 : memref<!tpu.dma_semaphore, #tpu.memory_space<semaphore_mem>>) {add = true}
      %mul3A_806 = arith.constant 10 : i32
      %mul3A_807 = arith.muli %scan3A_385, %mul3A_806 : i32
      %add3A_808 = arith.constant 8 : i32
      %add3A_809 = arith.addi %mul3A_807, %add3A_808 : i32
      %ge3A_810 = arith.constant 3 : i32
      %ge3A_811 = arith.cmpi sge, %add3A_809, %ge3A_810 : i32
      %convert_element_type3A_812 = arith.extui %ge3A_811 : i1 to i32
      %cond3A_813 = arith.constant 0 : i32
      %cond3A_814 = arith.cmpi ne, %convert_element_type3A_812, %cond3A_813 : i32
      scf.if %cond3A_814 {
        %dma_wait3A_912 = arith.constant 0 : i32
        %dma_wait3A_913 = arith.constant 0 : i32
        %dma_wait3A_914 = arith.constant 0 : i32
        %dma_wait3A_915 = arith.constant 0 : i32
        %dma_wait3A_916 = arith.constant 0 : i32
        %dma_wait3A_917 = tpu.memref_slice %arg7[%dma_wait3A_912, %dma_wait3A_915, %dma_wait3A_916] : memref<5x40x128xf32, #tpu.memory_space<vmem>> -> memref<1x40x128xf32, #tpu.memory_space<vmem>>
        %dma_wait3A_918 = tpu.memref_squeeze %dma_wait3A_917 : memref<1x40x128xf32, #tpu.memory_space<vmem>> -> memref<40x128xf32, #tpu.memory_space<vmem>>
        %dma_wait3A_919 = arith.constant 0 : i32
        %dma_wait3A_920 = tpu.memref_slice %arg6[%dma_wait3A_913, %dma_wait3A_919] : memref<10x40xi32, #tpu.memory_space<vmem>> -> memref<1x40xi32, #tpu.memory_space<vmem>>
        %dma_wait3A_921 = tpu.memref_squeeze %dma_wait3A_920 : memref<1x40xi32, #tpu.memory_space<vmem>> -> memref<40xi32, #tpu.memory_space<vmem>>
        %dma_wait3A_922 = arith.constant 0 : i32
        %dma_wait3A_923 = arith.constant 0 : i32
        %dma_wait3A_924 = tpu.memref_slice %arg9[%dma_wait3A_922, %dma_wait3A_923] : memref<10240x128xf32, #tpu.memory_space<vmem_shared>> -> memref<10240x128xf32, #tpu.memory_space<vmem_shared>>
        %dma_wait3A_925 = tpu.memref_slice %arg11[%dma_wait3A_914] : memref<5x!tpu.dma_semaphore, #tpu.memory_space<semaphore_mem>> -> memref<1x!tpu.dma_semaphore, #tpu.memory_space<semaphore_mem>>
        %dma_wait3A_926 = tpu.memref_squeeze %dma_wait3A_925 : memref<1x!tpu.dma_semaphore, #tpu.memory_space<semaphore_mem>> -> memref<!tpu.dma_semaphore, #tpu.memory_space<semaphore_mem>>
        tpu.wait_indirect_dma semaphore(%dma_wait3A_926 : memref<!tpu.dma_semaphore, #tpu.memory_space<semaphore_mem>>) src(%dma_wait3A_918 : memref<40x128xf32, #tpu.memory_space<vmem>>) dst(%dma_wait3A_924 : memref<10240x128xf32, #tpu.memory_space<vmem_shared>>)
      } else {
      }
      %add3A_815 = arith.constant 7 : i32
      %add3A_816 = arith.addi %add3A_809, %add3A_815 : i32
      %lt3A_817 = arith.constant 250 : i32
      %lt3A_818 = arith.cmpi slt, %add3A_816, %lt3A_817 : i32
      %convert_element_type3A_819 = arith.extui %lt3A_818 : i1 to i32
      %cond3A_820 = arith.constant 0 : i32
      %cond3A_821 = arith.cmpi ne, %convert_element_type3A_819, %cond3A_820 : i32
      scf.if %cond3A_821 {
        %add3A_912 = arith.constant 7 : i32
        %add3A_913 = arith.addi %add3A_809, %add3A_912 : i32
        %mul3A_914 = arith.constant 40 : i32
        %mul3A_915 = arith.muli %add3A_913, %mul3A_914 : i32
        %add3A_916 = arith.addi %mul3A_2, %mul3A_915 : i32
        %dma_start3A_917 = arith.constant 5 : i32
        %dma_start3A_918 = arith.constant 5 : i32
        %dma_start3A_919 = arith.constant 0 : i32
        %dma_start3A_920 = tpu.memref_slice %arg5[%dma_start3A_917, %dma_start3A_919] : memref<10x40xi32, #tpu.memory_space<vmem>> -> memref<1x40xi32, #tpu.memory_space<vmem>>
        %dma_start3A_921 = tpu.memref_squeeze %dma_start3A_920 : memref<1x40xi32, #tpu.memory_space<vmem>> -> memref<40xi32, #tpu.memory_space<vmem>>
        %dma_start3A_922 = tpu.memref_slice %arg3[%add3A_916] : memref<640000xi32, #tpu.memory_space<hbm>> -> memref<40xi32, #tpu.memory_space<hbm>>
        %dma_start3A_923 = tpu.memref_slice %arg12[%dma_start3A_918] : memref<10x!tpu.dma_semaphore, #tpu.memory_space<semaphore_mem>> -> memref<1x!tpu.dma_semaphore, #tpu.memory_space<semaphore_mem>>
        %dma_start3A_924 = tpu.memref_squeeze %dma_start3A_923 : memref<1x!tpu.dma_semaphore, #tpu.memory_space<semaphore_mem>> -> memref<!tpu.dma_semaphore, #tpu.memory_space<semaphore_mem>>
        %dma_start3A_925 = arith.constant 0 : i32
        %dma_start3A_926 = tpu.memref_slice %arg5[%dma_start3A_917, %dma_start3A_925] : memref<10x40xi32, #tpu.memory_space<vmem>> -> memref<1x40xi32, #tpu.memory_space<vmem>>
        %dma_start3A_927 = tpu.memref_squeeze %dma_start3A_926 : memref<1x40xi32, #tpu.memory_space<vmem>> -> memref<40xi32, #tpu.memory_space<vmem>>
        %dma_start3A_928 = tpu.memref_slice %arg3[%add3A_916] : memref<640000xi32, #tpu.memory_space<hbm>> -> memref<40xi32, #tpu.memory_space<hbm>>
        tpu.enqueue_dma source(%dma_start3A_928 : memref<40xi32, #tpu.memory_space<hbm>>) target(%dma_start3A_927 : memref<40xi32, #tpu.memory_space<vmem>>) target_semaphore(%dma_start3A_924 : memref<!tpu.dma_semaphore, #tpu.memory_space<semaphore_mem>>)
        %add3A_929 = arith.constant 320000 : i32
        %add3A_930 = arith.addi %add3A_929, %add3A_916 : i32
        %dma_start3A_931 = arith.constant 5 : i32
        %dma_start3A_932 = arith.constant 5 : i32
        %dma_start3A_933 = arith.constant 0 : i32
        %dma_start3A_934 = tpu.memref_slice %arg6[%dma_start3A_931, %dma_start3A_933] : memref<10x40xi32, #tpu.memory_space<vmem>> -> memref<1x40xi32, #tpu.memory_space<vmem>>
        %dma_start3A_935 = tpu.memref_squeeze %dma_start3A_934 : memref<1x40xi32, #tpu.memory_space<vmem>> -> memref<40xi32, #tpu.memory_space<vmem>>
        %dma_start3A_936 = tpu.memref_slice %arg3[%add3A_930] : memref<640000xi32, #tpu.memory_space<hbm>> -> memref<40xi32, #tpu.memory_space<hbm>>
        %dma_start3A_937 = tpu.memref_slice %arg13[%dma_start3A_932] : memref<10x!tpu.dma_semaphore, #tpu.memory_space<semaphore_mem>> -> memref<1x!tpu.dma_semaphore, #tpu.memory_space<semaphore_mem>>
        %dma_start3A_938 = tpu.memref_squeeze %dma_start3A_937 : memref<1x!tpu.dma_semaphore, #tpu.memory_space<semaphore_mem>> -> memref<!tpu.dma_semaphore, #tpu.memory_space<semaphore_mem>>
        %dma_start3A_939 = arith.constant 0 : i32
        %dma_start3A_940 = tpu.memref_slice %arg6[%dma_start3A_931, %dma_start3A_939] : memref<10x40xi32, #tpu.memory_space<vmem>> -> memref<1x40xi32, #tpu.memory_space<vmem>>
        %dma_start3A_941 = tpu.memref_squeeze %dma_start3A_940 : memref<1x40xi32, #tpu.memory_space<vmem>> -> memref<40xi32, #tpu.memory_space<vmem>>
        %dma_start3A_942 = tpu.memref_slice %arg3[%add3A_930] : memref<640000xi32, #tpu.memory_space<hbm>> -> memref<40xi32, #tpu.memory_space<hbm>>
        tpu.enqueue_dma source(%dma_start3A_942 : memref<40xi32, #tpu.memory_space<hbm>>) target(%dma_start3A_941 : memref<40xi32, #tpu.memory_space<vmem>>) target_semaphore(%dma_start3A_938 : memref<!tpu.dma_semaphore, #tpu.memory_space<semaphore_mem>>)
      } else {
      }
      %add3A_822 = arith.constant 2 : i32
      %add3A_823 = arith.addi %add3A_809, %add3A_822 : i32
      %lt3A_824 = arith.constant 250 : i32
      %lt3A_825 = arith.cmpi slt, %add3A_823, %lt3A_824 : i32
      %convert_element_type3A_826 = arith.extui %lt3A_825 : i1 to i32
      %cond3A_827 = arith.constant 0 : i32
      %cond3A_828 = arith.cmpi ne, %convert_element_type3A_826, %cond3A_827 : i32
      scf.if %cond3A_828 {
        %dma_wait3A_912 = arith.constant 0 : i32
        %dma_wait3A_913 = arith.constant 0 : i32
        %dma_wait3A_914 = arith.constant 0 : i32
        %dma_wait3A_915 = tpu.memref_slice %arg5[%dma_wait3A_912, %dma_wait3A_914] : memref<10x40xi32, #tpu.memory_space<vmem>> -> memref<1x40xi32, #tpu.memory_space<vmem>>
        %dma_wait3A_916 = tpu.memref_squeeze %dma_wait3A_915 : memref<1x40xi32, #tpu.memory_space<vmem>> -> memref<40xi32, #tpu.memory_space<vmem>>
        %dma_wait3A_917 = arith.constant 0 : i32
        %dma_wait3A_918 = tpu.memref_slice %arg3[%dma_wait3A_917] : memref<640000xi32, #tpu.memory_space<hbm>> -> memref<40xi32, #tpu.memory_space<hbm>>
        %dma_wait3A_919 = tpu.memref_slice %arg12[%dma_wait3A_913] : memref<10x!tpu.dma_semaphore, #tpu.memory_space<semaphore_mem>> -> memref<1x!tpu.dma_semaphore, #tpu.memory_space<semaphore_mem>>
        %dma_wait3A_920 = tpu.memref_squeeze %dma_wait3A_919 : memref<1x!tpu.dma_semaphore, #tpu.memory_space<semaphore_mem>> -> memref<!tpu.dma_semaphore, #tpu.memory_space<semaphore_mem>>
        %dma_wait3A_921 = arith.constant 0 : i32
        %dma_wait3A_922 = tpu.memref_slice %arg5[%dma_wait3A_912, %dma_wait3A_921] : memref<10x40xi32, #tpu.memory_space<vmem>> -> memref<1x40xi32, #tpu.memory_space<vmem>>
        %dma_wait3A_923 = tpu.memref_squeeze %dma_wait3A_922 : memref<1x40xi32, #tpu.memory_space<vmem>> -> memref<40xi32, #tpu.memory_space<vmem>>
        %dma_wait3A_924 = arith.constant 0 : i32
        %dma_wait3A_925 = tpu.memref_slice %arg3[%dma_wait3A_924] : memref<640000xi32, #tpu.memory_space<hbm>> -> memref<40xi32, #tpu.memory_space<hbm>>
        tpu.wait_dma2 semaphore(%dma_wait3A_920 : memref<!tpu.dma_semaphore, #tpu.memory_space<semaphore_mem>>) src(%dma_wait3A_925 : memref<40xi32, #tpu.memory_space<hbm>>) dst(%dma_wait3A_923 : memref<40xi32, #tpu.memory_space<vmem>>)
        %dma_wait3A_926 = arith.constant 0 : i32
        %dma_wait3A_927 = arith.constant 0 : i32
        %dma_wait3A_928 = arith.constant 0 : i32
        %dma_wait3A_929 = tpu.memref_slice %arg6[%dma_wait3A_926, %dma_wait3A_928] : memref<10x40xi32, #tpu.memory_space<vmem>> -> memref<1x40xi32, #tpu.memory_space<vmem>>
        %dma_wait3A_930 = tpu.memref_squeeze %dma_wait3A_929 : memref<1x40xi32, #tpu.memory_space<vmem>> -> memref<40xi32, #tpu.memory_space<vmem>>
        %dma_wait3A_931 = arith.constant 0 : i32
        %dma_wait3A_932 = tpu.memref_slice %arg3[%dma_wait3A_931] : memref<640000xi32, #tpu.memory_space<hbm>> -> memref<40xi32, #tpu.memory_space<hbm>>
        %dma_wait3A_933 = tpu.memref_slice %arg13[%dma_wait3A_927] : memref<10x!tpu.dma_semaphore, #tpu.memory_space<semaphore_mem>> -> memref<1x!tpu.dma_semaphore, #tpu.memory_space<semaphore_mem>>
        %dma_wait3A_934 = tpu.memref_squeeze %dma_wait3A_933 : memref<1x!tpu.dma_semaphore, #tpu.memory_space<semaphore_mem>> -> memref<!tpu.dma_semaphore, #tpu.memory_space<semaphore_mem>>
        %dma_wait3A_935 = arith.constant 0 : i32
        %dma_wait3A_936 = tpu.memref_slice %arg6[%dma_wait3A_926, %dma_wait3A_935] : memref<10x40xi32, #tpu.memory_space<vmem>> -> memref<1x40xi32, #tpu.memory_space<vmem>>
        %dma_wait3A_937 = tpu.memref_squeeze %dma_wait3A_936 : memref<1x40xi32, #tpu.memory_space<vmem>> -> memref<40xi32, #tpu.memory_space<vmem>>
        %dma_wait3A_938 = arith.constant 0 : i32
        %dma_wait3A_939 = tpu.memref_slice %arg3[%dma_wait3A_938] : memref<640000xi32, #tpu.memory_space<hbm>> -> memref<40xi32, #tpu.memory_space<hbm>>
        tpu.wait_dma2 semaphore(%dma_wait3A_934 : memref<!tpu.dma_semaphore, #tpu.memory_space<semaphore_mem>>) src(%dma_wait3A_939 : memref<40xi32, #tpu.memory_space<hbm>>) dst(%dma_wait3A_937 : memref<40xi32, #tpu.memory_space<vmem>>)
        %dma_start3A_940 = arith.constant 0 : i32
        %dma_start3A_941 = arith.constant 0 : i32
        %dma_start3A_942 = arith.constant 0 : i32
        %dma_start3A_943 = arith.constant 0 : i32
        %dma_start3A_944 = arith.constant 0 : i32
        %dma_start3A_945 = tpu.memref_slice %arg7[%dma_start3A_941, %dma_start3A_943, %dma_start3A_944] : memref<5x40x128xf32, #tpu.memory_space<vmem>> -> memref<1x40x128xf32, #tpu.memory_space<vmem>>
        %dma_start3A_946 = tpu.memref_squeeze %dma_start3A_945 : memref<1x40x128xf32, #tpu.memory_space<vmem>> -> memref<40x128xf32, #tpu.memory_space<vmem>>
        %dma_start3A_947 = arith.constant 0 : i32
        %dma_start3A_948 = tpu.memref_slice %arg5[%dma_start3A_940, %dma_start3A_947] : memref<10x40xi32, #tpu.memory_space<vmem>> -> memref<1x40xi32, #tpu.memory_space<vmem>>
        %dma_start3A_949 = tpu.memref_squeeze %dma_start3A_948 : memref<1x40xi32, #tpu.memory_space<vmem>> -> memref<40xi32, #tpu.memory_space<vmem>>
        %dma_start3A_950 = arith.constant 0 : i32
        %dma_start3A_951 = arith.constant 0 : i32
        %dma_start3A_952 = tpu.memref_slice %arg2[%dma_start3A_950, %dma_start3A_951] : memref<10240x128xf32, #tpu.memory_space<hbm>> -> memref<10240x128xf32, #tpu.memory_space<hbm>>
        %dma_start3A_953 = tpu.memref_slice %arg10[%dma_start3A_942] : memref<5x!tpu.dma_semaphore, #tpu.memory_space<semaphore_mem>> -> memref<1x!tpu.dma_semaphore, #tpu.memory_space<semaphore_mem>>
        %dma_start3A_954 = tpu.memref_squeeze %dma_start3A_953 : memref<1x!tpu.dma_semaphore, #tpu.memory_space<semaphore_mem>> -> memref<!tpu.dma_semaphore, #tpu.memory_space<semaphore_mem>>
        tpu.enqueue_indirect_dma source(%dma_start3A_952 : memref<10240x128xf32, #tpu.memory_space<hbm>>) target(%dma_start3A_946 : memref<40x128xf32, #tpu.memory_space<vmem>>) offsets(%dma_start3A_949 : memref<40xi32, #tpu.memory_space<vmem>>) semaphore(%dma_start3A_954 : memref<!tpu.dma_semaphore, #tpu.memory_space<semaphore_mem>>)
      } else {
      }
      %dma_wait3A_829 = arith.constant 0 : i32
      %dma_wait3A_830 = arith.constant 3 : i32
      %dma_wait3A_831 = arith.constant 3 : i32
      %dma_wait3A_832 = arith.constant 0 : i32
      %dma_wait3A_833 = arith.constant 0 : i32
      %dma_wait3A_834 = tpu.memref_slice %arg7[%dma_wait3A_830, %dma_wait3A_832, %dma_wait3A_833] : memref<5x40x128xf32, #tpu.memory_space<vmem>> -> memref<1x40x128xf32, #tpu.memory_space<vmem>>
      %dma_wait3A_835 = tpu.memref_squeeze %dma_wait3A_834 : memref<1x40x128xf32, #tpu.memory_space<vmem>> -> memref<40x128xf32, #tpu.memory_space<vmem>>
      %dma_wait3A_836 = arith.constant 0 : i32
      %dma_wait3A_837 = tpu.memref_slice %arg5[%dma_wait3A_829, %dma_wait3A_836] : memref<10x40xi32, #tpu.memory_space<vmem>> -> memref<1x40xi32, #tpu.memory_space<vmem>>
      %dma_wait3A_838 = tpu.memref_squeeze %dma_wait3A_837 : memref<1x40xi32, #tpu.memory_space<vmem>> -> memref<40xi32, #tpu.memory_space<vmem>>
      %dma_wait3A_839 = arith.constant 0 : i32
      %dma_wait3A_840 = arith.constant 0 : i32
      %dma_wait3A_841 = tpu.memref_slice %arg2[%dma_wait3A_839, %dma_wait3A_840] : memref<10240x128xf32, #tpu.memory_space<hbm>> -> memref<10240x128xf32, #tpu.memory_space<hbm>>
      %dma_wait3A_842 = tpu.memref_slice %arg10[%dma_wait3A_831] : memref<5x!tpu.dma_semaphore, #tpu.memory_space<semaphore_mem>> -> memref<1x!tpu.dma_semaphore, #tpu.memory_space<semaphore_mem>>
      %dma_wait3A_843 = tpu.memref_squeeze %dma_wait3A_842 : memref<1x!tpu.dma_semaphore, #tpu.memory_space<semaphore_mem>> -> memref<!tpu.dma_semaphore, #tpu.memory_space<semaphore_mem>>
      tpu.wait_indirect_dma semaphore(%dma_wait3A_843 : memref<!tpu.dma_semaphore, #tpu.memory_space<semaphore_mem>>) src(%dma_wait3A_841 : memref<10240x128xf32, #tpu.memory_space<hbm>>) dst(%dma_wait3A_835 : memref<40x128xf32, #tpu.memory_space<vmem>>)
      %dma_start3A_844 = arith.constant 3 : i32
      %dma_start3A_845 = arith.constant 8 : i32
      %dma_start3A_846 = arith.constant 3 : i32
      %dma_start3A_847 = arith.constant 0 : i32
      %dma_start3A_848 = arith.constant 0 : i32
      %dma_start3A_849 = tpu.memref_slice %arg7[%dma_start3A_844, %dma_start3A_847, %dma_start3A_848] : memref<5x40x128xf32, #tpu.memory_space<vmem>> -> memref<1x40x128xf32, #tpu.memory_space<vmem>>
      %dma_start3A_850 = tpu.memref_squeeze %dma_start3A_849 : memref<1x40x128xf32, #tpu.memory_space<vmem>> -> memref<40x128xf32, #tpu.memory_space<vmem>>
      %dma_start3A_851 = arith.constant 0 : i32
      %dma_start3A_852 = tpu.memref_slice %arg6[%dma_start3A_845, %dma_start3A_851] : memref<10x40xi32, #tpu.memory_space<vmem>> -> memref<1x40xi32, #tpu.memory_space<vmem>>
      %dma_start3A_853 = tpu.memref_squeeze %dma_start3A_852 : memref<1x40xi32, #tpu.memory_space<vmem>> -> memref<40xi32, #tpu.memory_space<vmem>>
      %dma_start3A_854 = arith.constant 0 : i32
      %dma_start3A_855 = arith.constant 0 : i32
      %dma_start3A_856 = tpu.memref_slice %arg9[%dma_start3A_854, %dma_start3A_855] : memref<10240x128xf32, #tpu.memory_space<vmem_shared>> -> memref<10240x128xf32, #tpu.memory_space<vmem_shared>>
      %dma_start3A_857 = tpu.memref_slice %arg11[%dma_start3A_846] : memref<5x!tpu.dma_semaphore, #tpu.memory_space<semaphore_mem>> -> memref<1x!tpu.dma_semaphore, #tpu.memory_space<semaphore_mem>>
      %dma_start3A_858 = tpu.memref_squeeze %dma_start3A_857 : memref<1x!tpu.dma_semaphore, #tpu.memory_space<semaphore_mem>> -> memref<!tpu.dma_semaphore, #tpu.memory_space<semaphore_mem>>
      tpu.enqueue_indirect_dma source(%dma_start3A_850 : memref<40x128xf32, #tpu.memory_space<vmem>>) target(%dma_start3A_856 : memref<10240x128xf32, #tpu.memory_space<vmem_shared>>) offsets(%dma_start3A_853 : memref<40xi32, #tpu.memory_space<vmem>>) semaphore(%dma_start3A_858 : memref<!tpu.dma_semaphore, #tpu.memory_space<semaphore_mem>>) {add = true}
      %mul3A_859 = arith.constant 10 : i32
      %mul3A_860 = arith.muli %scan3A_385, %mul3A_859 : i32
      %add3A_861 = arith.constant 9 : i32
      %add3A_862 = arith.addi %mul3A_860, %add3A_861 : i32
      %ge3A_863 = arith.constant 3 : i32
      %ge3A_864 = arith.cmpi sge, %add3A_862, %ge3A_863 : i32
      %convert_element_type3A_865 = arith.extui %ge3A_864 : i1 to i32
      %cond3A_866 = arith.constant 0 : i32
      %cond3A_867 = arith.cmpi ne, %convert_element_type3A_865, %cond3A_866 : i32
      scf.if %cond3A_867 {
        %dma_wait3A_912 = arith.constant 1 : i32
        %dma_wait3A_913 = arith.constant 0 : i32
        %dma_wait3A_914 = arith.constant 1 : i32
        %dma_wait3A_915 = arith.constant 0 : i32
        %dma_wait3A_916 = arith.constant 0 : i32
        %dma_wait3A_917 = tpu.memref_slice %arg7[%dma_wait3A_912, %dma_wait3A_915, %dma_wait3A_916] : memref<5x40x128xf32, #tpu.memory_space<vmem>> -> memref<1x40x128xf32, #tpu.memory_space<vmem>>
        %dma_wait3A_918 = tpu.memref_squeeze %dma_wait3A_917 : memref<1x40x128xf32, #tpu.memory_space<vmem>> -> memref<40x128xf32, #tpu.memory_space<vmem>>
        %dma_wait3A_919 = arith.constant 0 : i32
        %dma_wait3A_920 = tpu.memref_slice %arg6[%dma_wait3A_913, %dma_wait3A_919] : memref<10x40xi32, #tpu.memory_space<vmem>> -> memref<1x40xi32, #tpu.memory_space<vmem>>
        %dma_wait3A_921 = tpu.memref_squeeze %dma_wait3A_920 : memref<1x40xi32, #tpu.memory_space<vmem>> -> memref<40xi32, #tpu.memory_space<vmem>>
        %dma_wait3A_922 = arith.constant 0 : i32
        %dma_wait3A_923 = arith.constant 0 : i32
        %dma_wait3A_924 = tpu.memref_slice %arg9[%dma_wait3A_922, %dma_wait3A_923] : memref<10240x128xf32, #tpu.memory_space<vmem_shared>> -> memref<10240x128xf32, #tpu.memory_space<vmem_shared>>
        %dma_wait3A_925 = tpu.memref_slice %arg11[%dma_wait3A_914] : memref<5x!tpu.dma_semaphore, #tpu.memory_space<semaphore_mem>> -> memref<1x!tpu.dma_semaphore, #tpu.memory_space<semaphore_mem>>
        %dma_wait3A_926 = tpu.memref_squeeze %dma_wait3A_925 : memref<1x!tpu.dma_semaphore, #tpu.memory_space<semaphore_mem>> -> memref<!tpu.dma_semaphore, #tpu.memory_space<semaphore_mem>>
        tpu.wait_indirect_dma semaphore(%dma_wait3A_926 : memref<!tpu.dma_semaphore, #tpu.memory_space<semaphore_mem>>) src(%dma_wait3A_918 : memref<40x128xf32, #tpu.memory_space<vmem>>) dst(%dma_wait3A_924 : memref<10240x128xf32, #tpu.memory_space<vmem_shared>>)
      } else {
      }
      %add3A_868 = arith.constant 7 : i32
      %add3A_869 = arith.addi %add3A_862, %add3A_868 : i32
      %lt3A_870 = arith.constant 250 : i32
      %lt3A_871 = arith.cmpi slt, %add3A_869, %lt3A_870 : i32
      %convert_element_type3A_872 = arith.extui %lt3A_871 : i1 to i32
      %cond3A_873 = arith.constant 0 : i32
      %cond3A_874 = arith.cmpi ne, %convert_element_type3A_872, %cond3A_873 : i32
      scf.if %cond3A_874 {
        %add3A_912 = arith.constant 7 : i32
        %add3A_913 = arith.addi %add3A_862, %add3A_912 : i32
        %mul3A_914 = arith.constant 40 : i32
        %mul3A_915 = arith.muli %add3A_913, %mul3A_914 : i32
        %add3A_916 = arith.addi %mul3A_2, %mul3A_915 : i32
        %dma_start3A_917 = arith.constant 6 : i32
        %dma_start3A_918 = arith.constant 6 : i32
        %dma_start3A_919 = arith.constant 0 : i32
        %dma_start3A_920 = tpu.memref_slice %arg5[%dma_start3A_917, %dma_start3A_919] : memref<10x40xi32, #tpu.memory_space<vmem>> -> memref<1x40xi32, #tpu.memory_space<vmem>>
        %dma_start3A_921 = tpu.memref_squeeze %dma_start3A_920 : memref<1x40xi32, #tpu.memory_space<vmem>> -> memref<40xi32, #tpu.memory_space<vmem>>
        %dma_start3A_922 = tpu.memref_slice %arg3[%add3A_916] : memref<640000xi32, #tpu.memory_space<hbm>> -> memref<40xi32, #tpu.memory_space<hbm>>
        %dma_start3A_923 = tpu.memref_slice %arg12[%dma_start3A_918] : memref<10x!tpu.dma_semaphore, #tpu.memory_space<semaphore_mem>> -> memref<1x!tpu.dma_semaphore, #tpu.memory_space<semaphore_mem>>
        %dma_start3A_924 = tpu.memref_squeeze %dma_start3A_923 : memref<1x!tpu.dma_semaphore, #tpu.memory_space<semaphore_mem>> -> memref<!tpu.dma_semaphore, #tpu.memory_space<semaphore_mem>>
        %dma_start3A_925 = arith.constant 0 : i32
        %dma_start3A_926 = tpu.memref_slice %arg5[%dma_start3A_917, %dma_start3A_925] : memref<10x40xi32, #tpu.memory_space<vmem>> -> memref<1x40xi32, #tpu.memory_space<vmem>>
        %dma_start3A_927 = tpu.memref_squeeze %dma_start3A_926 : memref<1x40xi32, #tpu.memory_space<vmem>> -> memref<40xi32, #tpu.memory_space<vmem>>
        %dma_start3A_928 = tpu.memref_slice %arg3[%add3A_916] : memref<640000xi32, #tpu.memory_space<hbm>> -> memref<40xi32, #tpu.memory_space<hbm>>
        tpu.enqueue_dma source(%dma_start3A_928 : memref<40xi32, #tpu.memory_space<hbm>>) target(%dma_start3A_927 : memref<40xi32, #tpu.memory_space<vmem>>) target_semaphore(%dma_start3A_924 : memref<!tpu.dma_semaphore, #tpu.memory_space<semaphore_mem>>)
        %add3A_929 = arith.constant 320000 : i32
        %add3A_930 = arith.addi %add3A_929, %add3A_916 : i32
        %dma_start3A_931 = arith.constant 6 : i32
        %dma_start3A_932 = arith.constant 6 : i32
        %dma_start3A_933 = arith.constant 0 : i32
        %dma_start3A_934 = tpu.memref_slice %arg6[%dma_start3A_931, %dma_start3A_933] : memref<10x40xi32, #tpu.memory_space<vmem>> -> memref<1x40xi32, #tpu.memory_space<vmem>>
        %dma_start3A_935 = tpu.memref_squeeze %dma_start3A_934 : memref<1x40xi32, #tpu.memory_space<vmem>> -> memref<40xi32, #tpu.memory_space<vmem>>
        %dma_start3A_936 = tpu.memref_slice %arg3[%add3A_930] : memref<640000xi32, #tpu.memory_space<hbm>> -> memref<40xi32, #tpu.memory_space<hbm>>
        %dma_start3A_937 = tpu.memref_slice %arg13[%dma_start3A_932] : memref<10x!tpu.dma_semaphore, #tpu.memory_space<semaphore_mem>> -> memref<1x!tpu.dma_semaphore, #tpu.memory_space<semaphore_mem>>
        %dma_start3A_938 = tpu.memref_squeeze %dma_start3A_937 : memref<1x!tpu.dma_semaphore, #tpu.memory_space<semaphore_mem>> -> memref<!tpu.dma_semaphore, #tpu.memory_space<semaphore_mem>>
        %dma_start3A_939 = arith.constant 0 : i32
        %dma_start3A_940 = tpu.memref_slice %arg6[%dma_start3A_931, %dma_start3A_939] : memref<10x40xi32, #tpu.memory_space<vmem>> -> memref<1x40xi32, #tpu.memory_space<vmem>>
        %dma_start3A_941 = tpu.memref_squeeze %dma_start3A_940 : memref<1x40xi32, #tpu.memory_space<vmem>> -> memref<40xi32, #tpu.memory_space<vmem>>
        %dma_start3A_942 = tpu.memref_slice %arg3[%add3A_930] : memref<640000xi32, #tpu.memory_space<hbm>> -> memref<40xi32, #tpu.memory_space<hbm>>
        tpu.enqueue_dma source(%dma_start3A_942 : memref<40xi32, #tpu.memory_space<hbm>>) target(%dma_start3A_941 : memref<40xi32, #tpu.memory_space<vmem>>) target_semaphore(%dma_start3A_938 : memref<!tpu.dma_semaphore, #tpu.memory_space<semaphore_mem>>)
      } else {
      }
      %add3A_875 = arith.constant 2 : i32
      %add3A_876 = arith.addi %add3A_862, %add3A_875 : i32
      %lt3A_877 = arith.constant 250 : i32
      %lt3A_878 = arith.cmpi slt, %add3A_876, %lt3A_877 : i32
      %convert_element_type3A_879 = arith.extui %lt3A_878 : i1 to i32
      %cond3A_880 = arith.constant 0 : i32
      %cond3A_881 = arith.cmpi ne, %convert_element_type3A_879, %cond3A_880 : i32
      scf.if %cond3A_881 {
        %dma_wait3A_912 = arith.constant 1 : i32
        %dma_wait3A_913 = arith.constant 1 : i32
        %dma_wait3A_914 = arith.constant 0 : i32
        %dma_wait3A_915 = tpu.memref_slice %arg5[%dma_wait3A_912, %dma_wait3A_914] : memref<10x40xi32, #tpu.memory_space<vmem>> -> memref<1x40xi32, #tpu.memory_space<vmem>>
        %dma_wait3A_916 = tpu.memref_squeeze %dma_wait3A_915 : memref<1x40xi32, #tpu.memory_space<vmem>> -> memref<40xi32, #tpu.memory_space<vmem>>
        %dma_wait3A_917 = arith.constant 0 : i32
        %dma_wait3A_918 = tpu.memref_slice %arg3[%dma_wait3A_917] : memref<640000xi32, #tpu.memory_space<hbm>> -> memref<40xi32, #tpu.memory_space<hbm>>
        %dma_wait3A_919 = tpu.memref_slice %arg12[%dma_wait3A_913] : memref<10x!tpu.dma_semaphore, #tpu.memory_space<semaphore_mem>> -> memref<1x!tpu.dma_semaphore, #tpu.memory_space<semaphore_mem>>
        %dma_wait3A_920 = tpu.memref_squeeze %dma_wait3A_919 : memref<1x!tpu.dma_semaphore, #tpu.memory_space<semaphore_mem>> -> memref<!tpu.dma_semaphore, #tpu.memory_space<semaphore_mem>>
        %dma_wait3A_921 = arith.constant 0 : i32
        %dma_wait3A_922 = tpu.memref_slice %arg5[%dma_wait3A_912, %dma_wait3A_921] : memref<10x40xi32, #tpu.memory_space<vmem>> -> memref<1x40xi32, #tpu.memory_space<vmem>>
        %dma_wait3A_923 = tpu.memref_squeeze %dma_wait3A_922 : memref<1x40xi32, #tpu.memory_space<vmem>> -> memref<40xi32, #tpu.memory_space<vmem>>
        %dma_wait3A_924 = arith.constant 0 : i32
        %dma_wait3A_925 = tpu.memref_slice %arg3[%dma_wait3A_924] : memref<640000xi32, #tpu.memory_space<hbm>> -> memref<40xi32, #tpu.memory_space<hbm>>
        tpu.wait_dma2 semaphore(%dma_wait3A_920 : memref<!tpu.dma_semaphore, #tpu.memory_space<semaphore_mem>>) src(%dma_wait3A_925 : memref<40xi32, #tpu.memory_space<hbm>>) dst(%dma_wait3A_923 : memref<40xi32, #tpu.memory_space<vmem>>)
        %dma_wait3A_926 = arith.constant 1 : i32
        %dma_wait3A_927 = arith.constant 1 : i32
        %dma_wait3A_928 = arith.constant 0 : i32
        %dma_wait3A_929 = tpu.memref_slice %arg6[%dma_wait3A_926, %dma_wait3A_928] : memref<10x40xi32, #tpu.memory_space<vmem>> -> memref<1x40xi32, #tpu.memory_space<vmem>>
        %dma_wait3A_930 = tpu.memref_squeeze %dma_wait3A_929 : memref<1x40xi32, #tpu.memory_space<vmem>> -> memref<40xi32, #tpu.memory_space<vmem>>
        %dma_wait3A_931 = arith.constant 0 : i32
        %dma_wait3A_932 = tpu.memref_slice %arg3[%dma_wait3A_931] : memref<640000xi32, #tpu.memory_space<hbm>> -> memref<40xi32, #tpu.memory_space<hbm>>
        %dma_wait3A_933 = tpu.memref_slice %arg13[%dma_wait3A_927] : memref<10x!tpu.dma_semaphore, #tpu.memory_space<semaphore_mem>> -> memref<1x!tpu.dma_semaphore, #tpu.memory_space<semaphore_mem>>
        %dma_wait3A_934 = tpu.memref_squeeze %dma_wait3A_933 : memref<1x!tpu.dma_semaphore, #tpu.memory_space<semaphore_mem>> -> memref<!tpu.dma_semaphore, #tpu.memory_space<semaphore_mem>>
        %dma_wait3A_935 = arith.constant 0 : i32
        %dma_wait3A_936 = tpu.memref_slice %arg6[%dma_wait3A_926, %dma_wait3A_935] : memref<10x40xi32, #tpu.memory_space<vmem>> -> memref<1x40xi32, #tpu.memory_space<vmem>>
        %dma_wait3A_937 = tpu.memref_squeeze %dma_wait3A_936 : memref<1x40xi32, #tpu.memory_space<vmem>> -> memref<40xi32, #tpu.memory_space<vmem>>
        %dma_wait3A_938 = arith.constant 0 : i32
        %dma_wait3A_939 = tpu.memref_slice %arg3[%dma_wait3A_938] : memref<640000xi32, #tpu.memory_space<hbm>> -> memref<40xi32, #tpu.memory_space<hbm>>
        tpu.wait_dma2 semaphore(%dma_wait3A_934 : memref<!tpu.dma_semaphore, #tpu.memory_space<semaphore_mem>>) src(%dma_wait3A_939 : memref<40xi32, #tpu.memory_space<hbm>>) dst(%dma_wait3A_937 : memref<40xi32, #tpu.memory_space<vmem>>)
        %dma_start3A_940 = arith.constant 1 : i32
        %dma_start3A_941 = arith.constant 1 : i32
        %dma_start3A_942 = arith.constant 1 : i32
        %dma_start3A_943 = arith.constant 0 : i32
        %dma_start3A_944 = arith.constant 0 : i32
        %dma_start3A_945 = tpu.memref_slice %arg7[%dma_start3A_941, %dma_start3A_943, %dma_start3A_944] : memref<5x40x128xf32, #tpu.memory_space<vmem>> -> memref<1x40x128xf32, #tpu.memory_space<vmem>>
        %dma_start3A_946 = tpu.memref_squeeze %dma_start3A_945 : memref<1x40x128xf32, #tpu.memory_space<vmem>> -> memref<40x128xf32, #tpu.memory_space<vmem>>
        %dma_start3A_947 = arith.constant 0 : i32
        %dma_start3A_948 = tpu.memref_slice %arg5[%dma_start3A_940, %dma_start3A_947] : memref<10x40xi32, #tpu.memory_space<vmem>> -> memref<1x40xi32, #tpu.memory_space<vmem>>
        %dma_start3A_949 = tpu.memref_squeeze %dma_start3A_948 : memref<1x40xi32, #tpu.memory_space<vmem>> -> memref<40xi32, #tpu.memory_space<vmem>>
        %dma_start3A_950 = arith.constant 0 : i32
        %dma_start3A_951 = arith.constant 0 : i32
        %dma_start3A_952 = tpu.memref_slice %arg2[%dma_start3A_950, %dma_start3A_951] : memref<10240x128xf32, #tpu.memory_space<hbm>> -> memref<10240x128xf32, #tpu.memory_space<hbm>>
        %dma_start3A_953 = tpu.memref_slice %arg10[%dma_start3A_942] : memref<5x!tpu.dma_semaphore, #tpu.memory_space<semaphore_mem>> -> memref<1x!tpu.dma_semaphore, #tpu.memory_space<semaphore_mem>>
        %dma_start3A_954 = tpu.memref_squeeze %dma_start3A_953 : memref<1x!tpu.dma_semaphore, #tpu.memory_space<semaphore_mem>> -> memref<!tpu.dma_semaphore, #tpu.memory_space<semaphore_mem>>
        tpu.enqueue_indirect_dma source(%dma_start3A_952 : memref<10240x128xf32, #tpu.memory_space<hbm>>) target(%dma_start3A_946 : memref<40x128xf32, #tpu.memory_space<vmem>>) offsets(%dma_start3A_949 : memref<40xi32, #tpu.memory_space<vmem>>) semaphore(%dma_start3A_954 : memref<!tpu.dma_semaphore, #tpu.memory_space<semaphore_mem>>)
      } else {
      }
      %dma_wait3A_882 = arith.constant 0 : i32
      %dma_wait3A_883 = arith.constant 4 : i32
      %dma_wait3A_884 = arith.constant 4 : i32
      %dma_wait3A_885 = arith.constant 0 : i32
      %dma_wait3A_886 = arith.constant 0 : i32
      %dma_wait3A_887 = tpu.memref_slice %arg7[%dma_wait3A_883, %dma_wait3A_885, %dma_wait3A_886] : memref<5x40x128xf32, #tpu.memory_space<vmem>> -> memref<1x40x128xf32, #tpu.memory_space<vmem>>
      %dma_wait3A_888 = tpu.memref_squeeze %dma_wait3A_887 : memref<1x40x128xf32, #tpu.memory_space<vmem>> -> memref<40x128xf32, #tpu.memory_space<vmem>>
      %dma_wait3A_889 = arith.constant 0 : i32
      %dma_wait3A_890 = tpu.memref_slice %arg5[%dma_wait3A_882, %dma_wait3A_889] : memref<10x40xi32, #tpu.memory_space<vmem>> -> memref<1x40xi32, #tpu.memory_space<vmem>>
      %dma_wait3A_891 = tpu.memref_squeeze %dma_wait3A_890 : memref<1x40xi32, #tpu.memory_space<vmem>> -> memref<40xi32, #tpu.memory_space<vmem>>
      %dma_wait3A_892 = arith.constant 0 : i32
      %dma_wait3A_893 = arith.constant 0 : i32
      %dma_wait3A_894 = tpu.memref_slice %arg2[%dma_wait3A_892, %dma_wait3A_893] : memref<10240x128xf32, #tpu.memory_space<hbm>> -> memref<10240x128xf32, #tpu.memory_space<hbm>>
      %dma_wait3A_895 = tpu.memref_slice %arg10[%dma_wait3A_884] : memref<5x!tpu.dma_semaphore, #tpu.memory_space<semaphore_mem>> -> memref<1x!tpu.dma_semaphore, #tpu.memory_space<semaphore_mem>>
      %dma_wait3A_896 = tpu.memref_squeeze %dma_wait3A_895 : memref<1x!tpu.dma_semaphore, #tpu.memory_space<semaphore_mem>> -> memref<!tpu.dma_semaphore, #tpu.memory_space<semaphore_mem>>
      tpu.wait_indirect_dma semaphore(%dma_wait3A_896 : memref<!tpu.dma_semaphore, #tpu.memory_space<semaphore_mem>>) src(%dma_wait3A_894 : memref<10240x128xf32, #tpu.memory_space<hbm>>) dst(%dma_wait3A_888 : memref<40x128xf32, #tpu.memory_space<vmem>>)
      %dma_start3A_897 = arith.constant 4 : i32
      %dma_start3A_898 = arith.constant 9 : i32
      %dma_start3A_899 = arith.constant 4 : i32
      %dma_start3A_900 = arith.constant 0 : i32
      %dma_start3A_901 = arith.constant 0 : i32
      %dma_start3A_902 = tpu.memref_slice %arg7[%dma_start3A_897, %dma_start3A_900, %dma_start3A_901] : memref<5x40x128xf32, #tpu.memory_space<vmem>> -> memref<1x40x128xf32, #tpu.memory_space<vmem>>
      %dma_start3A_903 = tpu.memref_squeeze %dma_start3A_902 : memref<1x40x128xf32, #tpu.memory_space<vmem>> -> memref<40x128xf32, #tpu.memory_space<vmem>>
      %dma_start3A_904 = arith.constant 0 : i32
      %dma_start3A_905 = tpu.memref_slice %arg6[%dma_start3A_898, %dma_start3A_904] : memref<10x40xi32, #tpu.memory_space<vmem>> -> memref<1x40xi32, #tpu.memory_space<vmem>>
      %dma_start3A_906 = tpu.memref_squeeze %dma_start3A_905 : memref<1x40xi32, #tpu.memory_space<vmem>> -> memref<40xi32, #tpu.memory_space<vmem>>
      %dma_start3A_907 = arith.constant 0 : i32
      %dma_start3A_908 = arith.constant 0 : i32
      %dma_start3A_909 = tpu.memref_slice %arg9[%dma_start3A_907, %dma_start3A_908] : memref<10240x128xf32, #tpu.memory_space<vmem_shared>> -> memref<10240x128xf32, #tpu.memory_space<vmem_shared>>
      %dma_start3A_910 = tpu.memref_slice %arg11[%dma_start3A_899] : memref<5x!tpu.dma_semaphore, #tpu.memory_space<semaphore_mem>> -> memref<1x!tpu.dma_semaphore, #tpu.memory_space<semaphore_mem>>
      %dma_start3A_911 = tpu.memref_squeeze %dma_start3A_910 : memref<1x!tpu.dma_semaphore, #tpu.memory_space<semaphore_mem>> -> memref<!tpu.dma_semaphore, #tpu.memory_space<semaphore_mem>>
      tpu.enqueue_indirect_dma source(%dma_start3A_903 : memref<40x128xf32, #tpu.memory_space<vmem>>) target(%dma_start3A_909 : memref<10240x128xf32, #tpu.memory_space<vmem_shared>>) offsets(%dma_start3A_906 : memref<40xi32, #tpu.memory_space<vmem>>) semaphore(%dma_start3A_911 : memref<!tpu.dma_semaphore, #tpu.memory_space<semaphore_mem>>) {add = true}
    }
    %scan3A_334 = arith.constant 25 : i32
    %dma_wait3A_335 = arith.constant 2 : i32
    %dma_wait3A_336 = arith.constant 0 : i32
    %dma_wait3A_337 = arith.constant 2 : i32
    %dma_wait3A_338 = arith.constant 0 : i32
    %dma_wait3A_339 = arith.constant 0 : i32
    %dma_wait3A_340 = tpu.memref_slice %arg7[%dma_wait3A_335, %dma_wait3A_338, %dma_wait3A_339] : memref<5x40x128xf32, #tpu.memory_space<vmem>> -> memref<1x40x128xf32, #tpu.memory_space<vmem>>
    %dma_wait3A_341 = tpu.memref_squeeze %dma_wait3A_340 : memref<1x40x128xf32, #tpu.memory_space<vmem>> -> memref<40x128xf32, #tpu.memory_space<vmem>>
    %dma_wait3A_342 = arith.constant 0 : i32
    %dma_wait3A_343 = tpu.memref_slice %arg6[%dma_wait3A_336, %dma_wait3A_342] : memref<10x40xi32, #tpu.memory_space<vmem>> -> memref<1x40xi32, #tpu.memory_space<vmem>>
    %dma_wait3A_344 = tpu.memref_squeeze %dma_wait3A_343 : memref<1x40xi32, #tpu.memory_space<vmem>> -> memref<40xi32, #tpu.memory_space<vmem>>
    %dma_wait3A_345 = arith.constant 0 : i32
    %dma_wait3A_346 = arith.constant 0 : i32
    %dma_wait3A_347 = tpu.memref_slice %arg9[%dma_wait3A_345, %dma_wait3A_346] : memref<10240x128xf32, #tpu.memory_space<vmem_shared>> -> memref<10240x128xf32, #tpu.memory_space<vmem_shared>>
    %dma_wait3A_348 = tpu.memref_slice %arg11[%dma_wait3A_337] : memref<5x!tpu.dma_semaphore, #tpu.memory_space<semaphore_mem>> -> memref<1x!tpu.dma_semaphore, #tpu.memory_space<semaphore_mem>>
    %dma_wait3A_349 = tpu.memref_squeeze %dma_wait3A_348 : memref<1x!tpu.dma_semaphore, #tpu.memory_space<semaphore_mem>> -> memref<!tpu.dma_semaphore, #tpu.memory_space<semaphore_mem>>
    tpu.wait_indirect_dma semaphore(%dma_wait3A_349 : memref<!tpu.dma_semaphore, #tpu.memory_space<semaphore_mem>>) src(%dma_wait3A_341 : memref<40x128xf32, #tpu.memory_space<vmem>>) dst(%dma_wait3A_347 : memref<10240x128xf32, #tpu.memory_space<vmem_shared>>)
    %dma_wait3A_350 = arith.constant 3 : i32
    %dma_wait3A_351 = arith.constant 0 : i32
    %dma_wait3A_352 = arith.constant 3 : i32
    %dma_wait3A_353 = arith.constant 0 : i32
    %dma_wait3A_354 = arith.constant 0 : i32
    %dma_wait3A_355 = tpu.memref_slice %arg7[%dma_wait3A_350, %dma_wait3A_353, %dma_wait3A_354] : memref<5x40x128xf32, #tpu.memory_space<vmem>> -> memref<1x40x128xf32, #tpu.memory_space<vmem>>
    %dma_wait3A_356 = tpu.memref_squeeze %dma_wait3A_355 : memref<1x40x128xf32, #tpu.memory_space<vmem>> -> memref<40x128xf32, #tpu.memory_space<vmem>>
    %dma_wait3A_357 = arith.constant 0 : i32
    %dma_wait3A_358 = tpu.memref_slice %arg6[%dma_wait3A_351, %dma_wait3A_357] : memref<10x40xi32, #tpu.memory_space<vmem>> -> memref<1x40xi32, #tpu.memory_space<vmem>>
    %dma_wait3A_359 = tpu.memref_squeeze %dma_wait3A_358 : memref<1x40xi32, #tpu.memory_space<vmem>> -> memref<40xi32, #tpu.memory_space<vmem>>
    %dma_wait3A_360 = arith.constant 0 : i32
    %dma_wait3A_361 = arith.constant 0 : i32
    %dma_wait3A_362 = tpu.memref_slice %arg9[%dma_wait3A_360, %dma_wait3A_361] : memref<10240x128xf32, #tpu.memory_space<vmem_shared>> -> memref<10240x128xf32, #tpu.memory_space<vmem_shared>>
    %dma_wait3A_363 = tpu.memref_slice %arg11[%dma_wait3A_352] : memref<5x!tpu.dma_semaphore, #tpu.memory_space<semaphore_mem>> -> memref<1x!tpu.dma_semaphore, #tpu.memory_space<semaphore_mem>>
    %dma_wait3A_364 = tpu.memref_squeeze %dma_wait3A_363 : memref<1x!tpu.dma_semaphore, #tpu.memory_space<semaphore_mem>> -> memref<!tpu.dma_semaphore, #tpu.memory_space<semaphore_mem>>
    tpu.wait_indirect_dma semaphore(%dma_wait3A_364 : memref<!tpu.dma_semaphore, #tpu.memory_space<semaphore_mem>>) src(%dma_wait3A_356 : memref<40x128xf32, #tpu.memory_space<vmem>>) dst(%dma_wait3A_362 : memref<10240x128xf32, #tpu.memory_space<vmem_shared>>)
    %dma_wait3A_365 = arith.constant 4 : i32
    %dma_wait3A_366 = arith.constant 0 : i32
    %dma_wait3A_367 = arith.constant 4 : i32
    %dma_wait3A_368 = arith.constant 0 : i32
    %dma_wait3A_369 = arith.constant 0 : i32
    %dma_wait3A_370 = tpu.memref_slice %arg7[%dma_wait3A_365, %dma_wait3A_368, %dma_wait3A_369] : memref<5x40x128xf32, #tpu.memory_space<vmem>> -> memref<1x40x128xf32, #tpu.memory_space<vmem>>
    %dma_wait3A_371 = tpu.memref_squeeze %dma_wait3A_370 : memref<1x40x128xf32, #tpu.memory_space<vmem>> -> memref<40x128xf32, #tpu.memory_space<vmem>>
    %dma_wait3A_372 = arith.constant 0 : i32
    %dma_wait3A_373 = tpu.memref_slice %arg6[%dma_wait3A_366, %dma_wait3A_372] : memref<10x40xi32, #tpu.memory_space<vmem>> -> memref<1x40xi32, #tpu.memory_space<vmem>>
    %dma_wait3A_374 = tpu.memref_squeeze %dma_wait3A_373 : memref<1x40xi32, #tpu.memory_space<vmem>> -> memref<40xi32, #tpu.memory_space<vmem>>
    %dma_wait3A_375 = arith.constant 0 : i32
    %dma_wait3A_376 = arith.constant 0 : i32
    %dma_wait3A_377 = tpu.memref_slice %arg9[%dma_wait3A_375, %dma_wait3A_376] : memref<10240x128xf32, #tpu.memory_space<vmem_shared>> -> memref<10240x128xf32, #tpu.memory_space<vmem_shared>>
    %dma_wait3A_378 = tpu.memref_slice %arg11[%dma_wait3A_367] : memref<5x!tpu.dma_semaphore, #tpu.memory_space<semaphore_mem>> -> memref<1x!tpu.dma_semaphore, #tpu.memory_space<semaphore_mem>>
    %dma_wait3A_379 = tpu.memref_squeeze %dma_wait3A_378 : memref<1x!tpu.dma_semaphore, #tpu.memory_space<semaphore_mem>> -> memref<!tpu.dma_semaphore, #tpu.memory_space<semaphore_mem>>
    tpu.wait_indirect_dma semaphore(%dma_wait3A_379 : memref<!tpu.dma_semaphore, #tpu.memory_space<semaphore_mem>>) src(%dma_wait3A_371 : memref<40x128xf32, #tpu.memory_space<vmem>>) dst(%dma_wait3A_377 : memref<10240x128xf32, #tpu.memory_space<vmem_shared>>)
    %barrier3A_380 = arith.constant 0 : index
    tpu.barrier barrier_id(%barrier3A_380)
    %mul3A_381 = arith.constant 640 : i32
    %mul3A_382 = arith.muli %arg1, %mul3A_381 : i32
    %mul3A_383 = arith.constant 640 : i32
    %mul3A_384 = arith.muli %arg1, %mul3A_383 : i32
    "tpu.region"() ({
      %run_scoped3A = tpu.sem_alloc : memref<!tpu.dma_semaphore, #tpu.memory_space<semaphore_mem>>
      %dma_start3A_385 = arith.constant 0 : i32
      %dma_start3A_386 = tpu.memref_slice %arg4[%arg0, %mul3A_384, %dma_start3A_385] : memref<2x10240x128xf32, #tpu.memory_space<hbm>> -> memref<1x640x128xf32, #tpu.memory_space<hbm>>
      %dma_start3A_387 = tpu.memref_squeeze %dma_start3A_386 : memref<1x640x128xf32, #tpu.memory_space<hbm>> -> memref<640x128xf32, #tpu.memory_space<hbm>>
      %dma_start3A_388 = arith.constant 0 : i32
      %dma_start3A_389 = tpu.memref_slice %arg9[%mul3A_382, %dma_start3A_388] : memref<10240x128xf32, #tpu.memory_space<vmem_shared>> -> memref<640x128xf32, #tpu.memory_space<vmem_shared>>
      tpu.enqueue_dma source(%dma_start3A_389 : memref<640x128xf32, #tpu.memory_space<vmem_shared>>) target(%dma_start3A_387 : memref<640x128xf32, #tpu.memory_space<hbm>>) target_semaphore(%run_scoped3A : memref<!tpu.dma_semaphore, #tpu.memory_space<semaphore_mem>>)
      %dma_wait3A_390 = arith.constant 0 : i32
      %dma_wait3A_391 = tpu.memref_slice %arg4[%arg0, %mul3A_384, %dma_wait3A_390] : memref<2x10240x128xf32, #tpu.memory_space<hbm>> -> memref<1x640x128xf32, #tpu.memory_space<hbm>>
      %dma_wait3A_392 = tpu.memref_squeeze %dma_wait3A_391 : memref<1x640x128xf32, #tpu.memory_space<hbm>> -> memref<640x128xf32, #tpu.memory_space<hbm>>
      %dma_wait3A_393 = arith.constant 0 : i32
      %dma_wait3A_394 = tpu.memref_slice %arg9[%mul3A_382, %dma_wait3A_393] : memref<10240x128xf32, #tpu.memory_space<vmem_shared>> -> memref<640x128xf32, #tpu.memory_space<vmem_shared>>
      tpu.wait_dma2 semaphore(%run_scoped3A : memref<!tpu.dma_semaphore, #tpu.memory_space<semaphore_mem>>) src(%dma_wait3A_394 : memref<640x128xf32, #tpu.memory_space<vmem_shared>>) dst(%dma_wait3A_392 : memref<640x128xf32, #tpu.memory_space<hbm>>)
      tpu.yield
    }) : () -> ()
    return
  }
}

#map = affine_map<(d0, d1) -> (0)>
#map1 = affine_map<(d0, d1) -> (0, 0, 0)>
module attributes {stable_mosaic.version = 14 : i64} {
  func.func @_hist_body(%arg0: i32, %arg1: i32, %arg2: memref<640000xi32, #tpu.memory_space<hbm>>, %arg3: memref<2x2x10240xf32, #tpu.memory_space<hbm>>, %arg4: memref<10000xi32, #tpu.memory_space<vmem>>, %arg5: memref<10000xi32, #tpu.memory_space<vmem>>, %arg6: memref<10240xf32, #tpu.memory_space<vmem>>, %arg7: memref<10240xf32, #tpu.memory_space<vmem>>, %arg8: memref<16x640xf32, #tpu.memory_space<vmem>>, %arg9: memref<640xf32, #tpu.memory_space<vmem>>, %arg10: memref<16x2x10240xf32, #tpu.memory_space<vmem_shared>>) attributes {dimension_semantics = [#tpu.dimension_semantics<core_parallel>, #tpu.dimension_semantics<subcore_parallel>], iteration_bounds = array<i64: 2, 16>, scalar_prefetch = 0 : i64, scratch_operands = 7 : i64, tpu.core_type = #tpu.core_type<sc_vector_subcore>, window_params = [{transform_indices = #map}, {transform_indices = #map1}]} {
    %mul3A = arith.constant 2 : i32
    %mul3A_0 = arith.muli %arg1, %mul3A : i32
    %add3A = arith.addi %mul3A_0, %arg0 : i32
    %mul3A_1 = arith.constant 10000 : i32
    %mul3A_2 = arith.muli %add3A, %mul3A_1 : i32
    "tpu.region"() ({
      %run_scoped3A_53 = tpu.sem_alloc : memref<!tpu.dma_semaphore, #tpu.memory_space<semaphore_mem>>
      %dma_start3A = tpu.memref_slice %arg2[%mul3A_2] : memref<640000xi32, #tpu.memory_space<hbm>> -> memref<10000xi32, #tpu.memory_space<hbm>>
      %dma_start3A_54 = tpu.memref_slice %arg2[%mul3A_2] : memref<640000xi32, #tpu.memory_space<hbm>> -> memref<10000xi32, #tpu.memory_space<hbm>>
      tpu.enqueue_dma source(%dma_start3A_54 : memref<10000xi32, #tpu.memory_space<hbm>>) target(%arg4 : memref<10000xi32, #tpu.memory_space<vmem>>) target_semaphore(%run_scoped3A_53 : memref<!tpu.dma_semaphore, #tpu.memory_space<semaphore_mem>>)
      %dma_wait3A = tpu.memref_slice %arg2[%mul3A_2] : memref<640000xi32, #tpu.memory_space<hbm>> -> memref<10000xi32, #tpu.memory_space<hbm>>
      %dma_wait3A_55 = tpu.memref_slice %arg2[%mul3A_2] : memref<640000xi32, #tpu.memory_space<hbm>> -> memref<10000xi32, #tpu.memory_space<hbm>>
      tpu.wait_dma2 semaphore(%run_scoped3A_53 : memref<!tpu.dma_semaphore, #tpu.memory_space<semaphore_mem>>) src(%dma_wait3A_55 : memref<10000xi32, #tpu.memory_space<hbm>>) dst(%arg4 : memref<10000xi32, #tpu.memory_space<vmem>>)
      tpu.yield
    }) : () -> ()
    %add3A_3 = arith.constant 320000 : i32
    %add3A_4 = arith.addi %add3A_3, %mul3A_2 : i32
    "tpu.region"() ({
      %run_scoped3A_53 = tpu.sem_alloc : memref<!tpu.dma_semaphore, #tpu.memory_space<semaphore_mem>>
      %dma_start3A = tpu.memref_slice %arg2[%add3A_4] : memref<640000xi32, #tpu.memory_space<hbm>> -> memref<10000xi32, #tpu.memory_space<hbm>>
      %dma_start3A_54 = tpu.memref_slice %arg2[%add3A_4] : memref<640000xi32, #tpu.memory_space<hbm>> -> memref<10000xi32, #tpu.memory_space<hbm>>
      tpu.enqueue_dma source(%dma_start3A_54 : memref<10000xi32, #tpu.memory_space<hbm>>) target(%arg5 : memref<10000xi32, #tpu.memory_space<vmem>>) target_semaphore(%run_scoped3A_53 : memref<!tpu.dma_semaphore, #tpu.memory_space<semaphore_mem>>)
      %dma_wait3A = tpu.memref_slice %arg2[%add3A_4] : memref<640000xi32, #tpu.memory_space<hbm>> -> memref<10000xi32, #tpu.memory_space<hbm>>
      %dma_wait3A_55 = tpu.memref_slice %arg2[%add3A_4] : memref<640000xi32, #tpu.memory_space<hbm>> -> memref<10000xi32, #tpu.memory_space<hbm>>
      tpu.wait_dma2 semaphore(%run_scoped3A_53 : memref<!tpu.dma_semaphore, #tpu.memory_space<semaphore_mem>>) src(%dma_wait3A_55 : memref<10000xi32, #tpu.memory_space<hbm>>) dst(%arg5 : memref<10000xi32, #tpu.memory_space<vmem>>)
      tpu.yield
    }) : () -> ()
    %broadcast_in_dim3A = arith.constant 0.000000e+00 : f32
    %broadcast_in_dim3A_5 = vector.broadcast %broadcast_in_dim3A : f32 to vector<16xf32>
    %scan3A = arith.constant 0 : i32
    %scan3A_6 = arith.constant 0 : i32
    %scan3A_7 = arith.constant 640 : i32
    %scan3A_8 = arith.addi %scan3A_6, %scan3A_7 : i32
    %scan3A_9 = arith.constant 4 : i32
    scf.for %scan3A_53 = %scan3A_6 to %scan3A_8 step %scan3A_9  : i32 {
      %mul3A_54 = arith.constant 16 : i32
      %mul3A_55 = arith.muli %scan3A_53, %mul3A_54 : i32
      %swap3A = arith.index_cast %mul3A_55 : i32 to index
      %swap3A_56 = tpu.vector_load %arg6[%swap3A] {strides = array<i32>} : memref<10240xf32, #tpu.memory_space<vmem>>, vector<16xf32>,
      tpu.vector_store %arg6[%swap3A], %broadcast_in_dim3A_5 {strides = array<i32>} : memref<10240xf32, #tpu.memory_space<vmem>>, vector<16xf32>,
      %mul3A_57 = arith.constant 16 : i32
      %mul3A_58 = arith.muli %scan3A_53, %mul3A_57 : i32
      %swap3A_59 = arith.index_cast %mul3A_58 : i32 to index
      %swap3A_60 = tpu.vector_load %arg7[%swap3A_59] {strides = array<i32>} : memref<10240xf32, #tpu.memory_space<vmem>>, vector<16xf32>,
      tpu.vector_store %arg7[%swap3A_59], %broadcast_in_dim3A_5 {strides = array<i32>} : memref<10240xf32, #tpu.memory_space<vmem>>, vector<16xf32>,
      %scan3A_61 = arith.constant 1 : i32
      %scan3A_62 = arith.addi %scan3A_53, %scan3A_61 : i32
      %mul3A_63 = arith.constant 16 : i32
      %mul3A_64 = arith.muli %scan3A_62, %mul3A_63 : i32
      %swap3A_65 = arith.index_cast %mul3A_64 : i32 to index
      %swap3A_66 = tpu.vector_load %arg6[%swap3A_65] {strides = array<i32>} : memref<10240xf32, #tpu.memory_space<vmem>>, vector<16xf32>,
      tpu.vector_store %arg6[%swap3A_65], %broadcast_in_dim3A_5 {strides = array<i32>} : memref<10240xf32, #tpu.memory_space<vmem>>, vector<16xf32>,
      %mul3A_67 = arith.constant 16 : i32
      %mul3A_68 = arith.muli %scan3A_62, %mul3A_67 : i32
      %swap3A_69 = arith.index_cast %mul3A_68 : i32 to index
      %swap3A_70 = tpu.vector_load %arg7[%swap3A_69] {strides = array<i32>} : memref<10240xf32, #tpu.memory_space<vmem>>, vector<16xf32>,
      tpu.vector_store %arg7[%swap3A_69], %broadcast_in_dim3A_5 {strides = array<i32>} : memref<10240xf32, #tpu.memory_space<vmem>>, vector<16xf32>,
      %scan3A_71 = arith.constant 2 : i32
      %scan3A_72 = arith.addi %scan3A_53, %scan3A_71 : i32
      %mul3A_73 = arith.constant 16 : i32
      %mul3A_74 = arith.muli %scan3A_72, %mul3A_73 : i32
      %swap3A_75 = arith.index_cast %mul3A_74 : i32 to index
      %swap3A_76 = tpu.vector_load %arg6[%swap3A_75] {strides = array<i32>} : memref<10240xf32, #tpu.memory_space<vmem>>, vector<16xf32>,
      tpu.vector_store %arg6[%swap3A_75], %broadcast_in_dim3A_5 {strides = array<i32>} : memref<10240xf32, #tpu.memory_space<vmem>>, vector<16xf32>,
      %mul3A_77 = arith.constant 16 : i32
      %mul3A_78 = arith.muli %scan3A_72, %mul3A_77 : i32
      %swap3A_79 = arith.index_cast %mul3A_78 : i32 to index
      %swap3A_80 = tpu.vector_load %arg7[%swap3A_79] {strides = array<i32>} : memref<10240xf32, #tpu.memory_space<vmem>>, vector<16xf32>,
      tpu.vector_store %arg7[%swap3A_79], %broadcast_in_dim3A_5 {strides = array<i32>} : memref<10240xf32, #tpu.memory_space<vmem>>, vector<16xf32>,
      %scan3A_81 = arith.constant 3 : i32
      %scan3A_82 = arith.addi %scan3A_53, %scan3A_81 : i32
      %mul3A_83 = arith.constant 16 : i32
      %mul3A_84 = arith.muli %scan3A_82, %mul3A_83 : i32
      %swap3A_85 = arith.index_cast %mul3A_84 : i32 to index
      %swap3A_86 = tpu.vector_load %arg6[%swap3A_85] {strides = array<i32>} : memref<10240xf32, #tpu.memory_space<vmem>>, vector<16xf32>,
      tpu.vector_store %arg6[%swap3A_85], %broadcast_in_dim3A_5 {strides = array<i32>} : memref<10240xf32, #tpu.memory_space<vmem>>, vector<16xf32>,
      %mul3A_87 = arith.constant 16 : i32
      %mul3A_88 = arith.muli %scan3A_82, %mul3A_87 : i32
      %swap3A_89 = arith.index_cast %mul3A_88 : i32 to index
      %swap3A_90 = tpu.vector_load %arg7[%swap3A_89] {strides = array<i32>} : memref<10240xf32, #tpu.memory_space<vmem>>, vector<16xf32>,
      tpu.vector_store %arg7[%swap3A_89], %broadcast_in_dim3A_5 {strides = array<i32>} : memref<10240xf32, #tpu.memory_space<vmem>>, vector<16xf32>,
    }
    %scan3A_10 = arith.constant 640 : i32
    %broadcast_in_dim3A_11 = arith.constant 1.000000e+00 : f32
    %broadcast_in_dim3A_12 = vector.broadcast %broadcast_in_dim3A_11 : f32 to vector<16xf32>
    %scan3A_13 = arith.constant 0 : i32
    %scan3A_14 = arith.constant 0 : i32
    %scan3A_15 = arith.constant 624 : i32
    %scan3A_16 = arith.addi %scan3A_14, %scan3A_15 : i32
    %scan3A_17 = arith.constant 4 : i32
    scf.for %scan3A_53 = %scan3A_14 to %scan3A_16 step %scan3A_17  : i32 {
      %mul3A_54 = arith.constant 16 : i32
      %mul3A_55 = arith.muli %scan3A_53, %mul3A_54 : i32
      %get3A_56 = arith.index_cast %mul3A_55 : i32 to index
      %get3A_57 = tpu.vector_load %arg4[%get3A_56] {strides = array<i32>} : memref<10000xi32, #tpu.memory_space<vmem>>, vector<16xi32>,
      tpu.vector_store_idx %arg6[%get3A_57], %broadcast_in_dim3A_12 {add = true} : memref<10240xf32, #tpu.memory_space<vmem>>[vector<16xi32>], vector<16xf32>,
      %mul3A_58 = arith.constant 16 : i32
      %mul3A_59 = arith.muli %scan3A_53, %mul3A_58 : i32
      %get3A_60 = arith.index_cast %mul3A_59 : i32 to index
      %get3A_61 = tpu.vector_load %arg5[%get3A_60] {strides = array<i32>} : memref<10000xi32, #tpu.memory_space<vmem>>, vector<16xi32>,
      tpu.vector_store_idx %arg7[%get3A_61], %broadcast_in_dim3A_12 {add = true} : memref<10240xf32, #tpu.memory_space<vmem>>[vector<16xi32>], vector<16xf32>,
      %scan3A_62 = arith.constant 1 : i32
      %scan3A_63 = arith.addi %scan3A_53, %scan3A_62 : i32
      %mul3A_64 = arith.constant 16 : i32
      %mul3A_65 = arith.muli %scan3A_63, %mul3A_64 : i32
      %get3A_66 = arith.index_cast %mul3A_65 : i32 to index
      %get3A_67 = tpu.vector_load %arg4[%get3A_66] {strides = array<i32>} : memref<10000xi32, #tpu.memory_space<vmem>>, vector<16xi32>,
      tpu.vector_store_idx %arg6[%get3A_67], %broadcast_in_dim3A_12 {add = true} : memref<10240xf32, #tpu.memory_space<vmem>>[vector<16xi32>], vector<16xf32>,
      %mul3A_68 = arith.constant 16 : i32
      %mul3A_69 = arith.muli %scan3A_63, %mul3A_68 : i32
      %get3A_70 = arith.index_cast %mul3A_69 : i32 to index
      %get3A_71 = tpu.vector_load %arg5[%get3A_70] {strides = array<i32>} : memref<10000xi32, #tpu.memory_space<vmem>>, vector<16xi32>,
      tpu.vector_store_idx %arg7[%get3A_71], %broadcast_in_dim3A_12 {add = true} : memref<10240xf32, #tpu.memory_space<vmem>>[vector<16xi32>], vector<16xf32>,
      %scan3A_72 = arith.constant 2 : i32
      %scan3A_73 = arith.addi %scan3A_53, %scan3A_72 : i32
      %mul3A_74 = arith.constant 16 : i32
      %mul3A_75 = arith.muli %scan3A_73, %mul3A_74 : i32
      %get3A_76 = arith.index_cast %mul3A_75 : i32 to index
      %get3A_77 = tpu.vector_load %arg4[%get3A_76] {strides = array<i32>} : memref<10000xi32, #tpu.memory_space<vmem>>, vector<16xi32>,
      tpu.vector_store_idx %arg6[%get3A_77], %broadcast_in_dim3A_12 {add = true} : memref<10240xf32, #tpu.memory_space<vmem>>[vector<16xi32>], vector<16xf32>,
      %mul3A_78 = arith.constant 16 : i32
      %mul3A_79 = arith.muli %scan3A_73, %mul3A_78 : i32
      %get3A_80 = arith.index_cast %mul3A_79 : i32 to index
      %get3A_81 = tpu.vector_load %arg5[%get3A_80] {strides = array<i32>} : memref<10000xi32, #tpu.memory_space<vmem>>, vector<16xi32>,
      tpu.vector_store_idx %arg7[%get3A_81], %broadcast_in_dim3A_12 {add = true} : memref<10240xf32, #tpu.memory_space<vmem>>[vector<16xi32>], vector<16xf32>,
      %scan3A_82 = arith.constant 3 : i32
      %scan3A_83 = arith.addi %scan3A_53, %scan3A_82 : i32
      %mul3A_84 = arith.constant 16 : i32
      %mul3A_85 = arith.muli %scan3A_83, %mul3A_84 : i32
      %get3A_86 = arith.index_cast %mul3A_85 : i32 to index
      %get3A_87 = tpu.vector_load %arg4[%get3A_86] {strides = array<i32>} : memref<10000xi32, #tpu.memory_space<vmem>>, vector<16xi32>,
      tpu.vector_store_idx %arg6[%get3A_87], %broadcast_in_dim3A_12 {add = true} : memref<10240xf32, #tpu.memory_space<vmem>>[vector<16xi32>], vector<16xf32>,
      %mul3A_88 = arith.constant 16 : i32
      %mul3A_89 = arith.muli %scan3A_83, %mul3A_88 : i32
      %get3A_90 = arith.index_cast %mul3A_89 : i32 to index
      %get3A_91 = tpu.vector_load %arg5[%get3A_90] {strides = array<i32>} : memref<10000xi32, #tpu.memory_space<vmem>>, vector<16xi32>,
      tpu.vector_store_idx %arg7[%get3A_91], %broadcast_in_dim3A_12 {add = true} : memref<10240xf32, #tpu.memory_space<vmem>>[vector<16xi32>], vector<16xf32>,
    }
    %scan3A_18 = arith.constant 624 : i32
    %scan3A_19 = arith.addi %scan3A_14, %scan3A_18 : i32
    %mul3A_20 = arith.constant 16 : i32
    %mul3A_21 = arith.muli %scan3A_19, %mul3A_20 : i32
    %get3A = arith.index_cast %mul3A_21 : i32 to index
    %get3A_22 = tpu.vector_load %arg4[%get3A] {strides = array<i32>} : memref<10000xi32, #tpu.memory_space<vmem>>, vector<16xi32>,
    tpu.vector_store_idx %arg6[%get3A_22], %broadcast_in_dim3A_12 {add = true} : memref<10240xf32, #tpu.memory_space<vmem>>[vector<16xi32>], vector<16xf32>,
    %mul3A_23 = arith.constant 16 : i32
    %mul3A_24 = arith.muli %scan3A_19, %mul3A_23 : i32
    %get3A_25 = arith.index_cast %mul3A_24 : i32 to index
    %get3A_26 = tpu.vector_load %arg5[%get3A_25] {strides = array<i32>} : memref<10000xi32, #tpu.memory_space<vmem>>, vector<16xi32>,
    tpu.vector_store_idx %arg7[%get3A_26], %broadcast_in_dim3A_12 {add = true} : memref<10240xf32, #tpu.memory_space<vmem>>[vector<16xi32>], vector<16xf32>,
    %scan3A_27 = arith.constant 625 : i32
    %run_scoped3A = arith.constant 0 : i32
    "tpu.region"() ({
      %run_scoped3A_53 = tpu.sem_alloc : memref<!tpu.dma_semaphore, #tpu.memory_space<semaphore_mem>>
      %dma_start3A = arith.constant 0 : i32
      %dma_start3A_54 = tpu.memref_slice %arg10[%arg1, %run_scoped3A, %dma_start3A] : memref<16x2x10240xf32, #tpu.memory_space<vmem_shared>> -> memref<1x1x10240xf32, #tpu.memory_space<vmem_shared>>
      %dma_start3A_55 = tpu.memref_squeeze %dma_start3A_54 : memref<1x1x10240xf32, #tpu.memory_space<vmem_shared>> -> memref<10240xf32, #tpu.memory_space<vmem_shared>>
      %dma_start3A_56 = arith.constant 0 : i32
      %dma_start3A_57 = tpu.memref_slice %arg10[%arg1, %run_scoped3A, %dma_start3A_56] : memref<16x2x10240xf32, #tpu.memory_space<vmem_shared>> -> memref<1x1x10240xf32, #tpu.memory_space<vmem_shared>>
      %dma_start3A_58 = tpu.memref_squeeze %dma_start3A_57 : memref<1x1x10240xf32, #tpu.memory_space<vmem_shared>> -> memref<10240xf32, #tpu.memory_space<vmem_shared>>
      tpu.enqueue_dma source(%arg6 : memref<10240xf32, #tpu.memory_space<vmem>>) target(%dma_start3A_58 : memref<10240xf32, #tpu.memory_space<vmem_shared>>) target_semaphore(%run_scoped3A_53 : memref<!tpu.dma_semaphore, #tpu.memory_space<semaphore_mem>>)
      %dma_wait3A = arith.constant 0 : i32
      %dma_wait3A_59 = tpu.memref_slice %arg10[%arg1, %run_scoped3A, %dma_wait3A] : memref<16x2x10240xf32, #tpu.memory_space<vmem_shared>> -> memref<1x1x10240xf32, #tpu.memory_space<vmem_shared>>
      %dma_wait3A_60 = tpu.memref_squeeze %dma_wait3A_59 : memref<1x1x10240xf32, #tpu.memory_space<vmem_shared>> -> memref<10240xf32, #tpu.memory_space<vmem_shared>>
      %dma_wait3A_61 = arith.constant 0 : i32
      %dma_wait3A_62 = tpu.memref_slice %arg10[%arg1, %run_scoped3A, %dma_wait3A_61] : memref<16x2x10240xf32, #tpu.memory_space<vmem_shared>> -> memref<1x1x10240xf32, #tpu.memory_space<vmem_shared>>
      %dma_wait3A_63 = tpu.memref_squeeze %dma_wait3A_62 : memref<1x1x10240xf32, #tpu.memory_space<vmem_shared>> -> memref<10240xf32, #tpu.memory_space<vmem_shared>>
      tpu.wait_dma2 semaphore(%run_scoped3A_53 : memref<!tpu.dma_semaphore, #tpu.memory_space<semaphore_mem>>) src(%arg6 : memref<10240xf32, #tpu.memory_space<vmem>>) dst(%dma_wait3A_63 : memref<10240xf32, #tpu.memory_space<vmem_shared>>)
      tpu.yield
    }) : () -> ()
    %run_scoped3A_28 = arith.constant 1 : i32
    "tpu.region"() ({
      %run_scoped3A_53 = tpu.sem_alloc : memref<!tpu.dma_semaphore, #tpu.memory_space<semaphore_mem>>
      %dma_start3A = arith.constant 0 : i32
      %dma_start3A_54 = tpu.memref_slice %arg10[%arg1, %run_scoped3A_28, %dma_start3A] : memref<16x2x10240xf32, #tpu.memory_space<vmem_shared>> -> memref<1x1x10240xf32, #tpu.memory_space<vmem_shared>>
      %dma_start3A_55 = tpu.memref_squeeze %dma_start3A_54 : memref<1x1x10240xf32, #tpu.memory_space<vmem_shared>> -> memref<10240xf32, #tpu.memory_space<vmem_shared>>
      %dma_start3A_56 = arith.constant 0 : i32
      %dma_start3A_57 = tpu.memref_slice %arg10[%arg1, %run_scoped3A_28, %dma_start3A_56] : memref<16x2x10240xf32, #tpu.memory_space<vmem_shared>> -> memref<1x1x10240xf32, #tpu.memory_space<vmem_shared>>
      %dma_start3A_58 = tpu.memref_squeeze %dma_start3A_57 : memref<1x1x10240xf32, #tpu.memory_space<vmem_shared>> -> memref<10240xf32, #tpu.memory_space<vmem_shared>>
      tpu.enqueue_dma source(%arg7 : memref<10240xf32, #tpu.memory_space<vmem>>) target(%dma_start3A_58 : memref<10240xf32, #tpu.memory_space<vmem_shared>>) target_semaphore(%run_scoped3A_53 : memref<!tpu.dma_semaphore, #tpu.memory_space<semaphore_mem>>)
      %dma_wait3A = arith.constant 0 : i32
      %dma_wait3A_59 = tpu.memref_slice %arg10[%arg1, %run_scoped3A_28, %dma_wait3A] : memref<16x2x10240xf32, #tpu.memory_space<vmem_shared>> -> memref<1x1x10240xf32, #tpu.memory_space<vmem_shared>>
      %dma_wait3A_60 = tpu.memref_squeeze %dma_wait3A_59 : memref<1x1x10240xf32, #tpu.memory_space<vmem_shared>> -> memref<10240xf32, #tpu.memory_space<vmem_shared>>
      %dma_wait3A_61 = arith.constant 0 : i32
      %dma_wait3A_62 = tpu.memref_slice %arg10[%arg1, %run_scoped3A_28, %dma_wait3A_61] : memref<16x2x10240xf32, #tpu.memory_space<vmem_shared>> -> memref<1x1x10240xf32, #tpu.memory_space<vmem_shared>>
      %dma_wait3A_63 = tpu.memref_squeeze %dma_wait3A_62 : memref<1x1x10240xf32, #tpu.memory_space<vmem_shared>> -> memref<10240xf32, #tpu.memory_space<vmem_shared>>
      tpu.wait_dma2 semaphore(%run_scoped3A_53 : memref<!tpu.dma_semaphore, #tpu.memory_space<semaphore_mem>>) src(%arg7 : memref<10240xf32, #tpu.memory_space<vmem>>) dst(%dma_wait3A_63 : memref<10240xf32, #tpu.memory_space<vmem_shared>>)
      tpu.yield
    }) : () -> ()
    %barrier3A = arith.constant 0 : index
    tpu.barrier barrier_id(%barrier3A)
    %mul3A_29 = arith.constant 640 : i32
    %mul3A_30 = arith.muli %arg1, %mul3A_29 : i32
    %run_scoped3A_31 = arith.constant 0 : i32
    "tpu.region"() ({
      %run_scoped3A_53 = tpu.sem_alloc : memref<!tpu.dma_semaphore, #tpu.memory_space<semaphore_mem>>
      %dma_start3A = arith.constant 0 : i32
      %dma_start3A_54 = tpu.memref_slice %arg10[%dma_start3A, %run_scoped3A_31, %mul3A_30] : memref<16x2x10240xf32, #tpu.memory_space<vmem_shared>> -> memref<16x1x640xf32, #tpu.memory_space<vmem_shared>>
      %dma_start3A_55 = tpu.memref_squeeze %dma_start3A_54 : memref<16x1x640xf32, #tpu.memory_space<vmem_shared>> -> memref<16x640xf32, #tpu.memory_space<vmem_shared>>
      %dma_start3A_56 = arith.constant 0 : i32
      %dma_start3A_57 = tpu.memref_slice %arg10[%dma_start3A_56, %run_scoped3A_31, %mul3A_30] : memref<16x2x10240xf32, #tpu.memory_space<vmem_shared>> -> memref<16x1x640xf32, #tpu.memory_space<vmem_shared>>
      %dma_start3A_58 = tpu.memref_squeeze %dma_start3A_57 : memref<16x1x640xf32, #tpu.memory_space<vmem_shared>> -> memref<16x640xf32, #tpu.memory_space<vmem_shared>>
      tpu.enqueue_dma source(%dma_start3A_58 : memref<16x640xf32, #tpu.memory_space<vmem_shared>>) target(%arg8 : memref<16x640xf32, #tpu.memory_space<vmem>>) target_semaphore(%run_scoped3A_53 : memref<!tpu.dma_semaphore, #tpu.memory_space<semaphore_mem>>)
      %dma_wait3A = arith.constant 0 : i32
      %dma_wait3A_59 = tpu.memref_slice %arg10[%dma_wait3A, %run_scoped3A_31, %mul3A_30] : memref<16x2x10240xf32, #tpu.memory_space<vmem_shared>> -> memref<16x1x640xf32, #tpu.memory_space<vmem_shared>>
      %dma_wait3A_60 = tpu.memref_squeeze %dma_wait3A_59 : memref<16x1x640xf32, #tpu.memory_space<vmem_shared>> -> memref<16x640xf32, #tpu.memory_space<vmem_shared>>
      %dma_wait3A_61 = arith.constant 0 : i32
      %dma_wait3A_62 = tpu.memref_slice %arg10[%dma_wait3A_61, %run_scoped3A_31, %mul3A_30] : memref<16x2x10240xf32, #tpu.memory_space<vmem_shared>> -> memref<16x1x640xf32, #tpu.memory_space<vmem_shared>>
      %dma_wait3A_63 = tpu.memref_squeeze %dma_wait3A_62 : memref<16x1x640xf32, #tpu.memory_space<vmem_shared>> -> memref<16x640xf32, #tpu.memory_space<vmem_shared>>
      tpu.wait_dma2 semaphore(%run_scoped3A_53 : memref<!tpu.dma_semaphore, #tpu.memory_space<semaphore_mem>>) src(%dma_wait3A_63 : memref<16x640xf32, #tpu.memory_space<vmem_shared>>) dst(%arg8 : memref<16x640xf32, #tpu.memory_space<vmem>>)
      tpu.yield
    }) : () -> ()
    %scan3A_32 = arith.constant 0 : i32
    %scan3A_33 = arith.constant 0 : i32
    %scan3A_34 = arith.constant 40 : i32
    %scan3A_35 = arith.addi %scan3A_33, %scan3A_34 : i32
    %scan3A_36 = arith.constant 2 : i32
    scf.for %scan3A_53 = %scan3A_33 to %scan3A_35 step %scan3A_36  : i32 {
      %broadcast_in_dim3A_54 = arith.constant 0.000000e+00 : f32
      %broadcast_in_dim3A_55 = vector.broadcast %broadcast_in_dim3A_54 : f32 to vector<16xf32>
      %mul3A_56 = arith.constant 16 : i32
      %mul3A_57 = arith.muli %scan3A_53, %mul3A_56 : i32
      %get3A_58 = arith.constant 0 : i32
      %get3A_59 = arith.index_cast %get3A_58 : i32 to index
      %get3A_60 = arith.index_cast %mul3A_57 : i32 to index
      %get3A_61 = tpu.vector_load %arg8[%get3A_59, %get3A_60] {strides = array<i32>} : memref<16x640xf32, #tpu.memory_space<vmem>>, vector<16xf32>,
      %add3A_62 = arith.addf %broadcast_in_dim3A_55, %get3A_61 : vector<16xf32>
      %mul3A_63 = arith.constant 16 : i32
      %mul3A_64 = arith.muli %scan3A_53, %mul3A_63 : i32
      %get3A_65 = arith.constant 1 : i32
      %get3A_66 = arith.index_cast %get3A_65 : i32 to index
      %get3A_67 = arith.index_cast %mul3A_64 : i32 to index
      %get3A_68 = tpu.vector_load %arg8[%get3A_66, %get3A_67] {strides = array<i32>} : memref<16x640xf32, #tpu.memory_space<vmem>>, vector<16xf32>,
      %add3A_69 = arith.addf %add3A_62, %get3A_68 : vector<16xf32>
      %mul3A_70 = arith.constant 16 : i32
      %mul3A_71 = arith.muli %scan3A_53, %mul3A_70 : i32
      %get3A_72 = arith.constant 2 : i32
      %get3A_73 = arith.index_cast %get3A_72 : i32 to index
      %get3A_74 = arith.index_cast %mul3A_71 : i32 to index
      %get3A_75 = tpu.vector_load %arg8[%get3A_73, %get3A_74] {strides = array<i32>} : memref<16x640xf32, #tpu.memory_space<vmem>>, vector<16xf32>,
      %add3A_76 = arith.addf %add3A_69, %get3A_75 : vector<16xf32>
      %mul3A_77 = arith.constant 16 : i32
      %mul3A_78 = arith.muli %scan3A_53, %mul3A_77 : i32
      %get3A_79 = arith.constant 3 : i32
      %get3A_80 = arith.index_cast %get3A_79 : i32 to index
      %get3A_81 = arith.index_cast %mul3A_78 : i32 to index
      %get3A_82 = tpu.vector_load %arg8[%get3A_80, %get3A_81] {strides = array<i32>} : memref<16x640xf32, #tpu.memory_space<vmem>>, vector<16xf32>,
      %add3A_83 = arith.addf %add3A_76, %get3A_82 : vector<16xf32>
      %mul3A_84 = arith.constant 16 : i32
      %mul3A_85 = arith.muli %scan3A_53, %mul3A_84 : i32
      %get3A_86 = arith.constant 4 : i32
      %get3A_87 = arith.index_cast %get3A_86 : i32 to index
      %get3A_88 = arith.index_cast %mul3A_85 : i32 to index
      %get3A_89 = tpu.vector_load %arg8[%get3A_87, %get3A_88] {strides = array<i32>} : memref<16x640xf32, #tpu.memory_space<vmem>>, vector<16xf32>,
      %add3A_90 = arith.addf %add3A_83, %get3A_89 : vector<16xf32>
      %mul3A_91 = arith.constant 16 : i32
      %mul3A_92 = arith.muli %scan3A_53, %mul3A_91 : i32
      %get3A_93 = arith.constant 5 : i32
      %get3A_94 = arith.index_cast %get3A_93 : i32 to index
      %get3A_95 = arith.index_cast %mul3A_92 : i32 to index
      %get3A_96 = tpu.vector_load %arg8[%get3A_94, %get3A_95] {strides = array<i32>} : memref<16x640xf32, #tpu.memory_space<vmem>>, vector<16xf32>,
      %add3A_97 = arith.addf %add3A_90, %get3A_96 : vector<16xf32>
      %mul3A_98 = arith.constant 16 : i32
      %mul3A_99 = arith.muli %scan3A_53, %mul3A_98 : i32
      %get3A_100 = arith.constant 6 : i32
      %get3A_101 = arith.index_cast %get3A_100 : i32 to index
      %get3A_102 = arith.index_cast %mul3A_99 : i32 to index
      %get3A_103 = tpu.vector_load %arg8[%get3A_101, %get3A_102] {strides = array<i32>} : memref<16x640xf32, #tpu.memory_space<vmem>>, vector<16xf32>,
      %add3A_104 = arith.addf %add3A_97, %get3A_103 : vector<16xf32>
      %mul3A_105 = arith.constant 16 : i32
      %mul3A_106 = arith.muli %scan3A_53, %mul3A_105 : i32
      %get3A_107 = arith.constant 7 : i32
      %get3A_108 = arith.index_cast %get3A_107 : i32 to index
      %get3A_109 = arith.index_cast %mul3A_106 : i32 to index
      %get3A_110 = tpu.vector_load %arg8[%get3A_108, %get3A_109] {strides = array<i32>} : memref<16x640xf32, #tpu.memory_space<vmem>>, vector<16xf32>,
      %add3A_111 = arith.addf %add3A_104, %get3A_110 : vector<16xf32>
      %mul3A_112 = arith.constant 16 : i32
      %mul3A_113 = arith.muli %scan3A_53, %mul3A_112 : i32
      %get3A_114 = arith.constant 8 : i32
      %get3A_115 = arith.index_cast %get3A_114 : i32 to index
      %get3A_116 = arith.index_cast %mul3A_113 : i32 to index
      %get3A_117 = tpu.vector_load %arg8[%get3A_115, %get3A_116] {strides = array<i32>} : memref<16x640xf32, #tpu.memory_space<vmem>>, vector<16xf32>,
      %add3A_118 = arith.addf %add3A_111, %get3A_117 : vector<16xf32>
      %mul3A_119 = arith.constant 16 : i32
      %mul3A_120 = arith.muli %scan3A_53, %mul3A_119 : i32
      %get3A_121 = arith.constant 9 : i32
      %get3A_122 = arith.index_cast %get3A_121 : i32 to index
      %get3A_123 = arith.index_cast %mul3A_120 : i32 to index
      %get3A_124 = tpu.vector_load %arg8[%get3A_122, %get3A_123] {strides = array<i32>} : memref<16x640xf32, #tpu.memory_space<vmem>>, vector<16xf32>,
      %add3A_125 = arith.addf %add3A_118, %get3A_124 : vector<16xf32>
      %mul3A_126 = arith.constant 16 : i32
      %mul3A_127 = arith.muli %scan3A_53, %mul3A_126 : i32
      %get3A_128 = arith.constant 10 : i32
      %get3A_129 = arith.index_cast %get3A_128 : i32 to index
      %get3A_130 = arith.index_cast %mul3A_127 : i32 to index
      %get3A_131 = tpu.vector_load %arg8[%get3A_129, %get3A_130] {strides = array<i32>} : memref<16x640xf32, #tpu.memory_space<vmem>>, vector<16xf32>,
      %add3A_132 = arith.addf %add3A_125, %get3A_131 : vector<16xf32>
      %mul3A_133 = arith.constant 16 : i32
      %mul3A_134 = arith.muli %scan3A_53, %mul3A_133 : i32
      %get3A_135 = arith.constant 11 : i32
      %get3A_136 = arith.index_cast %get3A_135 : i32 to index
      %get3A_137 = arith.index_cast %mul3A_134 : i32 to index
      %get3A_138 = tpu.vector_load %arg8[%get3A_136, %get3A_137] {strides = array<i32>} : memref<16x640xf32, #tpu.memory_space<vmem>>, vector<16xf32>,
      %add3A_139 = arith.addf %add3A_132, %get3A_138 : vector<16xf32>
      %mul3A_140 = arith.constant 16 : i32
      %mul3A_141 = arith.muli %scan3A_53, %mul3A_140 : i32
      %get3A_142 = arith.constant 12 : i32
      %get3A_143 = arith.index_cast %get3A_142 : i32 to index
      %get3A_144 = arith.index_cast %mul3A_141 : i32 to index
      %get3A_145 = tpu.vector_load %arg8[%get3A_143, %get3A_144] {strides = array<i32>} : memref<16x640xf32, #tpu.memory_space<vmem>>, vector<16xf32>,
      %add3A_146 = arith.addf %add3A_139, %get3A_145 : vector<16xf32>
      %mul3A_147 = arith.constant 16 : i32
      %mul3A_148 = arith.muli %scan3A_53, %mul3A_147 : i32
      %get3A_149 = arith.constant 13 : i32
      %get3A_150 = arith.index_cast %get3A_149 : i32 to index
      %get3A_151 = arith.index_cast %mul3A_148 : i32 to index
      %get3A_152 = tpu.vector_load %arg8[%get3A_150, %get3A_151] {strides = array<i32>} : memref<16x640xf32, #tpu.memory_space<vmem>>, vector<16xf32>,
      %add3A_153 = arith.addf %add3A_146, %get3A_152 : vector<16xf32>
      %mul3A_154 = arith.constant 16 : i32
      %mul3A_155 = arith.muli %scan3A_53, %mul3A_154 : i32
      %get3A_156 = arith.constant 14 : i32
      %get3A_157 = arith.index_cast %get3A_156 : i32 to index
      %get3A_158 = arith.index_cast %mul3A_155 : i32 to index
      %get3A_159 = tpu.vector_load %arg8[%get3A_157, %get3A_158] {strides = array<i32>} : memref<16x640xf32, #tpu.memory_space<vmem>>, vector<16xf32>,
      %add3A_160 = arith.addf %add3A_153, %get3A_159 : vector<16xf32>
      %mul3A_161 = arith.constant 16 : i32
      %mul3A_162 = arith.muli %scan3A_53, %mul3A_161 : i32
      %get3A_163 = arith.constant 15 : i32
      %get3A_164 = arith.index_cast %get3A_163 : i32 to index
      %get3A_165 = arith.index_cast %mul3A_162 : i32 to index
      %get3A_166 = tpu.vector_load %arg8[%get3A_164, %get3A_165] {strides = array<i32>} : memref<16x640xf32, #tpu.memory_space<vmem>>, vector<16xf32>,
      %add3A_167 = arith.addf %add3A_160, %get3A_166 : vector<16xf32>
      %mul3A_168 = arith.constant 16 : i32
      %mul3A_169 = arith.muli %scan3A_53, %mul3A_168 : i32
      %swap3A = arith.index_cast %mul3A_169 : i32 to index
      %swap3A_170 = tpu.vector_load %arg9[%swap3A] {strides = array<i32>} : memref<640xf32, #tpu.memory_space<vmem>>, vector<16xf32>,
      tpu.vector_store %arg9[%swap3A], %add3A_167 {strides = array<i32>} : memref<640xf32, #tpu.memory_space<vmem>>, vector<16xf32>,
      %scan3A_171 = arith.constant 1 : i32
      %scan3A_172 = arith.addi %scan3A_53, %scan3A_171 : i32
      %broadcast_in_dim3A_173 = arith.constant 0.000000e+00 : f32
      %broadcast_in_dim3A_174 = vector.broadcast %broadcast_in_dim3A_173 : f32 to vector<16xf32>
      %mul3A_175 = arith.constant 16 : i32
      %mul3A_176 = arith.muli %scan3A_172, %mul3A_175 : i32
      %get3A_177 = arith.constant 0 : i32
      %get3A_178 = arith.index_cast %get3A_177 : i32 to index
      %get3A_179 = arith.index_cast %mul3A_176 : i32 to index
      %get3A_180 = tpu.vector_load %arg8[%get3A_178, %get3A_179] {strides = array<i32>} : memref<16x640xf32, #tpu.memory_space<vmem>>, vector<16xf32>,
      %add3A_181 = arith.addf %broadcast_in_dim3A_174, %get3A_180 : vector<16xf32>
      %mul3A_182 = arith.constant 16 : i32
      %mul3A_183 = arith.muli %scan3A_172, %mul3A_182 : i32
      %get3A_184 = arith.constant 1 : i32
      %get3A_185 = arith.index_cast %get3A_184 : i32 to index
      %get3A_186 = arith.index_cast %mul3A_183 : i32 to index
      %get3A_187 = tpu.vector_load %arg8[%get3A_185, %get3A_186] {strides = array<i32>} : memref<16x640xf32, #tpu.memory_space<vmem>>, vector<16xf32>,
      %add3A_188 = arith.addf %add3A_181, %get3A_187 : vector<16xf32>
      %mul3A_189 = arith.constant 16 : i32
      %mul3A_190 = arith.muli %scan3A_172, %mul3A_189 : i32
      %get3A_191 = arith.constant 2 : i32
      %get3A_192 = arith.index_cast %get3A_191 : i32 to index
      %get3A_193 = arith.index_cast %mul3A_190 : i32 to index
      %get3A_194 = tpu.vector_load %arg8[%get3A_192, %get3A_193] {strides = array<i32>} : memref<16x640xf32, #tpu.memory_space<vmem>>, vector<16xf32>,
      %add3A_195 = arith.addf %add3A_188, %get3A_194 : vector<16xf32>
      %mul3A_196 = arith.constant 16 : i32
      %mul3A_197 = arith.muli %scan3A_172, %mul3A_196 : i32
      %get3A_198 = arith.constant 3 : i32
      %get3A_199 = arith.index_cast %get3A_198 : i32 to index
      %get3A_200 = arith.index_cast %mul3A_197 : i32 to index
      %get3A_201 = tpu.vector_load %arg8[%get3A_199, %get3A_200] {strides = array<i32>} : memref<16x640xf32, #tpu.memory_space<vmem>>, vector<16xf32>,
      %add3A_202 = arith.addf %add3A_195, %get3A_201 : vector<16xf32>
      %mul3A_203 = arith.constant 16 : i32
      %mul3A_204 = arith.muli %scan3A_172, %mul3A_203 : i32
      %get3A_205 = arith.constant 4 : i32
      %get3A_206 = arith.index_cast %get3A_205 : i32 to index
      %get3A_207 = arith.index_cast %mul3A_204 : i32 to index
      %get3A_208 = tpu.vector_load %arg8[%get3A_206, %get3A_207] {strides = array<i32>} : memref<16x640xf32, #tpu.memory_space<vmem>>, vector<16xf32>,
      %add3A_209 = arith.addf %add3A_202, %get3A_208 : vector<16xf32>
      %mul3A_210 = arith.constant 16 : i32
      %mul3A_211 = arith.muli %scan3A_172, %mul3A_210 : i32
      %get3A_212 = arith.constant 5 : i32
      %get3A_213 = arith.index_cast %get3A_212 : i32 to index
      %get3A_214 = arith.index_cast %mul3A_211 : i32 to index
      %get3A_215 = tpu.vector_load %arg8[%get3A_213, %get3A_214] {strides = array<i32>} : memref<16x640xf32, #tpu.memory_space<vmem>>, vector<16xf32>,
      %add3A_216 = arith.addf %add3A_209, %get3A_215 : vector<16xf32>
      %mul3A_217 = arith.constant 16 : i32
      %mul3A_218 = arith.muli %scan3A_172, %mul3A_217 : i32
      %get3A_219 = arith.constant 6 : i32
      %get3A_220 = arith.index_cast %get3A_219 : i32 to index
      %get3A_221 = arith.index_cast %mul3A_218 : i32 to index
      %get3A_222 = tpu.vector_load %arg8[%get3A_220, %get3A_221] {strides = array<i32>} : memref<16x640xf32, #tpu.memory_space<vmem>>, vector<16xf32>,
      %add3A_223 = arith.addf %add3A_216, %get3A_222 : vector<16xf32>
      %mul3A_224 = arith.constant 16 : i32
      %mul3A_225 = arith.muli %scan3A_172, %mul3A_224 : i32
      %get3A_226 = arith.constant 7 : i32
      %get3A_227 = arith.index_cast %get3A_226 : i32 to index
      %get3A_228 = arith.index_cast %mul3A_225 : i32 to index
      %get3A_229 = tpu.vector_load %arg8[%get3A_227, %get3A_228] {strides = array<i32>} : memref<16x640xf32, #tpu.memory_space<vmem>>, vector<16xf32>,
      %add3A_230 = arith.addf %add3A_223, %get3A_229 : vector<16xf32>
      %mul3A_231 = arith.constant 16 : i32
      %mul3A_232 = arith.muli %scan3A_172, %mul3A_231 : i32
      %get3A_233 = arith.constant 8 : i32
      %get3A_234 = arith.index_cast %get3A_233 : i32 to index
      %get3A_235 = arith.index_cast %mul3A_232 : i32 to index
      %get3A_236 = tpu.vector_load %arg8[%get3A_234, %get3A_235] {strides = array<i32>} : memref<16x640xf32, #tpu.memory_space<vmem>>, vector<16xf32>,
      %add3A_237 = arith.addf %add3A_230, %get3A_236 : vector<16xf32>
      %mul3A_238 = arith.constant 16 : i32
      %mul3A_239 = arith.muli %scan3A_172, %mul3A_238 : i32
      %get3A_240 = arith.constant 9 : i32
      %get3A_241 = arith.index_cast %get3A_240 : i32 to index
      %get3A_242 = arith.index_cast %mul3A_239 : i32 to index
      %get3A_243 = tpu.vector_load %arg8[%get3A_241, %get3A_242] {strides = array<i32>} : memref<16x640xf32, #tpu.memory_space<vmem>>, vector<16xf32>,
      %add3A_244 = arith.addf %add3A_237, %get3A_243 : vector<16xf32>
      %mul3A_245 = arith.constant 16 : i32
      %mul3A_246 = arith.muli %scan3A_172, %mul3A_245 : i32
      %get3A_247 = arith.constant 10 : i32
      %get3A_248 = arith.index_cast %get3A_247 : i32 to index
      %get3A_249 = arith.index_cast %mul3A_246 : i32 to index
      %get3A_250 = tpu.vector_load %arg8[%get3A_248, %get3A_249] {strides = array<i32>} : memref<16x640xf32, #tpu.memory_space<vmem>>, vector<16xf32>,
      %add3A_251 = arith.addf %add3A_244, %get3A_250 : vector<16xf32>
      %mul3A_252 = arith.constant 16 : i32
      %mul3A_253 = arith.muli %scan3A_172, %mul3A_252 : i32
      %get3A_254 = arith.constant 11 : i32
      %get3A_255 = arith.index_cast %get3A_254 : i32 to index
      %get3A_256 = arith.index_cast %mul3A_253 : i32 to index
      %get3A_257 = tpu.vector_load %arg8[%get3A_255, %get3A_256] {strides = array<i32>} : memref<16x640xf32, #tpu.memory_space<vmem>>, vector<16xf32>,
      %add3A_258 = arith.addf %add3A_251, %get3A_257 : vector<16xf32>
      %mul3A_259 = arith.constant 16 : i32
      %mul3A_260 = arith.muli %scan3A_172, %mul3A_259 : i32
      %get3A_261 = arith.constant 12 : i32
      %get3A_262 = arith.index_cast %get3A_261 : i32 to index
      %get3A_263 = arith.index_cast %mul3A_260 : i32 to index
      %get3A_264 = tpu.vector_load %arg8[%get3A_262, %get3A_263] {strides = array<i32>} : memref<16x640xf32, #tpu.memory_space<vmem>>, vector<16xf32>,
      %add3A_265 = arith.addf %add3A_258, %get3A_264 : vector<16xf32>
      %mul3A_266 = arith.constant 16 : i32
      %mul3A_267 = arith.muli %scan3A_172, %mul3A_266 : i32
      %get3A_268 = arith.constant 13 : i32
      %get3A_269 = arith.index_cast %get3A_268 : i32 to index
      %get3A_270 = arith.index_cast %mul3A_267 : i32 to index
      %get3A_271 = tpu.vector_load %arg8[%get3A_269, %get3A_270] {strides = array<i32>} : memref<16x640xf32, #tpu.memory_space<vmem>>, vector<16xf32>,
      %add3A_272 = arith.addf %add3A_265, %get3A_271 : vector<16xf32>
      %mul3A_273 = arith.constant 16 : i32
      %mul3A_274 = arith.muli %scan3A_172, %mul3A_273 : i32
      %get3A_275 = arith.constant 14 : i32
      %get3A_276 = arith.index_cast %get3A_275 : i32 to index
      %get3A_277 = arith.index_cast %mul3A_274 : i32 to index
      %get3A_278 = tpu.vector_load %arg8[%get3A_276, %get3A_277] {strides = array<i32>} : memref<16x640xf32, #tpu.memory_space<vmem>>, vector<16xf32>,
      %add3A_279 = arith.addf %add3A_272, %get3A_278 : vector<16xf32>
      %mul3A_280 = arith.constant 16 : i32
      %mul3A_281 = arith.muli %scan3A_172, %mul3A_280 : i32
      %get3A_282 = arith.constant 15 : i32
      %get3A_283 = arith.index_cast %get3A_282 : i32 to index
      %get3A_284 = arith.index_cast %mul3A_281 : i32 to index
      %get3A_285 = tpu.vector_load %arg8[%get3A_283, %get3A_284] {strides = array<i32>} : memref<16x640xf32, #tpu.memory_space<vmem>>, vector<16xf32>,
      %add3A_286 = arith.addf %add3A_279, %get3A_285 : vector<16xf32>
      %mul3A_287 = arith.constant 16 : i32
      %mul3A_288 = arith.muli %scan3A_172, %mul3A_287 : i32
      %swap3A_289 = arith.index_cast %mul3A_288 : i32 to index
      %swap3A_290 = tpu.vector_load %arg9[%swap3A_289] {strides = array<i32>} : memref<640xf32, #tpu.memory_space<vmem>>, vector<16xf32>,
      tpu.vector_store %arg9[%swap3A_289], %add3A_286 {strides = array<i32>} : memref<640xf32, #tpu.memory_space<vmem>>, vector<16xf32>,
    }
    %scan3A_37 = arith.constant 40 : i32
    %mul3A_38 = arith.constant 640 : i32
    %mul3A_39 = arith.muli %arg1, %mul3A_38 : i32
    %run_scoped3A_40 = arith.constant 0 : i32
    "tpu.region"() ({
      %run_scoped3A_53 = tpu.sem_alloc : memref<!tpu.dma_semaphore, #tpu.memory_space<semaphore_mem>>
      %dma_start3A = tpu.memref_slice %arg3[%arg0, %run_scoped3A_40, %mul3A_39] : memref<2x2x10240xf32, #tpu.memory_space<hbm>> -> memref<1x1x640xf32, #tpu.memory_space<hbm>>
      %dma_start3A_54 = tpu.memref_squeeze %dma_start3A : memref<1x1x640xf32, #tpu.memory_space<hbm>> -> memref<640xf32, #tpu.memory_space<hbm>>
      %dma_start3A_55 = tpu.memref_slice %arg3[%arg0, %run_scoped3A_40, %mul3A_39] : memref<2x2x10240xf32, #tpu.memory_space<hbm>> -> memref<1x1x640xf32, #tpu.memory_space<hbm>>
      %dma_start3A_56 = tpu.memref_squeeze %dma_start3A_55 : memref<1x1x640xf32, #tpu.memory_space<hbm>> -> memref<640xf32, #tpu.memory_space<hbm>>
      tpu.enqueue_dma source(%arg9 : memref<640xf32, #tpu.memory_space<vmem>>) target(%dma_start3A_56 : memref<640xf32, #tpu.memory_space<hbm>>) target_semaphore(%run_scoped3A_53 : memref<!tpu.dma_semaphore, #tpu.memory_space<semaphore_mem>>)
      %dma_wait3A = tpu.memref_slice %arg3[%arg0, %run_scoped3A_40, %mul3A_39] : memref<2x2x10240xf32, #tpu.memory_space<hbm>> -> memref<1x1x640xf32, #tpu.memory_space<hbm>>
      %dma_wait3A_57 = tpu.memref_squeeze %dma_wait3A : memref<1x1x640xf32, #tpu.memory_space<hbm>> -> memref<640xf32, #tpu.memory_space<hbm>>
      %dma_wait3A_58 = tpu.memref_slice %arg3[%arg0, %run_scoped3A_40, %mul3A_39] : memref<2x2x10240xf32, #tpu.memory_space<hbm>> -> memref<1x1x640xf32, #tpu.memory_space<hbm>>
      %dma_wait3A_59 = tpu.memref_squeeze %dma_wait3A_58 : memref<1x1x640xf32, #tpu.memory_space<hbm>> -> memref<640xf32, #tpu.memory_space<hbm>>
      tpu.wait_dma2 semaphore(%run_scoped3A_53 : memref<!tpu.dma_semaphore, #tpu.memory_space<semaphore_mem>>) src(%arg9 : memref<640xf32, #tpu.memory_space<vmem>>) dst(%dma_wait3A_59 : memref<640xf32, #tpu.memory_space<hbm>>)
      tpu.yield
    }) : () -> ()
    %mul3A_41 = arith.constant 640 : i32
    %mul3A_42 = arith.muli %arg1, %mul3A_41 : i32
    %run_scoped3A_43 = arith.constant 1 : i32
    "tpu.region"() ({
      %run_scoped3A_53 = tpu.sem_alloc : memref<!tpu.dma_semaphore, #tpu.memory_space<semaphore_mem>>
      %dma_start3A = arith.constant 0 : i32
      %dma_start3A_54 = tpu.memref_slice %arg10[%dma_start3A, %run_scoped3A_43, %mul3A_42] : memref<16x2x10240xf32, #tpu.memory_space<vmem_shared>> -> memref<16x1x640xf32, #tpu.memory_space<vmem_shared>>
      %dma_start3A_55 = tpu.memref_squeeze %dma_start3A_54 : memref<16x1x640xf32, #tpu.memory_space<vmem_shared>> -> memref<16x640xf32, #tpu.memory_space<vmem_shared>>
      %dma_start3A_56 = arith.constant 0 : i32
      %dma_start3A_57 = tpu.memref_slice %arg10[%dma_start3A_56, %run_scoped3A_43, %mul3A_42] : memref<16x2x10240xf32, #tpu.memory_space<vmem_shared>> -> memref<16x1x640xf32, #tpu.memory_space<vmem_shared>>
      %dma_start3A_58 = tpu.memref_squeeze %dma_start3A_57 : memref<16x1x640xf32, #tpu.memory_space<vmem_shared>> -> memref<16x640xf32, #tpu.memory_space<vmem_shared>>
      tpu.enqueue_dma source(%dma_start3A_58 : memref<16x640xf32, #tpu.memory_space<vmem_shared>>) target(%arg8 : memref<16x640xf32, #tpu.memory_space<vmem>>) target_semaphore(%run_scoped3A_53 : memref<!tpu.dma_semaphore, #tpu.memory_space<semaphore_mem>>)
      %dma_wait3A = arith.constant 0 : i32
      %dma_wait3A_59 = tpu.memref_slice %arg10[%dma_wait3A, %run_scoped3A_43, %mul3A_42] : memref<16x2x10240xf32, #tpu.memory_space<vmem_shared>> -> memref<16x1x640xf32, #tpu.memory_space<vmem_shared>>
      %dma_wait3A_60 = tpu.memref_squeeze %dma_wait3A_59 : memref<16x1x640xf32, #tpu.memory_space<vmem_shared>> -> memref<16x640xf32, #tpu.memory_space<vmem_shared>>
      %dma_wait3A_61 = arith.constant 0 : i32
      %dma_wait3A_62 = tpu.memref_slice %arg10[%dma_wait3A_61, %run_scoped3A_43, %mul3A_42] : memref<16x2x10240xf32, #tpu.memory_space<vmem_shared>> -> memref<16x1x640xf32, #tpu.memory_space<vmem_shared>>
      %dma_wait3A_63 = tpu.memref_squeeze %dma_wait3A_62 : memref<16x1x640xf32, #tpu.memory_space<vmem_shared>> -> memref<16x640xf32, #tpu.memory_space<vmem_shared>>
      tpu.wait_dma2 semaphore(%run_scoped3A_53 : memref<!tpu.dma_semaphore, #tpu.memory_space<semaphore_mem>>) src(%dma_wait3A_63 : memref<16x640xf32, #tpu.memory_space<vmem_shared>>) dst(%arg8 : memref<16x640xf32, #tpu.memory_space<vmem>>)
      tpu.yield
    }) : () -> ()
    %scan3A_44 = arith.constant 0 : i32
    %scan3A_45 = arith.constant 0 : i32
    %scan3A_46 = arith.constant 40 : i32
    %scan3A_47 = arith.addi %scan3A_45, %scan3A_46 : i32
    %scan3A_48 = arith.constant 2 : i32
    scf.for %scan3A_53 = %scan3A_45 to %scan3A_47 step %scan3A_48  : i32 {
      %broadcast_in_dim3A_54 = arith.constant 0.000000e+00 : f32
      %broadcast_in_dim3A_55 = vector.broadcast %broadcast_in_dim3A_54 : f32 to vector<16xf32>
      %mul3A_56 = arith.constant 16 : i32
      %mul3A_57 = arith.muli %scan3A_53, %mul3A_56 : i32
      %get3A_58 = arith.constant 0 : i32
      %get3A_59 = arith.index_cast %get3A_58 : i32 to index
      %get3A_60 = arith.index_cast %mul3A_57 : i32 to index
      %get3A_61 = tpu.vector_load %arg8[%get3A_59, %get3A_60] {strides = array<i32>} : memref<16x640xf32, #tpu.memory_space<vmem>>, vector<16xf32>,
      %add3A_62 = arith.addf %broadcast_in_dim3A_55, %get3A_61 : vector<16xf32>
      %mul3A_63 = arith.constant 16 : i32
      %mul3A_64 = arith.muli %scan3A_53, %mul3A_63 : i32
      %get3A_65 = arith.constant 1 : i32
      %get3A_66 = arith.index_cast %get3A_65 : i32 to index
      %get3A_67 = arith.index_cast %mul3A_64 : i32 to index
      %get3A_68 = tpu.vector_load %arg8[%get3A_66, %get3A_67] {strides = array<i32>} : memref<16x640xf32, #tpu.memory_space<vmem>>, vector<16xf32>,
      %add3A_69 = arith.addf %add3A_62, %get3A_68 : vector<16xf32>
      %mul3A_70 = arith.constant 16 : i32
      %mul3A_71 = arith.muli %scan3A_53, %mul3A_70 : i32
      %get3A_72 = arith.constant 2 : i32
      %get3A_73 = arith.index_cast %get3A_72 : i32 to index
      %get3A_74 = arith.index_cast %mul3A_71 : i32 to index
      %get3A_75 = tpu.vector_load %arg8[%get3A_73, %get3A_74] {strides = array<i32>} : memref<16x640xf32, #tpu.memory_space<vmem>>, vector<16xf32>,
      %add3A_76 = arith.addf %add3A_69, %get3A_75 : vector<16xf32>
      %mul3A_77 = arith.constant 16 : i32
      %mul3A_78 = arith.muli %scan3A_53, %mul3A_77 : i32
      %get3A_79 = arith.constant 3 : i32
      %get3A_80 = arith.index_cast %get3A_79 : i32 to index
      %get3A_81 = arith.index_cast %mul3A_78 : i32 to index
      %get3A_82 = tpu.vector_load %arg8[%get3A_80, %get3A_81] {strides = array<i32>} : memref<16x640xf32, #tpu.memory_space<vmem>>, vector<16xf32>,
      %add3A_83 = arith.addf %add3A_76, %get3A_82 : vector<16xf32>
      %mul3A_84 = arith.constant 16 : i32
      %mul3A_85 = arith.muli %scan3A_53, %mul3A_84 : i32
      %get3A_86 = arith.constant 4 : i32
      %get3A_87 = arith.index_cast %get3A_86 : i32 to index
      %get3A_88 = arith.index_cast %mul3A_85 : i32 to index
      %get3A_89 = tpu.vector_load %arg8[%get3A_87, %get3A_88] {strides = array<i32>} : memref<16x640xf32, #tpu.memory_space<vmem>>, vector<16xf32>,
      %add3A_90 = arith.addf %add3A_83, %get3A_89 : vector<16xf32>
      %mul3A_91 = arith.constant 16 : i32
      %mul3A_92 = arith.muli %scan3A_53, %mul3A_91 : i32
      %get3A_93 = arith.constant 5 : i32
      %get3A_94 = arith.index_cast %get3A_93 : i32 to index
      %get3A_95 = arith.index_cast %mul3A_92 : i32 to index
      %get3A_96 = tpu.vector_load %arg8[%get3A_94, %get3A_95] {strides = array<i32>} : memref<16x640xf32, #tpu.memory_space<vmem>>, vector<16xf32>,
      %add3A_97 = arith.addf %add3A_90, %get3A_96 : vector<16xf32>
      %mul3A_98 = arith.constant 16 : i32
      %mul3A_99 = arith.muli %scan3A_53, %mul3A_98 : i32
      %get3A_100 = arith.constant 6 : i32
      %get3A_101 = arith.index_cast %get3A_100 : i32 to index
      %get3A_102 = arith.index_cast %mul3A_99 : i32 to index
      %get3A_103 = tpu.vector_load %arg8[%get3A_101, %get3A_102] {strides = array<i32>} : memref<16x640xf32, #tpu.memory_space<vmem>>, vector<16xf32>,
      %add3A_104 = arith.addf %add3A_97, %get3A_103 : vector<16xf32>
      %mul3A_105 = arith.constant 16 : i32
      %mul3A_106 = arith.muli %scan3A_53, %mul3A_105 : i32
      %get3A_107 = arith.constant 7 : i32
      %get3A_108 = arith.index_cast %get3A_107 : i32 to index
      %get3A_109 = arith.index_cast %mul3A_106 : i32 to index
      %get3A_110 = tpu.vector_load %arg8[%get3A_108, %get3A_109] {strides = array<i32>} : memref<16x640xf32, #tpu.memory_space<vmem>>, vector<16xf32>,
      %add3A_111 = arith.addf %add3A_104, %get3A_110 : vector<16xf32>
      %mul3A_112 = arith.constant 16 : i32
      %mul3A_113 = arith.muli %scan3A_53, %mul3A_112 : i32
      %get3A_114 = arith.constant 8 : i32
      %get3A_115 = arith.index_cast %get3A_114 : i32 to index
      %get3A_116 = arith.index_cast %mul3A_113 : i32 to index
      %get3A_117 = tpu.vector_load %arg8[%get3A_115, %get3A_116] {strides = array<i32>} : memref<16x640xf32, #tpu.memory_space<vmem>>, vector<16xf32>,
      %add3A_118 = arith.addf %add3A_111, %get3A_117 : vector<16xf32>
      %mul3A_119 = arith.constant 16 : i32
      %mul3A_120 = arith.muli %scan3A_53, %mul3A_119 : i32
      %get3A_121 = arith.constant 9 : i32
      %get3A_122 = arith.index_cast %get3A_121 : i32 to index
      %get3A_123 = arith.index_cast %mul3A_120 : i32 to index
      %get3A_124 = tpu.vector_load %arg8[%get3A_122, %get3A_123] {strides = array<i32>} : memref<16x640xf32, #tpu.memory_space<vmem>>, vector<16xf32>,
      %add3A_125 = arith.addf %add3A_118, %get3A_124 : vector<16xf32>
      %mul3A_126 = arith.constant 16 : i32
      %mul3A_127 = arith.muli %scan3A_53, %mul3A_126 : i32
      %get3A_128 = arith.constant 10 : i32
      %get3A_129 = arith.index_cast %get3A_128 : i32 to index
      %get3A_130 = arith.index_cast %mul3A_127 : i32 to index
      %get3A_131 = tpu.vector_load %arg8[%get3A_129, %get3A_130] {strides = array<i32>} : memref<16x640xf32, #tpu.memory_space<vmem>>, vector<16xf32>,
      %add3A_132 = arith.addf %add3A_125, %get3A_131 : vector<16xf32>
      %mul3A_133 = arith.constant 16 : i32
      %mul3A_134 = arith.muli %scan3A_53, %mul3A_133 : i32
      %get3A_135 = arith.constant 11 : i32
      %get3A_136 = arith.index_cast %get3A_135 : i32 to index
      %get3A_137 = arith.index_cast %mul3A_134 : i32 to index
      %get3A_138 = tpu.vector_load %arg8[%get3A_136, %get3A_137] {strides = array<i32>} : memref<16x640xf32, #tpu.memory_space<vmem>>, vector<16xf32>,
      %add3A_139 = arith.addf %add3A_132, %get3A_138 : vector<16xf32>
      %mul3A_140 = arith.constant 16 : i32
      %mul3A_141 = arith.muli %scan3A_53, %mul3A_140 : i32
      %get3A_142 = arith.constant 12 : i32
      %get3A_143 = arith.index_cast %get3A_142 : i32 to index
      %get3A_144 = arith.index_cast %mul3A_141 : i32 to index
      %get3A_145 = tpu.vector_load %arg8[%get3A_143, %get3A_144] {strides = array<i32>} : memref<16x640xf32, #tpu.memory_space<vmem>>, vector<16xf32>,
      %add3A_146 = arith.addf %add3A_139, %get3A_145 : vector<16xf32>
      %mul3A_147 = arith.constant 16 : i32
      %mul3A_148 = arith.muli %scan3A_53, %mul3A_147 : i32
      %get3A_149 = arith.constant 13 : i32
      %get3A_150 = arith.index_cast %get3A_149 : i32 to index
      %get3A_151 = arith.index_cast %mul3A_148 : i32 to index
      %get3A_152 = tpu.vector_load %arg8[%get3A_150, %get3A_151] {strides = array<i32>} : memref<16x640xf32, #tpu.memory_space<vmem>>, vector<16xf32>,
      %add3A_153 = arith.addf %add3A_146, %get3A_152 : vector<16xf32>
      %mul3A_154 = arith.constant 16 : i32
      %mul3A_155 = arith.muli %scan3A_53, %mul3A_154 : i32
      %get3A_156 = arith.constant 14 : i32
      %get3A_157 = arith.index_cast %get3A_156 : i32 to index
      %get3A_158 = arith.index_cast %mul3A_155 : i32 to index
      %get3A_159 = tpu.vector_load %arg8[%get3A_157, %get3A_158] {strides = array<i32>} : memref<16x640xf32, #tpu.memory_space<vmem>>, vector<16xf32>,
      %add3A_160 = arith.addf %add3A_153, %get3A_159 : vector<16xf32>
      %mul3A_161 = arith.constant 16 : i32
      %mul3A_162 = arith.muli %scan3A_53, %mul3A_161 : i32
      %get3A_163 = arith.constant 15 : i32
      %get3A_164 = arith.index_cast %get3A_163 : i32 to index
      %get3A_165 = arith.index_cast %mul3A_162 : i32 to index
      %get3A_166 = tpu.vector_load %arg8[%get3A_164, %get3A_165] {strides = array<i32>} : memref<16x640xf32, #tpu.memory_space<vmem>>, vector<16xf32>,
      %add3A_167 = arith.addf %add3A_160, %get3A_166 : vector<16xf32>
      %mul3A_168 = arith.constant 16 : i32
      %mul3A_169 = arith.muli %scan3A_53, %mul3A_168 : i32
      %swap3A = arith.index_cast %mul3A_169 : i32 to index
      %swap3A_170 = tpu.vector_load %arg9[%swap3A] {strides = array<i32>} : memref<640xf32, #tpu.memory_space<vmem>>, vector<16xf32>,
      tpu.vector_store %arg9[%swap3A], %add3A_167 {strides = array<i32>} : memref<640xf32, #tpu.memory_space<vmem>>, vector<16xf32>,
      %scan3A_171 = arith.constant 1 : i32
      %scan3A_172 = arith.addi %scan3A_53, %scan3A_171 : i32
      %broadcast_in_dim3A_173 = arith.constant 0.000000e+00 : f32
      %broadcast_in_dim3A_174 = vector.broadcast %broadcast_in_dim3A_173 : f32 to vector<16xf32>
      %mul3A_175 = arith.constant 16 : i32
      %mul3A_176 = arith.muli %scan3A_172, %mul3A_175 : i32
      %get3A_177 = arith.constant 0 : i32
      %get3A_178 = arith.index_cast %get3A_177 : i32 to index
      %get3A_179 = arith.index_cast %mul3A_176 : i32 to index
      %get3A_180 = tpu.vector_load %arg8[%get3A_178, %get3A_179] {strides = array<i32>} : memref<16x640xf32, #tpu.memory_space<vmem>>, vector<16xf32>,
      %add3A_181 = arith.addf %broadcast_in_dim3A_174, %get3A_180 : vector<16xf32>
      %mul3A_182 = arith.constant 16 : i32
      %mul3A_183 = arith.muli %scan3A_172, %mul3A_182 : i32
      %get3A_184 = arith.constant 1 : i32
      %get3A_185 = arith.index_cast %get3A_184 : i32 to index
      %get3A_186 = arith.index_cast %mul3A_183 : i32 to index
      %get3A_187 = tpu.vector_load %arg8[%get3A_185, %get3A_186] {strides = array<i32>} : memref<16x640xf32, #tpu.memory_space<vmem>>, vector<16xf32>,
      %add3A_188 = arith.addf %add3A_181, %get3A_187 : vector<16xf32>
      %mul3A_189 = arith.constant 16 : i32
      %mul3A_190 = arith.muli %scan3A_172, %mul3A_189 : i32
      %get3A_191 = arith.constant 2 : i32
      %get3A_192 = arith.index_cast %get3A_191 : i32 to index
      %get3A_193 = arith.index_cast %mul3A_190 : i32 to index
      %get3A_194 = tpu.vector_load %arg8[%get3A_192, %get3A_193] {strides = array<i32>} : memref<16x640xf32, #tpu.memory_space<vmem>>, vector<16xf32>,
      %add3A_195 = arith.addf %add3A_188, %get3A_194 : vector<16xf32>
      %mul3A_196 = arith.constant 16 : i32
      %mul3A_197 = arith.muli %scan3A_172, %mul3A_196 : i32
      %get3A_198 = arith.constant 3 : i32
      %get3A_199 = arith.index_cast %get3A_198 : i32 to index
      %get3A_200 = arith.index_cast %mul3A_197 : i32 to index
      %get3A_201 = tpu.vector_load %arg8[%get3A_199, %get3A_200] {strides = array<i32>} : memref<16x640xf32, #tpu.memory_space<vmem>>, vector<16xf32>,
      %add3A_202 = arith.addf %add3A_195, %get3A_201 : vector<16xf32>
      %mul3A_203 = arith.constant 16 : i32
      %mul3A_204 = arith.muli %scan3A_172, %mul3A_203 : i32
      %get3A_205 = arith.constant 4 : i32
      %get3A_206 = arith.index_cast %get3A_205 : i32 to index
      %get3A_207 = arith.index_cast %mul3A_204 : i32 to index
      %get3A_208 = tpu.vector_load %arg8[%get3A_206, %get3A_207] {strides = array<i32>} : memref<16x640xf32, #tpu.memory_space<vmem>>, vector<16xf32>,
      %add3A_209 = arith.addf %add3A_202, %get3A_208 : vector<16xf32>
      %mul3A_210 = arith.constant 16 : i32
      %mul3A_211 = arith.muli %scan3A_172, %mul3A_210 : i32
      %get3A_212 = arith.constant 5 : i32
      %get3A_213 = arith.index_cast %get3A_212 : i32 to index
      %get3A_214 = arith.index_cast %mul3A_211 : i32 to index
      %get3A_215 = tpu.vector_load %arg8[%get3A_213, %get3A_214] {strides = array<i32>} : memref<16x640xf32, #tpu.memory_space<vmem>>, vector<16xf32>,
      %add3A_216 = arith.addf %add3A_209, %get3A_215 : vector<16xf32>
      %mul3A_217 = arith.constant 16 : i32
      %mul3A_218 = arith.muli %scan3A_172, %mul3A_217 : i32
      %get3A_219 = arith.constant 6 : i32
      %get3A_220 = arith.index_cast %get3A_219 : i32 to index
      %get3A_221 = arith.index_cast %mul3A_218 : i32 to index
      %get3A_222 = tpu.vector_load %arg8[%get3A_220, %get3A_221] {strides = array<i32>} : memref<16x640xf32, #tpu.memory_space<vmem>>, vector<16xf32>,
      %add3A_223 = arith.addf %add3A_216, %get3A_222 : vector<16xf32>
      %mul3A_224 = arith.constant 16 : i32
      %mul3A_225 = arith.muli %scan3A_172, %mul3A_224 : i32
      %get3A_226 = arith.constant 7 : i32
      %get3A_227 = arith.index_cast %get3A_226 : i32 to index
      %get3A_228 = arith.index_cast %mul3A_225 : i32 to index
      %get3A_229 = tpu.vector_load %arg8[%get3A_227, %get3A_228] {strides = array<i32>} : memref<16x640xf32, #tpu.memory_space<vmem>>, vector<16xf32>,
      %add3A_230 = arith.addf %add3A_223, %get3A_229 : vector<16xf32>
      %mul3A_231 = arith.constant 16 : i32
      %mul3A_232 = arith.muli %scan3A_172, %mul3A_231 : i32
      %get3A_233 = arith.constant 8 : i32
      %get3A_234 = arith.index_cast %get3A_233 : i32 to index
      %get3A_235 = arith.index_cast %mul3A_232 : i32 to index
      %get3A_236 = tpu.vector_load %arg8[%get3A_234, %get3A_235] {strides = array<i32>} : memref<16x640xf32, #tpu.memory_space<vmem>>, vector<16xf32>,
      %add3A_237 = arith.addf %add3A_230, %get3A_236 : vector<16xf32>
      %mul3A_238 = arith.constant 16 : i32
      %mul3A_239 = arith.muli %scan3A_172, %mul3A_238 : i32
      %get3A_240 = arith.constant 9 : i32
      %get3A_241 = arith.index_cast %get3A_240 : i32 to index
      %get3A_242 = arith.index_cast %mul3A_239 : i32 to index
      %get3A_243 = tpu.vector_load %arg8[%get3A_241, %get3A_242] {strides = array<i32>} : memref<16x640xf32, #tpu.memory_space<vmem>>, vector<16xf32>,
      %add3A_244 = arith.addf %add3A_237, %get3A_243 : vector<16xf32>
      %mul3A_245 = arith.constant 16 : i32
      %mul3A_246 = arith.muli %scan3A_172, %mul3A_245 : i32
      %get3A_247 = arith.constant 10 : i32
      %get3A_248 = arith.index_cast %get3A_247 : i32 to index
      %get3A_249 = arith.index_cast %mul3A_246 : i32 to index
      %get3A_250 = tpu.vector_load %arg8[%get3A_248, %get3A_249] {strides = array<i32>} : memref<16x640xf32, #tpu.memory_space<vmem>>, vector<16xf32>,
      %add3A_251 = arith.addf %add3A_244, %get3A_250 : vector<16xf32>
      %mul3A_252 = arith.constant 16 : i32
      %mul3A_253 = arith.muli %scan3A_172, %mul3A_252 : i32
      %get3A_254 = arith.constant 11 : i32
      %get3A_255 = arith.index_cast %get3A_254 : i32 to index
      %get3A_256 = arith.index_cast %mul3A_253 : i32 to index
      %get3A_257 = tpu.vector_load %arg8[%get3A_255, %get3A_256] {strides = array<i32>} : memref<16x640xf32, #tpu.memory_space<vmem>>, vector<16xf32>,
      %add3A_258 = arith.addf %add3A_251, %get3A_257 : vector<16xf32>
      %mul3A_259 = arith.constant 16 : i32
      %mul3A_260 = arith.muli %scan3A_172, %mul3A_259 : i32
      %get3A_261 = arith.constant 12 : i32
      %get3A_262 = arith.index_cast %get3A_261 : i32 to index
      %get3A_263 = arith.index_cast %mul3A_260 : i32 to index
      %get3A_264 = tpu.vector_load %arg8[%get3A_262, %get3A_263] {strides = array<i32>} : memref<16x640xf32, #tpu.memory_space<vmem>>, vector<16xf32>,
      %add3A_265 = arith.addf %add3A_258, %get3A_264 : vector<16xf32>
      %mul3A_266 = arith.constant 16 : i32
      %mul3A_267 = arith.muli %scan3A_172, %mul3A_266 : i32
      %get3A_268 = arith.constant 13 : i32
      %get3A_269 = arith.index_cast %get3A_268 : i32 to index
      %get3A_270 = arith.index_cast %mul3A_267 : i32 to index
      %get3A_271 = tpu.vector_load %arg8[%get3A_269, %get3A_270] {strides = array<i32>} : memref<16x640xf32, #tpu.memory_space<vmem>>, vector<16xf32>,
      %add3A_272 = arith.addf %add3A_265, %get3A_271 : vector<16xf32>
      %mul3A_273 = arith.constant 16 : i32
      %mul3A_274 = arith.muli %scan3A_172, %mul3A_273 : i32
      %get3A_275 = arith.constant 14 : i32
      %get3A_276 = arith.index_cast %get3A_275 : i32 to index
      %get3A_277 = arith.index_cast %mul3A_274 : i32 to index
      %get3A_278 = tpu.vector_load %arg8[%get3A_276, %get3A_277] {strides = array<i32>} : memref<16x640xf32, #tpu.memory_space<vmem>>, vector<16xf32>,
      %add3A_279 = arith.addf %add3A_272, %get3A_278 : vector<16xf32>
      %mul3A_280 = arith.constant 16 : i32
      %mul3A_281 = arith.muli %scan3A_172, %mul3A_280 : i32
      %get3A_282 = arith.constant 15 : i32
      %get3A_283 = arith.index_cast %get3A_282 : i32 to index
      %get3A_284 = arith.index_cast %mul3A_281 : i32 to index
      %get3A_285 = tpu.vector_load %arg8[%get3A_283, %get3A_284] {strides = array<i32>} : memref<16x640xf32, #tpu.memory_space<vmem>>, vector<16xf32>,
      %add3A_286 = arith.addf %add3A_279, %get3A_285 : vector<16xf32>
      %mul3A_287 = arith.constant 16 : i32
      %mul3A_288 = arith.muli %scan3A_172, %mul3A_287 : i32
      %swap3A_289 = arith.index_cast %mul3A_288 : i32 to index
      %swap3A_290 = tpu.vector_load %arg9[%swap3A_289] {strides = array<i32>} : memref<640xf32, #tpu.memory_space<vmem>>, vector<16xf32>,
      tpu.vector_store %arg9[%swap3A_289], %add3A_286 {strides = array<i32>} : memref<640xf32, #tpu.memory_space<vmem>>, vector<16xf32>,
    }
    %scan3A_49 = arith.constant 40 : i32
    %mul3A_50 = arith.constant 640 : i32
    %mul3A_51 = arith.muli %arg1, %mul3A_50 : i32
    %run_scoped3A_52 = arith.constant 1 : i32
    "tpu.region"() ({
      %run_scoped3A_53 = tpu.sem_alloc : memref<!tpu.dma_semaphore, #tpu.memory_space<semaphore_mem>>
      %dma_start3A = tpu.memref_slice %arg3[%arg0, %run_scoped3A_52, %mul3A_51] : memref<2x2x10240xf32, #tpu.memory_space<hbm>> -> memref<1x1x640xf32, #tpu.memory_space<hbm>>
      %dma_start3A_54 = tpu.memref_squeeze %dma_start3A : memref<1x1x640xf32, #tpu.memory_space<hbm>> -> memref<640xf32, #tpu.memory_space<hbm>>
      %dma_start3A_55 = tpu.memref_slice %arg3[%arg0, %run_scoped3A_52, %mul3A_51] : memref<2x2x10240xf32, #tpu.memory_space<hbm>> -> memref<1x1x640xf32, #tpu.memory_space<hbm>>
      %dma_start3A_56 = tpu.memref_squeeze %dma_start3A_55 : memref<1x1x640xf32, #tpu.memory_space<hbm>> -> memref<640xf32, #tpu.memory_space<hbm>>
      tpu.enqueue_dma source(%arg9 : memref<640xf32, #tpu.memory_space<vmem>>) target(%dma_start3A_56 : memref<640xf32, #tpu.memory_space<hbm>>) target_semaphore(%run_scoped3A_53 : memref<!tpu.dma_semaphore, #tpu.memory_space<semaphore_mem>>)
      %dma_wait3A = tpu.memref_slice %arg3[%arg0, %run_scoped3A_52, %mul3A_51] : memref<2x2x10240xf32, #tpu.memory_space<hbm>> -> memref<1x1x640xf32, #tpu.memory_space<hbm>>
      %dma_wait3A_57 = tpu.memref_squeeze %dma_wait3A : memref<1x1x640xf32, #tpu.memory_space<hbm>> -> memref<640xf32, #tpu.memory_space<hbm>>
      %dma_wait3A_58 = tpu.memref_slice %arg3[%arg0, %run_scoped3A_52, %mul3A_51] : memref<2x2x10240xf32, #tpu.memory_space<hbm>> -> memref<1x1x640xf32, #tpu.memory_space<hbm>>
      %dma_wait3A_59 = tpu.memref_squeeze %dma_wait3A_58 : memref<1x1x640xf32, #tpu.memory_space<hbm>> -> memref<640xf32, #tpu.memory_space<hbm>>
      tpu.wait_dma2 semaphore(%run_scoped3A_53 : memref<!tpu.dma_semaphore, #tpu.memory_space<semaphore_mem>>) src(%arg9 : memref<640xf32, #tpu.memory_space<vmem>>) dst(%dma_wait3A_59 : memref<640xf32, #tpu.memory_space<hbm>>)
      tpu.yield
    }) : () -> ()
    return
  }
}

module attributes {stable_mosaic.version = 14 : i64} {
  func.func @_prep_body(%arg0: i32, %arg1: memref<2x2x10240xf32, #tpu.memory_space<vmem>>, %arg2: memref<2048x128xf32, #tpu.memory_space<vmem>>, %arg3: memref<128x128xf32, #tpu.memory_space<vmem>>, %arg4: memref<2048x128xf32, #tpu.memory_space<vmem>>) attributes {dimension_semantics = [#tpu.dimension_semantics<arbitrary>], iteration_bounds = array<i64: 5>, scalar_prefetch = 0 : i64, scratch_operands = 0 : i64, tpu.core_type = #tpu.core_type<tc>, window_params = [{pipeline_mode = #tpu.pipeline_mode<synchronous>, transform_indices = @transform_0, window_bounds = array<i64: 2, 2, 10240>}, {transform_indices = @transform_1, window_bounds = array<i64: 2048, 128>}, {pipeline_mode = #tpu.pipeline_mode<synchronous>, transform_indices = @transform_2, window_bounds = array<i64: 128, 128>}, {transform_indices = @transform_3, window_bounds = array<i64: 2048, 128>}]} {
    %mul3A = arith.constant 2048 : i32
    %mul3A_0 = arith.muli %arg0, %mul3A : i32
    %get3A = arith.constant 0 : index
    %get3A_1 = arith.constant 0 : index
    %get3A_2 = arith.index_cast %mul3A_0 : i32 to index
    %get3A_3 = vector.load %arg1[%get3A, %get3A_1, %get3A_2] : memref<2x2x10240xf32, #tpu.memory_space<vmem>>, vector<1x1x2048xf32>
    %get3A_4 = vector.shape_cast %get3A_3 : vector<1x1x2048xf32> to vector<2048xf32>
    %get3A_5 = arith.constant 1 : index
    %get3A_6 = arith.constant 0 : index
    %get3A_7 = arith.index_cast %mul3A_0 : i32 to index
    %get3A_8 = vector.load %arg1[%get3A_5, %get3A_6, %get3A_7] : memref<2x2x10240xf32, #tpu.memory_space<vmem>>, vector<1x1x2048xf32>
    %get3A_9 = vector.shape_cast %get3A_8 : vector<1x1x2048xf32> to vector<2048xf32>
    %add3A = arith.addf %get3A_4, %get3A_9 : vector<2048xf32>
    %get3A_10 = arith.constant 0 : index
    %get3A_11 = arith.constant 1 : index
    %get3A_12 = arith.index_cast %mul3A_0 : i32 to index
    %get3A_13 = vector.load %arg1[%get3A_10, %get3A_11, %get3A_12] : memref<2x2x10240xf32, #tpu.memory_space<vmem>>, vector<1x1x2048xf32>
    %get3A_14 = vector.shape_cast %get3A_13 : vector<1x1x2048xf32> to vector<2048xf32>
    %get3A_15 = arith.constant 1 : index
    %get3A_16 = arith.constant 1 : index
    %get3A_17 = arith.index_cast %mul3A_0 : i32 to index
    %get3A_18 = vector.load %arg1[%get3A_15, %get3A_16, %get3A_17] : memref<2x2x10240xf32, #tpu.memory_space<vmem>>, vector<1x1x2048xf32>
    %get3A_19 = vector.shape_cast %get3A_18 : vector<1x1x2048xf32> to vector<2048xf32>
    %add3A_20 = arith.addf %get3A_14, %get3A_19 : vector<2048xf32>
    %add3A_21 = arith.addf %add3A, %add3A_20 : vector<2048xf32>
    %eq3A = arith.constant 0.000000e+00 : f32
    %eq3A_22 = vector.broadcast %eq3A : f32 to vector<2048xf32>
    %eq3A_23 = arith.cmpf oeq, %add3A_21, %eq3A_22 : vector<2048xf32>
    %jit3A = arith.constant 1.000000e+00 : f32
    %jit3A_24 = arith.constant 0.000000e+00 : f32
    %broadcast_in_dim3A = vector.broadcast %jit3A : f32 to vector<2048xf32>
    %broadcast_in_dim3A_25 = vector.broadcast %jit3A_24 : f32 to vector<2048xf32>
    %select_n3A = arith.select %eq3A_23, %broadcast_in_dim3A, %broadcast_in_dim3A_25 : vector<2048xi1>, vector<2048xf32>
    %add3A_26 = arith.addf %add3A_20, %select_n3A : vector<2048xf32>
    %add3A_27 = arith.constant 1.000000e+00 : f32
    %add3A_28 = vector.broadcast %add3A_27 : f32 to vector<2048xf32>
    %add3A_29 = arith.addf %add3A_26, %add3A_28 : vector<2048xf32>
    %rsqrt3A = math.rsqrt %add3A_29 : vector<2048xf32>
    %get3A_30 = arith.constant 0 : index
    %get3A_31 = arith.constant 0 : index
    %get3A_32 = vector.load %arg2[%get3A_30, %get3A_31] : memref<2048x128xf32, #tpu.memory_space<vmem>>, vector<2048x128xf32>
    %get3A_33 = arith.constant 0 : index
    %get3A_34 = arith.constant 0 : index
    %get3A_35 = vector.load %arg3[%get3A_33, %get3A_34] : memref<128x128xf32, #tpu.memory_space<vmem>>, vector<128x128xf32>
    %dot_general3A = arith.constant dense<0.000000e+00> : vector<2048x128xf32>
    %dot_general3A_36 = tpu.matmul %get3A_32, %get3A_35, %dot_general3A {dimension_numbers = #tpu.dot_dimension_numbers<[1], [0], [0], [1], [0, 0, 1, 1], [], []>, transpose_lhs_hint = false} : vector<2048x128xf32>, vector<128x128xf32>, vector<2048x128xf32> -> vector<2048x128xf32>
    %broadcast_in_dim3A_37 = vector.shape_cast %rsqrt3A : vector<2048xf32> to vector<2048x1xf32>
    %mul3A_38 = vector.broadcast %broadcast_in_dim3A_37 : vector<2048x1xf32> to vector<2048x128xf32>
    %mul3A_39 = arith.mulf %dot_general3A_36, %mul3A_38 : vector<2048x128xf32>
    %swap3A = arith.constant 0 : index
    %swap3A_40 = arith.constant 0 : index
    %swap3A_41 = vector.load %arg4[%swap3A, %swap3A_40] : memref<2048x128xf32, #tpu.memory_space<vmem>>, vector<2048x128xf32>
    tpu.vector_store %arg4[%swap3A, %swap3A_40], %mul3A_39 {strides = array<i32>} : memref<2048x128xf32, #tpu.memory_space<vmem>>, vector<2048x128xf32>,
    return
  }
  func.func @transform_0(%arg0: i32) -> (i32, i32, i32) {
    %c0_i32 = arith.constant 0 : i32
    %c0_i32_0 = arith.constant 0 : i32
    %c0_i32_1 = arith.constant 0 : i32
    %c0_i32_2 = arith.constant 0 : i32
    return %c0_i32, %c0_i32_0, %c0_i32_1 : i32, i32, i32
  }
  func.func @transform_1(%arg0: i32) -> (i32, i32) {
    %c0_i32 = arith.constant 0 : i32
    %c0_i32_0 = arith.constant 0 : i32
    return %arg0, %c0_i32 : i32, i32
  }
  func.func @transform_2(%arg0: i32) -> (i32, i32) {
    %c0_i32 = arith.constant 0 : i32
    %c0_i32_0 = arith.constant 0 : i32
    %c0_i32_1 = arith.constant 0 : i32
    return %c0_i32, %c0_i32_0 : i32, i32
  }
  func.func @transform_3(%arg0: i32) -> (i32, i32) {
    %c0_i32 = arith.constant 0 : i32
    %c0_i32_0 = arith.constant 0 : i32
    return %arg0, %c0_i32 : i32, i32
  }
}

module attributes {stable_mosaic.version = 14 : i64} {
  func.func @_fin_body(%arg0: i32, %arg1: i32, %arg2: memref<2x2048x128xf32, #tpu.memory_space<vmem>>, %arg3: memref<2048x128xf32, #tpu.memory_space<vmem>>, %arg4: memref<2x2x10240xf32, #tpu.memory_space<vmem>>, %arg5: memref<1x128xf32, #tpu.memory_space<vmem>>, %arg6: memref<2048x128xf32, #tpu.memory_space<vmem>>, %arg7: memref<1x128xf32, #tpu.memory_space<vmem>>, %arg8: memref<1x128xf32, #tpu.memory_space<vmem>>, %arg9: memref<2048x128xf32, #tpu.memory_space<vmem>>, %arg10: memref<10240x128xf32, #tpu.memory_space<vmem>>, %arg11: memref<2x128xf32, #tpu.memory_space<vmem>>) attributes {dimension_semantics = [#tpu.dimension_semantics<arbitrary>, #tpu.dimension_semantics<arbitrary>], iteration_bounds = array<i64: 2, 5>, scalar_prefetch = 0 : i64, scratch_operands = 2 : i64, tpu.core_type = #tpu.core_type<tc>, window_params = [{transform_indices = @transform_0, window_bounds = array<i64: 2, 2048, 128>}, {transform_indices = @transform_1, window_bounds = array<i64: 2048, 128>}, {pipeline_mode = #tpu.pipeline_mode<synchronous>, transform_indices = @transform_2, window_bounds = array<i64: 2, 2, 10240>}, {pipeline_mode = #tpu.pipeline_mode<synchronous>, transform_indices = @transform_3, window_bounds = array<i64: 1, 128>}, {transform_indices = @transform_4, window_bounds = array<i64: 2048, 128>}, {pipeline_mode = #tpu.pipeline_mode<synchronous>, transform_indices = @transform_5, window_bounds = array<i64: 1, 128>}, {pipeline_mode = #tpu.pipeline_mode<synchronous>, transform_indices = @transform_6, window_bounds = array<i64: 1, 128>}, {transform_indices = @transform_7, window_bounds = array<i64: 2048, 128>}]} {
    %eq3A = arith.constant 0 : i32
    %eq3A_0 = arith.cmpi eq, %arg0, %eq3A : i32
    %eq3A_1 = arith.constant 0 : i32
    %eq3A_2 = arith.cmpi eq, %arg1, %eq3A_1 : i32
    %and3A = arith.andi %eq3A_0, %eq3A_2 : i1
    %convert_element_type3A = arith.extui %and3A : i1 to i32
    %cond3A = arith.constant 0 : i32
    %cond3A_3 = arith.cmpi ne, %convert_element_type3A, %cond3A : i32
    scf.if %cond3A_3 {
      %broadcast_in_dim3A = arith.constant 0.000000e+00 : f32
      %broadcast_in_dim3A_14 = vector.broadcast %broadcast_in_dim3A : f32 to vector<2x128xf32>
      %swap3A = arith.constant 0 : index
      %swap3A_15 = arith.constant 0 : index
      %swap3A_16 = vector.load %arg11[%swap3A, %swap3A_15] : memref<2x128xf32, #tpu.memory_space<vmem>>, vector<2x128xf32>
      tpu.vector_store %arg11[%swap3A, %swap3A_15], %broadcast_in_dim3A_14 {strides = array<i32>} : memref<2x128xf32, #tpu.memory_space<vmem>>, vector<2x128xf32>,
    } else {
    }
    %eq3A_4 = arith.constant 0 : i32
    %eq3A_5 = arith.cmpi eq, %arg0, %eq3A_4 : i32
    %convert_element_type3A_6 = arith.extui %eq3A_5 : i1 to i32
    %cond3A_7 = arith.constant 0 : i32
    %cond3A_8 = arith.cmpi ne, %convert_element_type3A_6, %cond3A_7 : i32
    scf.if %cond3A_8 {
      %mul3A = arith.constant 2048 : i32
      %mul3A_14 = arith.muli %arg1, %mul3A : i32
      %get3A = arith.constant 0 : index
      %get3A_15 = arith.constant 0 : index
      %get3A_16 = arith.index_cast %mul3A_14 : i32 to index
      %get3A_17 = vector.load %arg4[%get3A, %get3A_15, %get3A_16] : memref<2x2x10240xf32, #tpu.memory_space<vmem>>, vector<1x1x2048xf32>
      %get3A_18 = vector.shape_cast %get3A_17 : vector<1x1x2048xf32> to vector<2048xf32>
      %get3A_19 = arith.constant 1 : index
      %get3A_20 = arith.constant 0 : index
      %get3A_21 = arith.index_cast %mul3A_14 : i32 to index
      %get3A_22 = vector.load %arg4[%get3A_19, %get3A_20, %get3A_21] : memref<2x2x10240xf32, #tpu.memory_space<vmem>>, vector<1x1x2048xf32>
      %get3A_23 = vector.shape_cast %get3A_22 : vector<1x1x2048xf32> to vector<2048xf32>
      %add3A = arith.addf %get3A_18, %get3A_23 : vector<2048xf32>
      %get3A_24 = arith.constant 0 : index
      %get3A_25 = arith.constant 1 : index
      %get3A_26 = arith.index_cast %mul3A_14 : i32 to index
      %get3A_27 = vector.load %arg4[%get3A_24, %get3A_25, %get3A_26] : memref<2x2x10240xf32, #tpu.memory_space<vmem>>, vector<1x1x2048xf32>
      %get3A_28 = vector.shape_cast %get3A_27 : vector<1x1x2048xf32> to vector<2048xf32>
      %get3A_29 = arith.constant 1 : index
      %get3A_30 = arith.constant 1 : index
      %get3A_31 = arith.index_cast %mul3A_14 : i32 to index
      %get3A_32 = vector.load %arg4[%get3A_29, %get3A_30, %get3A_31] : memref<2x2x10240xf32, #tpu.memory_space<vmem>>, vector<1x1x2048xf32>
      %get3A_33 = vector.shape_cast %get3A_32 : vector<1x1x2048xf32> to vector<2048xf32>
      %add3A_34 = arith.addf %get3A_28, %get3A_33 : vector<2048xf32>
      %add3A_35 = arith.addf %add3A, %add3A_34 : vector<2048xf32>
      %eq3A_36 = arith.constant 0.000000e+00 : f32
      %eq3A_37 = vector.broadcast %eq3A_36 : f32 to vector<2048xf32>
      %eq3A_38 = arith.cmpf oeq, %add3A_35, %eq3A_37 : vector<2048xf32>
      %jit3A = arith.constant 1.000000e+00 : f32
      %jit3A_39 = arith.constant 0.000000e+00 : f32
      %broadcast_in_dim3A = vector.broadcast %jit3A : f32 to vector<2048xf32>
      %broadcast_in_dim3A_40 = vector.broadcast %jit3A_39 : f32 to vector<2048xf32>
      %select_n3A = arith.select %eq3A_38, %broadcast_in_dim3A, %broadcast_in_dim3A_40 : vector<2048xi1>, vector<2048xf32>
      %add3A_41 = arith.addf %add3A_34, %select_n3A : vector<2048xf32>
      %add3A_42 = arith.constant 1.000000e+00 : f32
      %add3A_43 = vector.broadcast %add3A_42 : f32 to vector<2048xf32>
      %add3A_44 = arith.addf %add3A_41, %add3A_43 : vector<2048xf32>
      %rsqrt3A = math.rsqrt %add3A_44 : vector<2048xf32>
      %add3A_45 = arith.constant 1.000000e+00 : f32
      %add3A_46 = vector.broadcast %add3A_45 : f32 to vector<2048xf32>
      %add3A_47 = arith.addf %add3A_46, %select_n3A : vector<2048xf32>
      %mul3A_48 = arith.mulf %add3A_47, %rsqrt3A : vector<2048xf32>
      %get3A_49 = arith.constant 0 : index
      %get3A_50 = arith.constant 0 : index
      %get3A_51 = arith.constant 0 : index
      %get3A_52 = vector.load %arg2[%get3A_49, %get3A_50, %get3A_51] : memref<2x2048x128xf32, #tpu.memory_space<vmem>>, vector<1x2048x128xf32>
      %get3A_53 = vector.shape_cast %get3A_52 : vector<1x2048x128xf32> to vector<2048x128xf32>
      %get3A_54 = arith.constant 1 : index
      %get3A_55 = arith.constant 0 : index
      %get3A_56 = arith.constant 0 : index
      %get3A_57 = vector.load %arg2[%get3A_54, %get3A_55, %get3A_56] : memref<2x2048x128xf32, #tpu.memory_space<vmem>>, vector<1x2048x128xf32>
      %get3A_58 = vector.shape_cast %get3A_57 : vector<1x2048x128xf32> to vector<2048x128xf32>
      %add3A_59 = arith.addf %get3A_53, %get3A_58 : vector<2048x128xf32>
      %broadcast_in_dim3A_60 = vector.shape_cast %rsqrt3A : vector<2048xf32> to vector<2048x1xf32>
      %mul3A_61 = vector.broadcast %broadcast_in_dim3A_60 : vector<2048x1xf32> to vector<2048x128xf32>
      %mul3A_62 = arith.mulf %add3A_59, %mul3A_61 : vector<2048x128xf32>
      %get3A_63 = arith.constant 0 : index
      %get3A_64 = arith.constant 0 : index
      %get3A_65 = vector.load %arg3[%get3A_63, %get3A_64] : memref<2048x128xf32, #tpu.memory_space<vmem>>, vector<2048x128xf32>
      %broadcast_in_dim3A_66 = vector.shape_cast %mul3A_48 : vector<2048xf32> to vector<2048x1xf32>
      %mul3A_67 = vector.broadcast %broadcast_in_dim3A_66 : vector<2048x1xf32> to vector<2048x128xf32>
      %mul3A_68 = arith.mulf %get3A_65, %mul3A_67 : vector<2048x128xf32>
      %add3A_69 = arith.addf %mul3A_62, %mul3A_68 : vector<2048x128xf32>
      %get3A_70 = arith.constant 0 : index
      %get3A_71 = arith.constant 0 : index
      %get3A_72 = vector.load %arg5[%get3A_70, %get3A_71] : memref<1x128xf32, #tpu.memory_space<vmem>>, vector<1x128xf32>
      %add3A_73 = vector.broadcast %get3A_72 : vector<1x128xf32> to vector<2048x128xf32>
      %add3A_74 = arith.addf %add3A_69, %add3A_73 : vector<2048x128xf32>
      %get3A_75 = arith.constant 0 : index
      %get3A_76 = arith.constant 0 : index
      %get3A_77 = vector.load %arg6[%get3A_75, %get3A_76] : memref<2048x128xf32, #tpu.memory_space<vmem>>, vector<2048x128xf32>
      %add3A_78 = arith.addf %add3A_74, %get3A_77 : vector<2048x128xf32>
      %mul3A_79 = arith.constant 2048 : i32
      %mul3A_80 = arith.muli %arg1, %mul3A_79 : i32
      %swap3A = arith.index_cast %mul3A_80 : i32 to index
      %swap3A_81 = arith.constant 0 : index
      %swap3A_82 = vector.load %arg10[%swap3A, %swap3A_81] : memref<10240x128xf32, #tpu.memory_space<vmem>>, vector<2048x128xf32>
      tpu.vector_store %arg10[%swap3A, %swap3A_81], %add3A_78 {strides = array<i32>} : memref<10240x128xf32, #tpu.memory_space<vmem>>, vector<2048x128xf32>,
      %mul3A_83 = arith.constant 2048 : i32
      %mul3A_84 = arith.muli %arg1, %mul3A_83 : i32
      %iota3A = tpu.iota {dimensions = array<i32: 0>} : vector<2048x1xi32>
      %add3A_85 = vector.broadcast %mul3A_84 : i32 to vector<2048x1xi32>
      %add3A_86 = arith.addi %add3A_85, %iota3A : vector<2048x1xi32>
      %lt3A = arith.constant 10000 : i32
      %lt3A_87 = vector.broadcast %lt3A : i32 to vector<2048x1xi32>
      %lt3A_88 = arith.cmpi slt, %add3A_86, %lt3A_87 : vector<2048x1xi32>
      %jit3A_89 = arith.constant 0.000000e+00 : f32
      %broadcast_in_dim3A_90 = vector.shape_cast %lt3A_88 : vector<2048x1xi1> to vector<2048x1xi1>
      %broadcast_in_dim3A_91 = vector.broadcast %broadcast_in_dim3A_90 : vector<2048x1xi1> to vector<2048x128xi1>
      %broadcast_in_dim3A_92 = vector.broadcast %jit3A_89 : f32 to vector<2048x128xf32>
      %select_n3A_93 = arith.select %broadcast_in_dim3A_91, %add3A_78, %broadcast_in_dim3A_92 : vector<2048x128xi1>, vector<2048x128xf32>
      %get3A_94 = arith.constant 0 : index
      %get3A_95 = arith.constant 0 : index
      %get3A_96 = vector.load %arg11[%get3A_94, %get3A_95] : memref<2x128xf32, #tpu.memory_space<vmem>>, vector<1x128xf32>
      %reduce_sum3A = arith.constant dense<0.000000e+00> : vector<128xf32>
      %reduce_sum3A_97 = vector.multi_reduction <add>, %select_n3A_93, %reduce_sum3A [0] : vector<2048x128xf32> to vector<128xf32>
      %broadcast_in_dim3A_98 = vector.shape_cast %reduce_sum3A_97 : vector<128xf32> to vector<1x128xf32>
      %add3A_99 = arith.addf %get3A_96, %broadcast_in_dim3A_98 : vector<1x128xf32>
      %swap3A_100 = arith.constant 0 : index
      %swap3A_101 = arith.constant 0 : index
      %swap3A_102 = vector.load %arg11[%swap3A_100, %swap3A_101] : memref<2x128xf32, #tpu.memory_space<vmem>>, vector<1x128xf32>
      tpu.vector_store %arg11[%swap3A_100, %swap3A_101], %add3A_99 {strides = array<i32>} : memref<2x128xf32, #tpu.memory_space<vmem>>, vector<1x128xf32>,
      %get3A_103 = arith.constant 1 : index
      %get3A_104 = arith.constant 0 : index
      %get3A_105 = vector.load %arg11[%get3A_103, %get3A_104] : memref<2x128xf32, #tpu.memory_space<vmem>>, vector<1x128xf32>
      %mul3A_106 = arith.mulf %select_n3A_93, %select_n3A_93 : vector<2048x128xf32>
      %reduce_sum3A_107 = arith.constant dense<0.000000e+00> : vector<128xf32>
      %reduce_sum3A_108 = vector.multi_reduction <add>, %mul3A_106, %reduce_sum3A_107 [0] : vector<2048x128xf32> to vector<128xf32>
      %broadcast_in_dim3A_109 = vector.shape_cast %reduce_sum3A_108 : vector<128xf32> to vector<1x128xf32>
      %add3A_110 = arith.addf %get3A_105, %broadcast_in_dim3A_109 : vector<1x128xf32>
      %swap3A_111 = arith.constant 1 : index
      %swap3A_112 = arith.constant 0 : index
      %swap3A_113 = vector.load %arg11[%swap3A_111, %swap3A_112] : memref<2x128xf32, #tpu.memory_space<vmem>>, vector<1x128xf32>
      tpu.vector_store %arg11[%swap3A_111, %swap3A_112], %add3A_110 {strides = array<i32>} : memref<2x128xf32, #tpu.memory_space<vmem>>, vector<1x128xf32>,
    } else {
    }
    %eq3A_9 = arith.constant 1 : i32
    %eq3A_10 = arith.cmpi eq, %arg0, %eq3A_9 : i32
    %convert_element_type3A_11 = arith.extui %eq3A_10 : i1 to i32
    %cond3A_12 = arith.constant 0 : i32
    %cond3A_13 = arith.cmpi ne, %convert_element_type3A_11, %cond3A_12 : i32
    scf.if %cond3A_13 {
      %get3A = arith.constant 0 : index
      %get3A_14 = arith.constant 0 : index
      %get3A_15 = vector.load %arg11[%get3A, %get3A_14] : memref<2x128xf32, #tpu.memory_space<vmem>>, vector<1x128xf32>
      %div3A = arith.constant 1.000000e+04 : f32
      %div3A_16 = vector.broadcast %div3A : f32 to vector<1x128xf32>
      %div3A_17 = arith.divf %get3A_15, %div3A_16 : vector<1x128xf32>
      %get3A_18 = arith.constant 1 : index
      %get3A_19 = arith.constant 0 : index
      %get3A_20 = vector.load %arg11[%get3A_18, %get3A_19] : memref<2x128xf32, #tpu.memory_space<vmem>>, vector<1x128xf32>
      %div3A_21 = arith.constant 1.000000e+04 : f32
      %div3A_22 = vector.broadcast %div3A_21 : f32 to vector<1x128xf32>
      %div3A_23 = arith.divf %get3A_20, %div3A_22 : vector<1x128xf32>
      %mul3A = arith.mulf %div3A_17, %div3A_17 : vector<1x128xf32>
      %sub3A = arith.subf %div3A_23, %mul3A : vector<1x128xf32>
      %add3A = arith.constant 9.99999974E-6 : f32
      %add3A_24 = vector.broadcast %add3A : f32 to vector<1x128xf32>
      %add3A_25 = arith.addf %sub3A, %add3A_24 : vector<1x128xf32>
      %rsqrt3A = math.rsqrt %add3A_25 : vector<1x128xf32>
      %get3A_26 = arith.constant 0 : index
      %get3A_27 = arith.constant 0 : index
      %get3A_28 = vector.load %arg7[%get3A_26, %get3A_27] : memref<1x128xf32, #tpu.memory_space<vmem>>, vector<1x128xf32>
      %mul3A_29 = arith.mulf %rsqrt3A, %get3A_28 : vector<1x128xf32>
      %mul3A_30 = arith.constant 2048 : i32
      %mul3A_31 = arith.muli %arg1, %mul3A_30 : i32
      %get3A_32 = arith.index_cast %mul3A_31 : i32 to index
      %get3A_33 = arith.constant 0 : index
      %get3A_34 = vector.load %arg10[%get3A_32, %get3A_33] : memref<10240x128xf32, #tpu.memory_space<vmem>>, vector<2048x128xf32>
      %sub3A_35 = vector.broadcast %div3A_17 : vector<1x128xf32> to vector<2048x128xf32>
      %sub3A_36 = arith.subf %get3A_34, %sub3A_35 : vector<2048x128xf32>
      %mul3A_37 = vector.broadcast %mul3A_29 : vector<1x128xf32> to vector<2048x128xf32>
      %mul3A_38 = arith.mulf %sub3A_36, %mul3A_37 : vector<2048x128xf32>
      %get3A_39 = arith.constant 0 : index
      %get3A_40 = arith.constant 0 : index
      %get3A_41 = vector.load %arg8[%get3A_39, %get3A_40] : memref<1x128xf32, #tpu.memory_space<vmem>>, vector<1x128xf32>
      %add3A_42 = vector.broadcast %get3A_41 : vector<1x128xf32> to vector<2048x128xf32>
      %add3A_43 = arith.addf %mul3A_38, %add3A_42 : vector<2048x128xf32>
      %max3A = arith.constant 0.000000e+00 : f32
      %max3A_44 = vector.broadcast %max3A : f32 to vector<2048x128xf32>
      %max3A_45 = arith.maximumf %add3A_43, %max3A_44 : vector<2048x128xf32>
      %swap3A = arith.constant 0 : index
      %swap3A_46 = arith.constant 0 : index
      %swap3A_47 = vector.load %arg9[%swap3A, %swap3A_46] : memref<2048x128xf32, #tpu.memory_space<vmem>>, vector<2048x128xf32>
      tpu.vector_store %arg9[%swap3A, %swap3A_46], %max3A_45 {strides = array<i32>} : memref<2048x128xf32, #tpu.memory_space<vmem>>, vector<2048x128xf32>,
    } else {
    }
    return
  }
  func.func @transform_0(%arg0: i32, %arg1: i32) -> (i32, i32, i32) {
    %sub3A = arith.constant 1 : i32
    %sub3A_0 = arith.subi %sub3A, %arg0 : i32
    %mul3A = arith.muli %arg1, %sub3A_0 : i32
    %c0_i32 = arith.constant 0 : i32
    %c0_i32_1 = arith.constant 0 : i32
    %c0_i32_2 = arith.constant 0 : i32
    return %c0_i32, %mul3A, %c0_i32_1 : i32, i32, i32
  }
  func.func @transform_1(%arg0: i32, %arg1: i32) -> (i32, i32) {
    %sub3A = arith.constant 1 : i32
    %sub3A_0 = arith.subi %sub3A, %arg0 : i32
    %mul3A = arith.muli %arg1, %sub3A_0 : i32
    %c0_i32 = arith.constant 0 : i32
    %c0_i32_1 = arith.constant 0 : i32
    return %mul3A, %c0_i32 : i32, i32
  }
  func.func @transform_2(%arg0: i32, %arg1: i32) -> (i32, i32, i32) {
    %c0_i32 = arith.constant 0 : i32
    %c0_i32_0 = arith.constant 0 : i32
    %c0_i32_1 = arith.constant 0 : i32
    %c0_i32_2 = arith.constant 0 : i32
    return %c0_i32, %c0_i32_0, %c0_i32_1 : i32, i32, i32
  }
  func.func @transform_3(%arg0: i32, %arg1: i32) -> (i32, i32) {
    %c0_i32 = arith.constant 0 : i32
    %c0_i32_0 = arith.constant 0 : i32
    %c0_i32_1 = arith.constant 0 : i32
    return %c0_i32, %c0_i32_0 : i32, i32
  }
  func.func @transform_4(%arg0: i32, %arg1: i32) -> (i32, i32) {
    %sub3A = arith.constant 1 : i32
    %sub3A_0 = arith.subi %sub3A, %arg0 : i32
    %mul3A = arith.muli %arg1, %sub3A_0 : i32
    %c0_i32 = arith.constant 0 : i32
    %c0_i32_1 = arith.constant 0 : i32
    return %mul3A, %c0_i32 : i32, i32
  }
  func.func @transform_5(%arg0: i32, %arg1: i32) -> (i32, i32) {
    %c0_i32 = arith.constant 0 : i32
    %c0_i32_0 = arith.constant 0 : i32
    %c0_i32_1 = arith.constant 0 : i32
    return %c0_i32, %c0_i32_0 : i32, i32
  }
  func.func @transform_6(%arg0: i32, %arg1: i32) -> (i32, i32) {
    %c0_i32 = arith.constant 0 : i32
    %c0_i32_0 = arith.constant 0 : i32
    %c0_i32_1 = arith.constant 0 : i32
    return %c0_i32, %c0_i32_0 : i32, i32
  }
  func.func @transform_7(%arg0: i32, %arg1: i32) -> (i32, i32) {
    %mul3A = arith.muli %arg1, %arg0 : i32
    %c0_i32 = arith.constant 0 : i32
    %c0_i32_0 = arith.constant 0 : i32
    return %mul3A, %c0_i32 : i32, i32
  }
}

</mosaic_0001>

<sc_bundles>
// kernel: kernel.6.cloned.1.call-start
scs
__scs_entry_jumppad:
0x0: {  	(pc) =	sbr.rel $0x88, $3  }
0x1: {  	(tag) =	ssettag $0x0;
	lr =	simm.s32 $0x1  }
0x2: {  	[smem:$0x3F9B] =	sst lr;
	_ =	strace $0xD0000000  }
0x3: {  	_ = 	snop  }
0x4: {  	_ = 	snop  }
0x5: {  	_ = 	snop  }
0x6: {  	_ = 	snop  }
0x7: {  	_ = 	snop  }
__scs_overlays_trampoline_lowered:
0x8: {  	[smem:$0x3FAA] =	sst s0  }
0x9: {  	[smem:$0x3FAB] =	sst s1  }
0xa: {  	[smem:$0x3FAC] =	sst s2  }
0xb: {  	[smem:$0x3FAD] =	sst s3  }
0xc: {  	[smem:$0x3FAE] =	sst s4  }
0xd: {  	[smem:$0x3FAF] =	sst s5  }
0xe: {  	[smem:$0x3FB0] =	sst s6  }
0xf: {  	[smem:$0x3FB1] =	sst s7  }
0x10: {  	[smem:$0x3FB2] =	sst s8  }
0x11: {  	[smem:$0x3FB3] =	sst s9;
	s0 =	simm.s32 @!p0 $0x0  }
0x12: {  	s1 =	sld [smem:$0x3F99];
	s0 =	simm.s32 @p0 $0x1  }
0x13: {  	[smem:$0x3FB4] =	sst s0;
	s0 =	simm.s32 @!p1 $0x0  }
0x14: {  	s2 =	sld [smem:$0x3F98];
	s0 =	simm.s32 @p1 $0x1  }
0x15: {  	[smem:$0x3FB5] =	sst s0;
	s0 =	simm.s32 @!p2 $0x0  }
0x16: {  	s3 =	sld [smem:$0x3FDB];
	s0 =	simm.s32 @p2 $0x1  }
0x17: {  	s4 =	simm.s32 $0x1BF5;
	[smem:$0x3FB7] =	sst s0  }
0x18: {  	s0 =	sld [smem:$0x3F9A];
	_ =	swait.ge [sflag:s4], $0x0  }
0x19: {  	s7 =	sld [smem:$0x3F9B]  }
0x1a: {  	s8 =	sadd.s32 $0xFFFFE003, lr  }
0x1b: {  	s9 =	sadd.s32 $0xFFFFFEF7, lr;
	s5 =	simm.s32 $0xFFFFFFFF;
	p2 =	slt.u32 s8, $0xFFFFF086  }
0x1c: {  	p1 =	slt.u32 s9, $0xF7A;
	s5 =	simm.s32 @!p2 $0x0  }
0x1d: {  	s5 =	simm.s32 @p1 $0x1;
	p0 =	seq.s32 s7, s2  }
0x1e: {  	s7 =	smul.u32 @!p0 $0xF7A, s2;
	p2 =	seq.s32 @!p0 s5, $0x0  }
0x1f: {  	s9 =	smul.u32 $0xF7A, s1;
	s8 =	simm.s32 @!p0 $0x1BF5;
	p2 =	por !p2, p0  }
0x20: {  	[sflag:s8] =	ssyncset.s32 @!p0 $0xFFFFF086;
	s6 =	sadd.s32 @!p0 s3, s7;
	s7 =	simm.s32 @!p0 $0x108  }
0x21: {  	s3 =	sadd.s32 s3, s9;
	s6 =	sadd.s32 @!p0 $0x88, s6;
	s7 =	simm.s32 @p2 $0x1082  }
0x22: {  	[simem:s7], [sflag:s8] =	dma.local @!p0 [hbm:s6], $0xF7A  }
0x23: {  	s9 =	sor.u32 $0xD0000000, s2;
	s6 =	simm.s32 $0x108;
	_ =	swait.ge @!p0 [sflag:s8], $0x0  }
0x24: {  	s3 =	sadd.s32 $0x88, s3;
	s6 =	simm.s32 @!p1 $0x1082;
	[sflag:s4] =	ssyncset.s32 $0xFFFFF086  }
0x25: {  	[simem:s6], [sflag:s4] =	dma.local [hbm:s3], $0xF7A  }
0x26: {  	[smem:$0x3F9B] =	sst s1;
	(tag) =	ssettag s2;
	_ =	strace s9  }
0x27: {  	s1 =	sld [smem:$0x3FAB]  }
0x28: {  	s2 =	sld [smem:$0x3FAC]  }
0x29: {  	s4 =	sld [smem:$0x3FAE]  }
0x2a: {  	p0 =	seq.s32 s5, $0x0;
	s5 =	sld [smem:$0x3FAF]  }
0x2b: {  	s6 =	sld [smem:$0x3FB0]  }
0x2c: {  	s7 =	sld [smem:$0x3FB1]  }
0x2d: {  	s3 =	simm.s32 $0x108;
	s8 =	sld [smem:$0x3FB2]  }
0x2e: {  	s3 =	simm.s32 @!p0 $0x1082;
	s9 =	sld [smem:$0x3FB3]  }
0x2f: {  	lr =	sadd.s32 s0, s3;
	s0 =	sld [smem:$0x3FAA]  }
0x30: {  	s3 =	sld [smem:$0x3FAD]  }
0x31: {  	[smem:$0x3FB6] =	sst s10  }
0x32: {  	s10 =	sld [smem:$0x3FB4];
	_ =	sdelay $0x3  }
0x33: {  	p0 =	seq.s32 s10, $0x1;
	s10 =	sld [smem:$0x3FB6];
	_ =	sdelay $0x3  }
0x34: {  	[smem:$0x3FB6] =	sst s10  }
0x35: {  	s10 =	sld [smem:$0x3FB5];
	_ =	sdelay $0x3  }
0x36: {  	p1 =	seq.s32 s10, $0x1;
	s10 =	sld [smem:$0x3FB6];
	_ =	sdelay $0x3  }
0x37: {  	[smem:$0x3FB6] =	sst s10  }
0x38: {  	s10 =	sld [smem:$0x3FB7]  }
0x39: {  	_ = 	snop;
	(pc) =	sbr.ind lr, $3  }
0x3a: {  	_ = 	snop  }
0x3b: {  	_ = 	snop  }
0x3c: {  	p2 =	seq.s32 s10, $0x1;
	s10 =	sld [smem:$0x3FB6]  }
0x3d: {  	_ =	shalt  }
0x3e: {  	_ =	shalt  }
0x3f: {  	_ =	shalt  }
0x40: {  	_ =	shalt  }
0x41: {  	_ =	shalt  }
0x42: {  	_ =	shalt  }
0x43: {  	_ =	shalt  }
0x44: {  	_ =	shalt  }
0x45: {  	_ =	shalt  }
0x46: {  	_ =	shalt  }
0x47: {  	_ =	shalt  }
0x48: {  	_ =	shalt  }
0x49: {  	_ =	shalt  }
0x4a: {  	_ =	shalt  }
0x4b: {  	_ =	shalt  }
0x4c: {  	_ =	shalt  }
0x4d: {  	_ =	shalt  }
0x4e: {  	_ =	shalt  }
0x4f: {  	_ =	shalt  }
0x50: {  	_ =	shalt  }
0x51: {  	_ =	shalt  }
0x52: {  	_ =	shalt  }
0x53: {  	_ =	shalt  }
0x54: {  	_ =	shalt  }
0x55: {  	_ =	shalt  }
0x56: {  	_ =	shalt  }
0x57: {  	_ =	shalt  }
0x58: {  	_ =	shalt  }
0x59: {  	_ =	shalt  }
0x5a: {  	_ =	shalt  }
0x5b: {  	_ =	shalt  }
0x5c: {  	_ =	shalt  }
0x5d: {  	_ =	shalt  }
0x5e: {  	_ =	shalt  }
0x5f: {  	_ =	shalt  }
0x60: {  	_ =	shalt  }
0x61: {  	_ =	shalt  }
0x62: {  	_ =	shalt  }
0x63: {  	_ =	shalt  }
0x64: {  	_ =	shalt  }
0x65: {  	_ =	shalt  }
0x66: {  	_ =	shalt  }
0x67: {  	_ =	shalt  }
0x68: {  	_ =	shalt  }
0x69: {  	_ =	shalt  }
0x6a: {  	_ =	shalt  }
0x6b: {  	_ =	shalt  }
0x6c: {  	_ =	shalt  }
0x6d: {  	_ =	shalt  }
0x6e: {  	_ =	shalt  }
0x6f: {  	_ =	shalt  }
0x70: {  	_ =	shalt  }
0x71: {  	_ =	shalt  }
0x72: {  	_ =	shalt  }
0x73: {  	_ =	shalt  }
0x74: {  	_ =	shalt  }
0x75: {  	_ =	shalt  }
0x76: {  	_ =	shalt  }
0x77: {  	_ =	shalt  }
0x78: {  	_ =	shalt  }
0x79: {  	_ =	shalt  }
0x7a: {  	_ =	shalt  }
0x7b: {  	_ =	shalt  }
0x7c: {  	_ =	shalt  }
0x7d: {  	_ =	shalt  }
0x7e: {  	_ =	shalt  }
0x7f: {  	_ =	shalt  }
0x80: {  	_ =	shalt  }
0x81: {  	_ =	shalt  }
0x82: {  	_ =	shalt  }
0x83: {  	_ =	shalt  }
0x84: {  	_ =	shalt  }
0x85: {  	_ =	shalt  }
0x86: {  	_ =	shalt  }
0x87: {  	_ =	shalt  }
.Lfunc_end0:
.L_simem_size_0:
called_computation_lowered:
.L_overlay_start_0:
0x88: {  	s2 =	sld [smem:$0x3FD9]  }
0x89: {  	s3 =	sld [smem:$0x3FFE];
	_ =	sdelay $0x1  }
0x8a: {  	s1 =	srdreg.scid  }
0x8b: {  	s0 =	sand.u32 $0x1, s1  }
0x8c: {  	s17 =	sshll.u32 s0, $0xA;
	s2 =	sadd.s32 s3, s2  }
0x8d: {  	s2 =	sadd.s32 s2, s17  }
0x8e: {  	[smem:$0x3FC2] =	sst s2  }
0x8f: {  	_ = 	snop  }
0x90: {  	s2 =	sld [smem:$0x3FD0];
	(tm) =	ssettm $0x1  }
0x91: {  	s18 =	sld [smem:$0x3FFB];
	_ =	sdelay $0x3  }
0x92: {  	_ =	strace s18  }
0x93: {  	s3 =	sld [smem:$0x3FFC];
	_ =	sdelay $0x3  }
0x94: {  	_ =	strace s3  }
0x95: {  	s3 =	sld [smem:$0x3FFD];
	_ =	sdelay $0x3  }
0x96: {  	_ =	strace s3  }
0x97: {  	_ =	strace $0x8FFFFFFF  }
0x98: {  	s19 =	sld [smem:$0x3FDB];
	_ =	sdelay $0x1  }
0x99: {  	s4 =	simm.s32 $_scs_section_size  }
0x9a: {  	s5 =	simm.s32 $_size__tile_overlayer_lowered;
	s6 =	simm.s32 $_tile_overlayer_lowered  }
0x9b: {  	s22 =	simm.s32 $0x1BFF;
	s21 =	sshll.u32 s6, $0x1;
	s3 =	sadd.s32 s4, s19  }
0x9c: {  	s7 =	simm.s32 $0x0;
	s20 =	sshll.u32 s5, $0x1;
	s5 =	sadd.s32 s21, s3  }
0x9d: {  	[timem:s7], [sflag:s22] =	dma.local [hbm:s5], s20  }
0x9e: {  	_ =	swait.ge [sflag:s22], s20  }
0x9f: {  	s4 =	ssub.s32 $0x0, s20;
	[sflag:s22] =	ssyncset.done $0x0  }
0xa0: {  	[sflag:s22] =	ssyncadd.s32 s4;
	_ =	sdelay $0x1  }
0xa1: {  	s23 =	simm.s32 $0x1B8B  }
0xa2: {  	_ =	swait.ge [sflag:s23], $0x1  }
0xa3: {  	[sflag:s23] =	ssyncset.done $0x0  }
0xa4: {  	s25 =	simm.s32 $0x1B8E;
	s24 =	sld [smem:$0x3FFE];
	[sflag:s23] =	ssyncadd.s32 $0xFFFFFFFF  }
0xa5: {  	s26 =	simm.s32 $execute0_lowered;
	[smem:$0x3FD2] =	sst s25  }
0xa6: {  	s5 =	sshll.u32 s26, $0x1;
	_ =	strace $0x80000046;
	[dreg:$0x1] =	wrdreg $0xFFFFFFFF  }
0xa7: {  	s28 =	simm.s32 $_size_execute0_lowered;
	s3 =	sadd.s32 s3, s5;
	[dreg:$0x0] =	wrdreg $0x0  }
0xa8: {  	s5 =	sshll.u32 s28, $0x1;
	[dreg:$0x2] =	wrdreg s3  }
0xa9: {  	[dreg:$0x3] =	wrdreg s5  }
0xaa: {  	[dreg:$0x4] =	wrdreg $0xC0  }
0xab: {  	_ =	task [dreg:s7], $0x5FFFF  }
0xac: {  	[dreg:$0x1] =	wrdreg $0xFFFFFFFF  }
0xad: {  	[dreg:$0x0] =	wrdreg $0x60  }
0xae: {  	[dreg:$0x2] =	wrdreg s2  }
0xaf: {  	[dreg:$0x3] =	wrdreg s24  }
0xb0: {  	[dreg:$0x4] =	wrdreg $0xC9800  }
0xb1: {  	[dreg:$0x5] =	wrdreg $0x9  }
0xb2: {  	_ =	task.clear_ibuf [dreg:s7], $0x6FFFF;
	_ =	strace $0x90000046  }
0xb3: {  	s29 =	simm.s32 $0x9;
	_ =	strace $0x80000048  }
0xb4: {  	_ =	swait.ge [sflag:s29], $0x1  }
0xb5: {  	[sflag:s29] =	ssyncadd.s32 $0xFFFFFFFF  }
0xb6: {  	_ =	strace $0x90000048  }
0xb7: {  	_ =	sfence  }
0xb8: {  	s30 =	sld [smem:$0x0];
	_ =	sdelay $0x2  }
0xb9: {  	s31 =	sshll.u32 s1, $0xD;
	s1 =	sshrl.u32 s1, $0x2  }
0xba: {  	s3 =	sand.u32 $0x4000, s31;
	s1 =	sadd.s32 s1, s30  }
0xbb: {  	s0 =	sor.u32 s3, s0;
	s1 =	sshll.u32 s1, $0x11  }
0xbc: {  	s0 =	sor.u32 s1, s0  }
0xbd: {  	s0 =	sadd.s32 $0x8F2B, s0  }
0xbe: {  	[sflag:s0] =	ssyncadd.remote.s32 $0x1  }
0xbf: {  	_ =	sfence.sel $0xFFFF  }
0xc0: {  	[dreg:$0x0] =	wrdreg $0xFFFFFFFF;
	(pc) =	sbr.abs _section_cstart, $3  }
0xc1: {  	[dreg:$0x1] =	wrdreg $0xFFFFFFFF  }
0xc2: {  	_ =	task.clear_ibuf [dreg:s7], $0x2FFFF;
	_ =	strace $0x9FFFFFFF  }
0xc3: {  	(tm) =	ssettm $0x7FFFFFFF  }
tec
execute0_lowered:
.L_overlay_start_1:
0x0: {  	(tag) =	ssettag $0x1  }
0x1: {  	s0 =	rddreg [dreg:$0x0]  }
0x2: {  	s1 =	rddreg [dreg:$0x1]  }
0x3: {  	s2 =	rddreg [dreg:$0x2];
	s7 =	stileid.u32  }
0x4: {  	s3 =	srdreg.scid;
	s8 =	simm.s32 $0x0;
	s4 =	smul.u32 $0x500, s7  }
0x5: {  	s3 =	sand.u32 $0x1, s3;
	s6 =	sshll.u32 s7, $0x1;
	s7 =	smul.u32 $0x14000, s7  }
0x6: {  	s5 =	smul.u32 $0x5000, s3;
	s6 =	sor.u32 s3, s6;
	s3 =	ssub.s32 $0x2, s3  }
0x7: {  	[smem:$0x7FF] =	sst s8;
	s6 =	smul.u32 $0x2710, s6;
	s29 =	sshrl.u32 s3, $0x1  }
0x8: {  	_ =	strace $0x80000047;
	s5 =	sadd.s32 s4, s5;
	s30 =	ssub.s32 s3, s29  }
0x9: {  	s5 =	sshrl.u32 s5, $0x3;
	s6 =	sshrl.u32 s6, $0x3;
	s11 =	smax.u32 s30, $0x1  }
0xa: {  	s1 =	sadd.s32 s5, s1;
	s5 =	sadd.s32 s0, s6;
	[dreg:$0xa] =	wrdreg s11  }
0xb: {  	[dreg:$0x4] =	wrdreg s5;
	s3 =	sadd.s32 $0x9C40, s5  }
0xc: {  	s6 =	sshrl.u32 s7, $0x2;
	s7 =	sadd.s32 $0x2000, s1;
	[dreg:$0x5] =	wrdreg s3  }
0xd: {  	s5 =	sadd.s32 s6, s2;
	s10 =	sadd.s32 $0x2010, s1;
	[dreg:$0x7] =	wrdreg s7  }
0xe: {  	s6 =	sadd.s32 s4, s2;
	s0 =	sadd.s32 $0x80, s5;
	[dreg:$0x9] =	wrdreg s10  }
0xf: {  	s9 =	sadd.s32 $0x80, s6;
	[dreg:$0x6] =	wrdreg s0  }
0x10: {  	s12 =	sadd.s32 $0x100, s6;
	[dreg:$0x8] =	wrdreg s9  }
0x11: {  	s13 =	sadd.s32 $0x200, s6;
	[dreg:$0xb] =	wrdreg s12  }
0x12: {  	s14 =	sadd.s32 $0x300, s6;
	[dreg:$0xc] =	wrdreg s13  }
0x13: {  	s15 =	sadd.s32 $0x400, s6;
	[dreg:$0xd] =	wrdreg s14  }
0x14: {  	s16 =	sadd.s32 $0x28000, s6;
	[dreg:$0xe] =	wrdreg s15  }
0x15: {  	s17 =	sadd.s32 $0x28100, s6;
	[dreg:$0xf] =	wrdreg s16  }
0x16: {  	s18 =	sadd.s32 $0x28200, s6;
	[dreg:$0x10] =	wrdreg s17  }
0x17: {  	s19 =	sadd.s32 $0x28300, s6;
	[dreg:$0x11] =	wrdreg s18  }
0x18: {  	s20 =	sadd.s32 $0x28400, s6;
	[dreg:$0x12] =	wrdreg s19  }
0x19: {  	s21 =	sadd.s32 $0x180, s6;
	[dreg:$0x13] =	wrdreg s20  }
0x1a: {  	s22 =	sadd.s32 $0x280, s6;
	[dreg:$0x14] =	wrdreg s21  }
0x1b: {  	s23 =	sadd.s32 $0x380, s6;
	[dreg:$0x15] =	wrdreg s22  }
0x1c: {  	s24 =	sadd.s32 $0x480, s6;
	[dreg:$0x16] =	wrdreg s23  }
0x1d: {  	s25 =	sadd.s32 $0x28080, s6;
	[dreg:$0x17] =	wrdreg s24  }
0x1e: {  	s26 =	sadd.s32 $0x28180, s6;
	[dreg:$0x18] =	wrdreg s25  }
0x1f: {  	s31 =	simm.s32 $0x1;
	s28 =	sadd.s32 $0x28280, s6;
	[dreg:$0x19] =	wrdreg s26  }
0x20: {  	s1 =	simm.s32 $0x4F00;
	s29 =	sadd.s32 $0x28380, s6;
	[dreg:$0x1a] =	wrdreg s28  }
0x21: {  	s2 =	simm.s32 $0x80;
	s30 =	sadd.s32 $0x28480, s6;
	[dreg:$0x1b] =	wrdreg s29  }
0x22: {  	s4 =	simm.s32 $0x100;
	s7 =	simm.s32 $0x5000;
	[dreg:$0x1c] =	wrdreg s30  }
0x23: {  	v0 =	vimm.f32 $0.0e+00;
	v1 =	vimm.f32 $1.000000000e+00;
	s0 =	simm.s32 $0x7700;
	s17 =	simm.s32 $0xC300;
	s18 =	simm.s32 $0x0  }
.LBB2_1:
0x24: {  	s3 =	simm.s32 $0x0;
	s8 =	rddreg [dreg:$0x4]  }
0x25: {  	[tilespmem:s3], [sflag:$0x1] =	stream.linear.gather [hbm4b:s8+s3], $0x2710, $0x38;
	[tilespmem:$0x11980] =	vst v63  }
0x26: {  	_ =	swait.ge [sflag:s31], $0x2710  }
0x27: {  	[sflag:s31] =	ssyncset.done $0x0  }
0x28: {  	s9 =	simm.s32 $0x2780;
	s29 =	rddreg [dreg:$0x5];
	[sflag:s31] =	ssyncadd.s32 $0xFFFFD8F0  }
0x29: {  	[tilespmem:s9], [sflag:$0x1] =	stream.linear.gather [hbm4b:s29+s3], $0x2710, $0x38;
	[tilespmem:$0x11980] =	vst v63  }
0x2a: {  	_ =	swait.ge [sflag:s31], $0x2710  }
0x2b: {  	[sflag:s31] =	ssyncset.done $0x0  }
0x2c: {  	s30 =	simm.s32 $0x4F20;
	[sflag:s31] =	ssyncadd.s32 $0xFFFFD8F0  }
0x2d: {  	s11 =	simm.s32 $0x7720;
	[tilespmem:s30+$0xFFFFFFE0] =	vst v0  }
0x2e: {  	[tilespmem:s11+$0xFFFFFFE0] =	vst v0  }
0x2f: {  	[tilespmem:s30+$0xFFFFFFF0] =	vst v0  }
0x30: {  	[tilespmem:s11+$0xFFFFFFF0] =	vst v0  }
0x31: {  	[tilespmem:s30+$0x0] =	vst v0  }
0x32: {  	[tilespmem:s11+$0x0] =	vst v0  }
0x33: {  	s12 =	simm.s32 $0x0;
	s13 =	simm.s32 $0x4F60;
	[tilespmem:s30+$0x10] =	vst v0  }
0x34: {  	s10 =	simm.s32 $0x27A0;
	s8 =	simm.s32 $0xFFFFFFFC;
	s9 =	simm.s32 $0x20;
	[tilespmem:s11+$0x10] =	vst v0  }
.LBB2_2:
0x35: {  	[tilespmem:s13+$0xFFFFFFE0] =	vst v0;
	s11 =	sadd.s32 $0x40, s11  }
0x36: {  	s12 =	sadd.s32 $0x4, s12;
	[tilespmem:s11+$0xFFFFFFE0] =	vst v0  }
0x37: {  	p0 =	slt.u32 s12, $0x27C;
	[tilespmem:s13+$0xFFFFFFF0] =	vst v0  }
.Ltmp0:
0x38: {  	[tilespmem:s11+$0xFFFFFFF0] =	vst v0;
	(pc) =	sbr.rel @p0 .LBB2_2-.Ltmp0, $4  }
0x39: {  	[tilespmem:s13+$0x0] =	vst v0  }
0x3a: {  	[tilespmem:s11+$0x0] =	vst v0  }
0x3b: {  	[tilespmem:s13+$0x10] =	vst v0  }
0x3c: {  	s13 =	sadd.s32 $0x40, s13;
	[tilespmem:s11+$0x10] =	vst v0  }
.LBB2_3:
0x3d: {  	v2 =	vld [tilespmem:s9+$0xFFFFFFE0];
	_ =	sdelay $0x7  }
0x3e: {  	[tilespmem:v2+s1+$0x0] =	vst.idx.add.f32.msk $0xffff, v1  }
0x3f: {  	v2 =	vld [tilespmem:s10+$0xFFFFFFE0];
	_ =	sdelay $0x7  }
0x40: {  	[tilespmem:v2+s0+$0x0] =	vst.idx.add.f32.msk $0xffff, v1  }
0x41: {  	v2 =	vld [tilespmem:s9+$0xFFFFFFF0];
	_ =	sdelay $0x7  }
0x42: {  	[tilespmem:v2+s1+$0x0] =	vst.idx.add.f32.msk $0xffff, v1  }
0x43: {  	v2 =	vld [tilespmem:s10+$0xFFFFFFF0];
	_ =	sdelay $0x7  }
0x44: {  	[tilespmem:v2+s0+$0x0] =	vst.idx.add.f32.msk $0xffff, v1  }
0x45: {  	v2 =	vld [tilespmem:s9+$0x0];
	_ =	sdelay $0x7  }
0x46: {  	[tilespmem:v2+s1+$0x0] =	vst.idx.add.f32.msk $0xffff, v1  }
0x47: {  	v2 =	vld [tilespmem:s10+$0x0];
	_ =	sdelay $0x7  }
0x48: {  	[tilespmem:v2+s0+$0x0] =	vst.idx.add.f32.msk $0xffff, v1  }
0x49: {  	v2 =	vld [tilespmem:s9+$0x10];
	_ =	sdelay $0x7  }
0x4a: {  	[tilespmem:v2+s1+$0x0] =	vst.idx.add.f32.msk $0xffff, v1  }
0x4b: {  	v2 =	vld [tilespmem:s10+$0x10];
	_ =	sdelay $0x1  }
0x4c: {  	s8 =	sadd.s32 $0x4, s8  }
0x4d: {  	p0 =	slt.u32 s8, $0x26C  }
.Ltmp1:
0x4e: {  	_ = 	snop;
	(pc) =	sbr.rel @p0 .LBB2_3-.Ltmp1, $2  }
0x4f: {  	_ =	sdelay $0x2  }
0x50: {  	s9 =	sadd.s32 $0x40, s9;
	s10 =	sadd.s32 $0x40, s10;
	[tilespmem:v2+s0+$0x0] =	vst.idx.add.f32.msk $0xffff, v1  }
0x51: {  	v2 =	vld [tilespmem:$0x2700];
	_ =	sdelay $0x7  }
0x52: {  	[tilespmem:v2+s1+$0x0] =	vst.idx.add.f32.msk $0xffff, v1  }
0x53: {  	v2 =	vld [tilespmem:$0x4E80];
	_ =	sdelay $0x7  }
0x54: {  	[tilespmem:v2+s0+$0x0] =	vst.idx.add.f32.msk $0xffff, v1  }
0x55: {  	[spmem:s5] =	stream.strided.scatter [tilespmem:s1], [sflag:$0x1], $0x2800, s4, s2, $0x38;
	[tilespmem:$0x11980] =	vst v63  }
0x56: {  	_ =	swait.ge [sflag:s31], $0x2800  }
0x57: {  	[sflag:s31] =	ssyncset.done $0x0  }
0x58: {  	s3 =	rddreg [dreg:$0x6];
	[sflag:s31] =	ssyncadd.s32 $0xFFFFD800  }
0x59: {  	[spmem:s3] =	stream.strided.scatter [tilespmem:s0], [sflag:$0x1], $0x2800, s4, s2, $0x38;
	[tilespmem:$0x11980] =	vst v63  }
0x5a: {  	_ =	swait.ge [sflag:s31], $0x2800  }
0x5b: {  	[sflag:s31] =	ssyncset.done $0x0  }
0x5c: {  	[sflag:s31] =	ssyncadd.s32 $0xFFFFD800  }
0x5d: {  	s20 =	simm.s32 $0x9F00;
	[bflag:$0x0] =	sbarrier.arrive $0xFFFF  }
0x5e: {  	[tilespmem:s20], [sflag:$0x1] =	stream.strided.gather [spmem:s6], $0x400, s7, s2, $0x38;
	[tilespmem:$0x11980] =	vst v63  }
0x5f: {  	s8 =	simm.s32 $0xA300;
	s21 =	rddreg [dreg:$0xb]  }
0x60: {  	[tilespmem:s8], [sflag:$0x1] =	stream.strided.gather [spmem:s21], $0x400, s7, s2, $0x38;
	[tilespmem:$0x11980] =	vst v63  }
0x61: {  	s23 =	simm.s32 $0xA700;
	s22 =	rddreg [dreg:$0xc]  }
0x62: {  	[tilespmem:s23], [sflag:$0x1] =	stream.strided.gather [spmem:s22], $0x400, s7, s2, $0x38;
	[tilespmem:$0x11980] =	vst v63  }
0x63: {  	s25 =	simm.s32 $0xAB00;
	s24 =	rddreg [dreg:$0xd]  }
0x64: {  	[tilespmem:s25], [sflag:$0x1] =	stream.strided.gather [spmem:s24], $0x400, s7, s2, $0x38;
	[tilespmem:$0x11980] =	vst v63  }
0x65: {  	s28 =	simm.s32 $0xAF00;
	s26 =	rddreg [dreg:$0xe]  }
0x66: {  	[tilespmem:s28], [sflag:$0x1] =	stream.strided.gather [spmem:s26], $0x400, s7, s2, $0x38;
	[tilespmem:$0x11980] =	vst v63  }
0x67: {  	s30 =	simm.s32 $0xB300;
	s29 =	rddreg [dreg:$0xf]  }
0x68: {  	[tilespmem:s30], [sflag:$0x1] =	stream.strided.gather [spmem:s29], $0x400, s7, s2, $0x38;
	[tilespmem:$0x11980] =	vst v63  }
0x69: {  	s10 =	simm.s32 $0xB700;
	s9 =	rddreg [dreg:$0x10]  }
0x6a: {  	[tilespmem:s10], [sflag:$0x1] =	stream.strided.gather [spmem:s9], $0x400, s7, s2, $0x38;
	[tilespmem:$0x11980] =	vst v63  }
0x6b: {  	s12 =	simm.s32 $0xBB00;
	s11 =	rddreg [dreg:$0x11]  }
0x6c: {  	[tilespmem:s12], [sflag:$0x1] =	stream.strided.gather [spmem:s11], $0x400, s7, s2, $0x38;
	[tilespmem:$0x11980] =	vst v63  }
0x6d: {  	s14 =	simm.s32 $0xBF00;
	s13 =	rddreg [dreg:$0x12]  }
0x6e: {  	[tilespmem:s14], [sflag:$0x1] =	stream.strided.gather [spmem:s13], $0x400, s7, s2, $0x38;
	[tilespmem:$0x11980] =	vst v63  }
0x6f: {  	s15 =	rddreg [dreg:$0x13];
	s9 =	simm.s32 $0x0  }
0x70: {  	[tilespmem:s17], [sflag:$0x1] =	stream.strided.gather [spmem:s15], $0x400, s7, s2, $0x38;
	[tilespmem:$0x11980] =	vst v63  }
0x71: {  	s16 =	sand.u32 $0x1C00, s9;
	_ =	swait.ge [sflag:s31], $0x2800  }
0x72: {  	s10 =	sand.u32 $0x60, s9;
	s11 =	sadd.s32 $0x9F00, s16;
	[sflag:s31] =	ssyncset.done $0x0  }
0x73: {  	s12 =	sor.u32 s10, s11;
	[sflag:s31] =	ssyncadd.s32 $0xFFFFD800  }
0x74: {  	v2 =	vld [tilespmem:s12+$0x0];
	_ =	sdelay $0x1  }
0x75: {  	v3 =	vld [tilespmem:s12+$0x80];
	_ =	sdelay $0x1  }
0x76: {  	v4 =	vld [tilespmem:s12+$0x100]  }
0x77: {  	v2 =	vadd.f32 $0.0e+00, v2  }
0x78: {  	v5 =	vld [tilespmem:s12+$0x180]  }
0x79: {  	v2 =	vadd.f32 v3, v2  }
0x7a: {  	v3 =	vld [tilespmem:s12+$0x200]  }
0x7b: {  	v2 =	vadd.f32 v4, v2  }
0x7c: {  	v46 =	vld [tilespmem:s12+$0x280]  }
0x7d: {  	v2 =	vadd.f32 v5, v2  }
0x7e: {  	v47 =	vld [tilespmem:s12+$0x300]  }
0x7f: {  	v2 =	vadd.f32 v3, v2  }
0x80: {  	s13 =	sadd.s32 $0xB300, s16;
	v3 =	vld [tilespmem:s12+$0x380]  }
0x81: {  	s24 =	sor.u32 s10, s13;
	v2 =	vadd.f32 v46, v2  }
0x82: {  	s19 =	sadd.s32 $0xB380, s16;
	v48 =	vld [tilespmem:s24+$0x0]  }
0x83: {  	s25 =	sor.u32 s10, s19;
	v2 =	vadd.f32 v47, v2  }
0x84: {  	s20 =	sadd.s32 $0xB400, s16;
	v49 =	vld [tilespmem:s25+$0x0]  }
0x85: {  	s26 =	sor.u32 s10, s20;
	v2 =	vadd.f32 v3, v2  }
0x86: {  	s21 =	sadd.s32 $0xB480, s16;
	v3 =	vld [tilespmem:s26+$0x0]  }
0x87: {  	s28 =	sor.u32 s10, s21;
	v2 =	vadd.f32 v48, v2  }
0x88: {  	s22 =	sadd.s32 $0xB500, s16;
	v50 =	vld [tilespmem:s28+$0x0]  }
0x89: {  	s29 =	sor.u32 s10, s22;
	v2 =	vadd.f32 v49, v2  }
0x8a: {  	s23 =	sadd.s32 $0xB580, s16;
	v51 =	vld [tilespmem:s29+$0x0]  }
0x8b: {  	s30 =	sor.u32 s10, s23;
	v2 =	vadd.f32 v3, v2  }
0x8c: {  	s24 =	sadd.s32 $0xB600, s16;
	v3 =	vld [tilespmem:s30+$0x0]  }
0x8d: {  	s3 =	sor.u32 s10, s24;
	v2 =	vadd.f32 v50, v2  }
0x8e: {  	s8 =	sadd.s32 $0xB680, s16;
	v52 =	vld [tilespmem:s3+$0x0]  }
0x8f: {  	s14 =	sor.u32 s10, s8;
	v2 =	vadd.f32 v51, v2  }
0x90: {  	v53 =	vld [tilespmem:s14+$0x0]  }
0x91: {  	v2 =	vadd.f32 v3, v2;
	_ =	sdelay $0x1  }
0x92: {  	v2 =	vadd.f32 v52, v2;
	_ =	sdelay $0x1  }
0x93: {  	v2 =	vadd.f32 v53, v2  }
0x94: {  	s15 =	simm.s32 $0xC700;
	s10 =	sor.u32 $0x10, s10  }
0x95: {  	s11 =	sor.u32 s10, s11;
	[tilespmem:s15+$0x0] =	vst v2  }
0x96: {  	v2 =	vld [tilespmem:s11+$0x0];
	_ =	sdelay $0x1  }
0x97: {  	v3 =	vld [tilespmem:s11+$0x80];
	_ =	sdelay $0x1  }
0x98: {  	v54 =	vld [tilespmem:s11+$0x100]  }
0x99: {  	v2 =	vadd.f32 $0.0e+00, v2  }
0x9a: {  	v55 =	vld [tilespmem:s11+$0x180]  }
0x9b: {  	v2 =	vadd.f32 v3, v2  }
0x9c: {  	v3 =	vld [tilespmem:s11+$0x200]  }
0x9d: {  	v2 =	vadd.f32 v54, v2  }
0x9e: {  	v56 =	vld [tilespmem:s11+$0x280]  }
0x9f: {  	v2 =	vadd.f32 v55, v2  }
0xa0: {  	v57 =	vld [tilespmem:s11+$0x300]  }
0xa1: {  	v2 =	vadd.f32 v3, v2  }
0xa2: {  	v3 =	vld [tilespmem:s11+$0x380]  }
0xa3: {  	s16 =	sor.u32 s10, s13;
	v2 =	vadd.f32 v56, v2  }
0xa4: {  	v58 =	vld [tilespmem:s16+$0x0]  }
0xa5: {  	s19 =	sor.u32 s10, s19;
	v2 =	vadd.f32 v57, v2  }
0xa6: {  	v59 =	vld [tilespmem:s19+$0x0]  }
0xa7: {  	s20 =	sor.u32 s10, s20;
	v2 =	vadd.f32 v3, v2  }
0xa8: {  	v3 =	vld [tilespmem:s20+$0x0]  }
0xa9: {  	s25 =	sor.u32 s10, s21;
	v2 =	vadd.f32 v58, v2  }
0xaa: {  	v60 =	vld [tilespmem:s25+$0x0]  }
0xab: {  	s26 =	sor.u32 s10, s22;
	v2 =	vadd.f32 v59, v2  }
0xac: {  	v61 =	vld [tilespmem:s26+$0x0]  }
0xad: {  	s28 =	sor.u32 s10, s23;
	v2 =	vadd.f32 v3, v2  }
0xae: {  	v3 =	vld [tilespmem:s28+$0x0]  }
0xaf: {  	s29 =	sor.u32 s10, s24;
	v2 =	vadd.f32 v60, v2  }
0xb0: {  	v62 =	vld [tilespmem:s29+$0x0]  }
0xb1: {  	s8 =	sor.u32 s10, s8;
	v2 =	vadd.f32 v61, v2  }
0xb2: {  	v63 =	vld [tilespmem:s8+$0x0]  }
0xb3: {  	v2 =	vadd.f32 v3, v2;
	_ =	sdelay $0x1  }
0xb4: {  	s23 =	simm.s32 $0x100;
	s30 =	sand.u32 $0x380, s9;
	v2 =	vadd.f32 v62, v2  }
0xb5: {  	s10 =	sor.u32 s10, s30;
	s19 =	simm.s32 $0x20;
	s25 =	sand.u32 $0x1C00, s23  }
0xb6: {  	s8 =	simm.s32 $0x2;
	s9 =	sand.u32 $0x60, s19;
	s24 =	sadd.s32 $0x9F00, s25;
	v2 =	vadd.f32 v63, v2  }
0xb7: {  	s22 =	sadd.s32 $0xB300, s25;
	s21 =	sadd.s32 $0xB380, s25;
	s20 =	simm.s32 $0xC720  }
.LBB2_5:
0xb8: {  	s13 =	sor.u32 s9, s24;
	s28 =	sadd.s32 $0xB400, s25;
	s26 =	sadd.s32 $0xB480, s25;
	[tilespmem:s10+$0xC700] =	vst v2  }
0xb9: {  	s12 =	sadd.s32 $0xB500, s25;
	v2 =	vld [tilespmem:s13+$0x0];
	s29 =	sor.u32 s9, s28;
	s14 =	sor.u32 s9, s26  }
0xba: {  	s11 =	sadd.s32 $0xB580, s25;
	s10 =	sadd.s32 $0xB600, s25;
	s30 =	sor.u32 s9, s12  }
0xbb: {  	s25 =	sadd.s32 $0xB680, s25;
	s15 =	sor.u32 s9, s11;
	s3 =	sor.u32 s9, s10;
	v3 =	vld [tilespmem:s13+$0x80]  }
0xbc: {  	s8 =	sadd.s32 $0x2, s8;
	s16 =	sor.u32 s9, s25  }
0xbd: {  	p0 =	slt.u32 s8, $0x26;
	v4 =	vld [tilespmem:s13+$0x100]  }
0xbe: {  	v2 =	vadd.f32 $0.0e+00, v2  }
0xbf: {  	v5 =	vld [tilespmem:s13+$0x180]  }
0xc0: {  	v2 =	vadd.f32 v3, v2  }
0xc1: {  	v3 =	vld [tilespmem:s13+$0x200]  }
0xc2: {  	v2 =	vadd.f32 v4, v2  }
0xc3: {  	v4 =	vld [tilespmem:s13+$0x280]  }
0xc4: {  	v2 =	vadd.f32 v5, v2  }
0xc5: {  	v5 =	vld [tilespmem:s13+$0x300]  }
0xc6: {  	v2 =	vadd.f32 v3, v2  }
0xc7: {  	v3 =	vld [tilespmem:s13+$0x380]  }
0xc8: {  	s13 =	sor.u32 s9, s22;
	v2 =	vadd.f32 v4, v2  }
0xc9: {  	v4 =	vld [tilespmem:s13+$0x0]  }
0xca: {  	s13 =	sor.u32 s9, s21;
	v2 =	vadd.f32 v5, v2  }
0xcb: {  	v5 =	vld [tilespmem:s13+$0x0]  }
0xcc: {  	v2 =	vadd.f32 v3, v2  }
0xcd: {  	v3 =	vld [tilespmem:s29+$0x0]  }
0xce: {  	v2 =	vadd.f32 v4, v2  }
0xcf: {  	v4 =	vld [tilespmem:s14+$0x0]  }
0xd0: {  	v2 =	vadd.f32 v5, v2  }
0xd1: {  	v5 =	vld [tilespmem:s30+$0x0]  }
0xd2: {  	v2 =	vadd.f32 v3, v2  }
0xd3: {  	v3 =	vld [tilespmem:s15+$0x0]  }
0xd4: {  	v2 =	vadd.f32 v4, v2  }
0xd5: {  	v4 =	vld [tilespmem:s3+$0x0]  }
0xd6: {  	v2 =	vadd.f32 v5, v2  }
0xd7: {  	v5 =	vld [tilespmem:s16+$0x0]  }
0xd8: {  	v2 =	vadd.f32 v3, v2;
	_ =	sdelay $0x1  }
0xd9: {  	v2 =	vadd.f32 v4, v2;
	_ =	sdelay $0x1  }
0xda: {  	v2 =	vadd.f32 v5, v2  }
0xdb: {  	s13 =	sor.u32 $0x10, s9  }
0xdc: {  	s3 =	sor.u32 s13, s24;
	[tilespmem:s20+$0x0] =	vst v2  }
0xdd: {  	v2 =	vld [tilespmem:s3+$0x0];
	_ =	sdelay $0x1  }
0xde: {  	v3 =	vld [tilespmem:s3+$0x80];
	_ =	sdelay $0x1  }
0xdf: {  	v4 =	vld [tilespmem:s3+$0x100]  }
0xe0: {  	v2 =	vadd.f32 $0.0e+00, v2  }
0xe1: {  	v5 =	vld [tilespmem:s3+$0x180]  }
0xe2: {  	v2 =	vadd.f32 v3, v2  }
0xe3: {  	v3 =	vld [tilespmem:s3+$0x200]  }
0xe4: {  	v2 =	vadd.f32 v4, v2  }
0xe5: {  	v4 =	vld [tilespmem:s3+$0x280]  }
0xe6: {  	v2 =	vadd.f32 v5, v2  }
0xe7: {  	v5 =	vld [tilespmem:s3+$0x300]  }
0xe8: {  	v2 =	vadd.f32 v3, v2  }
0xe9: {  	v3 =	vld [tilespmem:s3+$0x380]  }
0xea: {  	s3 =	sor.u32 s13, s22;
	v2 =	vadd.f32 v4, v2  }
0xeb: {  	v4 =	vld [tilespmem:s3+$0x0]  }
0xec: {  	s3 =	sor.u32 s13, s21;
	v2 =	vadd.f32 v5, v2  }
0xed: {  	v5 =	vld [tilespmem:s3+$0x0]  }
0xee: {  	s3 =	sor.u32 s13, s28;
	v2 =	vadd.f32 v3, v2  }
0xef: {  	v3 =	vld [tilespmem:s3+$0x0]  }
0xf0: {  	s3 =	sor.u32 s13, s26;
	v2 =	vadd.f32 v4, v2  }
0xf1: {  	v4 =	vld [tilespmem:s3+$0x0]  }
0xf2: {  	s3 =	sor.u32 s13, s12;
	v2 =	vadd.f32 v5, v2  }
0xf3: {  	v5 =	vld [tilespmem:s3+$0x0]  }
0xf4: {  	s3 =	sor.u32 s13, s11;
	v2 =	vadd.f32 v3, v2  }
0xf5: {  	v3 =	vld [tilespmem:s3+$0x0]  }
0xf6: {  	s3 =	sor.u32 s13, s10;
	v2 =	vadd.f32 v4, v2  }
0xf7: {  	v4 =	vld [tilespmem:s3+$0x0]  }
0xf8: {  	s3 =	sor.u32 s13, s25;
	v2 =	vadd.f32 v5, v2  }
0xf9: {  	v5 =	vld [tilespmem:s3+$0x0]  }
0xfa: {  	v2 =	vadd.f32 v3, v2  }
.Ltmp2:
0xfb: {  	(pc) =	sbr.rel @p0 .LBB2_5-.Ltmp2, $4  }
0xfc: {  	s20 =	sadd.s32 $0x20, s20;
	v2 =	vadd.f32 v4, v2  }
0xfd: {  	s23 =	sadd.s32 $0x100, s23;
	s3 =	sand.u32 $0x380, s19;
	s19 =	sadd.s32 $0x20, s19  }
0xfe: {  	s25 =	sand.u32 $0x1C00, s23;
	s9 =	sand.u32 $0x60, s19;
	s10 =	sor.u32 s13, s3;
	v2 =	vadd.f32 v5, v2  }
0xff: {  	s24 =	sadd.s32 $0x9F00, s25;
	s22 =	sadd.s32 $0xB300, s25;
	s21 =	sadd.s32 $0xB380, s25  }
0x100: {  	s3 =	sor.u32 s9, s24;
	[tilespmem:s10+$0xC700] =	vst v2  }
0x101: {  	v2 =	vld [tilespmem:s3+$0x0];
	_ =	sdelay $0x1  }
0x102: {  	v3 =	vld [tilespmem:s3+$0x80];
	_ =	sdelay $0x1  }
0x103: {  	v4 =	vld [tilespmem:s3+$0x100]  }
0x104: {  	v2 =	vadd.f32 $0.0e+00, v2  }
0x105: {  	v5 =	vld [tilespmem:s3+$0x180]  }
0x106: {  	v2 =	vadd.f32 v3, v2  }
0x107: {  	v3 =	vld [tilespmem:s3+$0x200]  }
0x108: {  	v2 =	vadd.f32 v4, v2  }
0x109: {  	v26 =	vld [tilespmem:s3+$0x280]  }
0x10a: {  	v2 =	vadd.f32 v5, v2  }
0x10b: {  	v27 =	vld [tilespmem:s3+$0x300]  }
0x10c: {  	v2 =	vadd.f32 v3, v2  }
0x10d: {  	v3 =	vld [tilespmem:s3+$0x380]  }
0x10e: {  	s14 =	sor.u32 s9, s22;
	v2 =	vadd.f32 v26, v2  }
0x10f: {  	v28 =	vld [tilespmem:s14+$0x0]  }
0x110: {  	s15 =	sor.u32 s9, s21;
	v2 =	vadd.f32 v27, v2  }
0x111: {  	s8 =	sadd.s32 $0xB400, s25;
	v29 =	vld [tilespmem:s15+$0x0]  }
0x112: {  	s16 =	sor.u32 s9, s8;
	v2 =	vadd.f32 v3, v2  }
0x113: {  	s10 =	sadd.s32 $0xB480, s25;
	v3 =	vld [tilespmem:s16+$0x0]  }
0x114: {  	s23 =	sor.u32 s9, s10;
	v2 =	vadd.f32 v28, v2  }
0x115: {  	s11 =	sadd.s32 $0xB500, s25;
	v30 =	vld [tilespmem:s23+$0x0]  }
0x116: {  	s26 =	sor.u32 s9, s11;
	v2 =	vadd.f32 v29, v2  }
0x117: {  	s12 =	sadd.s32 $0xB580, s25;
	v31 =	vld [tilespmem:s26+$0x0]  }
0x118: {  	s28 =	sor.u32 s9, s12;
	v2 =	vadd.f32 v3, v2  }
0x119: {  	s13 =	sadd.s32 $0xB600, s25;
	v3 =	vld [tilespmem:s28+$0x0]  }
0x11a: {  	s29 =	sor.u32 s9, s13;
	v2 =	vadd.f32 v30, v2  }
0x11b: {  	s14 =	sadd.s32 $0xB680, s25;
	v32 =	vld [tilespmem:s29+$0x0]  }
0x11c: {  	s30 =	sor.u32 s9, s14;
	v2 =	vadd.f32 v31, v2  }
0x11d: {  	v33 =	vld [tilespmem:s30+$0x0]  }
0x11e: {  	v2 =	vadd.f32 v3, v2;
	_ =	sdelay $0x1  }
0x11f: {  	v2 =	vadd.f32 v32, v2;
	_ =	sdelay $0x1  }
0x120: {  	v2 =	vadd.f32 v33, v2  }
0x121: {  	s15 =	sor.u32 $0x10, s9  }
0x122: {  	s9 =	sor.u32 s15, s24;
	[tilespmem:s20+$0x0] =	vst v2  }
0x123: {  	v2 =	vld [tilespmem:s9+$0x0];
	_ =	sdelay $0x1  }
0x124: {  	v3 =	vld [tilespmem:s9+$0x80];
	_ =	sdelay $0x1  }
0x125: {  	v34 =	vld [tilespmem:s9+$0x100]  }
0x126: {  	v2 =	vadd.f32 $0.0e+00, v2  }
0x127: {  	v35 =	vld [tilespmem:s9+$0x180]  }
0x128: {  	v2 =	vadd.f32 v3, v2  }
0x129: {  	v3 =	vld [tilespmem:s9+$0x200]  }
0x12a: {  	v2 =	vadd.f32 v34, v2  }
0x12b: {  	v36 =	vld [tilespmem:s9+$0x280]  }
0x12c: {  	v2 =	vadd.f32 v35, v2  }
0x12d: {  	v37 =	vld [tilespmem:s9+$0x300]  }
0x12e: {  	v2 =	vadd.f32 v3, v2  }
0x12f: {  	v3 =	vld [tilespmem:s9+$0x380]  }
0x130: {  	s16 =	sor.u32 s15, s22;
	v2 =	vadd.f32 v36, v2  }
0x131: {  	v38 =	vld [tilespmem:s16+$0x0]  }
0x132: {  	s20 =	sor.u32 s15, s21;
	v2 =	vadd.f32 v37, v2  }
0x133: {  	v39 =	vld [tilespmem:s20+$0x0]  }
0x134: {  	s8 =	sor.u32 s15, s8;
	v2 =	vadd.f32 v3, v2  }
0x135: {  	v3 =	vld [tilespmem:s8+$0x0]  }
0x136: {  	s21 =	sor.u32 s15, s10;
	v2 =	vadd.f32 v38, v2  }
0x137: {  	v40 =	vld [tilespmem:s21+$0x0]  }
0x138: {  	s22 =	sor.u32 s15, s11;
	v2 =	vadd.f32 v39, v2  }
0x139: {  	v41 =	vld [tilespmem:s22+$0x0]  }
0x13a: {  	s23 =	sor.u32 s15, s12;
	v2 =	vadd.f32 v3, v2  }
0x13b: {  	v3 =	vld [tilespmem:s23+$0x0]  }
0x13c: {  	s24 =	sor.u32 s15, s13;
	v2 =	vadd.f32 v40, v2  }
0x13d: {  	v42 =	vld [tilespmem:s24+$0x0]  }
0x13e: {  	s25 =	sor.u32 s15, s14;
	v2 =	vadd.f32 v41, v2  }
0x13f: {  	v43 =	vld [tilespmem:s25+$0x0]  }
0x140: {  	v2 =	vadd.f32 v3, v2;
	_ =	sdelay $0x1  }
0x141: {  	v2 =	vadd.f32 v42, v2;
	_ =	sdelay $0x1  }
0x142: {  	s26 =	sand.u32 $0x380, s19;
	v2 =	vadd.f32 v43, v2  }
0x143: {  	s3 =	sor.u32 s15, s26  }
0x144: {  	s28 =	rddreg [dreg:$0x7];
	s8 =	simm.s32 $0xC700;
	[tilespmem:s3+$0xC700] =	vst v2  }
0x145: {  	[hbm4b:s28+s2] =	stream.strided.scatter [tilespmem:s8], [sflag:$0x1], $0x280, s4, s2, $0x38;
	[tilespmem:$0x11980] =	vst v63  }
0x146: {  	_ =	swait.ge [sflag:s31], $0x280  }
0x147: {  	[sflag:s31] =	ssyncset.done $0x0  }
0x148: {  	s30 =	simm.s32 $0x9F00;
	s29 =	rddreg [dreg:$0x8];
	[sflag:s31] =	ssyncadd.s32 $0xFFFFFD80  }
0x149: {  	[tilespmem:s30], [sflag:$0x1] =	stream.strided.gather [spmem:s29], $0x400, s7, s2, $0x38;
	[tilespmem:$0x11980] =	vst v63  }
0x14a: {  	s11 =	simm.s32 $0xA300;
	s10 =	rddreg [dreg:$0x14]  }
0x14b: {  	[tilespmem:s11], [sflag:$0x1] =	stream.strided.gather [spmem:s10], $0x400, s7, s2, $0x38;
	[tilespmem:$0x11980] =	vst v63  }
0x14c: {  	s13 =	simm.s32 $0xA700;
	s12 =	rddreg [dreg:$0x15]  }
0x14d: {  	[tilespmem:s13], [sflag:$0x1] =	stream.strided.gather [spmem:s12], $0x400, s7, s2, $0x38;
	[tilespmem:$0x11980] =	vst v63  }
0x14e: {  	s15 =	simm.s32 $0xAB00;
	s14 =	rddreg [dreg:$0x16]  }
0x14f: {  	[tilespmem:s15], [sflag:$0x1] =	stream.strided.gather [spmem:s14], $0x400, s7, s2, $0x38;
	[tilespmem:$0x11980] =	vst v63  }
0x150: {  	s19 =	simm.s32 $0xAF00;
	s16 =	rddreg [dreg:$0x17]  }
0x151: {  	[tilespmem:s19], [sflag:$0x1] =	stream.strided.gather [spmem:s16], $0x400, s7, s2, $0x38;
	[tilespmem:$0x11980] =	vst v63  }
0x152: {  	s21 =	simm.s32 $0xB300;
	s20 =	rddreg [dreg:$0x18]  }
0x153: {  	[tilespmem:s21], [sflag:$0x1] =	stream.strided.gather [spmem:s20], $0x400, s7, s2, $0x38;
	[tilespmem:$0x11980] =	vst v63  }
0x154: {  	s23 =	simm.s32 $0xB700;
	s22 =	rddreg [dreg:$0x19]  }
0x155: {  	[tilespmem:s23], [sflag:$0x1] =	stream.strided.gather [spmem:s22], $0x400, s7, s2, $0x38;
	[tilespmem:$0x11980] =	vst v63  }
0x156: {  	s25 =	simm.s32 $0xBB00;
	s24 =	rddreg [dreg:$0x1a]  }
0x157: {  	[tilespmem:s25], [sflag:$0x1] =	stream.strided.gather [spmem:s24], $0x400, s7, s2, $0x38;
	[tilespmem:$0x11980] =	vst v63  }
0x158: {  	s28 =	simm.s32 $0xBF00;
	s26 =	rddreg [dreg:$0x1b]  }
0x159: {  	[tilespmem:s28], [sflag:$0x1] =	stream.strided.gather [spmem:s26], $0x400, s7, s2, $0x38;
	[tilespmem:$0x11980] =	vst v63  }
0x15a: {  	s9 =	simm.s32 $0x0;
	s29 =	rddreg [dreg:$0x1c]  }
0x15b: {  	[tilespmem:s17], [sflag:$0x1] =	stream.strided.gather [spmem:s29], $0x400, s7, s2, $0x38;
	[tilespmem:$0x11980] =	vst v63  }
0x15c: {  	s30 =	sand.u32 $0x1C00, s9;
	_ =	swait.ge [sflag:s31], $0x2800  }
0x15d: {  	s10 =	sand.u32 $0x60, s9;
	s11 =	sadd.s32 $0x9F00, s30;
	[sflag:s31] =	ssyncset.done $0x0  }
0x15e: {  	s21 =	sor.u32 s10, s11;
	[sflag:s31] =	ssyncadd.s32 $0xFFFFD800  }
0x15f: {  	v2 =	vld [tilespmem:s21+$0x0];
	_ =	sdelay $0x1  }
0x160: {  	v3 =	vld [tilespmem:s21+$0x80];
	_ =	sdelay $0x1  }
0x161: {  	v44 =	vld [tilespmem:s21+$0x100]  }
0x162: {  	v2 =	vadd.f32 $0.0e+00, v2  }
0x163: {  	v45 =	vld [tilespmem:s21+$0x180]  }
0x164: {  	v2 =	vadd.f32 v3, v2  }
0x165: {  	v3 =	vld [tilespmem:s21+$0x200]  }
0x166: {  	v2 =	vadd.f32 v44, v2  }
0x167: {  	v46 =	vld [tilespmem:s21+$0x280]  }
0x168: {  	v2 =	vadd.f32 v45, v2  }
0x169: {  	v47 =	vld [tilespmem:s21+$0x300]  }
0x16a: {  	v2 =	vadd.f32 v3, v2  }
0x16b: {  	s13 =	sadd.s32 $0xB300, s30;
	v3 =	vld [tilespmem:s21+$0x380]  }
0x16c: {  	s22 =	sor.u32 s10, s13;
	v2 =	vadd.f32 v46, v2  }
0x16d: {  	s14 =	sadd.s32 $0xB380, s30;
	v48 =	vld [tilespmem:s22+$0x0]  }
0x16e: {  	s23 =	sor.u32 s10, s14;
	v2 =	vadd.f32 v47, v2  }
0x16f: {  	s15 =	sadd.s32 $0xB400, s30;
	v49 =	vld [tilespmem:s23+$0x0]  }
0x170: {  	s24 =	sor.u32 s10, s15;
	v2 =	vadd.f32 v3, v2  }
0x171: {  	s16 =	sadd.s32 $0xB480, s30;
	v3 =	vld [tilespmem:s24+$0x0]  }
0x172: {  	s25 =	sor.u32 s10, s16;
	v2 =	vadd.f32 v48, v2  }
0x173: {  	s19 =	sadd.s32 $0xB500, s30;
	v50 =	vld [tilespmem:s25+$0x0]  }
0x174: {  	s26 =	sor.u32 s10, s19;
	v2 =	vadd.f32 v49, v2  }
0x175: {  	s20 =	sadd.s32 $0xB580, s30;
	v51 =	vld [tilespmem:s26+$0x0]  }
0x176: {  	s28 =	sor.u32 s10, s20;
	v2 =	vadd.f32 v3, v2  }
0x177: {  	s21 =	sadd.s32 $0xB600, s30;
	v3 =	vld [tilespmem:s28+$0x0]  }
0x178: {  	s29 =	sor.u32 s10, s21;
	v2 =	vadd.f32 v50, v2  }
0x179: {  	s3 =	sadd.s32 $0xB680, s30;
	v52 =	vld [tilespmem:s29+$0x0]  }
0x17a: {  	s30 =	sor.u32 s10, s3;
	v2 =	vadd.f32 v51, v2  }
0x17b: {  	v53 =	vld [tilespmem:s30+$0x0]  }
0x17c: {  	v2 =	vadd.f32 v3, v2;
	_ =	sdelay $0x1  }
0x17d: {  	v2 =	vadd.f32 v52, v2;
	_ =	sdelay $0x1  }
0x17e: {  	v2 =	vadd.f32 v53, v2  }
0x17f: {  	s10 =	sor.u32 $0x10, s10  }
0x180: {  	s12 =	sor.u32 s10, s11;
	[tilespmem:s8+$0x0] =	vst v2  }
0x181: {  	v2 =	vld [tilespmem:s12+$0x0];
	_ =	sdelay $0x1  }
0x182: {  	v3 =	vld [tilespmem:s12+$0x80];
	_ =	sdelay $0x1  }
0x183: {  	v54 =	vld [tilespmem:s12+$0x100]  }
0x184: {  	v2 =	vadd.f32 $0.0e+00, v2  }
0x185: {  	v55 =	vld [tilespmem:s12+$0x180]  }
0x186: {  	v2 =	vadd.f32 v3, v2  }
0x187: {  	v3 =	vld [tilespmem:s12+$0x200]  }
0x188: {  	v2 =	vadd.f32 v54, v2  }
0x189: {  	v56 =	vld [tilespmem:s12+$0x280]  }
0x18a: {  	v2 =	vadd.f32 v55, v2  }
0x18b: {  	v57 =	vld [tilespmem:s12+$0x300]  }
0x18c: {  	v2 =	vadd.f32 v3, v2  }
0x18d: {  	v3 =	vld [tilespmem:s12+$0x380]  }
0x18e: {  	s22 =	sor.u32 s10, s13;
	v2 =	vadd.f32 v56, v2  }
0x18f: {  	v58 =	vld [tilespmem:s22+$0x0]  }
0x190: {  	s23 =	sor.u32 s10, s14;
	v2 =	vadd.f32 v57, v2  }
0x191: {  	v59 =	vld [tilespmem:s23+$0x0]  }
0x192: {  	s24 =	sor.u32 s10, s15;
	v2 =	vadd.f32 v3, v2  }
0x193: {  	v3 =	vld [tilespmem:s24+$0x0]  }
0x194: {  	s25 =	sor.u32 s10, s16;
	v2 =	vadd.f32 v58, v2  }
0x195: {  	v60 =	vld [tilespmem:s25+$0x0]  }
0x196: {  	s26 =	sor.u32 s10, s19;
	v2 =	vadd.f32 v59, v2  }
0x197: {  	v61 =	vld [tilespmem:s26+$0x0]  }
0x198: {  	s28 =	sor.u32 s10, s20;
	v2 =	vadd.f32 v3, v2  }
0x199: {  	v3 =	vld [tilespmem:s28+$0x0]  }
0x19a: {  	s29 =	sor.u32 s10, s21;
	v2 =	vadd.f32 v60, v2  }
0x19b: {  	v62 =	vld [tilespmem:s29+$0x0]  }
0x19c: {  	s3 =	sor.u32 s10, s3;
	v2 =	vadd.f32 v61, v2  }
0x19d: {  	v63 =	vld [tilespmem:s3+$0x0]  }
0x19e: {  	v2 =	vadd.f32 v3, v2;
	_ =	sdelay $0x1  }
0x19f: {  	s30 =	sand.u32 $0x380, s9;
	s19 =	simm.s32 $0x20;
	v2 =	vadd.f32 v62, v2  }
0x1a0: {  	s9 =	sand.u32 $0x60, s19;
	s20 =	simm.s32 $0xC720;
	s23 =	simm.s32 $0x100  }
0x1a1: {  	s10 =	sor.u32 s10, s30;
	s8 =	simm.s32 $0x2;
	s25 =	sand.u32 $0x1C00, s23;
	v2 =	vadd.f32 v63, v2  }
0x1a2: {  	s22 =	sadd.s32 $0xB300, s25;
	s21 =	sadd.s32 $0xB380, s25;
	s24 =	sadd.s32 $0x9F00, s25  }
.LBB2_7:
0x1a3: {  	s3 =	sor.u32 s9, s24;
	s28 =	sadd.s32 $0xB400, s25;
	s26 =	sadd.s32 $0xB480, s25;
	[tilespmem:s10+$0xC700] =	vst v2  }
0x1a4: {  	s12 =	sadd.s32 $0xB500, s25;
	v2 =	vld [tilespmem:s3+$0x0];
	s13 =	sor.u32 s9, s28;
	s14 =	sor.u32 s9, s26  }
0x1a5: {  	s11 =	sadd.s32 $0xB580, s25;
	s10 =	sadd.s32 $0xB600, s25;
	s15 =	sor.u32 s9, s12  }
0x1a6: {  	s25 =	sadd.s32 $0xB680, s25;
	s16 =	sor.u32 s9, s11;
	s29 =	sor.u32 s9, s10;
	v3 =	vld [tilespmem:s3+$0x80]  }
0x1a7: {  	s8 =	sadd.s32 $0x2, s8;
	s30 =	sor.u32 s9, s25  }
0x1a8: {  	p0 =	slt.u32 s8, $0x26;
	v4 =	vld [tilespmem:s3+$0x100]  }
0x1a9: {  	v2 =	vadd.f32 $0.0e+00, v2  }
0x1aa: {  	v5 =	vld [tilespmem:s3+$0x180]  }
0x1ab: {  	v2 =	vadd.f32 v3, v2  }
0x1ac: {  	v3 =	vld [tilespmem:s3+$0x200]  }
0x1ad: {  	v2 =	vadd.f32 v4, v2  }
0x1ae: {  	v4 =	vld [tilespmem:s3+$0x280]  }
0x1af: {  	v2 =	vadd.f32 v5, v2  }
0x1b0: {  	v5 =	vld [tilespmem:s3+$0x300]  }
0x1b1: {  	v2 =	vadd.f32 v3, v2  }
0x1b2: {  	v3 =	vld [tilespmem:s3+$0x380]  }
0x1b3: {  	s3 =	sor.u32 s9, s22;
	v2 =	vadd.f32 v4, v2  }
0x1b4: {  	v4 =	vld [tilespmem:s3+$0x0]  }
0x1b5: {  	s3 =	sor.u32 s9, s21;
	v2 =	vadd.f32 v5, v2  }
0x1b6: {  	v5 =	vld [tilespmem:s3+$0x0]  }
0x1b7: {  	v2 =	vadd.f32 v3, v2  }
0x1b8: {  	v3 =	vld [tilespmem:s13+$0x0]  }
0x1b9: {  	v2 =	vadd.f32 v4, v2  }
0x1ba: {  	v4 =	vld [tilespmem:s14+$0x0]  }
0x1bb: {  	v2 =	vadd.f32 v5, v2  }
0x1bc: {  	v5 =	vld [tilespmem:s15+$0x0]  }
0x1bd: {  	v2 =	vadd.f32 v3, v2  }
0x1be: {  	v3 =	vld [tilespmem:s16+$0x0]  }
0x1bf: {  	v2 =	vadd.f32 v4, v2  }
0x1c0: {  	v4 =	vld [tilespmem:s29+$0x0]  }
0x1c1: {  	v2 =	vadd.f32 v5, v2  }
0x1c2: {  	v5 =	vld [tilespmem:s30+$0x0]  }
0x1c3: {  	v2 =	vadd.f32 v3, v2;
	_ =	sdelay $0x1  }
0x1c4: {  	v2 =	vadd.f32 v4, v2;
	_ =	sdelay $0x1  }
0x1c5: {  	v2 =	vadd.f32 v5, v2  }
0x1c6: {  	s13 =	sor.u32 $0x10, s9  }
0x1c7: {  	s3 =	sor.u32 s13, s24;
	[tilespmem:s20+$0x0] =	vst v2  }
0x1c8: {  	v2 =	vld [tilespmem:s3+$0x0];
	_ =	sdelay $0x1  }
0x1c9: {  	v3 =	vld [tilespmem:s3+$0x80];
	_ =	sdelay $0x1  }
0x1ca: {  	v4 =	vld [tilespmem:s3+$0x100]  }
0x1cb: {  	v2 =	vadd.f32 $0.0e+00, v2  }
0x1cc: {  	v5 =	vld [tilespmem:s3+$0x180]  }
0x1cd: {  	v2 =	vadd.f32 v3, v2  }
0x1ce: {  	v3 =	vld [tilespmem:s3+$0x200]  }
0x1cf: {  	v2 =	vadd.f32 v4, v2  }
0x1d0: {  	v4 =	vld [tilespmem:s3+$0x280]  }
0x1d1: {  	v2 =	vadd.f32 v5, v2  }
0x1d2: {  	v5 =	vld [tilespmem:s3+$0x300]  }
0x1d3: {  	v2 =	vadd.f32 v3, v2  }
0x1d4: {  	v3 =	vld [tilespmem:s3+$0x380]  }
0x1d5: {  	s3 =	sor.u32 s13, s22;
	v2 =	vadd.f32 v4, v2  }
0x1d6: {  	v4 =	vld [tilespmem:s3+$0x0]  }
0x1d7: {  	s3 =	sor.u32 s13, s21;
	v2 =	vadd.f32 v5, v2  }
0x1d8: {  	v5 =	vld [tilespmem:s3+$0x0]  }
0x1d9: {  	s3 =	sor.u32 s13, s28;
	v2 =	vadd.f32 v3, v2  }
0x1da: {  	v3 =	vld [tilespmem:s3+$0x0]  }
0x1db: {  	s3 =	sor.u32 s13, s26;
	v2 =	vadd.f32 v4, v2  }
0x1dc: {  	v4 =	vld [tilespmem:s3+$0x0]  }
0x1dd: {  	s3 =	sor.u32 s13, s12;
	v2 =	vadd.f32 v5, v2  }
0x1de: {  	v5 =	vld [tilespmem:s3+$0x0]  }
0x1df: {  	s3 =	sor.u32 s13, s11;
	v2 =	vadd.f32 v3, v2  }
0x1e0: {  	v3 =	vld [tilespmem:s3+$0x0]  }
0x1e1: {  	s3 =	sor.u32 s13, s10;
	v2 =	vadd.f32 v4, v2  }
0x1e2: {  	v4 =	vld [tilespmem:s3+$0x0]  }
0x1e3: {  	s3 =	sor.u32 s13, s25;
	v2 =	vadd.f32 v5, v2  }
0x1e4: {  	v5 =	vld [tilespmem:s3+$0x0]  }
0x1e5: {  	v2 =	vadd.f32 v3, v2  }
.Ltmp3:
0x1e6: {  	(pc) =	sbr.rel @p0 .LBB2_7-.Ltmp3, $4  }
0x1e7: {  	s20 =	sadd.s32 $0x20, s20;
	v2 =	vadd.f32 v4, v2  }
0x1e8: {  	s23 =	sadd.s32 $0x100, s23;
	s3 =	sand.u32 $0x380, s19;
	s19 =	sadd.s32 $0x20, s19  }
0x1e9: {  	s25 =	sand.u32 $0x1C00, s23;
	s9 =	sand.u32 $0x60, s19;
	s10 =	sor.u32 s13, s3;
	v2 =	vadd.f32 v5, v2  }
0x1ea: {  	s24 =	sadd.s32 $0x9F00, s25;
	s22 =	sadd.s32 $0xB300, s25;
	s21 =	sadd.s32 $0xB380, s25  }
0x1eb: {  	s3 =	sor.u32 s9, s24;
	[tilespmem:s10+$0xC700] =	vst v2  }
0x1ec: {  	v2 =	vld [tilespmem:s3+$0x0];
	_ =	sdelay $0x1  }
0x1ed: {  	v3 =	vld [tilespmem:s3+$0x80];
	_ =	sdelay $0x1  }
0x1ee: {  	v4 =	vld [tilespmem:s3+$0x100]  }
0x1ef: {  	v2 =	vadd.f32 $0.0e+00, v2  }
0x1f0: {  	v5 =	vld [tilespmem:s3+$0x180]  }
0x1f1: {  	v2 =	vadd.f32 v3, v2  }
0x1f2: {  	v3 =	vld [tilespmem:s3+$0x200]  }
0x1f3: {  	v2 =	vadd.f32 v4, v2  }
0x1f4: {  	v46 =	vld [tilespmem:s3+$0x280]  }
0x1f5: {  	v2 =	vadd.f32 v5, v2  }
0x1f6: {  	v47 =	vld [tilespmem:s3+$0x300]  }
0x1f7: {  	v2 =	vadd.f32 v3, v2  }
0x1f8: {  	v3 =	vld [tilespmem:s3+$0x380]  }
0x1f9: {  	s14 =	sor.u32 s9, s22;
	v2 =	vadd.f32 v46, v2  }
0x1fa: {  	v48 =	vld [tilespmem:s14+$0x0]  }
0x1fb: {  	s15 =	sor.u32 s9, s21;
	v2 =	vadd.f32 v47, v2  }
0x1fc: {  	s8 =	sadd.s32 $0xB400, s25;
	v49 =	vld [tilespmem:s15+$0x0]  }
0x1fd: {  	s16 =	sor.u32 s9, s8;
	v2 =	vadd.f32 v3, v2  }
0x1fe: {  	s10 =	sadd.s32 $0xB480, s25;
	v3 =	vld [tilespmem:s16+$0x0]  }
0x1ff: {  	s23 =	sor.u32 s9, s10;
	v2 =	vadd.f32 v48, v2  }
0x200: {  	s11 =	sadd.s32 $0xB500, s25;
	v50 =	vld [tilespmem:s23+$0x0]  }
0x201: {  	s26 =	sor.u32 s9, s11;
	v2 =	vadd.f32 v49, v2  }
0x202: {  	s12 =	sadd.s32 $0xB580, s25;
	v51 =	vld [tilespmem:s26+$0x0]  }
0x203: {  	s28 =	sor.u32 s9, s12;
	v2 =	vadd.f32 v3, v2  }
0x204: {  	s13 =	sadd.s32 $0xB600, s25;
	v3 =	vld [tilespmem:s28+$0x0]  }
0x205: {  	s29 =	sor.u32 s9, s13;
	v2 =	vadd.f32 v50, v2  }
0x206: {  	s14 =	sadd.s32 $0xB680, s25;
	v52 =	vld [tilespmem:s29+$0x0]  }
0x207: {  	s30 =	sor.u32 s9, s14;
	v2 =	vadd.f32 v51, v2  }
0x208: {  	v53 =	vld [tilespmem:s30+$0x0]  }
0x209: {  	v2 =	vadd.f32 v3, v2;
	_ =	sdelay $0x1  }
0x20a: {  	v2 =	vadd.f32 v52, v2;
	_ =	sdelay $0x1  }
0x20b: {  	v2 =	vadd.f32 v53, v2  }
0x20c: {  	s15 =	sor.u32 $0x10, s9  }
0x20d: {  	s9 =	sor.u32 s15, s24;
	[tilespmem:s20+$0x0] =	vst v2  }
0x20e: {  	v2 =	vld [tilespmem:s9+$0x0];
	_ =	sdelay $0x1  }
0x20f: {  	v3 =	vld [tilespmem:s9+$0x80];
	_ =	sdelay $0x1  }
0x210: {  	v54 =	vld [tilespmem:s9+$0x100]  }
0x211: {  	v2 =	vadd.f32 $0.0e+00, v2  }
0x212: {  	v55 =	vld [tilespmem:s9+$0x180]  }
0x213: {  	v2 =	vadd.f32 v3, v2  }
0x214: {  	v3 =	vld [tilespmem:s9+$0x200]  }
0x215: {  	v2 =	vadd.f32 v54, v2  }
0x216: {  	v56 =	vld [tilespmem:s9+$0x280]  }
0x217: {  	v2 =	vadd.f32 v55, v2  }
0x218: {  	v57 =	vld [tilespmem:s9+$0x300]  }
0x219: {  	v2 =	vadd.f32 v3, v2  }
0x21a: {  	v3 =	vld [tilespmem:s9+$0x380]  }
0x21b: {  	s16 =	sor.u32 s15, s22;
	v2 =	vadd.f32 v56, v2  }
0x21c: {  	v58 =	vld [tilespmem:s16+$0x0]  }
0x21d: {  	s20 =	sor.u32 s15, s21;
	v2 =	vadd.f32 v57, v2  }
0x21e: {  	v59 =	vld [tilespmem:s20+$0x0]  }
0x21f: {  	s8 =	sor.u32 s15, s8;
	v2 =	vadd.f32 v3, v2  }
0x220: {  	v3 =	vld [tilespmem:s8+$0x0]  }
0x221: {  	s21 =	sor.u32 s15, s10;
	v2 =	vadd.f32 v58, v2  }
0x222: {  	v60 =	vld [tilespmem:s21+$0x0]  }
0x223: {  	s22 =	sor.u32 s15, s11;
	v2 =	vadd.f32 v59, v2  }
0x224: {  	v61 =	vld [tilespmem:s22+$0x0]  }
0x225: {  	s23 =	sor.u32 s15, s12;
	v2 =	vadd.f32 v3, v2  }
0x226: {  	v3 =	vld [tilespmem:s23+$0x0]  }
0x227: {  	s24 =	sor.u32 s15, s13;
	v2 =	vadd.f32 v60, v2  }
0x228: {  	v62 =	vld [tilespmem:s24+$0x0]  }
0x229: {  	s25 =	sor.u32 s15, s14;
	v2 =	vadd.f32 v61, v2  }
0x22a: {  	v63 =	vld [tilespmem:s25+$0x0]  }
0x22b: {  	v2 =	vadd.f32 v3, v2;
	_ =	sdelay $0x1  }
0x22c: {  	v2 =	vadd.f32 v62, v2;
	_ =	sdelay $0x1  }
0x22d: {  	s26 =	sand.u32 $0x380, s19;
	v2 =	vadd.f32 v63, v2  }
0x22e: {  	s3 =	sor.u32 s15, s26  }
0x22f: {  	s29 =	simm.s32 $0xC700;
	s28 =	rddreg [dreg:$0x9];
	[tilespmem:s3+$0xC700] =	vst v2  }
0x230: {  	[hbm4b:s28+s2] =	stream.strided.scatter [tilespmem:s29], [sflag:$0x1], $0x280, s4, s2, $0x38;
	[tilespmem:$0x11980] =	vst v63  }
0x231: {  	_ =	swait.ge [sflag:s31], $0x280  }
0x232: {  	s18 =	sadd.s32 $0x1, s18;
	s30 =	rddreg [dreg:$0xa]  }
0x233: {  	p0 =	sne.s32 s18, s30  }
.Ltmp4:
0x234: {  	_ = 	snop;
	(pc) =	sbr.rel @p0 .LBB2_1-.Ltmp4, $3  }
0x235: {  	_ =	sdelay $0x1  }
0x236: {  	[sflag:s31] =	ssyncset.done $0x0  }
0x237: {  	[sflag:s31] =	ssyncadd.s32 $0xFFFFFD80  }
0x238: {  	_ =	sfence.sel $0x180000  }
0x239: {  	[bflag:$0x0] =	sbarrier.arrive $0xFFFF  }
0x23a: {  	_ =	strace $0x90000047  }
0x23b: {  	s0 =	stileid.u32;
	[bflag:$0x2] =	sbarrier.arrive $0xFFFF  }
0x23c: {  	p0 =	sne.s32 s0, $0x0;
	s0 =	rddreg [dreg:$0x3]  }
0x23d: {  	s0 =	sadd.s32 @!p0 $0x100000, s0  }
0x23e: {  	[sflag:s0] =	ssyncadd.tile.s32 @!p0 $0x1;
	_ =	shalt  }
.Lfunc_end2:
_tile_overlayer_lowered:
.L_overlay_start_2:
0x23f: {  	(tag) =	ssettag $0x2  }
0x240: {  	s0 =	rddreg [dreg:$0x0];
	s2 =	stileid.u32  }
0x241: {  	s1 =	rddreg [dreg:$0x1];
	p0 =	sne.s32 s2, $0x0  }
0x242: {  	s3 =	rddreg [dreg:$0x2];
	[bflag:$0x3] =	sbarrier.arrive $0xFFFF;
	s2 =	simm.s32 @!p0 $0x1C01  }
0x243: {  	[timem:s3], [sflag:s2] =	dma.local @!p0 [hbm:s0], s1  }
0x244: {  	s0 =	simm.s32 @!p0 $0x1  }
0x245: {  	_ =	swait.ge @!p0 [sflag:s0], s1  }
0x246: {  	s1 =	ssub.s32 @!p0 $0x0, s1;
	[sflag:s0] =	ssyncset.done @!p0 $0x0  }
0x247: {  	[sflag:s0] =	ssyncadd.s32 @!p0 s1  }
0x248: {  	[bflag:$0x3] =	sbarrier.arrive $0xFFFF  }
0x249: {  	_ =	shalt  }

// kernel: kernel.9.cloned.1.call-start
scs
__scs_entry_jumppad:
0x0: {  	(pc) =	sbr.rel $0x88, $3  }
0x1: {  	(tag) =	ssettag $0x0;
	lr =	simm.s32 $0x1  }
0x2: {  	[smem:$0x3F9B] =	sst lr;
	_ =	strace $0xD0000000  }
0x3: {  	_ = 	snop  }
0x4: {  	_ = 	snop  }
0x5: {  	_ = 	snop  }
0x6: {  	_ = 	snop  }
0x7: {  	_ = 	snop  }
__scs_overlays_trampoline_lowered:
0x8: {  	[smem:$0x3FAA] =	sst s0  }
0x9: {  	[smem:$0x3FAB] =	sst s1  }
0xa: {  	[smem:$0x3FAC] =	sst s2  }
0xb: {  	[smem:$0x3FAD] =	sst s3  }
0xc: {  	[smem:$0x3FAE] =	sst s4  }
0xd: {  	[smem:$0x3FAF] =	sst s5  }
0xe: {  	[smem:$0x3FB0] =	sst s6  }
0xf: {  	[smem:$0x3FB1] =	sst s7  }
0x10: {  	[smem:$0x3FB2] =	sst s8  }
0x11: {  	[smem:$0x3FB3] =	sst s9;
	s0 =	simm.s32 @!p0 $0x0  }
0x12: {  	s1 =	sld [smem:$0x3F99];
	s0 =	simm.s32 @p0 $0x1  }
0x13: {  	[smem:$0x3FB4] =	sst s0;
	s0 =	simm.s32 @!p1 $0x0  }
0x14: {  	s2 =	sld [smem:$0x3F98];
	s0 =	simm.s32 @p1 $0x1  }
0x15: {  	[smem:$0x3FB5] =	sst s0;
	s0 =	simm.s32 @!p2 $0x0  }
0x16: {  	s3 =	sld [smem:$0x3FDB];
	s0 =	simm.s32 @p2 $0x1  }
0x17: {  	s4 =	simm.s32 $0x1BF5;
	[smem:$0x3FB7] =	sst s0  }
0x18: {  	s0 =	sld [smem:$0x3F9A];
	_ =	swait.ge [sflag:s4], $0x0  }
0x19: {  	s7 =	sld [smem:$0x3F9B]  }
0x1a: {  	s8 =	sadd.s32 $0xFFFFE003, lr  }
0x1b: {  	s9 =	sadd.s32 $0xFFFFFEF7, lr;
	s5 =	simm.s32 $0xFFFFFFFF;
	p2 =	slt.u32 s8, $0xFFFFF086  }
0x1c: {  	p1 =	slt.u32 s9, $0xF7A;
	s5 =	simm.s32 @!p2 $0x0  }
0x1d: {  	s5 =	simm.s32 @p1 $0x1;
	p0 =	seq.s32 s7, s2  }
0x1e: {  	s7 =	smul.u32 @!p0 $0xF7A, s2;
	p2 =	seq.s32 @!p0 s5, $0x0  }
0x1f: {  	s9 =	smul.u32 $0xF7A, s1;
	s8 =	simm.s32 @!p0 $0x1BF5;
	p2 =	por !p2, p0  }
0x20: {  	[sflag:s8] =	ssyncset.s32 @!p0 $0xFFFFF086;
	s6 =	sadd.s32 @!p0 s3, s7;
	s7 =	simm.s32 @!p0 $0x108  }
0x21: {  	s3 =	sadd.s32 s3, s9;
	s6 =	sadd.s32 @!p0 $0x88, s6;
	s7 =	simm.s32 @p2 $0x1082  }
0x22: {  	[simem:s7], [sflag:s8] =	dma.local @!p0 [hbm:s6], $0xF7A  }
0x23: {  	s9 =	sor.u32 $0xD0000000, s2;
	s6 =	simm.s32 $0x108;
	_ =	swait.ge @!p0 [sflag:s8], $0x0  }
0x24: {  	s3 =	sadd.s32 $0x88, s3;
	s6 =	simm.s32 @!p1 $0x1082;
	[sflag:s4] =	ssyncset.s32 $0xFFFFF086  }
0x25: {  	[simem:s6], [sflag:s4] =	dma.local [hbm:s3], $0xF7A  }
0x26: {  	[smem:$0x3F9B] =	sst s1;
	(tag) =	ssettag s2;
	_ =	strace s9  }
0x27: {  	s1 =	sld [smem:$0x3FAB]  }
0x28: {  	s2 =	sld [smem:$0x3FAC]  }
0x29: {  	s4 =	sld [smem:$0x3FAE]  }
0x2a: {  	p0 =	seq.s32 s5, $0x0;
	s5 =	sld [smem:$0x3FAF]  }
0x2b: {  	s6 =	sld [smem:$0x3FB0]  }
0x2c: {  	s7 =	sld [smem:$0x3FB1]  }
0x2d: {  	s3 =	simm.s32 $0x108;
	s8 =	sld [smem:$0x3FB2]  }
0x2e: {  	s3 =	simm.s32 @!p0 $0x1082;
	s9 =	sld [smem:$0x3FB3]  }
0x2f: {  	lr =	sadd.s32 s0, s3;
	s0 =	sld [smem:$0x3FAA]  }
0x30: {  	s3 =	sld [smem:$0x3FAD]  }
0x31: {  	[smem:$0x3FB6] =	sst s10  }
0x32: {  	s10 =	sld [smem:$0x3FB4];
	_ =	sdelay $0x3  }
0x33: {  	p0 =	seq.s32 s10, $0x1;
	s10 =	sld [smem:$0x3FB6];
	_ =	sdelay $0x3  }
0x34: {  	[smem:$0x3FB6] =	sst s10  }
0x35: {  	s10 =	sld [smem:$0x3FB5];
	_ =	sdelay $0x3  }
0x36: {  	p1 =	seq.s32 s10, $0x1;
	s10 =	sld [smem:$0x3FB6];
	_ =	sdelay $0x3  }
0x37: {  	[smem:$0x3FB6] =	sst s10  }
0x38: {  	s10 =	sld [smem:$0x3FB7]  }
0x39: {  	_ = 	snop;
	(pc) =	sbr.ind lr, $3  }
0x3a: {  	_ = 	snop  }
0x3b: {  	_ = 	snop  }
0x3c: {  	p2 =	seq.s32 s10, $0x1;
	s10 =	sld [smem:$0x3FB6]  }
0x3d: {  	_ =	shalt  }
0x3e: {  	_ =	shalt  }
0x3f: {  	_ =	shalt  }
0x40: {  	_ =	shalt  }
0x41: {  	_ =	shalt  }
0x42: {  	_ =	shalt  }
0x43: {  	_ =	shalt  }
0x44: {  	_ =	shalt  }
0x45: {  	_ =	shalt  }
0x46: {  	_ =	shalt  }
0x47: {  	_ =	shalt  }
0x48: {  	_ =	shalt  }
0x49: {  	_ =	shalt  }
0x4a: {  	_ =	shalt  }
0x4b: {  	_ =	shalt  }
0x4c: {  	_ =	shalt  }
0x4d: {  	_ =	shalt  }
0x4e: {  	_ =	shalt  }
0x4f: {  	_ =	shalt  }
0x50: {  	_ =	shalt  }
0x51: {  	_ =	shalt  }
0x52: {  	_ =	shalt  }
0x53: {  	_ =	shalt  }
0x54: {  	_ =	shalt  }
0x55: {  	_ =	shalt  }
0x56: {  	_ =	shalt  }
0x57: {  	_ =	shalt  }
0x58: {  	_ =	shalt  }
0x59: {  	_ =	shalt  }
0x5a: {  	_ =	shalt  }
0x5b: {  	_ =	shalt  }
0x5c: {  	_ =	shalt  }
0x5d: {  	_ =	shalt  }
0x5e: {  	_ =	shalt  }
0x5f: {  	_ =	shalt  }
0x60: {  	_ =	shalt  }
0x61: {  	_ =	shalt  }
0x62: {  	_ =	shalt  }
0x63: {  	_ =	shalt  }
0x64: {  	_ =	shalt  }
0x65: {  	_ =	shalt  }
0x66: {  	_ =	shalt  }
0x67: {  	_ =	shalt  }
0x68: {  	_ =	shalt  }
0x69: {  	_ =	shalt  }
0x6a: {  	_ =	shalt  }
0x6b: {  	_ =	shalt  }
0x6c: {  	_ =	shalt  }
0x6d: {  	_ =	shalt  }
0x6e: {  	_ =	shalt  }
0x6f: {  	_ =	shalt  }
0x70: {  	_ =	shalt  }
0x71: {  	_ =	shalt  }
0x72: {  	_ =	shalt  }
0x73: {  	_ =	shalt  }
0x74: {  	_ =	shalt  }
0x75: {  	_ =	shalt  }
0x76: {  	_ =	shalt  }
0x77: {  	_ =	shalt  }
0x78: {  	_ =	shalt  }
0x79: {  	_ =	shalt  }
0x7a: {  	_ =	shalt  }
0x7b: {  	_ =	shalt  }
0x7c: {  	_ =	shalt  }
0x7d: {  	_ =	shalt  }
0x7e: {  	_ =	shalt  }
0x7f: {  	_ =	shalt  }
0x80: {  	_ =	shalt  }
0x81: {  	_ =	shalt  }
0x82: {  	_ =	shalt  }
0x83: {  	_ =	shalt  }
0x84: {  	_ =	shalt  }
0x85: {  	_ =	shalt  }
0x86: {  	_ =	shalt  }
0x87: {  	_ =	shalt  }
.Lfunc_end0:
.L_simem_size_0:
called_computation.1_lowered:
.L_overlay_start_0:
0x88: {  	s2 =	sld [smem:$0x3FD9]  }
0x89: {  	s3 =	sld [smem:$0x3FFE];
	_ =	sdelay $0x1  }
0x8a: {  	s1 =	srdreg.scid  }
0x8b: {  	s0 =	sand.u32 $0x1, s1  }
0x8c: {  	s17 =	sshll.u32 s0, $0xA;
	s2 =	sadd.s32 s3, s2  }
0x8d: {  	s2 =	sadd.s32 s2, s17  }
0x8e: {  	[smem:$0x3FC2] =	sst s2  }
0x8f: {  	_ = 	snop  }
0x90: {  	s2 =	sld [smem:$0x3FD0];
	(tm) =	ssettm $0x1  }
0x91: {  	s18 =	sld [smem:$0x3FFB];
	_ =	sdelay $0x3  }
0x92: {  	_ =	strace s18  }
0x93: {  	s3 =	sld [smem:$0x3FFC];
	_ =	sdelay $0x3  }
0x94: {  	_ =	strace s3  }
0x95: {  	s3 =	sld [smem:$0x3FFD];
	_ =	sdelay $0x3  }
0x96: {  	_ =	strace s3  }
0x97: {  	_ =	strace $0x8FFFFFFF  }
0x98: {  	s19 =	sld [smem:$0x3FDB];
	_ =	sdelay $0x1  }
0x99: {  	s4 =	simm.s32 $_scs_section_size  }
0x9a: {  	s5 =	simm.s32 $_size__tile_overlayer_lowered;
	s6 =	simm.s32 $_tile_overlayer_lowered  }
0x9b: {  	s22 =	simm.s32 $0x1BFF;
	s21 =	sshll.u32 s6, $0x1;
	s3 =	sadd.s32 s4, s19  }
0x9c: {  	s7 =	simm.s32 $0x0;
	s20 =	sshll.u32 s5, $0x1;
	s5 =	sadd.s32 s21, s3  }
0x9d: {  	[timem:s7], [sflag:s22] =	dma.local [hbm:s5], s20  }
0x9e: {  	_ =	swait.ge [sflag:s22], s20  }
0x9f: {  	s4 =	ssub.s32 $0x0, s20;
	[sflag:s22] =	ssyncset.done $0x0  }
0xa0: {  	[sflag:s22] =	ssyncadd.s32 s4;
	_ =	sdelay $0x1  }
0xa1: {  	s23 =	simm.s32 $0x1B8B  }
0xa2: {  	_ =	swait.ge [sflag:s23], $0x1  }
0xa3: {  	[sflag:s23] =	ssyncset.done $0x0  }
0xa4: {  	s25 =	simm.s32 $0x1B8E;
	s24 =	sld [smem:$0x3FFE];
	[sflag:s23] =	ssyncadd.s32 $0xFFFFFFFF  }
0xa5: {  	s26 =	simm.s32 $execute0_lowered;
	[smem:$0x3FD2] =	sst s25  }
0xa6: {  	s5 =	sshll.u32 s26, $0x1;
	_ =	strace $0x80000049;
	[dreg:$0x1] =	wrdreg $0xFFFFFFFF  }
0xa7: {  	s28 =	simm.s32 $_size_execute0_lowered;
	s3 =	sadd.s32 s3, s5;
	[dreg:$0x0] =	wrdreg $0x0  }
0xa8: {  	s5 =	sshll.u32 s28, $0x1;
	[dreg:$0x2] =	wrdreg s3  }
0xa9: {  	[dreg:$0x3] =	wrdreg s5  }
0xaa: {  	[dreg:$0x4] =	wrdreg $0xC0  }
0xab: {  	_ =	task [dreg:s7], $0x5FFFF  }
0xac: {  	[dreg:$0x1] =	wrdreg $0xFFFFFFFF  }
0xad: {  	[dreg:$0x0] =	wrdreg $0x60  }
0xae: {  	[dreg:$0x2] =	wrdreg s24  }
0xaf: {  	[dreg:$0x3] =	wrdreg s2  }
0xb0: {  	[dreg:$0x4] =	wrdreg $0x87200  }
0xb1: {  	[dreg:$0x5] =	wrdreg $0x9  }
0xb2: {  	_ =	task.clear_ibuf [dreg:s7], $0x6FFFF;
	_ =	strace $0x90000049  }
0xb3: {  	s29 =	simm.s32 $0x9;
	_ =	strace $0x8000004B  }
0xb4: {  	_ =	swait.ge [sflag:s29], $0x1  }
0xb5: {  	[sflag:s29] =	ssyncadd.s32 $0xFFFFFFFF  }
0xb6: {  	_ =	strace $0x9000004B  }
0xb7: {  	_ =	sfence  }
0xb8: {  	s30 =	sld [smem:$0x0];
	_ =	sdelay $0x2  }
0xb9: {  	s31 =	sshll.u32 s1, $0xD;
	s1 =	sshrl.u32 s1, $0x2  }
0xba: {  	s3 =	sand.u32 $0x4000, s31;
	s1 =	sadd.s32 s1, s30  }
0xbb: {  	s0 =	sor.u32 s3, s0;
	s1 =	sshll.u32 s1, $0x11  }
0xbc: {  	s0 =	sor.u32 s1, s0  }
0xbd: {  	s0 =	sadd.s32 $0x8F2B, s0  }
0xbe: {  	[sflag:s0] =	ssyncadd.remote.s32 $0x1  }
0xbf: {  	_ =	sfence.sel $0xFFFF  }
0xc0: {  	[dreg:$0x0] =	wrdreg $0xFFFFFFFF;
	(pc) =	sbr.abs _section_cstart, $3  }
0xc1: {  	[dreg:$0x1] =	wrdreg $0xFFFFFFFF  }
0xc2: {  	_ =	task.clear_ibuf [dreg:s7], $0x2FFFF;
	_ =	strace $0x9FFFFFFF  }
0xc3: {  	(tm) =	ssettm $0x7FFFFFFF  }
tec
execute0_lowered:
.L_overlay_start_1:
0x0: {  	(tag) =	ssettag $0x1  }
0x1: {  	s0 =	rddreg [dreg:$0x0]  }
0x2: {  	s16 =	rddreg [dreg:$0x1]  }
0x3: {  	s3 =	rddreg [dreg:$0x2]  }
0x4: {  	s1 =	srdreg.scid;
	s11 =	stileid.u32  }
0x5: {  	s4 =	simm.s32 $0x0;
	s29 =	simm.s32 $0x230;
	s6 =	smul.u32 $0x14000, s11  }
0x6: {  	s31 =	simm.s32 $0x10;
	s30 =	simm.s32 $0x5320;
	s28 =	smul.u32 $0x50000, s11  }
0x7: {  	s2 =	sand.u32 $0x1, s1;
	s5 =	sshll.u32 s11, $0x1;
	s13 =	smul.u32 $0x4E20, s11  }
0x8: {  	[smem:$0x7FF] =	sst s4;
	s1 =	smul.u32 $0x140000, s2;
	s5 =	sor.u32 s2, s5  }
0x9: {  	_ =	strace $0x8000004A;
	s8 =	ssub.s32 $0x2, s2;
	s2 =	smul.u32 $0x2710, s2  }
0xa: {  	s7 =	smul.u32 $0x2710, s5;
	s5 =	sadd.s32 $0x2000, s0;
	s19 =	sshrl.u32 s8, $0x1  }
0xb: {  	s14 =	sshrl.u32 s28, $0x2;
	s15 =	sadd.s32 s6, s3;
	s1 =	sadd.s32 s6, s1  }
0xc: {  	s6 =	sadd.s32 s14, s3;
	s2 =	sadd.s32 s2, s13;
	[dreg:$0x1f] =	wrdreg s15  }
0xd: {  	s1 =	sshrl.u32 s1, $0x3;
	s9 =	sadd.s32 $0x28, s7;
	s20 =	sshrl.u32 s7, $0x3  }
0xe: {  	s22 =	sadd.s32 $0x4E228, s7;
	s23 =	sadd.s32 $0x78, s7;
	s10 =	sadd.s32 $0x4E278, s7  }
0xf: {  	s17 =	sadd.s32 $0x4000, s6;
	s18 =	sadd.s32 $0x280, s2;
	s13 =	sadd.s32 $0x4E430, s2  }
0x10: {  	s14 =	sadd.s32 $0x208, s2;
	s0 =	sadd.s32 s1, s0;
	s1 =	ssub.s32 s8, s19  }
0x11: {  	s9 =	sshrl.u32 s9, $0x3;
	s12 =	sadd.s32 s16, s20;
	s8 =	sshrl.u32 s22, $0x3  }
0x12: {  	s24 =	sshrl.u32 s23, $0x3;
	s25 =	sshrl.u32 s10, $0x3;
	s10 =	sadd.s32 $0xC8, s7  }
0x13: {  	s7 =	sadd.s32 $0x4E2C8, s7;
	[smem:$0x7EC] =	sst s17;
	s19 =	sadd.s32 $0x6000, s6  }
0x14: {  	s20 =	sadd.s32 $0x8000, s6;
	s22 =	sadd.s32 $0x4E480, s2;
	s21 =	sadd.s32 s16, s9  }
0x15: {  	s8 =	sadd.s32 s16, s8;
	s26 =	sadd.s32 s16, s25;
	[smem:$0x7ED] =	sst s19  }
0x16: {  	s9 =	sshrl.u32 s10, $0x3;
	s7 =	sshrl.u32 s7, $0x3;
	[smem:$0x7EE] =	sst s20  }
0x17: {  	s23 =	sshrl.u32 s22, $0x3;
	s25 =	sadd.s32 $0x4E458, s2;
	[dreg:$0x18] =	wrdreg s12  }
0x18: {  	s10 =	sadd.s32 $0x230, s2;
	s20 =	sadd.s32 $0x4E408, s2;
	[dreg:$0x19] =	wrdreg s21  }
0x19: {  	s22 =	sadd.s32 $0x1E0, s2;
	s0 =	sadd.s32 $0x2A000, s0;
	[dreg:$0x1a] =	wrdreg s8  }
0x1a: {  	s8 =	sadd.s32 s16, s24;
	[dreg:$0x1c] =	wrdreg s26;
	s9 =	sadd.s32 s16, s9  }
0x1b: {  	s7 =	sadd.s32 s16, s7;
	s21 =	sadd.s32 $0xA000, s6;
	[smem:$0x7F4] =	sst s0  }
0x1c: {  	s24 =	sadd.s32 $0x258, s2;
	s28 =	sshrl.u32 s25, $0x3;
	[dreg:$0x1b] =	wrdreg s8  }
0x1d: {  	s11 =	sshrl.u32 s10, $0x3;
	s10 =	sadd.s32 $0x4E390, s2;
	[dreg:$0x1d] =	wrdreg s9  }
0x1e: {  	s0 =	simm.s32 $0x2B20;
	[dreg:$0x1e] =	wrdreg s7;
	s7 =	sadd.s32 $0x2000, s6  }
0x1f: {  	[smem:$0x7EF] =	sst s21;
	s8 =	sshrl.u32 s24, $0x3;
	s9 =	sadd.s32 s28, s16  }
0x20: {  	s21 =	sshrl.u32 s20, $0x3;
	s28 =	sadd.s32 $0x1B8, s2;
	s20 =	sadd.s32 $0x140, s2  }
0x21: {  	[smem:$0x7EB] =	sst s7;
	s7 =	sshrl.u32 s18, $0x3;
	s26 =	sadd.s32 s8, s16  }
0x22: {  	[dreg:$0x7] =	wrdreg s9;
	s8 =	sshrl.u32 s13, $0x3;
	s18 =	sshrl.u32 s14, $0x3  }
0x23: {  	s9 =	sadd.s32 $0x4E3B8, s2;
	s7 =	sadd.s32 s7, s16;
	[dreg:$0x6] =	wrdreg s26  }
0x24: {  	s13 =	sshrl.u32 s10, $0x3;
	s17 =	sadd.s32 s8, s16;
	[dreg:$0x4] =	wrdreg s7  }
0x25: {  	s19 =	sadd.s32 s18, s16;
	s8 =	sshrl.u32 s22, $0x3;
	[dreg:$0x9] =	wrdreg s17  }
0x26: {  	s14 =	sadd.s32 s13, s16;
	s22 =	sshrl.u32 s20, $0x3;
	[dreg:$0xa] =	wrdreg s19  }
0x27: {  	s20 =	sadd.s32 $0x190, s2;
	s7 =	sadd.s32 s23, s16;
	[dreg:$0x10] =	wrdreg s14  }
0x28: {  	s23 =	sadd.s32 $0x4E3E0, s2;
	s24 =	sadd.s32 s8, s16;
	[smem:$0x7F6] =	sst s20  }
0x29: {  	s8 =	sshrl.u32 s28, $0x3;
	s17 =	sadd.s32 $0x168, s2;
	[dreg:$0x5] =	wrdreg s7  }
0x2a: {  	s19 =	sadd.s32 $0x4E368, s2;
	s14 =	sadd.s32 $0xE000, s6;
	[dreg:$0xc] =	wrdreg s24  }
0x2b: {  	s28 =	sadd.s32 $0x4E318, s2;
	s7 =	sadd.s32 s11, s16;
	[smem:$0x7F1] =	sst s14  }
0x2c: {  	s25 =	sshrl.u32 s23, $0x3;
	s23 =	sadd.s32 s22, s16;
	[dreg:$0x8] =	wrdreg s7  }
0x2d: {  	s18 =	sshrl.u32 s17, $0x3;
	s17 =	simm.s32 $0x2D0;
	[dreg:$0x13] =	wrdreg s23  }
0x2e: {  	s20 =	simm.s32 $0x5;
	s22 =	sadd.s32 $0xA, s12;
	[dreg:$0x17] =	wrdreg s17  }
0x2f: {  	s10 =	sshrl.u32 s28, $0x3;
	s28 =	sadd.s32 $0x9C5E, s12;
	[smem:$0x7F8] =	sst s22  }
0x30: {  	s24 =	sadd.s32 $0x4E340, s2;
	s7 =	sadd.s32 s21, s16;
	[smem:$0x7FD] =	sst s28  }
0x31: {  	s14 =	simm.s32 $0x208;
	s26 =	sadd.s32 s25, s16;
	[dreg:$0xb] =	wrdreg s7  }
0x32: {  	s25 =	sshrl.u32 s24, $0x3;
	s13 =	sadd.s32 s10, s16;
	[dreg:$0xd] =	wrdreg s26  }
0x33: {  	s23 =	sadd.s32 $0x9C4A, s12;
	s24 =	sadd.s32 $0x14, s12;
	[dreg:$0x16] =	wrdreg s13  }
0x34: {  	s17 =	simm.s32 $0x190;
	s10 =	simm.s32 $0x5320;
	[smem:$0x7F9] =	sst s23  }
0x35: {  	s7 =	sadd.s32 s8, s16;
	s8 =	sshrl.u32 s9, $0x3;
	[smem:$0x7FA] =	sst s24  }
0x36: {  	s26 =	sadd.s32 $0x118, s2;
	[dreg:$0xe] =	wrdreg s7;
	s11 =	sadd.s32 s8, s16  }
0x37: {  	s9 =	simm.s32 $0x1E0;
	s7 =	sadd.s32 s18, s16;
	[dreg:$0xf] =	wrdreg s11  }
0x38: {  	s13 =	simm.s32 $0x78;
	s18 =	sadd.s32 $0x10000, s6;
	[dreg:$0x11] =	wrdreg s7  }
0x39: {  	s8 =	sshrl.u32 s19, $0x3;
	s19 =	smax.u32 s1, $0x1;
	[smem:$0x7F2] =	sst s18  }
0x3a: {  	s24 =	simm.s32 $0x1;
	s21 =	sadd.s32 s8, s16;
	[smem:$0x7F5] =	sst s19  }
0x3b: {  	s1 =	simm.s32 $0x0;
	s7 =	sadd.s32 s25, s16;
	[dreg:$0x12] =	wrdreg s21  }
0x3c: {  	s8 =	sshrl.u32 s26, $0x3;
	s11 =	sadd.s32 $0xC000, s6;
	[dreg:$0x14] =	wrdreg s7  }
0x3d: {  	s6 =	sadd.s32 $0x12000, s6;
	s25 =	sadd.s32 $0x9C54, s12;
	[smem:$0x7F0] =	sst s11  }
0x3e: {  	s26 =	sadd.s32 $0x1E, s12;
	s18 =	simm.s32 $0x1B8;
	[smem:$0x7F3] =	sst s6  }
0x3f: {  	s19 =	simm.s32 $0x50;
	s8 =	sadd.s32 s8, s16;
	[smem:$0x7FB] =	sst s25  }
0x40: {  	s21 =	sadd.s32 $0x9C40, s12;
	[smem:$0x7FC] =	sst s26;
	s25 =	simm.s32 $0xA0  }
0x41: {  	s11 =	simm.s32 $0x3;
	s12 =	simm.s32 $0x6;
	[dreg:$0x15] =	wrdreg s8  }
0x42: {  	v0 =	vimm.f32 $0.0e+00;
	[smem:$0x7F7] =	sst s21;
	s8 =	simm.s32 $0x28;
	s21 =	simm.s32 $0x2  }
.LBB2_1:
0x43: {  	[smem:$0x7EA] =	sst s1  }
0x44: {  	s7 =	rddreg [dreg:$0x18]  }
0x45: {  	s28 =	sld [smem:$0x7F7]  }
0x46: {  	s1 =	rddreg [dreg:$0x19]  }
0x47: {  	[tilespmem:s4], [sflag:$0xB] =	stream.linear.gather [hbm4b:s7+s4], $0x28, $0x38;
	[tilespmem:$0x1C720] =	vst v63  }
0x48: {  	s2 =	rddreg [dreg:$0x1a]  }
0x49: {  	[tilespmem:s17], [sflag:$0x15] =	stream.linear.gather [hbm4b:s28+s4], $0x28, $0x38;
	[tilespmem:$0x1C720] =	vst v63  }
0x4a: {  	s6 =	sld [smem:$0x7F8]  }
0x4b: {  	[tilespmem:s8], [sflag:$0xC] =	stream.linear.gather [hbm4b:s1+s4], $0x28, $0x38;
	[tilespmem:$0x1C720] =	vst v63  }
0x4c: {  	s22 =	sld [smem:$0x7F9]  }
0x4d: {  	[tilespmem:s18], [sflag:$0x16] =	stream.linear.gather [hbm4b:s2+s4], $0x28, $0x38;
	[tilespmem:$0x1C720] =	vst v63  }
0x4e: {  	s23 =	rddreg [dreg:$0x1b]  }
0x4f: {  	[tilespmem:s19], [sflag:$0xD] =	stream.linear.gather [hbm4b:s6+s4], $0x28, $0x38;
	[tilespmem:$0x1C720] =	vst v63  }
0x50: {  	s26 =	rddreg [dreg:$0x1c]  }
0x51: {  	[tilespmem:s9], [sflag:$0x17] =	stream.linear.gather [hbm4b:s22+s4], $0x28, $0x38;
	[tilespmem:$0x1C720] =	vst v63  }
0x52: {  	s28 =	sld [smem:$0x7FA]  }
0x53: {  	[tilespmem:s13], [sflag:$0xE] =	stream.linear.gather [hbm4b:s23+s4], $0x28, $0x38;
	[tilespmem:$0x1C720] =	vst v63  }
0x54: {  	s1 =	sld [smem:$0x7FB]  }
0x55: {  	[tilespmem:s14], [sflag:$0x18] =	stream.linear.gather [hbm4b:s26+s4], $0x28, $0x38;
	[tilespmem:$0x1C720] =	vst v63  }
0x56: {  	s2 =	rddreg [dreg:$0x1d]  }
0x57: {  	[tilespmem:s25], [sflag:$0xF] =	stream.linear.gather [hbm4b:s28+s4], $0x28, $0x38;
	[tilespmem:$0x1C720] =	vst v63  }
0x58: {  	s7 =	simm.s32 $0x0;
	s9 =	rddreg [dreg:$0x1e]  }
0x59: {  	[tilespmem:s29], [sflag:$0x19] =	stream.linear.gather [hbm4b:s1+s4], $0x28, $0x38;
	[tilespmem:$0x1C720] =	vst v63  }
0x5a: {  	s6 =	simm.s32 $0xC8;
	s22 =	simm.s32 $0xF0;
	s23 =	sld [smem:$0x7FD]  }
0x5b: {  	[tilespmem:s6], [sflag:$0x10] =	stream.linear.gather [hbm4b:s2+s4], $0x28, $0x38;
	[tilespmem:$0x1C720] =	vst v63  }
0x5c: {  	s13 =	simm.s32 $0x258;
	s14 =	sld [smem:$0x7FC];
	s26 =	sand.u32 $0x7E00, s4  }
0x5d: {  	[tilespmem:s13], [sflag:$0x1A] =	stream.linear.gather [hbm4b:s9+s4], $0x28, $0x38;
	[tilespmem:$0x1C720] =	vst v63  }
0x5e: {  	s25 =	simm.s32 $0x280;
	s28 =	sand.u32 $0x40, s4;
	s9 =	sshrl.u32 s26, $0x2  }
0x5f: {  	[tilespmem:s22], [sflag:$0x11] =	stream.linear.gather [hbm4b:s14+s4], $0x28, $0x38;
	[tilespmem:$0x1C720] =	vst v63  }
0x60: {  	s13 =	simm.s32 $0x0;
	s9 =	sor.u32 s28, s9;
	s14 =	simm.s32 $0x0  }
0x61: {  	[tilespmem:s25], [sflag:$0x1B] =	stream.linear.gather [hbm4b:s23+s4], $0x28, $0x38;
	[tilespmem:$0x1C720] =	vst v63  }
.LBB2_2:
0x62: {  	s7 =	sadd.s32 $0x4, s7  }
0x63: {  	[tilespmem:s9+$0x6750] =	vst v0;
	s13 =	sadd.s32 $0x40, s13;
	s14 =	sadd.s32 $0x100, s14;
	p0 =	slt.u32 s7, $0x1FC  }
.Ltmp0:
0x64: {  	[tilespmem:s9+$0x6740] =	vst v0;
	(pc) =	sbr.rel @p0 .LBB2_2-.Ltmp0, $4  }
0x65: {  	[tilespmem:s9+$0x6720] =	vst v0  }
0x66: {  	s25 =	sand.u32 $0x7E00, s14;
	[tilespmem:s9+$0x6730] =	vst v0  }
0x67: {  	s25 =	sshrl.u32 s25, $0x2;
	s9 =	sand.u32 $0x40, s13  }
0x68: {  	s9 =	sor.u32 s9, s25  }
0x69: {  	[tilespmem:s9+$0x6750] =	vst v0  }
0x6a: {  	[tilespmem:s9+$0x6740] =	vst v0  }
0x6b: {  	[tilespmem:s9+$0x6720] =	vst v0  }
0x6c: {  	[tilespmem:s9+$0x6730] =	vst v0;
	s25 =	simm.s32 $0x6720;
	s13 =	simm.s32 $0x1F  }
0x6d: {  	[spmem:s15] =	stream.linear.scatter [tilespmem:s25], [sflag:$0x1F], $0x2000, $0x38;
	[tilespmem:$0x1C720] =	vst v63  }
0x6e: {  	_ =	swait.ge [sflag:s13], $0x2000  }
0x6f: {  	s7 =	sld [smem:$0x7EB]  }
0x70: {  	[sflag:s13] =	ssyncset.done $0x0  }
0x71: {  	[sflag:s13] =	ssyncadd.s32 $0xFFFFE000  }
0x72: {  	[spmem:s7] =	stream.linear.scatter [tilespmem:s25], [sflag:$0x1F], $0x2000, $0x38;
	[tilespmem:$0x1C720] =	vst v63  }
0x73: {  	_ =	swait.ge [sflag:s13], $0x2000  }
0x74: {  	s26 =	sld [smem:$0x7EC]  }
0x75: {  	[sflag:s13] =	ssyncset.done $0x0  }
0x76: {  	[sflag:s13] =	ssyncadd.s32 $0xFFFFE000  }
0x77: {  	[spmem:s26] =	stream.linear.scatter [tilespmem:s25], [sflag:$0x1F], $0x2000, $0x38;
	[tilespmem:$0x1C720] =	vst v63  }
0x78: {  	_ =	swait.ge [sflag:s13], $0x2000  }
0x79: {  	s1 =	sld [smem:$0x7ED]  }
0x7a: {  	[sflag:s13] =	ssyncset.done $0x0  }
0x7b: {  	[sflag:s13] =	ssyncadd.s32 $0xFFFFE000  }
0x7c: {  	[spmem:s1] =	stream.linear.scatter [tilespmem:s25], [sflag:$0x1F], $0x2000, $0x38;
	[tilespmem:$0x1C720] =	vst v63  }
0x7d: {  	_ =	swait.ge [sflag:s13], $0x2000  }
0x7e: {  	s2 =	sld [smem:$0x7EE]  }
0x7f: {  	[sflag:s13] =	ssyncset.done $0x0  }
0x80: {  	[sflag:s13] =	ssyncadd.s32 $0xFFFFE000  }
0x81: {  	[spmem:s2] =	stream.linear.scatter [tilespmem:s25], [sflag:$0x1F], $0x2000, $0x38;
	[tilespmem:$0x1C720] =	vst v63  }
0x82: {  	_ =	swait.ge [sflag:s13], $0x2000  }
0x83: {  	s6 =	sld [smem:$0x7EF]  }
0x84: {  	[sflag:s13] =	ssyncset.done $0x0  }
0x85: {  	[sflag:s13] =	ssyncadd.s32 $0xFFFFE000  }
0x86: {  	[spmem:s6] =	stream.linear.scatter [tilespmem:s25], [sflag:$0x1F], $0x2000, $0x38;
	[tilespmem:$0x1C720] =	vst v63  }
0x87: {  	_ =	swait.ge [sflag:s13], $0x2000  }
0x88: {  	s14 =	sld [smem:$0x7F0]  }
0x89: {  	[sflag:s13] =	ssyncset.done $0x0  }
0x8a: {  	[sflag:s13] =	ssyncadd.s32 $0xFFFFE000  }
0x8b: {  	[spmem:s14] =	stream.linear.scatter [tilespmem:s25], [sflag:$0x1F], $0x2000, $0x38;
	[tilespmem:$0x1C720] =	vst v63  }
0x8c: {  	_ =	swait.ge [sflag:s13], $0x2000  }
0x8d: {  	s15 =	sld [smem:$0x7F1]  }
0x8e: {  	[sflag:s13] =	ssyncset.done $0x0  }
0x8f: {  	[sflag:s13] =	ssyncadd.s32 $0xFFFFE000  }
0x90: {  	[spmem:s15] =	stream.linear.scatter [tilespmem:s25], [sflag:$0x1F], $0x2000, $0x38;
	[tilespmem:$0x1C720] =	vst v63  }
0x91: {  	_ =	swait.ge [sflag:s13], $0x2000  }
0x92: {  	s22 =	sld [smem:$0x7F2]  }
0x93: {  	[sflag:s13] =	ssyncset.done $0x0  }
0x94: {  	[sflag:s13] =	ssyncadd.s32 $0xFFFFE000  }
0x95: {  	[spmem:s22] =	stream.linear.scatter [tilespmem:s25], [sflag:$0x1F], $0x2000, $0x38;
	[tilespmem:$0x1C720] =	vst v63  }
0x96: {  	_ =	swait.ge [sflag:s13], $0x2000  }
0x97: {  	s23 =	sld [smem:$0x7F3]  }
0x98: {  	[sflag:s13] =	ssyncset.done $0x0  }
0x99: {  	[sflag:s13] =	ssyncadd.s32 $0xFFFFE000  }
0x9a: {  	[spmem:s23] =	stream.linear.scatter [tilespmem:s25], [sflag:$0x1F], $0x2000, $0x38;
	[tilespmem:$0x1C720] =	vst v63  }
0x9b: {  	_ =	swait.ge [sflag:s13], $0x2000  }
0x9c: {  	[sflag:s13] =	ssyncset.done $0x0  }
0x9d: {  	[sflag:s13] =	ssyncadd.s32 $0xFFFFE000  }
0x9e: {  	s25 =	simm.s32 $0xB;
	[bflag:$0x0] =	sbarrier.arrive $0xFFFF  }
0x9f: {  	_ =	swait.ge [sflag:s25], $0x28  }
0xa0: {  	[sflag:s25] =	ssyncset.done $0x0  }
0xa1: {  	s26 =	simm.s32 $0x15;
	[sflag:s25] =	ssyncadd.s32 $0xFFFFFFD8  }
0xa2: {  	_ =	swait.ge [sflag:s26], $0x28  }
0xa3: {  	s1 =	simm.s32 $0x0;
	[sflag:s26] =	ssyncset.done $0x0  }
0xa4: {  	s2 =	simm.s32 $0xC;
	s6 =	simm.s32 $0x320;
	[sflag:s26] =	ssyncadd.s32 $0xFFFFFFD8  }
0xa5: {  	[tilespmem:s6], [sflag:$0x1] =	stream.indirect.gather [hbm4b:s5+s8], $0x80, s1, s8, $0xb8;
	[tilespmem:$0x1C720] =	vst v63  }
0xa6: {  	_ =	swait.ge [sflag:s2], $0x28  }
0xa7: {  	[sflag:s2] =	ssyncset.done $0x0  }
0xa8: {  	s9 =	simm.s32 $0x16;
	[sflag:s2] =	ssyncadd.s32 $0xFFFFFFD8  }
0xa9: {  	_ =	swait.ge [sflag:s9], $0x28  }
0xaa: {  	p0 =	por $0x1, $0x1;
	[sflag:s9] =	ssyncset.done $0x0  }
0xab: {  	s7 =	simm.s32 @!p0 $0x8;
	s2 =	simm.s32 $0x1720;
	[sflag:s9] =	ssyncadd.s32 $0xFFFFFFD8  }
0xac: {  	[tilespmem:s2], [sflag:$0x2] =	stream.indirect.gather [hbm4b:s5+s8], $0x80, s8, s8, $0xb8;
	[tilespmem:$0x1C720] =	vst v63  }
0xad: {  	_ =	swait.ge @!p0 [sflag:s7], $0x1400  }
0xae: {  	s22 =	simm.s32 $0x118;
	s13 =	rddreg [dreg:$0x15];
	[sflag:s7] =	ssyncset.done @!p0 $0x0  }
0xaf: {  	s14 =	rddreg [dreg:$0x16];
	[sflag:s7] =	ssyncadd.s32 @!p0 $0xFFFFEC00;
	s15 =	sadd.s32 $0x0, s13  }
0xb0: {  	[tilespmem:s22], [sflag:$0x12] =	stream.linear.gather [hbm4b:s15+s4], $0x28, $0x38;
	[tilespmem:$0x1C720] =	vst v63  }
0xb1: {  	s28 =	simm.s32 $0xD;
	s1 =	simm.s32 $0x2A8;
	s23 =	sadd.s32 $0x0, s14  }
0xb2: {  	[tilespmem:s1], [sflag:$0x1C] =	stream.linear.gather [hbm4b:s23+s4], $0x28, $0x38;
	[tilespmem:$0x1C720] =	vst v63  }
0xb3: {  	_ =	swait.ge [sflag:s28], $0x28  }
0xb4: {  	[sflag:s28] =	ssyncset.done $0x0  }
0xb5: {  	s25 =	simm.s32 $0x17;
	[sflag:s28] =	ssyncadd.s32 $0xFFFFFFD8  }
0xb6: {  	_ =	swait.ge [sflag:s25], $0x28  }
0xb7: {  	[sflag:s25] =	ssyncset.done $0x0  }
0xb8: {  	[sflag:s25] =	ssyncadd.s32 $0xFFFFFFD8  }
0xb9: {  	[tilespmem:s0], [sflag:$0x3] =	stream.indirect.gather [hbm4b:s5+s8], $0x80, s19, s8, $0xb8;
	[tilespmem:$0x1C720] =	vst v63  }
0xba: {  	_ =	swait.ge [sflag:s24], $0x1400  }
0xbb: {  	[sflag:s24] =	ssyncset.done $0x0  }
0xbc: {  	s7 =	simm.s32 @!p0 $0x9;
	[sflag:s24] =	ssyncadd.s32 $0xFFFFEC00  }
0xbd: {  	[spmem:s3] =	stream.indirect.scatter.add.f32 [tilespmem:s6], [sflag:$0x6], $0x80, s17, s8, $0xb8;
	[tilespmem:$0x1C720] =	vst v63  }
0xbe: {  	_ =	swait.ge @!p0 [sflag:s7], $0x1400  }
0xbf: {  	s23 =	simm.s32 $0x140;
	s26 =	rddreg [dreg:$0x13];
	[sflag:s7] =	ssyncset.done @!p0 $0x0  }
0xc0: {  	s1 =	rddreg [dreg:$0x14];
	[sflag:s7] =	ssyncadd.s32 @!p0 $0xFFFFEC00;
	s14 =	sadd.s32 $0x0, s26  }
0xc1: {  	[tilespmem:s23], [sflag:$0x13] =	stream.linear.gather [hbm4b:s14+s4], $0x28, $0x38;
	[tilespmem:$0x1C720] =	vst v63  }
0xc2: {  	s15 =	rddreg [dreg:$0x17];
	s25 =	sadd.s32 $0x0, s1;
	s26 =	simm.s32 $0xE  }
0xc3: {  	[tilespmem:s15], [sflag:$0x1D] =	stream.linear.gather [hbm4b:s25+s4], $0x28, $0x38;
	[tilespmem:$0x1C720] =	vst v63  }
0xc4: {  	_ =	swait.ge [sflag:s26], $0x28  }
0xc5: {  	[sflag:s26] =	ssyncset.done $0x0  }
0xc6: {  	s7 =	simm.s32 $0x18;
	[sflag:s26] =	ssyncadd.s32 $0xFFFFFFD8  }
0xc7: {  	_ =	swait.ge [sflag:s7], $0x28  }
0xc8: {  	[sflag:s7] =	ssyncset.done $0x0  }
0xc9: {  	s9 =	simm.s32 $0x78;
	s26 =	simm.s32 $0x3F20;
	[sflag:s7] =	ssyncadd.s32 $0xFFFFFFD8  }
0xca: {  	[tilespmem:s26], [sflag:$0x4] =	stream.indirect.gather [hbm4b:s5+s8], $0x80, s9, s8, $0xb8;
	[tilespmem:$0x1C720] =	vst v63  }
0xcb: {  	_ =	swait.ge [sflag:s21], $0x1400  }
0xcc: {  	[sflag:s21] =	ssyncset.done $0x0  }
0xcd: {  	s7 =	simm.s32 @!p0 $0xA;
	[sflag:s21] =	ssyncadd.s32 $0xFFFFEC00  }
0xce: {  	[spmem:s3] =	stream.indirect.scatter.add.f32 [tilespmem:s2], [sflag:$0x7], $0x80, s18, s8, $0xb8;
	[tilespmem:$0x1C720] =	vst v63  }
0xcf: {  	_ =	swait.ge @!p0 [sflag:s7], $0x1400  }
0xd0: {  	s25 =	simm.s32 $0x168;
	s13 =	rddreg [dreg:$0x11];
	[sflag:s7] =	ssyncset.done @!p0 $0x0  }
0xd1: {  	s14 =	rddreg [dreg:$0x12];
	[sflag:s7] =	ssyncadd.s32 @!p0 $0xFFFFEC00;
	s15 =	sadd.s32 $0x0, s13  }
0xd2: {  	[tilespmem:s25], [sflag:$0x14] =	stream.linear.gather [hbm4b:s15+s4], $0x28, $0x38;
	[tilespmem:$0x1C720] =	vst v63  }
0xd3: {  	s9 =	sadd.s32 $0x0, s14;
	s13 =	simm.s32 $0x2F8;
	s14 =	simm.s32 $0xF  }
0xd4: {  	[tilespmem:s13], [sflag:$0x1E] =	stream.linear.gather [hbm4b:s9+s4], $0x28, $0x38;
	[tilespmem:$0x1C720] =	vst v63  }
0xd5: {  	_ =	swait.ge [sflag:s14], $0x28  }
0xd6: {  	[sflag:s14] =	ssyncset.done $0x0  }
0xd7: {  	s15 =	simm.s32 $0x19;
	[sflag:s14] =	ssyncadd.s32 $0xFFFFFFD8  }
0xd8: {  	_ =	swait.ge [sflag:s15], $0x28  }
0xd9: {  	[sflag:s15] =	ssyncset.done $0x0  }
0xda: {  	s25 =	simm.s32 $0xA0;
	[sflag:s15] =	ssyncadd.s32 $0xFFFFFFD8  }
0xdb: {  	[tilespmem:s10], [sflag:$0x5] =	stream.indirect.gather [hbm4b:s5+s8], $0x80, s25, s8, $0xb8;
	[tilespmem:$0x1C720] =	vst v63  }
0xdc: {  	_ =	swait.ge [sflag:s11], $0x1400  }
0xdd: {  	[sflag:s11] =	ssyncset.done $0x0  }
0xde: {  	s7 =	simm.s32 $0x1E0;
	[sflag:s11] =	ssyncadd.s32 $0xFFFFEC00  }
0xdf: {  	[spmem:s3] =	stream.indirect.scatter.add.f32 [tilespmem:s0], [sflag:$0x8], $0x80, s7, s8, $0xb8;
	[tilespmem:$0x1C720] =	vst v63  }
0xe0: {  	_ =	swait.ge [sflag:s12], $0x1400  }
0xe1: {  	s15 =	sld [smem:$0x7F6];
	_ =	sdelay $0x1  }
0xe2: {  	p0 =	por $0x0, $0x0  }
0xe3: {  	[sflag:s12] =	ssyncset.done $0x0;
	s9 =	rddreg [dreg:$0x10];
	s7 =	sshrl.u32 @!p0 s15, $0x3  }
0xe4: {  	[sflag:s12] =	ssyncadd.s32 $0xFFFFEC00;
	s13 =	sadd.s32 @!p0 s16, s7;
	s7 =	simm.s32 @!p0 $0x0  }
0xe5: {  	[tilespmem:s7], [sflag:$0xB] =	stream.linear.gather @!p0 [hbm4b:s13+s7], $0x28, $0x38;
	[tilespmem:$0x1C720] =	vst v63  }
0xe6: {  	s9 =	sadd.s32 @!p0 $0x0, s9;
	s13 =	simm.s32 @!p0 $0x190  }
0xe7: {  	[tilespmem:s13], [sflag:$0x15] =	stream.linear.gather @!p0 [hbm4b:s9+s7], $0x28, $0x38;
	[tilespmem:$0x1C720] =	vst v63  }
0xe8: {  	_ =	swait.ge [sflag:s31], $0x28  }
0xe9: {  	[sflag:s31] =	ssyncset.done $0x0  }
0xea: {  	s9 =	simm.s32 $0x1A;
	[sflag:s31] =	ssyncadd.s32 $0xFFFFFFD8  }
0xeb: {  	_ =	swait.ge [sflag:s9], $0x28  }
0xec: {  	[sflag:s9] =	ssyncset.done $0x0  }
0xed: {  	s14 =	simm.s32 $0x4;
	s13 =	simm.s32 $0xC8;
	[sflag:s9] =	ssyncadd.s32 $0xFFFFFFD8  }
0xee: {  	[tilespmem:s6], [sflag:$0x1] =	stream.indirect.gather [hbm4b:s5+s8], $0x80, s13, s8, $0xb8;
	[tilespmem:$0x1C720] =	vst v63  }
0xef: {  	_ =	swait.ge [sflag:s14], $0x1400  }
0xf0: {  	[sflag:s14] =	ssyncset.done $0x0  }
0xf1: {  	s1 =	simm.s32 $0x7;
	s25 =	simm.s32 $0x208;
	[sflag:s14] =	ssyncadd.s32 $0xFFFFEC00  }
0xf2: {  	[spmem:s3] =	stream.indirect.scatter.add.f32 [tilespmem:s26], [sflag:$0x9], $0x80, s25, s8, $0xb8;
	[tilespmem:$0x1C720] =	vst v63  }
0xf3: {  	_ =	swait.ge [sflag:s1], $0x1400  }
0xf4: {  	s9 =	rddreg [dreg:$0xe]  }
0xf5: {  	[sflag:s1] =	ssyncset.done $0x0;
	s13 =	rddreg [dreg:$0xf]  }
0xf6: {  	[sflag:s1] =	ssyncadd.s32 $0xFFFFEC00;
	s14 =	sadd.s32 @!p0 $0x0, s9;
	s9 =	simm.s32 @!p0 $0x28  }
0xf7: {  	[tilespmem:s9], [sflag:$0xC] =	stream.linear.gather @!p0 [hbm4b:s14+s7], $0x28, $0x38;
	[tilespmem:$0x1C720] =	vst v63  }
0xf8: {  	s13 =	sadd.s32 @!p0 $0x0, s13;
	s14 =	simm.s32 @!p0 $0x1B8  }
0xf9: {  	[tilespmem:s14], [sflag:$0x16] =	stream.linear.gather @!p0 [hbm4b:s13+s7], $0x28, $0x38;
	[tilespmem:$0x1C720] =	vst v63  }
0xfa: {  	s14 =	simm.s32 $0x11  }
0xfb: {  	_ =	swait.ge [sflag:s14], $0x28  }
0xfc: {  	[sflag:s14] =	ssyncset.done $0x0  }
0xfd: {  	s25 =	simm.s32 $0x1B;
	[sflag:s14] =	ssyncadd.s32 $0xFFFFFFD8  }
0xfe: {  	_ =	swait.ge [sflag:s25], $0x28  }
0xff: {  	[sflag:s25] =	ssyncset.done $0x0  }
0x100: {  	s0 =	simm.s32 $0xF0;
	[sflag:s25] =	ssyncadd.s32 $0xFFFFFFD8  }
0x101: {  	[tilespmem:s2], [sflag:$0x2] =	stream.indirect.gather [hbm4b:s5+s8], $0x80, s0, s8, $0xb8;
	[tilespmem:$0x1C720] =	vst v63  }
0x102: {  	_ =	swait.ge [sflag:s20], $0x1400  }
0x103: {  	[sflag:s20] =	ssyncset.done $0x0  }
0x104: {  	s1 =	simm.s32 $0x8;
	[sflag:s20] =	ssyncadd.s32 $0xFFFFEC00  }
0x105: {  	[spmem:s3] =	stream.indirect.scatter.add.f32 [tilespmem:s30], [sflag:$0xA], $0x80, s29, s8, $0xb8;
	[tilespmem:$0x1C720] =	vst v63  }
0x106: {  	_ =	swait.ge [sflag:s1], $0x1400  }
0x107: {  	s25 =	simm.s32 @!p0 $0x50;
	s13 =	rddreg [dreg:$0xc];
	[sflag:s1] =	ssyncset.done $0x0  }
0x108: {  	s14 =	rddreg [dreg:$0xd];
	[sflag:s1] =	ssyncadd.s32 $0xFFFFEC00;
	s13 =	sadd.s32 @!p0 $0x0, s13  }
0x109: {  	[tilespmem:s25], [sflag:$0xD] =	stream.linear.gather @!p0 [hbm4b:s13+s7], $0x28, $0x38;
	[tilespmem:$0x1C720] =	vst v63  }
0x10a: {  	s13 =	sadd.s32 @!p0 $0x0, s14;
	s14 =	simm.s32 @!p0 $0x1E0  }
0x10b: {  	[tilespmem:s14], [sflag:$0x17] =	stream.linear.gather @!p0 [hbm4b:s13+s7], $0x28, $0x38;
	[tilespmem:$0x1C720] =	vst v63  }
0x10c: {  	s14 =	simm.s32 $0x12  }
0x10d: {  	_ =	swait.ge [sflag:s14], $0x28  }
0x10e: {  	[sflag:s14] =	ssyncset.done $0x0  }
0x10f: {  	s25 =	simm.s32 $0x1C;
	[sflag:s14] =	ssyncadd.s32 $0xFFFFFFD8  }
0x110: {  	_ =	swait.ge [sflag:s25], $0x28  }
0x111: {  	[sflag:s25] =	ssyncset.done $0x0  }
0x112: {  	s10 =	simm.s32 $0x2B20;
	[sflag:s25] =	ssyncadd.s32 $0xFFFFFFD8  }
0x113: {  	[tilespmem:s10], [sflag:$0x3] =	stream.indirect.gather [hbm4b:s5+s8], $0x80, s22, s8, $0xb8;
	[tilespmem:$0x1C720] =	vst v63  }
0x114: {  	_ =	swait.ge [sflag:s24], $0x1400  }
0x115: {  	[sflag:s24] =	ssyncset.done $0x0  }
0x116: {  	s1 =	simm.s32 $0x258;
	[sflag:s24] =	ssyncadd.s32 $0xFFFFEC00  }
0x117: {  	[spmem:s3] =	stream.indirect.scatter.add.f32 [tilespmem:s6], [sflag:$0x6], $0x80, s1, s8, $0xb8;
	[tilespmem:$0x1C720] =	vst v63  }
0x118: {  	s6 =	simm.s32 $0x9  }
0x119: {  	_ =	swait.ge [sflag:s6], $0x1400  }
0x11a: {  	s25 =	simm.s32 @!p0 $0x78;
	s13 =	rddreg [dreg:$0xa];
	[sflag:s6] =	ssyncset.done $0x0  }
0x11b: {  	s14 =	rddreg [dreg:$0xb];
	[sflag:s6] =	ssyncadd.s32 $0xFFFFEC00;
	s13 =	sadd.s32 @!p0 $0x0, s13  }
0x11c: {  	[tilespmem:s25], [sflag:$0xE] =	stream.linear.gather @!p0 [hbm4b:s13+s7], $0x28, $0x38;
	[tilespmem:$0x1C720] =	vst v63  }
0x11d: {  	s22 =	simm.s32 $0x13;
	s13 =	sadd.s32 @!p0 $0x0, s14;
	s14 =	simm.s32 @!p0 $0x208  }
0x11e: {  	[tilespmem:s14], [sflag:$0x18] =	stream.linear.gather @!p0 [hbm4b:s13+s7], $0x28, $0x38;
	[tilespmem:$0x1C720] =	vst v63  }
0x11f: {  	_ =	swait.ge [sflag:s22], $0x28  }
0x120: {  	[sflag:s22] =	ssyncset.done $0x0  }
0x121: {  	s25 =	simm.s32 $0x1D;
	[sflag:s22] =	ssyncadd.s32 $0xFFFFFFD8  }
0x122: {  	_ =	swait.ge [sflag:s25], $0x28  }
0x123: {  	[sflag:s25] =	ssyncset.done $0x0  }
0x124: {  	[sflag:s25] =	ssyncadd.s32 $0xFFFFFFD8  }
0x125: {  	[tilespmem:s26], [sflag:$0x4] =	stream.indirect.gather [hbm4b:s5+s8], $0x80, s23, s8, $0xb8;
	[tilespmem:$0x1C720] =	vst v63  }
0x126: {  	_ =	swait.ge [sflag:s21], $0x1400  }
0x127: {  	[sflag:s21] =	ssyncset.done $0x0  }
0x128: {  	s1 =	simm.s32 $0x280;
	s6 =	simm.s32 $0xA;
	[sflag:s21] =	ssyncadd.s32 $0xFFFFEC00  }
0x129: {  	[spmem:s3] =	stream.indirect.scatter.add.f32 [tilespmem:s2], [sflag:$0x7], $0x80, s1, s8, $0xb8;
	[tilespmem:$0x1C720] =	vst v63  }
0x12a: {  	_ =	swait.ge [sflag:s6], $0x1400  }
0x12b: {  	s25 =	simm.s32 @!p0 $0xA0;
	s13 =	rddreg [dreg:$0x8];
	[sflag:s6] =	ssyncset.done $0x0  }
0x12c: {  	s14 =	rddreg [dreg:$0x9];
	[sflag:s6] =	ssyncadd.s32 $0xFFFFEC00;
	s13 =	sadd.s32 @!p0 $0x0, s13  }
0x12d: {  	[tilespmem:s25], [sflag:$0xF] =	stream.linear.gather @!p0 [hbm4b:s13+s7], $0x28, $0x38;
	[tilespmem:$0x1C720] =	vst v63  }
0x12e: {  	s22 =	simm.s32 $0x14;
	s13 =	sadd.s32 @!p0 $0x0, s14;
	s14 =	simm.s32 @!p0 $0x230  }
0x12f: {  	[tilespmem:s14], [sflag:$0x19] =	stream.linear.gather @!p0 [hbm4b:s13+s7], $0x28, $0x38;
	[tilespmem:$0x1C720] =	vst v63  }
0x130: {  	_ =	swait.ge [sflag:s22], $0x28  }
0x131: {  	[sflag:s22] =	ssyncset.done $0x0  }
0x132: {  	s23 =	simm.s32 $0x1E;
	[sflag:s22] =	ssyncadd.s32 $0xFFFFFFD8  }
0x133: {  	_ =	swait.ge [sflag:s23], $0x28  }
0x134: {  	[sflag:s23] =	ssyncset.done $0x0  }
0x135: {  	s25 =	simm.s32 $0x168;
	[sflag:s23] =	ssyncadd.s32 $0xFFFFFFD8  }
0x136: {  	[tilespmem:s30], [sflag:$0x5] =	stream.indirect.gather [hbm4b:s5+s8], $0x80, s25, s8, $0xb8;
	[tilespmem:$0x1C720] =	vst v63  }
0x137: {  	_ =	swait.ge [sflag:s11], $0x1400  }
0x138: {  	[sflag:s11] =	ssyncset.done $0x0  }
0x139: {  	s26 =	simm.s32 $0x2A8;
	[sflag:s11] =	ssyncadd.s32 $0xFFFFEC00  }
0x13a: {  	[spmem:s3] =	stream.indirect.scatter.add.f32 [tilespmem:s10], [sflag:$0x8], $0x80, s26, s8, $0xb8;
	[tilespmem:$0x1C720] =	vst v63  }
0x13b: {  	_ =	swait.ge [sflag:s12], $0x1400  }
0x13c: {  	[sflag:s12] =	ssyncset.done $0x0  }
0x13d: {  	s13 =	simm.s32 @p0 $0x4;
	[sflag:s12] =	ssyncadd.s32 $0xFFFFEC00  }
0x13e: {  	_ =	swait.ge @p0 [sflag:s13], $0x1400  }
0x13f: {  	s14 =	simm.s32 @p0 $0x3F20;
	[sflag:s13] =	ssyncset.done @p0 $0x0  }
0x140: {  	s25 =	simm.s32 @p0 $0x2D0;
	[sflag:s13] =	ssyncadd.s32 @p0 $0xFFFFEC00;
	s13 =	simm.s32 @p0 $0x28  }
0x141: {  	[spmem:s3] =	stream.indirect.scatter.add.f32 @p0 [tilespmem:s14], [sflag:$0x9], $0x80, s25, s13, $0xb8;
	[tilespmem:$0x1C720] =	vst v63  }
0x142: {  	s13 =	simm.s32 @p0 $0x7  }
0x143: {  	_ =	swait.ge @p0 [sflag:s13], $0x1400  }
0x144: {  	s14 =	rddreg [dreg:$0x6]  }
0x145: {  	[sflag:s13] =	ssyncset.done @p0 $0x0;
	s25 =	rddreg [dreg:$0x7]  }
0x146: {  	[sflag:s13] =	ssyncadd.s32 @p0 $0xFFFFEC00;
	s13 =	sadd.s32 @!p0 $0x0, s14;
	s14 =	simm.s32 @!p0 $0xC8  }
0x147: {  	[tilespmem:s14], [sflag:$0x10] =	stream.linear.gather @!p0 [hbm4b:s13+s7], $0x28, $0x38;
	[tilespmem:$0x1C720] =	vst v63  }
0x148: {  	s13 =	sadd.s32 @!p0 $0x0, s25;
	s14 =	simm.s32 @!p0 $0x258;
	s25 =	simm.s32 @!p0 $0xB  }
0x149: {  	[tilespmem:s14], [sflag:$0x1A] =	stream.linear.gather @!p0 [hbm4b:s13+s7], $0x28, $0x38;
	[tilespmem:$0x1C720] =	vst v63  }
0x14a: {  	_ =	swait.ge @!p0 [sflag:s25], $0x28  }
0x14b: {  	[sflag:s25] =	ssyncset.done @!p0 $0x0  }
0x14c: {  	s13 =	simm.s32 @!p0 $0x15;
	[sflag:s25] =	ssyncadd.s32 @!p0 $0xFFFFFFD8  }
0x14d: {  	_ =	swait.ge @!p0 [sflag:s13], $0x28  }
0x14e: {  	[sflag:s13] =	ssyncset.done @!p0 $0x0  }
0x14f: {  	s14 =	simm.s32 @!p0 $0x4;
	[sflag:s13] =	ssyncadd.s32 @!p0 $0xFFFFFFD8;
	s13 =	simm.s32 @!p0 $0x320  }
0x150: {  	[tilespmem:s13], [sflag:$0x1] =	stream.indirect.gather @!p0 [hbm4b:s5+s9], $0x80, s7, s9, $0xb8;
	[tilespmem:$0x1C720] =	vst v63  }
0x151: {  	_ =	swait.ge @!p0 [sflag:s14], $0x1400  }
0x152: {  	s25 =	simm.s32 @!p0 $0x3F20;
	[sflag:s14] =	ssyncset.done @!p0 $0x0  }
0x153: {  	s13 =	simm.s32 @!p0 $0x7;
	[sflag:s14] =	ssyncadd.s32 @!p0 $0xFFFFEC00;
	s14 =	simm.s32 @!p0 $0x2D0  }
0x154: {  	[spmem:s3] =	stream.indirect.scatter.add.f32 @!p0 [tilespmem:s25], [sflag:$0x9], $0x80, s14, s9, $0xb8;
	[tilespmem:$0x1C720] =	vst v63  }
0x155: {  	_ =	swait.ge @!p0 [sflag:s13], $0x1400  }
0x156: {  	s14 =	rddreg [dreg:$0x4]  }
0x157: {  	[sflag:s13] =	ssyncset.done @!p0 $0x0;
	s25 =	rddreg [dreg:$0x5]  }
0x158: {  	[sflag:s13] =	ssyncadd.s32 @!p0 $0xFFFFEC00;
	s13 =	sadd.s32 @!p0 $0x0, s14;
	s14 =	simm.s32 @!p0 $0xF0  }
0x159: {  	[tilespmem:s14], [sflag:$0x11] =	stream.linear.gather @!p0 [hbm4b:s13+s7], $0x28, $0x38;
	[tilespmem:$0x1C720] =	vst v63  }
0x15a: {  	s13 =	sadd.s32 @!p0 $0x0, s25;
	s14 =	simm.s32 @!p0 $0x280  }
0x15b: {  	[tilespmem:s14], [sflag:$0x1B] =	stream.linear.gather @!p0 [hbm4b:s13+s7], $0x28, $0x38;
	[tilespmem:$0x1C720] =	vst v63  }
0x15c: {  	s7 =	simm.s32 @!p0 $0xC  }
0x15d: {  	_ =	swait.ge @!p0 [sflag:s7], $0x28  }
0x15e: {  	[sflag:s7] =	ssyncset.done @!p0 $0x0  }
0x15f: {  	[sflag:s7] =	ssyncadd.s32 @!p0 $0xFFFFFFD8;
	s7 =	simm.s32 @!p0 $0x16  }
0x160: {  	_ =	swait.ge @!p0 [sflag:s7], $0x28  }
0x161: {  	[sflag:s7] =	ssyncset.done @!p0 $0x0  }
0x162: {  	[sflag:s7] =	ssyncadd.s32 @!p0 $0xFFFFFFD8;
	s7 =	simm.s32 @!p0 $0x1720  }
0x163: {  	[tilespmem:s7], [sflag:$0x2] =	stream.indirect.gather @!p0 [hbm4b:s5+s9], $0x80, s9, s9, $0xb8;
	[tilespmem:$0x1C720] =	vst v63  }
0x164: {  	p1 =	por $0x0, $0x0;
	s29 =	simm.s32 $0x32;
	_ =	swait.ge [sflag:s20], $0x1400  }
0x165: {  	s25 =	simm.s32 $0x64;
	s13 =	sadd.s32 $0x190, s15;
	[sflag:s20] =	ssyncset.done $0x0  }
.LBB2_4:
0x166: {  	s9 =	simm.s32 @!p1 $0x8;
	[sflag:s20] =	ssyncadd.s32 $0xFFFFEC00;
	s0 =	simm.s32 $0x2F8  }
0x167: {  	[spmem:s3] =	stream.indirect.scatter.add.f32 [tilespmem:s30], [sflag:$0xA], $0x80, s0, s8, $0xb8;
	[tilespmem:$0x1C720] =	vst v63  }
0x168: {  	_ =	swait.ge @!p1 [sflag:s9], $0x1400  }
0x169: {  	s22 =	simm.s32 $0x118;
	[sflag:s9] =	ssyncset.done @!p1 $0x0;
	s14 =	rddreg [dreg:$0x15]  }
0x16a: {  	s15 =	rddreg [dreg:$0x16];
	[sflag:s9] =	ssyncadd.s32 @!p1 $0xFFFFEC00;
	s14 =	sadd.s32 s29, s14  }
0x16b: {  	[tilespmem:s22], [sflag:$0x12] =	stream.linear.gather [hbm4b:s14+s4], $0x28, $0x38;
	[tilespmem:$0x1C720] =	vst v63  }
0x16c: {  	s1 =	simm.s32 $0x2A8;
	s9 =	sadd.s32 s29, s15  }
0x16d: {  	[tilespmem:s1], [sflag:$0x1C] =	stream.linear.gather [hbm4b:s9+s4], $0x28, $0x38;
	[tilespmem:$0x1C720] =	vst v63  }
0x16e: {  	_ =	swait.ge [sflag:s28], $0x28  }
0x16f: {  	[sflag:s28] =	ssyncset.done $0x0  }
0x170: {  	s2 =	simm.s32 $0x17;
	[sflag:s28] =	ssyncadd.s32 $0xFFFFFFD8  }
0x171: {  	_ =	swait.ge [sflag:s2], $0x28  }
0x172: {  	[sflag:s2] =	ssyncset.done $0x0  }
0x173: {  	[sflag:s2] =	ssyncadd.s32 $0xFFFFFFD8  }
0x174: {  	[tilespmem:s10], [sflag:$0x3] =	stream.indirect.gather [hbm4b:s5+s8], $0x80, s19, s8, $0xb8;
	[tilespmem:$0x1C720] =	vst v63  }
0x175: {  	_ =	swait.ge [sflag:s24], $0x1400  }
0x176: {  	[sflag:s24] =	ssyncset.done $0x0  }
0x177: {  	s6 =	simm.s32 $0x320;
	s9 =	simm.s32 @!p1 $0x9;
	[sflag:s24] =	ssyncadd.s32 $0xFFFFEC00  }
0x178: {  	[spmem:s3] =	stream.indirect.scatter.add.f32 [tilespmem:s6], [sflag:$0x6], $0x80, s17, s8, $0xb8;
	[tilespmem:$0x1C720] =	vst v63  }
0x179: {  	_ =	swait.ge @!p1 [sflag:s9], $0x1400  }
0x17a: {  	s23 =	simm.s32 $0x140;
	s17 =	rddreg [dreg:$0x13];
	[sflag:s9] =	ssyncset.done @!p1 $0x0  }
0x17b: {  	s15 =	rddreg [dreg:$0x14];
	[sflag:s9] =	ssyncadd.s32 @!p1 $0xFFFFEC00;
	s19 =	sadd.s32 s29, s17  }
0x17c: {  	[tilespmem:s23], [sflag:$0x13] =	stream.linear.gather [hbm4b:s19+s4], $0x28, $0x38;
	[tilespmem:$0x1C720] =	vst v63  }
0x17d: {  	s14 =	simm.s32 $0xE;
	s26 =	rddreg [dreg:$0x17];
	s2 =	sadd.s32 s29, s15  }
0x17e: {  	[tilespmem:s26], [sflag:$0x1D] =	stream.linear.gather [hbm4b:s2+s4], $0x28, $0x38;
	[tilespmem:$0x1C720] =	vst v63  }
0x17f: {  	_ =	swait.ge [sflag:s14], $0x28  }
0x180: {  	[sflag:s14] =	ssyncset.done $0x0  }
0x181: {  	s15 =	simm.s32 $0x18;
	[sflag:s14] =	ssyncadd.s32 $0xFFFFFFD8  }
0x182: {  	_ =	swait.ge [sflag:s15], $0x28  }
0x183: {  	[sflag:s15] =	ssyncset.done $0x0  }
0x184: {  	s17 =	simm.s32 $0x78;
	s26 =	simm.s32 $0x3F20;
	[sflag:s15] =	ssyncadd.s32 $0xFFFFFFD8  }
0x185: {  	[tilespmem:s26], [sflag:$0x4] =	stream.indirect.gather [hbm4b:s5+s8], $0x80, s17, s8, $0xb8;
	[tilespmem:$0x1C720] =	vst v63  }
0x186: {  	_ =	swait.ge [sflag:s21], $0x1400  }
0x187: {  	[sflag:s21] =	ssyncset.done $0x0  }
0x188: {  	s9 =	simm.s32 @!p1 $0xA;
	s2 =	simm.s32 $0x1720;
	[sflag:s21] =	ssyncadd.s32 $0xFFFFEC00  }
0x189: {  	[spmem:s3] =	stream.indirect.scatter.add.f32 [tilespmem:s2], [sflag:$0x7], $0x80, s18, s8, $0xb8;
	[tilespmem:$0x1C720] =	vst v63  }
0x18a: {  	_ =	swait.ge @!p1 [sflag:s9], $0x1400  }
0x18b: {  	s18 =	rddreg [dreg:$0x11]  }
0x18c: {  	[sflag:s9] =	ssyncset.done @!p1 $0x0;
	s19 =	rddreg [dreg:$0x12]  }
0x18d: {  	[sflag:s9] =	ssyncadd.s32 @!p1 $0xFFFFEC00;
	s17 =	sadd.s32 s29, s18;
	s18 =	simm.s32 $0x168  }
0x18e: {  	[tilespmem:s18], [sflag:$0x14] =	stream.linear.gather [hbm4b:s17+s4], $0x28, $0x38;
	[tilespmem:$0x1C720] =	vst v63  }
0x18f: {  	s19 =	sadd.s32 s29, s19;
	s9 =	simm.s32 $0xF  }
0x190: {  	[tilespmem:s0], [sflag:$0x1E] =	stream.linear.gather [hbm4b:s19+s4], $0x28, $0x38;
	[tilespmem:$0x1C720] =	vst v63  }
0x191: {  	_ =	swait.ge [sflag:s9], $0x28  }
0x192: {  	[sflag:s9] =	ssyncset.done $0x0  }
0x193: {  	s14 =	simm.s32 $0x19;
	[sflag:s9] =	ssyncadd.s32 $0xFFFFFFD8  }
0x194: {  	_ =	swait.ge [sflag:s14], $0x28  }
0x195: {  	[sflag:s14] =	ssyncset.done $0x0  }
0x196: {  	s15 =	simm.s32 $0xA0;
	[sflag:s14] =	ssyncadd.s32 $0xFFFFFFD8  }
0x197: {  	[tilespmem:s30], [sflag:$0x5] =	stream.indirect.gather [hbm4b:s5+s8], $0x80, s15, s8, $0xb8;
	[tilespmem:$0x1C720] =	vst v63  }
0x198: {  	_ =	swait.ge [sflag:s11], $0x1400  }
0x199: {  	[sflag:s11] =	ssyncset.done $0x0  }
0x19a: {  	p1 =	seq.s32 s29, $0x4B0;
	s17 =	simm.s32 $0x1E0;
	[sflag:s11] =	ssyncadd.s32 $0xFFFFEC00  }
0x19b: {  	[spmem:s3] =	stream.indirect.scatter.add.f32 [tilespmem:s10], [sflag:$0x8], $0x80, s17, s8, $0xb8;
	[tilespmem:$0x1C720] =	vst v63  }
0x19c: {  	s9 =	sshrl.u32 @!p1 s13, $0x3;
	_ =	swait.ge [sflag:s12], $0x1400  }
0x19d: {  	s15 =	sadd.s32 @!p1 s16, s9;
	[sflag:s12] =	ssyncset.done $0x0  }
0x19e: {  	s9 =	simm.s32 @!p1 $0x0;
	s14 =	rddreg [dreg:$0x10];
	[sflag:s12] =	ssyncadd.s32 $0xFFFFEC00  }
0x19f: {  	[tilespmem:s9], [sflag:$0xB] =	stream.linear.gather @!p1 [hbm4b:s15+s9], $0x28, $0x38;
	[tilespmem:$0x1C720] =	vst v63  }
0x1a0: {  	s14 =	sadd.s32 @!p1 s29, s14;
	s15 =	simm.s32 @!p1 $0x190  }
0x1a1: {  	[tilespmem:s15], [sflag:$0x15] =	stream.linear.gather @!p1 [hbm4b:s14+s9], $0x28, $0x38;
	[tilespmem:$0x1C720] =	vst v63  }
0x1a2: {  	_ =	swait.ge [sflag:s31], $0x28  }
0x1a3: {  	[sflag:s31] =	ssyncset.done $0x0  }
0x1a4: {  	s19 =	simm.s32 $0x1A;
	[sflag:s31] =	ssyncadd.s32 $0xFFFFFFD8  }
0x1a5: {  	_ =	swait.ge [sflag:s19], $0x28  }
0x1a6: {  	[sflag:s19] =	ssyncset.done $0x0  }
0x1a7: {  	s0 =	simm.s32 $0xC8;
	s15 =	simm.s32 $0x4;
	[sflag:s19] =	ssyncadd.s32 $0xFFFFFFD8  }
0x1a8: {  	[tilespmem:s6], [sflag:$0x1] =	stream.indirect.gather [hbm4b:s5+s8], $0x80, s0, s8, $0xb8;
	[tilespmem:$0x1C720] =	vst v63  }
0x1a9: {  	_ =	swait.ge [sflag:s15], $0x1400  }
0x1aa: {  	[sflag:s15] =	ssyncset.done $0x0  }
0x1ab: {  	s17 =	simm.s32 $0x208;
	s19 =	simm.s32 $0x7;
	[sflag:s15] =	ssyncadd.s32 $0xFFFFEC00  }
0x1ac: {  	[spmem:s3] =	stream.indirect.scatter.add.f32 [tilespmem:s26], [sflag:$0x9], $0x80, s17, s8, $0xb8;
	[tilespmem:$0x1C720] =	vst v63  }
0x1ad: {  	_ =	swait.ge [sflag:s19], $0x1400  }
0x1ae: {  	s14 =	rddreg [dreg:$0xe];
	[sflag:s19] =	ssyncset.done $0x0  }
0x1af: {  	s15 =	rddreg [dreg:$0xf];
	[sflag:s19] =	ssyncadd.s32 $0xFFFFEC00  }
0x1b0: {  	s19 =	smov.u32 s16;
	s16 =	sadd.s32 @!p1 s29, s14;
	s14 =	simm.s32 @!p1 $0x28  }
0x1b1: {  	[tilespmem:s14], [sflag:$0xC] =	stream.linear.gather @!p1 [hbm4b:s16+s9], $0x28, $0x38;
	[tilespmem:$0x1C720] =	vst v63  }
0x1b2: {  	s15 =	sadd.s32 @!p1 s29, s15;
	s16 =	simm.s32 @!p1 $0x1B8  }
0x1b3: {  	[tilespmem:s16], [sflag:$0x16] =	stream.linear.gather @!p1 [hbm4b:s15+s9], $0x28, $0x38;
	[tilespmem:$0x1C720] =	vst v63  }
0x1b4: {  	s16 =	simm.s32 $0x11  }
0x1b5: {  	_ =	swait.ge [sflag:s16], $0x28  }
0x1b6: {  	[sflag:s16] =	ssyncset.done $0x0  }
0x1b7: {  	s17 =	simm.s32 $0x1B;
	[sflag:s16] =	ssyncadd.s32 $0xFFFFFFD8  }
0x1b8: {  	_ =	swait.ge [sflag:s17], $0x28  }
0x1b9: {  	[sflag:s17] =	ssyncset.done $0x0  }
0x1ba: {  	s0 =	simm.s32 $0xF0;
	[sflag:s17] =	ssyncadd.s32 $0xFFFFFFD8  }
0x1bb: {  	[tilespmem:s2], [sflag:$0x2] =	stream.indirect.gather [hbm4b:s5+s8], $0x80, s0, s8, $0xb8;
	[tilespmem:$0x1C720] =	vst v63  }
0x1bc: {  	_ =	swait.ge [sflag:s20], $0x1400  }
0x1bd: {  	[sflag:s20] =	ssyncset.done $0x0  }
0x1be: {  	s16 =	simm.s32 $0x230;
	s17 =	simm.s32 $0x8;
	[sflag:s20] =	ssyncadd.s32 $0xFFFFEC00  }
0x1bf: {  	[spmem:s3] =	stream.indirect.scatter.add.f32 [tilespmem:s30], [sflag:$0xA], $0x80, s16, s8, $0xb8;
	[tilespmem:$0x1C720] =	vst v63  }
0x1c0: {  	_ =	swait.ge [sflag:s17], $0x1400  }
0x1c1: {  	s15 =	rddreg [dreg:$0xc]  }
0x1c2: {  	[sflag:s17] =	ssyncset.done $0x0;
	s16 =	rddreg [dreg:$0xd]  }
0x1c3: {  	[sflag:s17] =	ssyncadd.s32 $0xFFFFEC00;
	s15 =	sadd.s32 @!p1 s29, s15;
	s17 =	simm.s32 @!p1 $0x50  }
0x1c4: {  	[tilespmem:s17], [sflag:$0xD] =	stream.linear.gather @!p1 [hbm4b:s15+s9], $0x28, $0x38;
	[tilespmem:$0x1C720] =	vst v63  }
0x1c5: {  	s15 =	sadd.s32 @!p1 s29, s16;
	s16 =	simm.s32 @!p1 $0x1E0  }
0x1c6: {  	[tilespmem:s16], [sflag:$0x17] =	stream.linear.gather @!p1 [hbm4b:s15+s9], $0x28, $0x38;
	[tilespmem:$0x1C720] =	vst v63  }
0x1c7: {  	s16 =	simm.s32 $0x12  }
0x1c8: {  	_ =	swait.ge [sflag:s16], $0x28  }
0x1c9: {  	[sflag:s16] =	ssyncset.done $0x0  }
0x1ca: {  	s17 =	simm.s32 $0x1C;
	[sflag:s16] =	ssyncadd.s32 $0xFFFFFFD8  }
0x1cb: {  	_ =	swait.ge [sflag:s17], $0x28  }
0x1cc: {  	[sflag:s17] =	ssyncset.done $0x0  }
0x1cd: {  	[sflag:s17] =	ssyncadd.s32 $0xFFFFFFD8  }
0x1ce: {  	[tilespmem:s10], [sflag:$0x3] =	stream.indirect.gather [hbm4b:s5+s8], $0x80, s22, s8, $0xb8;
	[tilespmem:$0x1C720] =	vst v63  }
0x1cf: {  	_ =	swait.ge [sflag:s24], $0x1400  }
0x1d0: {  	[sflag:s24] =	ssyncset.done $0x0  }
0x1d1: {  	s0 =	simm.s32 $0x258;
	[sflag:s24] =	ssyncadd.s32 $0xFFFFEC00  }
0x1d2: {  	[spmem:s3] =	stream.indirect.scatter.add.f32 [tilespmem:s6], [sflag:$0x6], $0x80, s0, s8, $0xb8;
	[tilespmem:$0x1C720] =	vst v63  }
0x1d3: {  	s6 =	simm.s32 $0x9  }
0x1d4: {  	_ =	swait.ge [sflag:s6], $0x1400  }
0x1d5: {  	s17 =	simm.s32 @!p1 $0x78;
	s15 =	rddreg [dreg:$0xa];
	[sflag:s6] =	ssyncset.done $0x0  }
0x1d6: {  	s16 =	rddreg [dreg:$0xb];
	[sflag:s6] =	ssyncadd.s32 $0xFFFFEC00;
	s15 =	sadd.s32 @!p1 s29, s15  }
0x1d7: {  	[tilespmem:s17], [sflag:$0xE] =	stream.linear.gather @!p1 [hbm4b:s15+s9], $0x28, $0x38;
	[tilespmem:$0x1C720] =	vst v63  }
0x1d8: {  	s15 =	sadd.s32 @!p1 s29, s16;
	s16 =	simm.s32 @!p1 $0x208  }
0x1d9: {  	[tilespmem:s16], [sflag:$0x18] =	stream.linear.gather @!p1 [hbm4b:s15+s9], $0x28, $0x38;
	[tilespmem:$0x1C720] =	vst v63  }
0x1da: {  	s15 =	simm.s32 $0x13  }
0x1db: {  	_ =	swait.ge [sflag:s15], $0x28  }
0x1dc: {  	[sflag:s15] =	ssyncset.done $0x0  }
0x1dd: {  	s16 =	simm.s32 $0x1D;
	[sflag:s15] =	ssyncadd.s32 $0xFFFFFFD8  }
0x1de: {  	_ =	swait.ge [sflag:s16], $0x28  }
0x1df: {  	[sflag:s16] =	ssyncset.done $0x0  }
0x1e0: {  	[sflag:s16] =	ssyncadd.s32 $0xFFFFFFD8  }
0x1e1: {  	[tilespmem:s26], [sflag:$0x4] =	stream.indirect.gather [hbm4b:s5+s8], $0x80, s23, s8, $0xb8;
	[tilespmem:$0x1C720] =	vst v63  }
0x1e2: {  	_ =	swait.ge [sflag:s21], $0x1400  }
0x1e3: {  	[sflag:s21] =	ssyncset.done $0x0  }
0x1e4: {  	s22 =	simm.s32 $0xA;
	s17 =	simm.s32 $0x280;
	[sflag:s21] =	ssyncadd.s32 $0xFFFFEC00  }
0x1e5: {  	[spmem:s3] =	stream.indirect.scatter.add.f32 [tilespmem:s2], [sflag:$0x7], $0x80, s17, s8, $0xb8;
	[tilespmem:$0x1C720] =	vst v63  }
0x1e6: {  	_ =	swait.ge [sflag:s22], $0x1400  }
0x1e7: {  	s17 =	simm.s32 @!p1 $0xA0;
	s15 =	rddreg [dreg:$0x8];
	[sflag:s22] =	ssyncset.done $0x0  }
0x1e8: {  	s16 =	rddreg [dreg:$0x9];
	[sflag:s22] =	ssyncadd.s32 $0xFFFFEC00;
	s15 =	sadd.s32 @!p1 s29, s15  }
0x1e9: {  	[tilespmem:s17], [sflag:$0xF] =	stream.linear.gather @!p1 [hbm4b:s15+s9], $0x28, $0x38;
	[tilespmem:$0x1C720] =	vst v63  }
0x1ea: {  	s23 =	simm.s32 $0x14;
	s15 =	sadd.s32 @!p1 s29, s16;
	s16 =	simm.s32 @!p1 $0x230  }
0x1eb: {  	[tilespmem:s16], [sflag:$0x19] =	stream.linear.gather @!p1 [hbm4b:s15+s9], $0x28, $0x38;
	[tilespmem:$0x1C720] =	vst v63  }
0x1ec: {  	_ =	swait.ge [sflag:s23], $0x28  }
0x1ed: {  	[sflag:s23] =	ssyncset.done $0x0  }
0x1ee: {  	s26 =	simm.s32 $0x1E;
	[sflag:s23] =	ssyncadd.s32 $0xFFFFFFD8  }
0x1ef: {  	_ =	swait.ge [sflag:s26], $0x28  }
0x1f0: {  	[sflag:s26] =	ssyncset.done $0x0  }
0x1f1: {  	[sflag:s26] =	ssyncadd.s32 $0xFFFFFFD8  }
0x1f2: {  	[tilespmem:s30], [sflag:$0x5] =	stream.indirect.gather [hbm4b:s5+s8], $0x80, s18, s8, $0xb8;
	[tilespmem:$0x1C720] =	vst v63  }
0x1f3: {  	_ =	swait.ge [sflag:s11], $0x1400  }
0x1f4: {  	[sflag:s11] =	ssyncset.done $0x0  }
0x1f5: {  	[sflag:s11] =	ssyncadd.s32 $0xFFFFEC00  }
0x1f6: {  	[spmem:s3] =	stream.indirect.scatter.add.f32 [tilespmem:s10], [sflag:$0x8], $0x80, s1, s8, $0xb8;
	[tilespmem:$0x1C720] =	vst v63  }
0x1f7: {  	_ =	swait.ge [sflag:s12], $0x1400  }
0x1f8: {  	[sflag:s12] =	ssyncset.done $0x0  }
0x1f9: {  	s15 =	simm.s32 @p1 $0x4;
	[sflag:s12] =	ssyncadd.s32 $0xFFFFEC00  }
0x1fa: {  	_ =	swait.ge @p1 [sflag:s15], $0x1400  }
0x1fb: {  	s17 =	simm.s32 @p1 $0x7;
	s16 =	simm.s32 @p1 $0x3F20;
	[sflag:s15] =	ssyncset.done @p1 $0x0  }
0x1fc: {  	s18 =	simm.s32 @p1 $0x2D0;
	[sflag:s15] =	ssyncadd.s32 @p1 $0xFFFFEC00;
	s15 =	simm.s32 @p1 $0x28  }
0x1fd: {  	[spmem:s3] =	stream.indirect.scatter.add.f32 @p1 [tilespmem:s16], [sflag:$0x9], $0x80, s18, s15, $0xb8;
	[tilespmem:$0x1C720] =	vst v63  }
0x1fe: {  	_ =	swait.ge @p1 [sflag:s17], $0x1400  }
0x1ff: {  	s15 =	rddreg [dreg:$0x6]  }
0x200: {  	[sflag:s17] =	ssyncset.done @p1 $0x0;
	s16 =	rddreg [dreg:$0x7]  }
0x201: {  	[sflag:s17] =	ssyncadd.s32 @p1 $0xFFFFEC00;
	s15 =	sadd.s32 @!p1 s29, s15;
	s17 =	simm.s32 @!p1 $0xC8  }
0x202: {  	[tilespmem:s17], [sflag:$0x10] =	stream.linear.gather @!p1 [hbm4b:s15+s9], $0x28, $0x38;
	[tilespmem:$0x1C720] =	vst v63  }
0x203: {  	s15 =	sadd.s32 @!p1 s29, s16;
	s16 =	simm.s32 @!p1 $0x258;
	s17 =	simm.s32 @!p1 $0xB  }
0x204: {  	[tilespmem:s16], [sflag:$0x1A] =	stream.linear.gather @!p1 [hbm4b:s15+s9], $0x28, $0x38;
	[tilespmem:$0x1C720] =	vst v63  }
0x205: {  	_ =	swait.ge @!p1 [sflag:s17], $0x28  }
0x206: {  	[sflag:s17] =	ssyncset.done @!p1 $0x0  }
0x207: {  	s15 =	simm.s32 @!p1 $0x15;
	[sflag:s17] =	ssyncadd.s32 @!p1 $0xFFFFFFD8  }
0x208: {  	_ =	swait.ge @!p1 [sflag:s15], $0x28  }
0x209: {  	[sflag:s15] =	ssyncset.done @!p1 $0x0  }
0x20a: {  	s16 =	simm.s32 @!p1 $0x4;
	[sflag:s15] =	ssyncadd.s32 @!p1 $0xFFFFFFD8;
	s15 =	simm.s32 @!p1 $0x320  }
0x20b: {  	[tilespmem:s15], [sflag:$0x1] =	stream.indirect.gather @!p1 [hbm4b:s5+s14], $0x80, s9, s14, $0xb8;
	[tilespmem:$0x1C720] =	vst v63  }
0x20c: {  	_ =	swait.ge @!p1 [sflag:s16], $0x1400  }
0x20d: {  	s17 =	simm.s32 @!p1 $0x3F20;
	[sflag:s16] =	ssyncset.done @!p1 $0x0  }
0x20e: {  	s15 =	simm.s32 @!p1 $0x7;
	[sflag:s16] =	ssyncadd.s32 @!p1 $0xFFFFEC00;
	s16 =	simm.s32 @!p1 $0x2D0  }
0x20f: {  	[spmem:s3] =	stream.indirect.scatter.add.f32 @!p1 [tilespmem:s17], [sflag:$0x9], $0x80, s16, s14, $0xb8;
	[tilespmem:$0x1C720] =	vst v63  }
0x210: {  	_ =	swait.ge @!p1 [sflag:s15], $0x1400  }
0x211: {  	s16 =	rddreg [dreg:$0x4]  }
0x212: {  	[sflag:s15] =	ssyncset.done @!p1 $0x0;
	s17 =	rddreg [dreg:$0x5]  }
0x213: {  	[sflag:s15] =	ssyncadd.s32 @!p1 $0xFFFFEC00;
	s15 =	sadd.s32 @!p1 s29, s16;
	s16 =	simm.s32 @!p1 $0xF0  }
0x214: {  	[tilespmem:s16], [sflag:$0x11] =	stream.linear.gather @!p1 [hbm4b:s15+s9], $0x28, $0x38;
	[tilespmem:$0x1C720] =	vst v63  }
0x215: {  	s15 =	sadd.s32 @!p1 s29, s17;
	s16 =	simm.s32 @!p1 $0x280;
	s17 =	simm.s32 @!p1 $0xC  }
0x216: {  	[tilespmem:s16], [sflag:$0x1B] =	stream.linear.gather @!p1 [hbm4b:s15+s9], $0x28, $0x38;
	[tilespmem:$0x1C720] =	vst v63  }
0x217: {  	_ =	swait.ge @!p1 [sflag:s17], $0x28  }
0x218: {  	s7 =	smov.u32 s25;
	s25 =	sadd.s32 $0x32, s25;
	[sflag:s17] =	ssyncset.done @!p1 $0x0  }
0x219: {  	s29 =	smov.u32 s7;
	s7 =	simm.s32 @!p1 $0x16;
	[sflag:s17] =	ssyncadd.s32 @!p1 $0xFFFFFFD8  }
0x21a: {  	p0 =	sne.s32 s25, $0x4E2;
	_ =	swait.ge @!p1 [sflag:s7], $0x28  }
.Ltmp1:
0x21b: {  	s13 =	sadd.s32 $0x190, s13;
	[sflag:s7] =	ssyncset.done @!p1 $0x0;
	(pc) =	sbr.rel @p0 .LBB2_4-.Ltmp1, $4  }
0x21c: {  	s18 =	simm.s32 $0x1B8;
	[sflag:s7] =	ssyncadd.s32 @!p1 $0xFFFFFFD8;
	s7 =	simm.s32 @!p1 $0x1720  }
0x21d: {  	[tilespmem:s7], [sflag:$0x2] =	stream.indirect.gather @!p1 [hbm4b:s5+s14], $0x80, s14, s14, $0xb8;
	[tilespmem:$0x1C720] =	vst v63  }
0x21e: {  	s16 =	smov.u32 s19;
	s19 =	simm.s32 $0x50;
	_ =	swait.ge [sflag:s20], $0x1400  }
0x21f: {  	s17 =	simm.s32 $0x190;
	p1 =	seq.s32 s29, $0x0;
	[sflag:s20] =	ssyncset.done $0x0  }
0x220: {  	s7 =	simm.s32 @!p1 $0x8;
	[sflag:s20] =	ssyncadd.s32 $0xFFFFEC00;
	s0 =	simm.s32 $0x2F8  }
0x221: {  	[spmem:s3] =	stream.indirect.scatter.add.f32 [tilespmem:s30], [sflag:$0xA], $0x80, s0, s8, $0xb8;
	[tilespmem:$0x1C720] =	vst v63  }
0x222: {  	_ =	swait.ge @!p1 [sflag:s7], $0x1400  }
0x223: {  	s1 =	simm.s32 $0x118;
	s9 =	rddreg [dreg:$0x15];
	[sflag:s7] =	ssyncset.done @!p1 $0x0  }
0x224: {  	s14 =	rddreg [dreg:$0x16];
	[sflag:s7] =	ssyncadd.s32 @!p1 $0xFFFFEC00;
	s2 =	sadd.s32 s29, s9  }
0x225: {  	[tilespmem:s1], [sflag:$0x12] =	stream.linear.gather [hbm4b:s2+s4], $0x28, $0x38;
	[tilespmem:$0x1C720] =	vst v63  }
0x226: {  	s25 =	simm.s32 $0x2A8;
	s6 =	sadd.s32 s29, s14  }
0x227: {  	[tilespmem:s25], [sflag:$0x1C] =	stream.linear.gather [hbm4b:s6+s4], $0x28, $0x38;
	[tilespmem:$0x1C720] =	vst v63  }
0x228: {  	_ =	swait.ge [sflag:s28], $0x28  }
0x229: {  	[sflag:s28] =	ssyncset.done $0x0  }
0x22a: {  	s9 =	simm.s32 $0x17;
	[sflag:s28] =	ssyncadd.s32 $0xFFFFFFD8  }
0x22b: {  	_ =	swait.ge [sflag:s9], $0x28  }
0x22c: {  	[sflag:s9] =	ssyncset.done $0x0  }
0x22d: {  	[sflag:s9] =	ssyncadd.s32 $0xFFFFFFD8  }
0x22e: {  	[tilespmem:s10], [sflag:$0x3] =	stream.indirect.gather [hbm4b:s5+s8], $0x80, s19, s8, $0xb8;
	[tilespmem:$0x1C720] =	vst v63  }
0x22f: {  	_ =	swait.ge [sflag:s24], $0x1400  }
0x230: {  	[sflag:s24] =	ssyncset.done $0x0  }
0x231: {  	s7 =	simm.s32 @!p1 $0x9;
	s6 =	simm.s32 $0x320;
	[sflag:s24] =	ssyncadd.s32 $0xFFFFEC00  }
0x232: {  	[spmem:s3] =	stream.indirect.scatter.add.f32 [tilespmem:s6], [sflag:$0x6], $0x80, s17, s8, $0xb8;
	[tilespmem:$0x1C720] =	vst v63  }
0x233: {  	_ =	swait.ge @!p1 [sflag:s7], $0x1400  }
0x234: {  	s23 =	simm.s32 $0x140;
	s14 =	rddreg [dreg:$0x13];
	[sflag:s7] =	ssyncset.done @!p1 $0x0  }
0x235: {  	s22 =	rddreg [dreg:$0x14];
	[sflag:s7] =	ssyncadd.s32 @!p1 $0xFFFFEC00;
	s26 =	sadd.s32 s29, s14  }
0x236: {  	[tilespmem:s23], [sflag:$0x13] =	stream.linear.gather [hbm4b:s26+s4], $0x28, $0x38;
	[tilespmem:$0x1C720] =	vst v63  }
0x237: {  	s2 =	simm.s32 $0xE;
	s28 =	rddreg [dreg:$0x17];
	s0 =	sadd.s32 s29, s22  }
0x238: {  	[tilespmem:s28], [sflag:$0x1D] =	stream.linear.gather [hbm4b:s0+s4], $0x28, $0x38;
	[tilespmem:$0x1C720] =	vst v63  }
0x239: {  	_ =	swait.ge [sflag:s2], $0x28  }
0x23a: {  	[sflag:s2] =	ssyncset.done $0x0  }
0x23b: {  	s7 =	simm.s32 $0x18;
	[sflag:s2] =	ssyncadd.s32 $0xFFFFFFD8  }
0x23c: {  	_ =	swait.ge [sflag:s7], $0x28  }
0x23d: {  	[sflag:s7] =	ssyncset.done $0x0  }
0x23e: {  	s9 =	simm.s32 $0x78;
	s28 =	simm.s32 $0x3F20;
	[sflag:s7] =	ssyncadd.s32 $0xFFFFFFD8  }
0x23f: {  	[tilespmem:s28], [sflag:$0x4] =	stream.indirect.gather [hbm4b:s5+s8], $0x80, s9, s8, $0xb8;
	[tilespmem:$0x1C720] =	vst v63  }
0x240: {  	_ =	swait.ge [sflag:s21], $0x1400  }
0x241: {  	[sflag:s21] =	ssyncset.done $0x0  }
0x242: {  	s2 =	simm.s32 $0x1720;
	s7 =	simm.s32 @!p1 $0xA;
	[sflag:s21] =	ssyncadd.s32 $0xFFFFEC00  }
0x243: {  	[spmem:s3] =	stream.indirect.scatter.add.f32 [tilespmem:s2], [sflag:$0x7], $0x80, s18, s8, $0xb8;
	[tilespmem:$0x1C720] =	vst v63  }
0x244: {  	_ =	swait.ge @!p1 [sflag:s7], $0x1400  }
0x245: {  	s26 =	simm.s32 $0x168;
	s14 =	rddreg [dreg:$0x11];
	[sflag:s7] =	ssyncset.done @!p1 $0x0  }
0x246: {  	s22 =	rddreg [dreg:$0x12];
	[sflag:s7] =	ssyncadd.s32 @!p1 $0xFFFFEC00;
	s0 =	sadd.s32 s29, s14  }
0x247: {  	[tilespmem:s26], [sflag:$0x14] =	stream.linear.gather [hbm4b:s0+s4], $0x28, $0x38;
	[tilespmem:$0x1C720] =	vst v63  }
0x248: {  	s15 =	simm.s32 $0x2F8;
	s9 =	sadd.s32 s29, s22;
	s14 =	simm.s32 $0xF  }
0x249: {  	[tilespmem:s15], [sflag:$0x1E] =	stream.linear.gather [hbm4b:s9+s4], $0x28, $0x38;
	[tilespmem:$0x1C720] =	vst v63  }
0x24a: {  	_ =	swait.ge [sflag:s14], $0x28  }
0x24b: {  	[sflag:s14] =	ssyncset.done $0x0  }
0x24c: {  	s15 =	simm.s32 $0x19;
	[sflag:s14] =	ssyncadd.s32 $0xFFFFFFD8  }
0x24d: {  	_ =	swait.ge [sflag:s15], $0x28  }
0x24e: {  	[sflag:s15] =	ssyncset.done $0x0  }
0x24f: {  	s22 =	simm.s32 $0xA0;
	[sflag:s15] =	ssyncadd.s32 $0xFFFFFFD8  }
0x250: {  	[tilespmem:s30], [sflag:$0x5] =	stream.indirect.gather [hbm4b:s5+s8], $0x80, s22, s8, $0xb8;
	[tilespmem:$0x1C720] =	vst v63  }
0x251: {  	_ =	swait.ge [sflag:s11], $0x1400  }
0x252: {  	[sflag:s11] =	ssyncset.done $0x0  }
0x253: {  	p0 =	seq.s32 s29, $0x4B0;
	s7 =	simm.s32 $0x1E0;
	[sflag:s11] =	ssyncadd.s32 $0xFFFFEC00  }
0x254: {  	[spmem:s3] =	stream.indirect.scatter.add.f32 [tilespmem:s10], [sflag:$0x8], $0x80, s7, s8, $0xb8;
	[tilespmem:$0x1C720] =	vst v63  }
0x255: {  	s7 =	sshrl.u32 @!p0 s13, $0x3;
	_ =	swait.ge [sflag:s12], $0x1400  }
0x256: {  	s13 =	sadd.s32 @!p0 s16, s7;
	[sflag:s12] =	ssyncset.done $0x0  }
0x257: {  	s7 =	simm.s32 @!p0 $0x0;
	s9 =	rddreg [dreg:$0x10];
	[sflag:s12] =	ssyncadd.s32 $0xFFFFEC00  }
0x258: {  	[tilespmem:s7], [sflag:$0xB] =	stream.linear.gather @!p0 [hbm4b:s13+s7], $0x28, $0x38;
	[tilespmem:$0x1C720] =	vst v63  }
0x259: {  	s9 =	sadd.s32 @!p0 s29, s9;
	s13 =	simm.s32 @!p0 $0x190  }
0x25a: {  	[tilespmem:s13], [sflag:$0x15] =	stream.linear.gather @!p0 [hbm4b:s9+s7], $0x28, $0x38;
	[tilespmem:$0x1C720] =	vst v63  }
0x25b: {  	_ =	swait.ge [sflag:s31], $0x28  }
0x25c: {  	[sflag:s31] =	ssyncset.done $0x0  }
0x25d: {  	s9 =	simm.s32 $0x1A;
	[sflag:s31] =	ssyncadd.s32 $0xFFFFFFD8  }
0x25e: {  	_ =	swait.ge [sflag:s9], $0x28  }
0x25f: {  	[sflag:s9] =	ssyncset.done $0x0  }
0x260: {  	s14 =	simm.s32 $0x4;
	s13 =	simm.s32 $0xC8;
	[sflag:s9] =	ssyncadd.s32 $0xFFFFFFD8  }
0x261: {  	[tilespmem:s6], [sflag:$0x1] =	stream.indirect.gather [hbm4b:s5+s8], $0x80, s13, s8, $0xb8;
	[tilespmem:$0x1C720] =	vst v63  }
0x262: {  	_ =	swait.ge [sflag:s14], $0x1400  }
0x263: {  	[sflag:s14] =	ssyncset.done $0x0  }
0x264: {  	s15 =	simm.s32 $0x208;
	s22 =	simm.s32 $0x7;
	[sflag:s14] =	ssyncadd.s32 $0xFFFFEC00  }
0x265: {  	[spmem:s3] =	stream.indirect.scatter.add.f32 [tilespmem:s28], [sflag:$0x9], $0x80, s15, s8, $0xb8;
	[tilespmem:$0x1C720] =	vst v63  }
0x266: {  	_ =	swait.ge [sflag:s22], $0x1400  }
0x267: {  	s9 =	rddreg [dreg:$0xe]  }
0x268: {  	[sflag:s22] =	ssyncset.done $0x0;
	s13 =	rddreg [dreg:$0xf]  }
0x269: {  	[sflag:s22] =	ssyncadd.s32 $0xFFFFEC00;
	s14 =	sadd.s32 @!p0 s29, s9;
	s9 =	simm.s32 @!p0 $0x28  }
0x26a: {  	[tilespmem:s9], [sflag:$0xC] =	stream.linear.gather @!p0 [hbm4b:s14+s7], $0x28, $0x38;
	[tilespmem:$0x1C720] =	vst v63  }
0x26b: {  	s13 =	sadd.s32 @!p0 s29, s13;
	s14 =	simm.s32 @!p0 $0x1B8  }
0x26c: {  	[tilespmem:s14], [sflag:$0x16] =	stream.linear.gather @!p0 [hbm4b:s13+s7], $0x28, $0x38;
	[tilespmem:$0x1C720] =	vst v63  }
0x26d: {  	s14 =	simm.s32 $0x11  }
0x26e: {  	_ =	swait.ge [sflag:s14], $0x28  }
0x26f: {  	[sflag:s14] =	ssyncset.done $0x0  }
0x270: {  	s15 =	simm.s32 $0x1B;
	[sflag:s14] =	ssyncadd.s32 $0xFFFFFFD8  }
0x271: {  	_ =	swait.ge [sflag:s15], $0x28  }
0x272: {  	[sflag:s15] =	ssyncset.done $0x0  }
0x273: {  	s22 =	simm.s32 $0xF0;
	[sflag:s15] =	ssyncadd.s32 $0xFFFFFFD8  }
0x274: {  	[tilespmem:s2], [sflag:$0x2] =	stream.indirect.gather [hbm4b:s5+s8], $0x80, s22, s8, $0xb8;
	[tilespmem:$0x1C720] =	vst v63  }
0x275: {  	_ =	swait.ge [sflag:s20], $0x1400  }
0x276: {  	[sflag:s20] =	ssyncset.done $0x0  }
0x277: {  	s13 =	simm.s32 $0x230;
	s22 =	simm.s32 $0x8;
	[sflag:s20] =	ssyncadd.s32 $0xFFFFEC00  }
0x278: {  	[spmem:s3] =	stream.indirect.scatter.add.f32 [tilespmem:s30], [sflag:$0xA], $0x80, s13, s8, $0xb8;
	[tilespmem:$0x1C720] =	vst v63  }
0x279: {  	_ =	swait.ge [sflag:s22], $0x1400  }
0x27a: {  	s15 =	simm.s32 @!p0 $0x50;
	s13 =	rddreg [dreg:$0xc];
	[sflag:s22] =	ssyncset.done $0x0  }
0x27b: {  	s14 =	rddreg [dreg:$0xd];
	[sflag:s22] =	ssyncadd.s32 $0xFFFFEC00;
	s13 =	sadd.s32 @!p0 s29, s13  }
0x27c: {  	[tilespmem:s15], [sflag:$0xD] =	stream.linear.gather @!p0 [hbm4b:s13+s7], $0x28, $0x38;
	[tilespmem:$0x1C720] =	vst v63  }
0x27d: {  	s13 =	sadd.s32 @!p0 s29, s14;
	s14 =	simm.s32 @!p0 $0x1E0  }
0x27e: {  	[tilespmem:s14], [sflag:$0x17] =	stream.linear.gather @!p0 [hbm4b:s13+s7], $0x28, $0x38;
	[tilespmem:$0x1C720] =	vst v63  }
0x27f: {  	s14 =	simm.s32 $0x12  }
0x280: {  	_ =	swait.ge [sflag:s14], $0x28  }
0x281: {  	[sflag:s14] =	ssyncset.done $0x0  }
0x282: {  	s15 =	simm.s32 $0x1C;
	[sflag:s14] =	ssyncadd.s32 $0xFFFFFFD8  }
0x283: {  	_ =	swait.ge [sflag:s15], $0x28  }
0x284: {  	[sflag:s15] =	ssyncset.done $0x0  }
0x285: {  	[sflag:s15] =	ssyncadd.s32 $0xFFFFFFD8  }
0x286: {  	[tilespmem:s10], [sflag:$0x3] =	stream.indirect.gather [hbm4b:s5+s8], $0x80, s1, s8, $0xb8;
	[tilespmem:$0x1C720] =	vst v63  }
0x287: {  	_ =	swait.ge [sflag:s24], $0x1400  }
0x288: {  	[sflag:s24] =	ssyncset.done $0x0  }
0x289: {  	s13 =	simm.s32 $0x258;
	s1 =	simm.s32 $0x9;
	[sflag:s24] =	ssyncadd.s32 $0xFFFFEC00  }
0x28a: {  	[spmem:s3] =	stream.indirect.scatter.add.f32 [tilespmem:s6], [sflag:$0x6], $0x80, s13, s8, $0xb8;
	[tilespmem:$0x1C720] =	vst v63  }
0x28b: {  	_ =	swait.ge [sflag:s1], $0x1400  }
0x28c: {  	s15 =	simm.s32 @!p0 $0x78;
	s13 =	rddreg [dreg:$0xa];
	[sflag:s1] =	ssyncset.done $0x0  }
0x28d: {  	s14 =	rddreg [dreg:$0xb];
	[sflag:s1] =	ssyncadd.s32 $0xFFFFEC00;
	s13 =	sadd.s32 @!p0 s29, s13  }
0x28e: {  	[tilespmem:s15], [sflag:$0xE] =	stream.linear.gather @!p0 [hbm4b:s13+s7], $0x28, $0x38;
	[tilespmem:$0x1C720] =	vst v63  }
0x28f: {  	s13 =	sadd.s32 @!p0 s29, s14;
	s14 =	simm.s32 @!p0 $0x208  }
0x290: {  	[tilespmem:s14], [sflag:$0x18] =	stream.linear.gather @!p0 [hbm4b:s13+s7], $0x28, $0x38;
	[tilespmem:$0x1C720] =	vst v63  }
0x291: {  	s14 =	simm.s32 $0x13  }
0x292: {  	_ =	swait.ge [sflag:s14], $0x28  }
0x293: {  	[sflag:s14] =	ssyncset.done $0x0  }
0x294: {  	s15 =	simm.s32 $0x1D;
	[sflag:s14] =	ssyncadd.s32 $0xFFFFFFD8  }
0x295: {  	_ =	swait.ge [sflag:s15], $0x28  }
0x296: {  	[sflag:s15] =	ssyncset.done $0x0  }
0x297: {  	[sflag:s15] =	ssyncadd.s32 $0xFFFFFFD8  }
0x298: {  	[tilespmem:s28], [sflag:$0x4] =	stream.indirect.gather [hbm4b:s5+s8], $0x80, s23, s8, $0xb8;
	[tilespmem:$0x1C720] =	vst v63  }
0x299: {  	_ =	swait.ge [sflag:s21], $0x1400  }
0x29a: {  	[sflag:s21] =	ssyncset.done $0x0  }
0x29b: {  	s23 =	simm.s32 $0x280;
	s28 =	simm.s32 $0xA;
	[sflag:s21] =	ssyncadd.s32 $0xFFFFEC00  }
0x29c: {  	[spmem:s3] =	stream.indirect.scatter.add.f32 [tilespmem:s2], [sflag:$0x7], $0x80, s23, s8, $0xb8;
	[tilespmem:$0x1C720] =	vst v63  }
0x29d: {  	_ =	swait.ge [sflag:s28], $0x1400  }
0x29e: {  	s15 =	simm.s32 @!p0 $0xA0;
	s13 =	rddreg [dreg:$0x8];
	[sflag:s28] =	ssyncset.done $0x0  }
0x29f: {  	s14 =	rddreg [dreg:$0x9];
	[sflag:s28] =	ssyncadd.s32 $0xFFFFEC00;
	s13 =	sadd.s32 @!p0 s29, s13  }
0x2a0: {  	[tilespmem:s15], [sflag:$0xF] =	stream.linear.gather @!p0 [hbm4b:s13+s7], $0x28, $0x38;
	[tilespmem:$0x1C720] =	vst v63  }
0x2a1: {  	s6 =	simm.s32 $0x14;
	s13 =	sadd.s32 @!p0 s29, s14;
	s14 =	simm.s32 @!p0 $0x230  }
0x2a2: {  	[tilespmem:s14], [sflag:$0x19] =	stream.linear.gather @!p0 [hbm4b:s13+s7], $0x28, $0x38;
	[tilespmem:$0x1C720] =	vst v63  }
0x2a3: {  	_ =	swait.ge [sflag:s6], $0x28  }
0x2a4: {  	[sflag:s6] =	ssyncset.done $0x0  }
0x2a5: {  	s13 =	simm.s32 $0x1E;
	[sflag:s6] =	ssyncadd.s32 $0xFFFFFFD8  }
0x2a6: {  	_ =	swait.ge [sflag:s13], $0x28  }
0x2a7: {  	[sflag:s13] =	ssyncset.done $0x0  }
0x2a8: {  	[sflag:s13] =	ssyncadd.s32 $0xFFFFFFD8  }
0x2a9: {  	[tilespmem:s30], [sflag:$0x5] =	stream.indirect.gather [hbm4b:s5+s8], $0x80, s26, s8, $0xb8;
	[tilespmem:$0x1C720] =	vst v63  }
0x2aa: {  	_ =	swait.ge [sflag:s11], $0x1400  }
0x2ab: {  	[sflag:s11] =	ssyncset.done $0x0  }
0x2ac: {  	[sflag:s11] =	ssyncadd.s32 $0xFFFFEC00  }
0x2ad: {  	[spmem:s3] =	stream.indirect.scatter.add.f32 [tilespmem:s10], [sflag:$0x8], $0x80, s25, s8, $0xb8;
	[tilespmem:$0x1C720] =	vst v63  }
0x2ae: {  	_ =	swait.ge [sflag:s12], $0x1400  }
0x2af: {  	[sflag:s12] =	ssyncset.done $0x0  }
0x2b0: {  	s13 =	simm.s32 @p0 $0x4;
	[sflag:s12] =	ssyncadd.s32 $0xFFFFEC00  }
0x2b1: {  	_ =	swait.ge @p0 [sflag:s13], $0x1400  }
0x2b2: {  	s15 =	simm.s32 @p0 $0x2D0;
	[sflag:s13] =	ssyncset.done @p0 $0x0  }
0x2b3: {  	s14 =	simm.s32 @p0 $0x3F20;
	[sflag:s13] =	ssyncadd.s32 @p0 $0xFFFFEC00;
	s13 =	simm.s32 @p0 $0x28  }
0x2b4: {  	[spmem:s3] =	stream.indirect.scatter.add.f32 @p0 [tilespmem:s14], [sflag:$0x9], $0x80, s15, s13, $0xb8;
	[tilespmem:$0x1C720] =	vst v63  }
0x2b5: {  	s13 =	simm.s32 @p0 $0x7  }
0x2b6: {  	_ =	swait.ge @p0 [sflag:s13], $0x1400  }
0x2b7: {  	s14 =	rddreg [dreg:$0x6]  }
0x2b8: {  	[sflag:s13] =	ssyncset.done @p0 $0x0;
	s15 =	rddreg [dreg:$0x7]  }
0x2b9: {  	[sflag:s13] =	ssyncadd.s32 @p0 $0xFFFFEC00;
	s13 =	sadd.s32 @!p0 s29, s14;
	s14 =	simm.s32 @!p0 $0xC8  }
0x2ba: {  	[tilespmem:s14], [sflag:$0x10] =	stream.linear.gather @!p0 [hbm4b:s13+s7], $0x28, $0x38;
	[tilespmem:$0x1C720] =	vst v63  }
0x2bb: {  	s13 =	sadd.s32 @!p0 s29, s15;
	s14 =	simm.s32 @!p0 $0x258;
	s15 =	simm.s32 @!p0 $0xB  }
0x2bc: {  	[tilespmem:s14], [sflag:$0x1A] =	stream.linear.gather @!p0 [hbm4b:s13+s7], $0x28, $0x38;
	[tilespmem:$0x1C720] =	vst v63  }
0x2bd: {  	_ =	swait.ge @!p0 [sflag:s15], $0x28  }
0x2be: {  	[sflag:s15] =	ssyncset.done @!p0 $0x0  }
0x2bf: {  	s13 =	simm.s32 @!p0 $0x15;
	[sflag:s15] =	ssyncadd.s32 @!p0 $0xFFFFFFD8  }
0x2c0: {  	_ =	swait.ge @!p0 [sflag:s13], $0x28  }
0x2c1: {  	[sflag:s13] =	ssyncset.done @!p0 $0x0  }
0x2c2: {  	s14 =	simm.s32 @!p0 $0x4;
	[sflag:s13] =	ssyncadd.s32 @!p0 $0xFFFFFFD8;
	s13 =	simm.s32 @!p0 $0x320  }
0x2c3: {  	[tilespmem:s13], [sflag:$0x1] =	stream.indirect.gather @!p0 [hbm4b:s5+s9], $0x80, s7, s9, $0xb8;
	[tilespmem:$0x1C720] =	vst v63  }
0x2c4: {  	_ =	swait.ge @!p0 [sflag:s14], $0x1400  }
0x2c5: {  	s15 =	simm.s32 @!p0 $0x3F20;
	[sflag:s14] =	ssyncset.done @!p0 $0x0  }
0x2c6: {  	s13 =	simm.s32 @!p0 $0x7;
	[sflag:s14] =	ssyncadd.s32 @!p0 $0xFFFFEC00;
	s14 =	simm.s32 @!p0 $0x2D0  }
0x2c7: {  	[spmem:s3] =	stream.indirect.scatter.add.f32 @!p0 [tilespmem:s15], [sflag:$0x9], $0x80, s14, s9, $0xb8;
	[tilespmem:$0x1C720] =	vst v63  }
0x2c8: {  	_ =	swait.ge @!p0 [sflag:s13], $0x1400  }
0x2c9: {  	s14 =	rddreg [dreg:$0x4]  }
0x2ca: {  	[sflag:s13] =	ssyncset.done @!p0 $0x0;
	s15 =	rddreg [dreg:$0x5]  }
0x2cb: {  	[sflag:s13] =	ssyncadd.s32 @!p0 $0xFFFFEC00;
	s13 =	sadd.s32 @!p0 s29, s14;
	s14 =	simm.s32 @!p0 $0xF0  }
0x2cc: {  	[tilespmem:s14], [sflag:$0x11] =	stream.linear.gather @!p0 [hbm4b:s13+s7], $0x28, $0x38;
	[tilespmem:$0x1C720] =	vst v63  }
0x2cd: {  	s13 =	sadd.s32 @!p0 s29, s15;
	s14 =	simm.s32 @!p0 $0x280  }
0x2ce: {  	[tilespmem:s14], [sflag:$0x1B] =	stream.linear.gather @!p0 [hbm4b:s13+s7], $0x28, $0x38;
	[tilespmem:$0x1C720] =	vst v63  }
0x2cf: {  	s7 =	simm.s32 @!p0 $0xC  }
0x2d0: {  	_ =	swait.ge @!p0 [sflag:s7], $0x28  }
0x2d1: {  	[sflag:s7] =	ssyncset.done @!p0 $0x0  }
0x2d2: {  	[sflag:s7] =	ssyncadd.s32 @!p0 $0xFFFFFFD8;
	s7 =	simm.s32 @!p0 $0x16  }
0x2d3: {  	_ =	swait.ge @!p0 [sflag:s7], $0x28  }
0x2d4: {  	[sflag:s7] =	ssyncset.done @!p0 $0x0  }
0x2d5: {  	[sflag:s7] =	ssyncadd.s32 @!p0 $0xFFFFFFD8;
	s7 =	simm.s32 @!p0 $0x1720  }
0x2d6: {  	[tilespmem:s7], [sflag:$0x2] =	stream.indirect.gather @!p0 [hbm4b:s5+s9], $0x80, s9, s9, $0xb8;
	[tilespmem:$0x1C720] =	vst v63  }
0x2d7: {  	_ =	swait.ge [sflag:s20], $0x1400  }
0x2d8: {  	[sflag:s20] =	ssyncset.done $0x0  }
0x2d9: {  	s14 =	simm.s32 $0x2F8;
	[sflag:s20] =	ssyncadd.s32 $0xFFFFEC00  }
0x2da: {  	[spmem:s3] =	stream.indirect.scatter.add.f32 [tilespmem:s30], [sflag:$0xA], $0x80, s14, s8, $0xb8;
	[tilespmem:$0x1C720] =	vst v63  }
0x2db: {  	_ =	swait.ge [sflag:s22], $0x1400  }
0x2dc: {  	[sflag:s22] =	ssyncset.done $0x0  }
0x2dd: {  	[sflag:s22] =	ssyncadd.s32 $0xFFFFEC00  }
0x2de: {  	_ =	swait.ge [sflag:s1], $0x1400  }
0x2df: {  	[sflag:s1] =	ssyncset.done $0x0  }
0x2e0: {  	[sflag:s1] =	ssyncadd.s32 $0xFFFFEC00  }
0x2e1: {  	_ =	swait.ge [sflag:s28], $0x1400  }
0x2e2: {  	[sflag:s28] =	ssyncset.done $0x0  }
0x2e3: {  	[sflag:s28] =	ssyncadd.s32 $0xFFFFEC00  }
0x2e4: {  	[bflag:$0x0] =	sbarrier.arrive $0xFFFF  }
0x2e5: {  	s15 =	stileid.u32;
	s23 =	sld [smem:$0x7F4]  }
0x2e6: {  	s7 =	sshll.u32 s15, $0x6;
	s15 =	rddreg [dreg:$0x1f]  }
0x2e7: {  	s25 =	simm.s32 $0x1F;
	s7 =	sor.u32 $0x1C1F, s7;
	s22 =	sshrl.u32 s15, $0x3  }
0x2e8: {  	[hbm:s23], [sflag:s7] =	dma.local [spmem:s22], $0x2800  }
0x2e9: {  	_ =	swait.ge [sflag:s25], $0x2800  }
0x2ea: {  	s26 =	sld [smem:$0x7EA]  }
0x2eb: {  	s28 =	sld [smem:$0x7F5];
	_ =	sdelay $0x1  }
0x2ec: {  	s1 =	sadd.s32 $0x1, s26  }
0x2ed: {  	p0 =	sne.s32 s1, s28  }
.Ltmp2:
0x2ee: {  	_ = 	snop;
	(pc) =	sbr.rel @p0 .LBB2_1-.Ltmp2, $4  }
0x2ef: {  	_ = 	snop  }
0x2f0: {  	s0 =	simm.s32 $0x2B20;
	s10 =	simm.s32 $0x5320;
	s29 =	simm.s32 $0x230  }
0x2f1: {  	s13 =	simm.s32 $0x78;
	s9 =	simm.s32 $0x1E0;
	[sflag:s25] =	ssyncset.done $0x0  }
0x2f2: {  	s14 =	simm.s32 $0x208;
	[sflag:s25] =	ssyncadd.s32 $0xFFFFD800;
	s25 =	simm.s32 $0xA0  }
0x2f3: {  	_ =	sfence.sel $0x180000  }
0x2f4: {  	[bflag:$0x0] =	sbarrier.arrive $0xFFFF  }
0x2f5: {  	_ =	strace $0x9000004A  }
0x2f6: {  	s0 =	stileid.u32;
	[bflag:$0x2] =	sbarrier.arrive $0xFFFF  }
0x2f7: {  	p0 =	sne.s32 s0, $0x0;
	s0 =	rddreg [dreg:$0x3]  }
0x2f8: {  	s0 =	sadd.s32 @!p0 $0x100000, s0  }
0x2f9: {  	[sflag:s0] =	ssyncadd.tile.s32 @!p0 $0x1;
	_ =	shalt  }
.Lfunc_end2:
_tile_overlayer_lowered:
.L_overlay_start_2:
0x2fa: {  	(tag) =	ssettag $0x2  }
0x2fb: {  	s0 =	rddreg [dreg:$0x0];
	s2 =	stileid.u32  }
0x2fc: {  	s1 =	rddreg [dreg:$0x1];
	p0 =	sne.s32 s2, $0x0  }
0x2fd: {  	s3 =	rddreg [dreg:$0x2];
	[bflag:$0x3] =	sbarrier.arrive $0xFFFF;
	s2 =	simm.s32 @!p0 $0x1C1F  }
0x2fe: {  	[timem:s3], [sflag:s2] =	dma.local @!p0 [hbm:s0], s1  }
0x2ff: {  	s0 =	simm.s32 @!p0 $0x1F  }
0x300: {  	_ =	swait.ge @!p0 [sflag:s0], s1  }
0x301: {  	s1 =	ssub.s32 @!p0 $0x0, s1;
	[sflag:s0] =	ssyncset.done @!p0 $0x0  }
0x302: {  	[sflag:s0] =	ssyncadd.s32 @!p0 s1  }
0x303: {  	[bflag:$0x3] =	sbarrier.arrive $0xFFFF  }
0x304: {  	_ =	shalt  }

</sc_bundles>
